<compile_context>
chip_gen: v7x
topology: tpu7x:2x2x1
jax: 0.10.2.dev20260603
libtpu: 0.0.44.dev20260713+nightly
codegen_flags: <defaults>
</compile_context>

<pallas_src>
import functools
import math

import jax
import jax.numpy as jnp
from jax import lax
from jax.experimental import pallas as pl
from jax.experimental.pallas import tpu as pltpu
from jax.experimental.pallas import tpu_sc as plsc

_N_ROI = 128
_K0 = 64
_K1 = 32
_NCL = 8
_G = 16



@functools.lru_cache(maxsize=None)
def _adj_builder(nc, ns, ch, n_a0):
    slice_sz = n_a0 // ns
    mesh = plsc.VectorSubcoreMesh(
        core_axis_name="c", subcore_axis_name="s",
        num_cores=nc, num_subcores=ns)

    @functools.partial(
        pl.kernel,
        out_type=jax.ShapeDtypeStruct((nc, n_a0), jnp.float32),
        mesh=mesh,
        scratch_types=[
            pltpu.VMEM((ch,), jnp.int32),
            pltpu.VMEM((ch,), jnp.int32),
            pltpu.VMEM((ch,), jnp.float32),
            pltpu.VMEM_SHARED((n_a0,), jnp.float32),
            pltpu.SemaphoreType.DMA,
            pltpu.SemaphoreType.DMA,
        ],
    )
    def adj(dst_hbm, src_hbm, ew_hbm, zero_hbm, out_hbm,
            dbuf, sbuf, updb, accum, zsem, sem):
        c = lax.axis_index("c")
        s = lax.axis_index("s")
        w = s * nc + c
        zcp = pltpu.async_copy(
            zero_hbm, accum.at[pl.ds(s * slice_sz, slice_sz)], zsem)
        ld = pltpu.async_copy(dst_hbm.at[w], dbuf, sem)
        ls = pltpu.async_copy(src_hbm.at[w], sbuf, sem)
        lw = pltpu.async_copy(ew_hbm.at[w], updb, sem)
        ld.wait()
        ls.wait()
        def _idx_body(i, carry):
            d = dbuf[pl.ds(i * 16, 16)]
            sv = sbuf[pl.ds(i * 16, 16)]
            dbuf[pl.ds(i * 16, 16)] = (
                lax.shift_left(d, 7) + jnp.bitwise_and(sv, 127))
            return carry

        lax.fori_loop(0, ch // 16, _idx_body, 0)
        lw.wait()
        zcp.wait()
        plsc.subcore_barrier()
        pltpu.async_copy(updb, accum.at[dbuf], sem, add=True).wait()
        plsc.subcore_barrier()
        pltpu.sync_copy(accum.at[pl.ds(s * slice_sz, slice_sz)],
                        out_hbm.at[c].at[pl.ds(s * slice_sz, slice_sz)])

    return adj



def _dot(a, b):
    return lax.dot_general(a, b, (((1,), (0,)), ((), ())),
                           preferred_element_type=jnp.float32)


def _dot00(a, b):
    return lax.dot_general(a, b, (((0,), (0,)), ((), ())),
                           preferred_element_type=jnp.float32)


def _sigmoid(z):
    e = jnp.exp(-jnp.abs(z))
    return jnp.where(z >= 0, 1.0 / (1.0 + e), e / (1.0 + e))


def _softmax_row(t):
    m = jnp.max(t, axis=1, keepdims=True)
    e = jnp.exp(t - m)
    return e / jnp.sum(e, axis=1, keepdims=True)


def _before_mat(s_col, s_row, tieb):
    m = jnp.where((s_row > s_col) | ((s_row == s_col) & tieb), 1.0, 0.0)
    return m.astype(jnp.bfloat16)


def _mk_e9_rmat(f1, f0):
    e_r = lax.broadcasted_iota(jnp.int32, (_NCL + 1, 288), 0)
    e_c = lax.broadcasted_iota(jnp.int32, (_NCL + 1, 288), 1)
    e9 = jnp.where(lax.shift_right_logical(e_c, 5) == e_r, f1, f0)
    r_r = lax.broadcasted_iota(jnp.int32, (288, 32), 0)
    r_c = lax.broadcasted_iota(jnp.int32, (288, 32), 1)
    rmat = jnp.where(jnp.bitwise_and(r_r, 31) == r_c, f1, f0)
    return e9, rmat


def _tca_body(x_ref, w10_ref, w2a0_ref, oxt_ref):
    n = _N_ROI
    f1 = jnp.float32(1.0)
    f0 = jnp.float32(0.0)
    e9, rmat = _mk_e9_rmat(f1, f0)
    h0e = jnp.concatenate(
        [jnp.maximum(w10_ref[...], 0.0), jnp.full((n, 1), f1)], axis=1)
    hg0 = _dot(h0e, e9)
    hg0t = jnp.concatenate([hg0] * _G, axis=0)
    y0all = _dot(x_ref[...].reshape(_G * n, n), w2a0_ref[...])
    oxt_ref[...] = _dot(hg0t * y0all, rmat)


def _tc_body(xt0_ref, a0_ref, b0_ref, w0_ref,
             w11_ref, w2a1_ref, b1_ref, w1_ref,
             m1w_ref, m1b_ref, m1a_ref, m1g_ref, m1be_ref,
             m2w_ref, m2b_ref, m2a_ref, m2g_ref, m2be_ref,
             m3w_ref, m3b_ref, out_ref):
    n = _N_ROI
    f1 = jnp.float32(1.0)
    f0 = jnp.float32(0.0)
    rw11 = jnp.maximum(w11_ref[...], 0.0)
    w2a1 = w2a1_ref[...]
    nrm0 = jnp.sqrt(jnp.sum(w0_ref[...] ** 2, axis=1, keepdims=True))
    nrm1 = jnp.sqrt(jnp.sum(w1_ref[...] ** 2, axis=1, keepdims=True))
    w0col = jnp.transpose(w0_ref[...]) / nrm0
    w1col = jnp.transpose(w1_ref[...]) / nrm1
    i0r = lax.broadcasted_iota(jnp.int32, (1, _K0), 1).astype(jnp.float32)
    i0c = lax.broadcasted_iota(jnp.int32, (_K0, 1), 0).astype(jnp.float32)
    i1r = lax.broadcasted_iota(jnp.int32, (1, _K1), 1).astype(jnp.float32)
    i1c = lax.broadcasted_iota(jnp.int32, (_K1, 1), 0).astype(jnp.float32)

    ones128 = jnp.full((n, 1), jnp.bfloat16(1))
    ones64 = jnp.full((_K0, 1), jnp.bfloat16(1))
    e9, rmat = _mk_e9_rmat(f1, f0)

    def _tieb(k):
        r_ = lax.broadcasted_iota(jnp.int32, (k, k), 0)
        c_ = lax.broadcasted_iota(jnp.int32, (k, k), 1)
        return c_ < r_

    tieb0, tieb1 = _tieb(n), _tieb(_K0)

    aall = a0_ref[0]
    for p in range(1, a0_ref.shape[0]):
        aall = aall + a0_ref[p]

    xt0all = xt0_ref[...]
    x1s = [jnp.maximum(_dot(aall[g], xt0all[g * n:(g + 1) * n])
                       + b0_ref[...], 0.0) for g in range(_G)]

    s0s = [_sigmoid(_dot(x1s[g], w0col)) for g in range(_G)]
    s0rows = jnp.transpose(jnp.concatenate(s0s, axis=1))
    ms = [_before_mat(s0s[g], s0rows[g:g + 1], tieb0) for g in range(_G)]
    r0cs = [_dot(ms[g], ones128) for g in range(_G)]
    r0rows = jnp.transpose(jnp.concatenate(r0cs, axis=1))
    p0ts = [jnp.where(i0c == r0rows[g:g + 1], f1, f0) for g in range(_G)]
    p0s = [jnp.where(r0cs[g] == i0r, f1, f0) for g in range(_G)]
    t0s = [_dot00(s0s[g], p0s[g]) for g in range(_G)]
    nx0s = [_dot(p0ts[g] * s0rows[g:g + 1], x1s[g]) for g in range(_G)]
    pas = [_dot(p0ts[g], aall[g]) for g in range(_G)]
    a1s = [_dot(pas[g], p0s[g]) for g in range(_G)]
    h1s = [_dot(p0ts[g], rw11) for g in range(_G)]

    nx0all = jnp.concatenate(nx0s, axis=0)
    h1e = jnp.concatenate(
        [jnp.concatenate(h1s, axis=0),
         jnp.full((_G * _K0, 1), f1)], axis=1)
    hg1 = _dot(h1e, e9)
    y1all = _dot(nx0all, w2a1)
    xt1all = _dot(hg1 * y1all, rmat)
    x2s = [jnp.maximum(_dot(a1s[g], xt1all[g * _K0:(g + 1) * _K0])
                       + b1_ref[...], 0.0) for g in range(_G)]

    s1s = [_sigmoid(_dot(x2s[g], w1col)) for g in range(_G)]
    s1rows = jnp.transpose(jnp.concatenate(s1s, axis=1))
    m1s = [_before_mat(s1s[g], s1rows[g:g + 1], tieb1) for g in range(_G)]
    r1cs = [_dot(m1s[g], ones64) for g in range(_G)]
    r1rows = jnp.transpose(jnp.concatenate(r1cs, axis=1))
    p1ts = [jnp.where(i1c == r1rows[g:g + 1], f1, f0) for g in range(_G)]
    p1s = [jnp.where(r1cs[g] == i1r, f1, f0) for g in range(_G)]
    t1s = [_dot00(s1s[g], p1s[g]) for g in range(_G)]
    nx1s = [_dot(p1ts[g] * s1rows[g:g + 1], x2s[g]) for g in range(_G)]

    rows = [jnp.concatenate(
        [jnp.mean(nx0s[g], axis=0, keepdims=True),
         jnp.max(nx0s[g], axis=0, keepdims=True),
         jnp.mean(nx1s[g], axis=0, keepdims=True),
         jnp.max(nx1s[g], axis=0, keepdims=True)], axis=1)
        for g in range(_G)]

    t0all = jnp.concatenate(t0s, axis=0)
    t1all = jnp.concatenate(t1s, axis=0)

    r = jnp.concatenate(rows, axis=0)
    c0 = 1.0 / math.sqrt(1.0 + 1e-5)
    h = _dot(r, m1w_ref[...]) + m1b_ref[...]
    h = jnp.where(h >= 0, h, m1a_ref[...] * h) * c0 * m1g_ref[...] + m1be_ref[...]
    h = _dot(h, m2w_ref[...]) + m2b_ref[...]
    h = jnp.where(h >= 0, h, m2a_ref[...] * h) * c0 * m2g_ref[...] + m2be_ref[...]
    logits = _dot(h, m3w_ref[...]) + m3b_ref[...]
    mx = jnp.max(logits, axis=1, keepdims=True)
    e = jnp.exp(logits - mx)
    out_ref[...] = jnp.concatenate(
        [logits - mx - jnp.log(jnp.sum(e, axis=1, keepdims=True)),
         _softmax_row(t0all), _softmax_row(t1all), t0all], axis=1)


def _gnn_tc(x3, a0, w10, w2a0, b0, w0, w11, w2a1, b1, w1,
            m1w, m1b, m1a, m1g, m1be, m2w, m2b, m2a, m2g, m2be, m3w, m3b):
    bsz = x3.shape[0]
    grid = (bsz // _G,)

    def full(shape):
        zeros = (0,) * len(shape)
        return pl.BlockSpec(shape, lambda b, z=zeros: z)

    xt0 = pl.pallas_call(
        _tca_body,
        grid=grid,
        in_specs=[
            pl.BlockSpec((_G, _N_ROI, _N_ROI), lambda b: (b, 0, 0)),
            full(w10.shape), full(w2a0.shape),
        ],
        out_specs=pl.BlockSpec((_G * _N_ROI, 32), lambda b: (b, 0)),
        out_shape=jax.ShapeDtypeStruct((bsz * _N_ROI, 32), jnp.float32),
    )(x3, w10, w2a0)

    nc = a0.shape[0]
    in_specs = [
        pl.BlockSpec((_G * _N_ROI, 32), lambda b: (b, 0)),
        pl.BlockSpec((nc, _G, _N_ROI, _N_ROI), lambda b: (0, b, 0, 0)),
        full(b0.shape), full(w0.shape),
        full(w11.shape), full(w2a1.shape), full(b1.shape), full(w1.shape),
        full(m1w.shape), full(m1b.shape), full(m1a.shape), full(m1g.shape),
        full(m1be.shape), full(m2w.shape), full(m2b.shape), full(m2a.shape),
        full(m2g.shape), full(m2be.shape), full(m3w.shape), full(m3b.shape),
    ]
    npk = 2 + _K0 + _K1 + _K0
    out = pl.pallas_call(
        _tc_body,
        grid=grid,
        in_specs=in_specs,
        out_specs=pl.BlockSpec((_G, npk), lambda b: (b, 0)),
        out_shape=jax.ShapeDtypeStruct((bsz, npk), jnp.float32),
    )(xt0, a0, b0, w0, w11, w2a1, b1, w1,
      m1w, m1b, m1a, m1g, m1be, m2w, m2b, m2a, m2g, m2be, m3w, m3b)
    return (out[:, :2], out[:, 2:2 + _K0],
            out[:, 2 + _K0:2 + _K0 + _K1], out[:, 2 + _K0 + _K1:])


def _aug_weights(w2, b2, in_c):
    w2r = w2.reshape(_NCL, in_c, 32).transpose(1, 0, 2).reshape(in_c, _NCL * 32)
    return jnp.concatenate([w2r, b2.reshape(in_c, 32)], axis=1)


def kernel(x, edge_index, edge_attr, pos, batch, params):
    nroi = _N_ROI
    bsz = x.shape[0] // nroi
    e = edge_attr.shape[0]
    info = plsc.get_sparse_core_info()
    ns = int(info.num_subcores)
    nc = 1
    nw = nc * ns
    ch = e // nw
    n_a0 = bsz * nroi * nroi

    src = edge_index[0]
    dst = edge_index[1]
    a0p = _adj_builder(nc, ns, ch, n_a0)(
        dst.reshape(nw, ch), src.reshape(nw, ch),
        edge_attr.reshape(nw, ch),
        jnp.zeros((n_a0 // ns,), jnp.float32))
    a0 = a0p.reshape(nc, bsz, nroi, nroi)

    p = params
    w2a0 = _aug_weights(p['conv0_W2'], p['conv0_b2'], nroi)
    w2a1 = _aug_weights(p['conv1_W2'], p['conv1_b2'], 32)
    xo, sn0, sn1, sc0 = _gnn_tc(
        x.reshape(bsz, nroi, x.shape[1]), a0,
        p['conv0_W1'], w2a0, p['conv0_bias'].reshape(1, 32),
        p['pool0_w'].reshape(1, 32),
        p['conv1_W1'], w2a1, p['conv1_bias'].reshape(1, 32),
        p['pool1_w'].reshape(1, 32),
        p['mlp1_W'], p['mlp1_b'].reshape(1, -1), p['mlp1_a'].reshape(1, 1),
        p['mlp1_gamma'].reshape(1, -1), p['mlp1_beta'].reshape(1, -1),
        p['mlp2_W'], p['mlp2_b'].reshape(1, -1), p['mlp2_a'].reshape(1, 1),
        p['mlp2_gamma'].reshape(1, -1), p['mlp2_beta'].reshape(1, -1),
        p['mlp3_W'], p['mlp3_b'].reshape(1, -1))
    return (xo, p['pool0_w'], p['pool1_w'], sn0, sn1, sc0)

# --- scband reference (transcript-rebuilt; emitter-appended) ---
"""Pipeline reference for scband-brain-gnn-88115549045547 (READ-ONLY COPY).

The authoritative reference and input builder live on the scoring server;
editing this copy changes nothing except your own understanding.
"""

import jax, jax.numpy as jnp
import numpy as np
import math

N_ROI = 128
B = 80
N = B * N_ROI
DEG = 16
E = N * DEG
DIM_IN = 128
NUM_CLUSTER = 8
DIM_CONV = [32, 32]
DIM_MLP = 128
NUM_CLASS = 2
POOL_RATIO = 0.5


def setup_inputs(seed: int = 0):
    key = jax.random.key(seed)
    def nk(i):
        return jax.random.fold_in(key, i)
    x = jax.random.normal(nk(0), (N, DIM_IN), jnp.float32)
    g = jax.random.randint(nk(1), (E,), 0, B)
    src = g * N_ROI + jax.random.randint(nk(2), (E,), 0, N_ROI)
    dst = g * N_ROI + jax.random.randint(nk(3), (E,), 0, N_ROI)
    edge_index = jnp.stack([src, dst]).astype(jnp.int32)
    edge_attr = jax.random.uniform(nk(4), (E,), jnp.float32)
    pos = jnp.tile(jnp.eye(N_ROI, dtype=jnp.float32), (B, 1))
    batch = jnp.repeat(jnp.arange(B, dtype=jnp.int32), N_ROI)
    params = {}
    s = 0.1
    in_c = DIM_IN
    for i, out_c in enumerate(DIM_CONV):
        params['conv%d_W1' % i] = jax.random.normal(nk(10 + 6 * i), (N_ROI, NUM_CLUSTER), jnp.float32) * s
        params['conv%d_W2' % i] = jax.random.normal(nk(11 + 6 * i), (NUM_CLUSTER, in_c * out_c), jnp.float32) * s
        params['conv%d_b2' % i] = jnp.zeros((in_c * out_c,), jnp.float32)
        params['conv%d_bias' % i] = jnp.zeros((out_c,), jnp.float32)
        params['pool%d_w' % i] = jax.random.normal(nk(12 + 6 * i), (out_c,), jnp.float32) * s
        in_c = out_c
    params['mlp1_W'] = jax.random.normal(nk(50), (2 * sum(DIM_CONV), DIM_MLP), jnp.float32) * 0.05
    params['mlp1_b'] = jnp.zeros((DIM_MLP,), jnp.float32)
    params['mlp1_a'] = jnp.asarray(0.25, jnp.float32)
    params['mlp1_gamma'] = jnp.ones((DIM_MLP,), jnp.float32)
    params['mlp1_beta'] = jnp.zeros((DIM_MLP,), jnp.float32)
    params['mlp2_W'] = jax.random.normal(nk(60), (DIM_MLP, DIM_MLP), jnp.float32) * 0.05
    params['mlp2_b'] = jnp.zeros((DIM_MLP,), jnp.float32)
    params['mlp2_a'] = jnp.asarray(0.25, jnp.float32)
    params['mlp2_gamma'] = jnp.ones((DIM_MLP,), jnp.float32)
    params['mlp2_beta'] = jnp.zeros((DIM_MLP,), jnp.float32)
    params['mlp3_W'] = jax.random.normal(nk(70), (DIM_MLP, NUM_CLASS), jnp.float32) * 0.05
    params['mlp3_b'] = jnp.zeros((NUM_CLASS,), jnp.float32)
    return {'x': x, 'edge_index': edge_index, 'edge_attr': edge_attr, 'pos': pos, 'batch': batch, 'params': params}


def _gconv(x, src, dst, ew, pos, W1, W2, b2, bias):
    # ROI-aware conv: per-node weight generated from positional one-hot via 2-layer MLP with num_cluster basis
    n = x.shape[0]
    h = jax.nn.relu(pos @ W1)
    w = (h @ W2 + b2).reshape(n, x.shape[1], -1)
    xt = jnp.einsum('ni,nio->no', x, w)
    agg = jnp.zeros((n, xt.shape[1]), xt.dtype).at[dst].add(ew[:, None] * xt[src])
    return jax.nn.relu(agg + bias)


def _topk_pool(x, src, dst, ew, pos, w, Bg, n_per_graph, ratio):
    k = int(math.ceil(ratio * n_per_graph))
    score = jax.nn.sigmoid((x @ w) / jnp.linalg.norm(w))
    top_vals, top_idx = jax.lax.top_k(score.reshape(Bg, n_per_graph), k)
    perm = (top_idx + (jnp.arange(Bg) * n_per_graph)[:, None]).reshape(-1)
    new_x = x[perm] * top_vals.reshape(-1)[:, None]
    new_pos = pos[perm]
    n_tot = Bg * n_per_graph
    n_new = Bg * k
    mask = jnp.zeros((n_tot,), bool).at[perm].set(True)
    o2n = jnp.zeros((n_tot,), jnp.int32).at[perm].set(jnp.arange(n_new, dtype=jnp.int32))
    valid = mask[src] & mask[dst]
    ns = jnp.where(valid, o2n[src], 0)
    nd = jnp.where(valid, o2n[dst], 0)
    nw = jnp.where(valid, ew, 0.0)
    score_sel = top_vals.reshape(-1)
    score_norm = jax.nn.softmax(top_vals, axis=-1).reshape(-1)
    return new_x, ns, nd, nw, new_pos, score_sel, score_norm, k


def _mlp_block(h, W, b, a, gamma, beta):
    h = h @ W + b
    h = jnp.where(h >= 0, h, a * h)
    return h / jnp.sqrt(1.0 + 1e-5) * gamma + beta


def _forward(x, edge_attr, pos, params, edge_index):
    src = edge_index[0]
    dst = edge_index[1]
    ew = edge_attr.reshape(-1)
    cur_x = x
    cur_pos = pos
    npg = N_ROI
    xs = []
    ks = []
    sns = []
    scs = []
    for i in range(len(DIM_CONV)):
        cur_x = _gconv(cur_x, src, dst, ew, cur_pos, params['conv%d_W1' % i], params['conv%d_W2' % i], params['conv%d_b2' % i], params['conv%d_bias' % i])
        cur_x, src, dst, ew, cur_pos, sc, sn, k = _topk_pool(cur_x, src, dst, ew, cur_pos, params['pool%d_w' % i], B, npg, POOL_RATIO)
        npg = k
        xs.append(cur_x)
        ks.append(k)
        sns.append(sn)
        scs.append(sc)
    parts = []
    for xv, k in zip(xs, ks):
        xg = xv.reshape(B, k, -1)
        parts.append(jnp.concatenate([xg.mean(axis=1), xg.max(axis=1)], axis=-1))
    readout = jnp.concatenate(parts, axis=-1)
    h = _mlp_block(readout, params['mlp1_W'], params['mlp1_b'], params['mlp1_a'], params['mlp1_gamma'], params['mlp1_beta'])
    h = _mlp_block(h, params['mlp2_W'], params['mlp2_b'], params['mlp2_a'], params['mlp2_gamma'], params['mlp2_beta'])
    logits = h @ params['mlp3_W'] + params['mlp3_b']
    x_out = jax.nn.log_softmax(logits, axis=-1)
    return x_out, sns, scs


def reference(x, edge_index, edge_attr, pos, batch, params):
    x_out, sns, scs = _forward(x, edge_attr, pos, params, edge_index)
    return (x_out, params['pool0_w'], params['pool1_w'], sns[0].reshape(B, -1), sns[1].reshape(B, -1), scs[0].reshape(B, -1))

if __name__ == "__main__":
    import jax
    _d = setup_inputs()
    print(jax.jit(kernel)(*tuple(_d.values())))

</pallas_src>

<mosaic_0001>
#map = affine_map<(d0, d1) -> (0, 0)>
#map1 = affine_map<(d0, d1) -> (0)>
module attributes {stable_mosaic.version = 14 : i64} {
  func.func @adj(%arg0: i32, %arg1: i32, %arg2: memref<16x10240xi32, #tpu.memory_space<hbm>>, %arg3: memref<16x10240xi32, #tpu.memory_space<hbm>>, %arg4: memref<16x10240xf32, #tpu.memory_space<hbm>>, %arg5: memref<81920xf32, #tpu.memory_space<hbm>>, %arg6: memref<1x1310720xf32, #tpu.memory_space<hbm>>, %arg7: memref<10240xi32, #tpu.memory_space<vmem>>, %arg8: memref<10240xi32, #tpu.memory_space<vmem>>, %arg9: memref<10240xf32, #tpu.memory_space<vmem>>, %arg10: memref<1310720xf32, #tpu.memory_space<vmem_shared>>, %arg11: memref<!tpu.dma_semaphore, #tpu.memory_space<semaphore_mem>>, %arg12: memref<!tpu.dma_semaphore, #tpu.memory_space<semaphore_mem>>) attributes {dimension_semantics = [#tpu.dimension_semantics<core_parallel>, #tpu.dimension_semantics<subcore_parallel>], iteration_bounds = array<i64: 1, 16>, scalar_prefetch = 0 : i64, scratch_operands = 6 : i64, tpu.core_type = #tpu.core_type<sc_vector_subcore>, window_params = [{transform_indices = #map}, {transform_indices = #map}, {transform_indices = #map}, {transform_indices = #map1}, {transform_indices = #map}]} {
    %mul3A = arith.constant 1 : i32
    %mul3A_0 = arith.muli %arg1, %mul3A : i32
    %add3A = arith.addi %mul3A_0, %arg0 : i32
    %mul3A_1 = arith.constant 81920 : i32
    %mul3A_2 = arith.muli %arg1, %mul3A_1 : i32
    %dma_start3A = tpu.memref_slice %arg10[%mul3A_2] : memref<1310720xf32, #tpu.memory_space<vmem_shared>> -> memref<81920xf32, #tpu.memory_space<vmem_shared>>
    tpu.enqueue_dma source(%arg5 : memref<81920xf32, #tpu.memory_space<hbm>>) target(%dma_start3A : memref<81920xf32, #tpu.memory_space<vmem_shared>>) target_semaphore(%arg11 : memref<!tpu.dma_semaphore, #tpu.memory_space<semaphore_mem>>)
    %dma_start3A_3 = arith.constant 0 : i32
    %dma_start3A_4 = tpu.memref_slice %arg2[%add3A, %dma_start3A_3] : memref<16x10240xi32, #tpu.memory_space<hbm>> -> memref<1x10240xi32, #tpu.memory_space<hbm>>
    %dma_start3A_5 = tpu.memref_squeeze %dma_start3A_4 : memref<1x10240xi32, #tpu.memory_space<hbm>> -> memref<10240xi32, #tpu.memory_space<hbm>>
    %dma_start3A_6 = arith.constant 0 : i32
    %dma_start3A_7 = tpu.memref_slice %arg2[%add3A, %dma_start3A_6] : memref<16x10240xi32, #tpu.memory_space<hbm>> -> memref<1x10240xi32, #tpu.memory_space<hbm>>
    %dma_start3A_8 = tpu.memref_squeeze %dma_start3A_7 : memref<1x10240xi32, #tpu.memory_space<hbm>> -> memref<10240xi32, #tpu.memory_space<hbm>>
    tpu.enqueue_dma source(%dma_start3A_8 : memref<10240xi32, #tpu.memory_space<hbm>>) target(%arg7 : memref<10240xi32, #tpu.memory_space<vmem>>) target_semaphore(%arg12 : memref<!tpu.dma_semaphore, #tpu.memory_space<semaphore_mem>>)
    %dma_start3A_9 = arith.constant 0 : i32
    %dma_start3A_10 = tpu.memref_slice %arg3[%add3A, %dma_start3A_9] : memref<16x10240xi32, #tpu.memory_space<hbm>> -> memref<1x10240xi32, #tpu.memory_space<hbm>>
    %dma_start3A_11 = tpu.memref_squeeze %dma_start3A_10 : memref<1x10240xi32, #tpu.memory_space<hbm>> -> memref<10240xi32, #tpu.memory_space<hbm>>
    %dma_start3A_12 = arith.constant 0 : i32
    %dma_start3A_13 = tpu.memref_slice %arg3[%add3A, %dma_start3A_12] : memref<16x10240xi32, #tpu.memory_space<hbm>> -> memref<1x10240xi32, #tpu.memory_space<hbm>>
    %dma_start3A_14 = tpu.memref_squeeze %dma_start3A_13 : memref<1x10240xi32, #tpu.memory_space<hbm>> -> memref<10240xi32, #tpu.memory_space<hbm>>
    tpu.enqueue_dma source(%dma_start3A_14 : memref<10240xi32, #tpu.memory_space<hbm>>) target(%arg8 : memref<10240xi32, #tpu.memory_space<vmem>>) target_semaphore(%arg12 : memref<!tpu.dma_semaphore, #tpu.memory_space<semaphore_mem>>)
    %dma_start3A_15 = arith.constant 0 : i32
    %dma_start3A_16 = tpu.memref_slice %arg4[%add3A, %dma_start3A_15] : memref<16x10240xf32, #tpu.memory_space<hbm>> -> memref<1x10240xf32, #tpu.memory_space<hbm>>
    %dma_start3A_17 = tpu.memref_squeeze %dma_start3A_16 : memref<1x10240xf32, #tpu.memory_space<hbm>> -> memref<10240xf32, #tpu.memory_space<hbm>>
    %dma_start3A_18 = arith.constant 0 : i32
    %dma_start3A_19 = tpu.memref_slice %arg4[%add3A, %dma_start3A_18] : memref<16x10240xf32, #tpu.memory_space<hbm>> -> memref<1x10240xf32, #tpu.memory_space<hbm>>
    %dma_start3A_20 = tpu.memref_squeeze %dma_start3A_19 : memref<1x10240xf32, #tpu.memory_space<hbm>> -> memref<10240xf32, #tpu.memory_space<hbm>>
    tpu.enqueue_dma source(%dma_start3A_20 : memref<10240xf32, #tpu.memory_space<hbm>>) target(%arg9 : memref<10240xf32, #tpu.memory_space<vmem>>) target_semaphore(%arg12 : memref<!tpu.dma_semaphore, #tpu.memory_space<semaphore_mem>>)
    %dma_wait3A = arith.constant 0 : i32
    %dma_wait3A_21 = tpu.memref_slice %arg2[%add3A, %dma_wait3A] : memref<16x10240xi32, #tpu.memory_space<hbm>> -> memref<1x10240xi32, #tpu.memory_space<hbm>>
    %dma_wait3A_22 = tpu.memref_squeeze %dma_wait3A_21 : memref<1x10240xi32, #tpu.memory_space<hbm>> -> memref<10240xi32, #tpu.memory_space<hbm>>
    %dma_wait3A_23 = arith.constant 0 : i32
    %dma_wait3A_24 = tpu.memref_slice %arg2[%add3A, %dma_wait3A_23] : memref<16x10240xi32, #tpu.memory_space<hbm>> -> memref<1x10240xi32, #tpu.memory_space<hbm>>
    %dma_wait3A_25 = tpu.memref_squeeze %dma_wait3A_24 : memref<1x10240xi32, #tpu.memory_space<hbm>> -> memref<10240xi32, #tpu.memory_space<hbm>>
    tpu.wait_dma2 semaphore(%arg12 : memref<!tpu.dma_semaphore, #tpu.memory_space<semaphore_mem>>) src(%dma_wait3A_25 : memref<10240xi32, #tpu.memory_space<hbm>>) dst(%arg7 : memref<10240xi32, #tpu.memory_space<vmem>>)
    %dma_wait3A_26 = arith.constant 0 : i32
    %dma_wait3A_27 = tpu.memref_slice %arg3[%add3A, %dma_wait3A_26] : memref<16x10240xi32, #tpu.memory_space<hbm>> -> memref<1x10240xi32, #tpu.memory_space<hbm>>
    %dma_wait3A_28 = tpu.memref_squeeze %dma_wait3A_27 : memref<1x10240xi32, #tpu.memory_space<hbm>> -> memref<10240xi32, #tpu.memory_space<hbm>>
    %dma_wait3A_29 = arith.constant 0 : i32
    %dma_wait3A_30 = tpu.memref_slice %arg3[%add3A, %dma_wait3A_29] : memref<16x10240xi32, #tpu.memory_space<hbm>> -> memref<1x10240xi32, #tpu.memory_space<hbm>>
    %dma_wait3A_31 = tpu.memref_squeeze %dma_wait3A_30 : memref<1x10240xi32, #tpu.memory_space<hbm>> -> memref<10240xi32, #tpu.memory_space<hbm>>
    tpu.wait_dma2 semaphore(%arg12 : memref<!tpu.dma_semaphore, #tpu.memory_space<semaphore_mem>>) src(%dma_wait3A_31 : memref<10240xi32, #tpu.memory_space<hbm>>) dst(%arg8 : memref<10240xi32, #tpu.memory_space<vmem>>)
    %scan3A = arith.constant 0 : i32
    %scan3A_32 = arith.constant 0 : i32
    %scan3A_33 = arith.constant 640 : i32
    %scan3A_34 = arith.addi %scan3A_32, %scan3A_33 : i32
    %scan3A_35 = arith.constant 1 : i32
    scf.for %scan3A_53 = %scan3A_32 to %scan3A_34 step %scan3A_35  : i32 {
      %mul3A_54 = arith.constant 16 : i32
      %mul3A_55 = arith.muli %scan3A_53, %mul3A_54 : i32
      %get3A = arith.index_cast %mul3A_55 : i32 to index
      %get3A_56 = tpu.vector_load %arg7[%get3A] {strides = array<i32>} : memref<10240xi32, #tpu.memory_space<vmem>>, vector<16xi32>,
      %get3A_57 = vector.shape_cast %get3A_56 : vector<16xi32> to vector<16xi32>
      %mul3A_58 = arith.constant 16 : i32
      %mul3A_59 = arith.muli %scan3A_53, %mul3A_58 : i32
      %get3A_60 = arith.index_cast %mul3A_59 : i32 to index
      %get3A_61 = tpu.vector_load %arg8[%get3A_60] {strides = array<i32>} : memref<10240xi32, #tpu.memory_space<vmem>>, vector<16xi32>,
      %get3A_62 = vector.shape_cast %get3A_61 : vector<16xi32> to vector<16xi32>
      %shift_left3A = arith.constant 7 : i32
      %shift_left3A_63 = vector.broadcast %shift_left3A : i32 to vector<16xi32>
      %shift_left3A_64 = arith.shli %get3A_57, %shift_left3A_63 : vector<16xi32>
      %and3A = arith.constant 127 : i32
      %and3A_65 = vector.broadcast %and3A : i32 to vector<16xi32>
      %and3A_66 = arith.andi %get3A_62, %and3A_65 : vector<16xi32>
      %add3A_67 = arith.addi %shift_left3A_64, %and3A_66 : vector<16xi32>
      %mul3A_68 = arith.constant 16 : i32
      %mul3A_69 = arith.muli %scan3A_53, %mul3A_68 : i32
      %swap3A = arith.index_cast %mul3A_69 : i32 to index
      %swap3A_70 = tpu.vector_load %arg7[%swap3A] {strides = array<i32>} : memref<10240xi32, #tpu.memory_space<vmem>>, vector<16xi32>,
      %swap3A_71 = vector.shape_cast %swap3A_70 : vector<16xi32> to vector<16xi32>
      %swap3A_72 = vector.shape_cast %add3A_67 : vector<16xi32> to vector<16xi32>
      tpu.vector_store %arg7[%swap3A], %swap3A_72 {strides = array<i32>} : memref<10240xi32, #tpu.memory_space<vmem>>, vector<16xi32>,
    }
    %scan3A_36 = arith.constant 640 : i32
    %dma_wait3A_37 = arith.constant 0 : i32
    %dma_wait3A_38 = tpu.memref_slice %arg4[%add3A, %dma_wait3A_37] : memref<16x10240xf32, #tpu.memory_space<hbm>> -> memref<1x10240xf32, #tpu.memory_space<hbm>>
    %dma_wait3A_39 = tpu.memref_squeeze %dma_wait3A_38 : memref<1x10240xf32, #tpu.memory_space<hbm>> -> memref<10240xf32, #tpu.memory_space<hbm>>
    %dma_wait3A_40 = arith.constant 0 : i32
    %dma_wait3A_41 = tpu.memref_slice %arg4[%add3A, %dma_wait3A_40] : memref<16x10240xf32, #tpu.memory_space<hbm>> -> memref<1x10240xf32, #tpu.memory_space<hbm>>
    %dma_wait3A_42 = tpu.memref_squeeze %dma_wait3A_41 : memref<1x10240xf32, #tpu.memory_space<hbm>> -> memref<10240xf32, #tpu.memory_space<hbm>>
    tpu.wait_dma2 semaphore(%arg12 : memref<!tpu.dma_semaphore, #tpu.memory_space<semaphore_mem>>) src(%dma_wait3A_42 : memref<10240xf32, #tpu.memory_space<hbm>>) dst(%arg9 : memref<10240xf32, #tpu.memory_space<vmem>>)
    %dma_wait3A_43 = tpu.memref_slice %arg10[%mul3A_2] : memref<1310720xf32, #tpu.memory_space<vmem_shared>> -> memref<81920xf32, #tpu.memory_space<vmem_shared>>
    tpu.wait_dma2 semaphore(%arg11 : memref<!tpu.dma_semaphore, #tpu.memory_space<semaphore_mem>>) src(%arg5 : memref<81920xf32, #tpu.memory_space<hbm>>) dst(%dma_wait3A_43 : memref<81920xf32, #tpu.memory_space<vmem_shared>>)
    %barrier3A = arith.constant 0 : index
    tpu.barrier barrier_id(%barrier3A)
    %dma_start3A_44 = arith.constant 0 : i32
    %dma_start3A_45 = tpu.memref_slice %arg10[%dma_start3A_44] : memref<1310720xf32, #tpu.memory_space<vmem_shared>> -> memref<1310720xf32, #tpu.memory_space<vmem_shared>>
    tpu.enqueue_indirect_dma source(%arg9 : memref<10240xf32, #tpu.memory_space<vmem>>) target(%dma_start3A_45 : memref<1310720xf32, #tpu.memory_space<vmem_shared>>) offsets(%arg7 : memref<10240xi32, #tpu.memory_space<vmem>>) semaphore(%arg12 : memref<!tpu.dma_semaphore, #tpu.memory_space<semaphore_mem>>) {add = true}
    %dma_wait3A_46 = arith.constant 0 : i32
    %dma_wait3A_47 = tpu.memref_slice %arg10[%dma_wait3A_46] : memref<1310720xf32, #tpu.memory_space<vmem_shared>> -> memref<1310720xf32, #tpu.memory_space<vmem_shared>>
    tpu.wait_indirect_dma semaphore(%arg12 : memref<!tpu.dma_semaphore, #tpu.memory_space<semaphore_mem>>) src(%arg9 : memref<10240xf32, #tpu.memory_space<vmem>>) dst(%dma_wait3A_47 : memref<1310720xf32, #tpu.memory_space<vmem_shared>>)
    %barrier3A_48 = arith.constant 0 : index
    tpu.barrier barrier_id(%barrier3A_48)
    %mul3A_49 = arith.constant 81920 : i32
    %mul3A_50 = arith.muli %arg1, %mul3A_49 : i32
    %mul3A_51 = arith.constant 81920 : i32
    %mul3A_52 = arith.muli %arg1, %mul3A_51 : i32
    "tpu.region"() ({
      %run_scoped3A = tpu.sem_alloc : memref<!tpu.dma_semaphore, #tpu.memory_space<semaphore_mem>>
      %dma_start3A_53 = arith.constant 0 : i32
      %dma_start3A_54 = tpu.memref_slice %arg6[%arg0, %dma_start3A_53] : memref<1x1310720xf32, #tpu.memory_space<hbm>> -> memref<1x1310720xf32, #tpu.memory_space<hbm>>
      %dma_start3A_55 = tpu.memref_squeeze %dma_start3A_54 : memref<1x1310720xf32, #tpu.memory_space<hbm>> -> memref<1310720xf32, #tpu.memory_space<hbm>>
      %dma_start3A_56 = tpu.memref_slice %dma_start3A_55[%mul3A_52] : memref<1310720xf32, #tpu.memory_space<hbm>> -> memref<81920xf32, #tpu.memory_space<hbm>>
      %dma_start3A_57 = tpu.memref_slice %arg10[%mul3A_50] : memref<1310720xf32, #tpu.memory_space<vmem_shared>> -> memref<81920xf32, #tpu.memory_space<vmem_shared>>
      tpu.enqueue_dma source(%dma_start3A_57 : memref<81920xf32, #tpu.memory_space<vmem_shared>>) target(%dma_start3A_56 : memref<81920xf32, #tpu.memory_space<hbm>>) target_semaphore(%run_scoped3A : memref<!tpu.dma_semaphore, #tpu.memory_space<semaphore_mem>>)
      %dma_wait3A_58 = arith.constant 0 : i32
      %dma_wait3A_59 = tpu.memref_slice %arg6[%arg0, %dma_wait3A_58] : memref<1x1310720xf32, #tpu.memory_space<hbm>> -> memref<1x1310720xf32, #tpu.memory_space<hbm>>
      %dma_wait3A_60 = tpu.memref_squeeze %dma_wait3A_59 : memref<1x1310720xf32, #tpu.memory_space<hbm>> -> memref<1310720xf32, #tpu.memory_space<hbm>>
      %dma_wait3A_61 = tpu.memref_slice %dma_wait3A_60[%mul3A_52] : memref<1310720xf32, #tpu.memory_space<hbm>> -> memref<81920xf32, #tpu.memory_space<hbm>>
      %dma_wait3A_62 = tpu.memref_slice %arg10[%mul3A_50] : memref<1310720xf32, #tpu.memory_space<vmem_shared>> -> memref<81920xf32, #tpu.memory_space<vmem_shared>>
      tpu.wait_dma2 semaphore(%run_scoped3A : memref<!tpu.dma_semaphore, #tpu.memory_space<semaphore_mem>>) src(%dma_wait3A_62 : memref<81920xf32, #tpu.memory_space<vmem_shared>>) dst(%dma_wait3A_61 : memref<81920xf32, #tpu.memory_space<hbm>>)
      tpu.yield
    }) : () -> ()
    return
  }
}

module attributes {stable_mosaic.version = 14 : i64} {
  func.func @_tca_body(%arg0: i32, %arg1: memref<16x128x128xf32, #tpu.memory_space<vmem>>, %arg2: memref<128x8xf32, #tpu.memory_space<vmem>>, %arg3: memref<128x288xf32, #tpu.memory_space<vmem>>, %arg4: memref<2048x32xf32, #tpu.memory_space<vmem>>) attributes {dimension_semantics = [#tpu.dimension_semantics<arbitrary>], iteration_bounds = array<i64: 5>, scalar_prefetch = 0 : i64, scratch_operands = 0 : i64, tpu.core_type = #tpu.core_type<tc>, window_params = [{transform_indices = @transform_0, window_bounds = array<i64: 16, 128, 128>}, {pipeline_mode = #tpu.pipeline_mode<synchronous>, transform_indices = @transform_1, window_bounds = array<i64: 128, 8>}, {pipeline_mode = #tpu.pipeline_mode<synchronous>, transform_indices = @transform_2, window_bounds = array<i64: 128, 288>}, {transform_indices = @transform_3, window_bounds = array<i64: 2048, 32>}]} {
    %iota3A = tpu.iota {dimensions = array<i32: 0>} : vector<9x288xi32>
    %iota3A_0 = tpu.iota {dimensions = array<i32: 1>} : vector<9x288xi32>
    %shift_right_logical3A = arith.constant 5 : i32
    %shift_right_logical3A_1 = vector.broadcast %shift_right_logical3A : i32 to vector<9x288xi32>
    %shift_right_logical3A_2 = arith.shrui %iota3A_0, %shift_right_logical3A_1 : vector<9x288xi32>
    %eq3A = arith.cmpi eq, %shift_right_logical3A_2, %iota3A : vector<9x288xi32>
    %jit3A = arith.constant 1.000000e+00 : f32
    %jit3A_3 = arith.constant 0.000000e+00 : f32
    %broadcast_in_dim3A = vector.broadcast %jit3A : f32 to vector<9x288xf32>
    %broadcast_in_dim3A_4 = vector.broadcast %jit3A_3 : f32 to vector<9x288xf32>
    %select_n3A = arith.select %eq3A, %broadcast_in_dim3A, %broadcast_in_dim3A_4 : vector<9x288xi1>, vector<9x288xf32>
    %iota3A_5 = tpu.iota {dimensions = array<i32: 0>} : vector<288x32xi32>
    %iota3A_6 = tpu.iota {dimensions = array<i32: 1>} : vector<288x32xi32>
    %and3A = arith.constant 31 : i32
    %and3A_7 = vector.broadcast %and3A : i32 to vector<288x32xi32>
    %and3A_8 = arith.andi %iota3A_5, %and3A_7 : vector<288x32xi32>
    %eq3A_9 = arith.cmpi eq, %and3A_8, %iota3A_6 : vector<288x32xi32>
    %jit3A_10 = arith.constant 1.000000e+00 : f32
    %jit3A_11 = arith.constant 0.000000e+00 : f32
    %broadcast_in_dim3A_12 = vector.broadcast %jit3A_10 : f32 to vector<288x32xf32>
    %broadcast_in_dim3A_13 = vector.broadcast %jit3A_11 : f32 to vector<288x32xf32>
    %select_n3A_14 = arith.select %eq3A_9, %broadcast_in_dim3A_12, %broadcast_in_dim3A_13 : vector<288x32xi1>, vector<288x32xf32>
    %get3A = arith.constant 0 : index
    %get3A_15 = arith.constant 0 : index
    %get3A_16 = vector.load %arg2[%get3A, %get3A_15] : memref<128x8xf32, #tpu.memory_space<vmem>>, vector<128x8xf32>
    %max3A = arith.constant 0.000000e+00 : f32
    %max3A_17 = vector.broadcast %max3A : f32 to vector<128x8xf32>
    %max3A_18 = arith.maximumf %get3A_16, %max3A_17 : vector<128x8xf32>
    %broadcast_in_dim3A_19 = arith.constant 1.000000e+00 : f32
    %broadcast_in_dim3A_20 = vector.broadcast %broadcast_in_dim3A_19 : f32 to vector<128x1xf32>
    %concatenate3A = tpu.concatenate %max3A_18, %broadcast_in_dim3A_20 in 1 : vector<128x8xf32>, vector<128x1xf32> -> vector<128x9xf32>
    %dot_general3A = arith.constant dense<0.000000e+00> : vector<128x288xf32>
    %dot_general3A_21 = tpu.matmul %concatenate3A, %select_n3A, %dot_general3A {dimension_numbers = #tpu.dot_dimension_numbers<[1], [0], [0], [1], [0, 0, 1, 1], [], []>, transpose_lhs_hint = false} : vector<128x9xf32>, vector<9x288xf32>, vector<128x288xf32> -> vector<128x288xf32>
    %concatenate3A_22 = tpu.concatenate %dot_general3A_21, %dot_general3A_21, %dot_general3A_21, %dot_general3A_21, %dot_general3A_21, %dot_general3A_21, %dot_general3A_21, %dot_general3A_21, %dot_general3A_21, %dot_general3A_21, %dot_general3A_21, %dot_general3A_21, %dot_general3A_21, %dot_general3A_21, %dot_general3A_21, %dot_general3A_21 in 0 : vector<128x288xf32>, vector<128x288xf32>, vector<128x288xf32>, vector<128x288xf32>, vector<128x288xf32>, vector<128x288xf32>, vector<128x288xf32>, vector<128x288xf32>, vector<128x288xf32>, vector<128x288xf32>, vector<128x288xf32>, vector<128x288xf32>, vector<128x288xf32>, vector<128x288xf32>, vector<128x288xf32>, vector<128x288xf32> -> vector<2048x288xf32>
    %get3A_23 = arith.constant 0 : index
    %get3A_24 = arith.constant 0 : index
    %get3A_25 = arith.constant 0 : index
    %get3A_26 = vector.load %arg1[%get3A_23, %get3A_24, %get3A_25] : memref<16x128x128xf32, #tpu.memory_space<vmem>>, vector<16x128x128xf32>
    %reshape3A = vector.shape_cast %get3A_26 : vector<16x128x128xf32> to vector<2048x128xf32>
    %get3A_27 = arith.constant 0 : index
    %get3A_28 = arith.constant 0 : index
    %get3A_29 = vector.load %arg3[%get3A_27, %get3A_28] : memref<128x288xf32, #tpu.memory_space<vmem>>, vector<128x288xf32>
    %dot_general3A_30 = arith.constant dense<0.000000e+00> : vector<2048x288xf32>
    %dot_general3A_31 = tpu.matmul %reshape3A, %get3A_29, %dot_general3A_30 {dimension_numbers = #tpu.dot_dimension_numbers<[1], [0], [0], [1], [0, 0, 1, 1], [], []>, transpose_lhs_hint = false} : vector<2048x128xf32>, vector<128x288xf32>, vector<2048x288xf32> -> vector<2048x288xf32>
    %mul3A = arith.mulf %concatenate3A_22, %dot_general3A_31 : vector<2048x288xf32>
    %dot_general3A_32 = arith.constant dense<0.000000e+00> : vector<2048x32xf32>
    %dot_general3A_33 = tpu.matmul %mul3A, %select_n3A_14, %dot_general3A_32 {dimension_numbers = #tpu.dot_dimension_numbers<[1], [0], [0], [1], [0, 0, 1, 1], [], []>, transpose_lhs_hint = false} : vector<2048x288xf32>, vector<288x32xf32>, vector<2048x32xf32> -> vector<2048x32xf32>
    %swap3A = arith.constant 0 : index
    %swap3A_34 = arith.constant 0 : index
    %swap3A_35 = vector.load %arg4[%swap3A, %swap3A_34] : memref<2048x32xf32, #tpu.memory_space<vmem>>, vector<2048x32xf32>
    tpu.vector_store %arg4[%swap3A, %swap3A_34], %dot_general3A_33 {strides = array<i32>} : memref<2048x32xf32, #tpu.memory_space<vmem>>, vector<2048x32xf32>,
    return
  }
  func.func @transform_0(%arg0: i32) -> (i32, i32, i32) {
    %c0_i32 = arith.constant 0 : i32
    %c0_i32_0 = arith.constant 0 : i32
    %c0_i32_1 = arith.constant 0 : i32
    return %arg0, %c0_i32, %c0_i32_0 : i32, i32, i32
  }
  func.func @transform_1(%arg0: i32) -> (i32, i32) {
    %c0_i32 = arith.constant 0 : i32
    %c0_i32_0 = arith.constant 0 : i32
    %c0_i32_1 = arith.constant 0 : i32
    return %c0_i32, %c0_i32_0 : i32, i32
  }
  func.func @transform_2(%arg0: i32) -> (i32, i32) {
    %c0_i32 = arith.constant 0 : i32
    %c0_i32_0 = arith.constant 0 : i32
    %c0_i32_1 = arith.constant 0 : i32
    return %c0_i32, %c0_i32_0 : i32, i32
  }
  func.func @transform_3(%arg0: i32) -> (i32, i32) {
    %c0_i32 = arith.constant 0 : i32
    %c0_i32_0 = arith.constant 0 : i32
    return %arg0, %c0_i32 : i32, i32
  }
}

module attributes {stable_mosaic.version = 14 : i64} {
  func.func @_tc_body(%arg0: i32, %arg1: memref<2048x32xf32, #tpu.memory_space<vmem>>, %arg2: memref<1x16x128x128xf32, #tpu.memory_space<vmem>>, %arg3: memref<1x32xf32, #tpu.memory_space<vmem>>, %arg4: memref<1x32xf32, #tpu.memory_space<vmem>>, %arg5: memref<128x8xf32, #tpu.memory_space<vmem>>, %arg6: memref<32x288xf32, #tpu.memory_space<vmem>>, %arg7: memref<1x32xf32, #tpu.memory_space<vmem>>, %arg8: memref<1x32xf32, #tpu.memory_space<vmem>>, %arg9: memref<128x128xf32, #tpu.memory_space<vmem>>, %arg10: memref<1x128xf32, #tpu.memory_space<vmem>>, %arg11: memref<1x1xf32, #tpu.memory_space<vmem>>, %arg12: memref<1x128xf32, #tpu.memory_space<vmem>>, %arg13: memref<1x128xf32, #tpu.memory_space<vmem>>, %arg14: memref<128x128xf32, #tpu.memory_space<vmem>>, %arg15: memref<1x128xf32, #tpu.memory_space<vmem>>, %arg16: memref<1x1xf32, #tpu.memory_space<vmem>>, %arg17: memref<1x128xf32, #tpu.memory_space<vmem>>, %arg18: memref<1x128xf32, #tpu.memory_space<vmem>>, %arg19: memref<128x2xf32, #tpu.memory_space<vmem>>, %arg20: memref<1x2xf32, #tpu.memory_space<vmem>>, %arg21: memref<16x162xf32, #tpu.memory_space<vmem>>) attributes {dimension_semantics = [#tpu.dimension_semantics<arbitrary>], iteration_bounds = array<i64: 5>, scalar_prefetch = 0 : i64, scratch_operands = 0 : i64, tpu.core_type = #tpu.core_type<tc>, window_params = [{transform_indices = @transform_0, window_bounds = array<i64: 2048, 32>}, {transform_indices = @transform_1, window_bounds = array<i64: 1, 16, 128, 128>}, {pipeline_mode = #tpu.pipeline_mode<synchronous>, transform_indices = @transform_2, window_bounds = array<i64: 1, 32>}, {pipeline_mode = #tpu.pipeline_mode<synchronous>, transform_indices = @transform_3, window_bounds = array<i64: 1, 32>}, {pipeline_mode = #tpu.pipeline_mode<synchronous>, transform_indices = @transform_4, window_bounds = array<i64: 128, 8>}, {pipeline_mode = #tpu.pipeline_mode<synchronous>, transform_indices = @transform_5, window_bounds = array<i64: 32, 288>}, {pipeline_mode = #tpu.pipeline_mode<synchronous>, transform_indices = @transform_6, window_bounds = array<i64: 1, 32>}, {pipeline_mode = #tpu.pipeline_mode<synchronous>, transform_indices = @transform_7, window_bounds = array<i64: 1, 32>}, {pipeline_mode = #tpu.pipeline_mode<synchronous>, transform_indices = @transform_8, window_bounds = array<i64: 128, 128>}, {pipeline_mode = #tpu.pipeline_mode<synchronous>, transform_indices = @transform_9, window_bounds = array<i64: 1, 128>}, {pipeline_mode = #tpu.pipeline_mode<synchronous>, transform_indices = @transform_10, window_bounds = array<i64: 1, 1>}, {pipeline_mode = #tpu.pipeline_mode<synchronous>, transform_indices = @transform_11, window_bounds = array<i64: 1, 128>}, {pipeline_mode = #tpu.pipeline_mode<synchronous>, transform_indices = @transform_12, window_bounds = array<i64: 1, 128>}, {pipeline_mode = #tpu.pipeline_mode<synchronous>, transform_indices = @transform_13, window_bounds = array<i64: 128, 128>}, {pipeline_mode = #tpu.pipeline_mode<synchronous>, transform_indices = @transform_14, window_bounds = array<i64: 1, 128>}, {pipeline_mode = #tpu.pipeline_mode<synchronous>, transform_indices = @transform_15, window_bounds = array<i64: 1, 1>}, {pipeline_mode = #tpu.pipeline_mode<synchronous>, transform_indices = @transform_16, window_bounds = array<i64: 1, 128>}, {pipeline_mode = #tpu.pipeline_mode<synchronous>, transform_indices = @transform_17, window_bounds = array<i64: 1, 128>}, {pipeline_mode = #tpu.pipeline_mode<synchronous>, transform_indices = @transform_18, window_bounds = array<i64: 128, 2>}, {pipeline_mode = #tpu.pipeline_mode<synchronous>, transform_indices = @transform_19, window_bounds = array<i64: 1, 2>}, {transform_indices = @transform_20, window_bounds = array<i64: 16, 162>}]} {
    %get3A = arith.constant 0 : index
    %get3A_0 = arith.constant 0 : index
    %get3A_1 = vector.load %arg5[%get3A, %get3A_0] : memref<128x8xf32, #tpu.memory_space<vmem>>, vector<128x8xf32>
    %max3A = arith.constant 0.000000e+00 : f32
    %max3A_2 = vector.broadcast %max3A : f32 to vector<128x8xf32>
    %max3A_3 = arith.maximumf %get3A_1, %max3A_2 : vector<128x8xf32>
    %get3A_4 = arith.constant 0 : index
    %get3A_5 = arith.constant 0 : index
    %get3A_6 = vector.load %arg6[%get3A_4, %get3A_5] : memref<32x288xf32, #tpu.memory_space<vmem>>, vector<32x288xf32>
    %get3A_7 = arith.constant 0 : index
    %get3A_8 = arith.constant 0 : index
    %get3A_9 = vector.load %arg4[%get3A_7, %get3A_8] : memref<1x32xf32, #tpu.memory_space<vmem>>, vector<1x32xf32>
    %integer_pow3A = arith.mulf %get3A_9, %get3A_9 : vector<1x32xf32>
    %reduce_sum3A = arith.constant dense<0.000000e+00> : vector<1xf32>
    %reduce_sum3A_10 = vector.multi_reduction <add>, %integer_pow3A, %reduce_sum3A [1] : vector<1x32xf32> to vector<1xf32>
    %broadcast_in_dim3A = vector.shape_cast %reduce_sum3A_10 : vector<1xf32> to vector<1x1xf32>
    %sqrt3A = math.sqrt %broadcast_in_dim3A : vector<1x1xf32>
    %get3A_11 = arith.constant 0 : index
    %get3A_12 = arith.constant 0 : index
    %get3A_13 = vector.load %arg8[%get3A_11, %get3A_12] : memref<1x32xf32, #tpu.memory_space<vmem>>, vector<1x32xf32>
    %integer_pow3A_14 = arith.mulf %get3A_13, %get3A_13 : vector<1x32xf32>
    %reduce_sum3A_15 = arith.constant dense<0.000000e+00> : vector<1xf32>
    %reduce_sum3A_16 = vector.multi_reduction <add>, %integer_pow3A_14, %reduce_sum3A_15 [1] : vector<1x32xf32> to vector<1xf32>
    %broadcast_in_dim3A_17 = vector.shape_cast %reduce_sum3A_16 : vector<1xf32> to vector<1x1xf32>
    %sqrt3A_18 = math.sqrt %broadcast_in_dim3A_17 : vector<1x1xf32>
    %get3A_19 = arith.constant 0 : index
    %get3A_20 = arith.constant 0 : index
    %get3A_21 = vector.load %arg4[%get3A_19, %get3A_20] : memref<1x32xf32, #tpu.memory_space<vmem>>, vector<1x32xf32>
    %transpose3A = tpu.transpose %get3A_21, [1, 0] : vector<1x32xf32> -> vector<32x1xf32>
    %div3A = vector.broadcast %sqrt3A : vector<1x1xf32> to vector<32x1xf32>
    %div3A_22 = arith.divf %transpose3A, %div3A : vector<32x1xf32>
    %get3A_23 = arith.constant 0 : index
    %get3A_24 = arith.constant 0 : index
    %get3A_25 = vector.load %arg8[%get3A_23, %get3A_24] : memref<1x32xf32, #tpu.memory_space<vmem>>, vector<1x32xf32>
    %transpose3A_26 = tpu.transpose %get3A_25, [1, 0] : vector<1x32xf32> -> vector<32x1xf32>
    %div3A_27 = vector.broadcast %sqrt3A_18 : vector<1x1xf32> to vector<32x1xf32>
    %div3A_28 = arith.divf %transpose3A_26, %div3A_27 : vector<32x1xf32>
    %iota3A = tpu.iota {dimensions = array<i32: 1>} : vector<1x64xi32>
    %convert_element_type3A = arith.sitofp %iota3A : vector<1x64xi32> to vector<1x64xf32>
    %iota3A_29 = tpu.iota {dimensions = array<i32: 0>} : vector<64x1xi32>
    %convert_element_type3A_30 = arith.sitofp %iota3A_29 : vector<64x1xi32> to vector<64x1xf32>
    %iota3A_31 = tpu.iota {dimensions = array<i32: 1>} : vector<1x32xi32>
    %convert_element_type3A_32 = arith.sitofp %iota3A_31 : vector<1x32xi32> to vector<1x32xf32>
    %iota3A_33 = tpu.iota {dimensions = array<i32: 0>} : vector<32x1xi32>
    %convert_element_type3A_34 = arith.sitofp %iota3A_33 : vector<32x1xi32> to vector<32x1xf32>
    %broadcast_in_dim3A_35 = arith.constant 1.000000e+00 : bf16
    %broadcast_in_dim3A_36 = vector.broadcast %broadcast_in_dim3A_35 : bf16 to vector<128x1xbf16>
    %broadcast_in_dim3A_37 = arith.constant 1.000000e+00 : bf16
    %broadcast_in_dim3A_38 = vector.broadcast %broadcast_in_dim3A_37 : bf16 to vector<64x1xbf16>
    %iota3A_39 = tpu.iota {dimensions = array<i32: 0>} : vector<9x288xi32>
    %iota3A_40 = tpu.iota {dimensions = array<i32: 1>} : vector<9x288xi32>
    %shift_right_logical3A = arith.constant 5 : i32
    %shift_right_logical3A_41 = vector.broadcast %shift_right_logical3A : i32 to vector<9x288xi32>
    %shift_right_logical3A_42 = arith.shrui %iota3A_40, %shift_right_logical3A_41 : vector<9x288xi32>
    %eq3A = arith.cmpi eq, %shift_right_logical3A_42, %iota3A_39 : vector<9x288xi32>
    %jit3A = arith.constant 1.000000e+00 : f32
    %jit3A_43 = arith.constant 0.000000e+00 : f32
    %broadcast_in_dim3A_44 = vector.broadcast %jit3A : f32 to vector<9x288xf32>
    %broadcast_in_dim3A_45 = vector.broadcast %jit3A_43 : f32 to vector<9x288xf32>
    %select_n3A = arith.select %eq3A, %broadcast_in_dim3A_44, %broadcast_in_dim3A_45 : vector<9x288xi1>, vector<9x288xf32>
    %iota3A_46 = tpu.iota {dimensions = array<i32: 0>} : vector<288x32xi32>
    %iota3A_47 = tpu.iota {dimensions = array<i32: 1>} : vector<288x32xi32>
    %and3A = arith.constant 31 : i32
    %and3A_48 = vector.broadcast %and3A : i32 to vector<288x32xi32>
    %and3A_49 = arith.andi %iota3A_46, %and3A_48 : vector<288x32xi32>
    %eq3A_50 = arith.cmpi eq, %and3A_49, %iota3A_47 : vector<288x32xi32>
    %jit3A_51 = arith.constant 1.000000e+00 : f32
    %jit3A_52 = arith.constant 0.000000e+00 : f32
    %broadcast_in_dim3A_53 = vector.broadcast %jit3A_51 : f32 to vector<288x32xf32>
    %broadcast_in_dim3A_54 = vector.broadcast %jit3A_52 : f32 to vector<288x32xf32>
    %select_n3A_55 = arith.select %eq3A_50, %broadcast_in_dim3A_53, %broadcast_in_dim3A_54 : vector<288x32xi1>, vector<288x32xf32>
    %iota3A_56 = tpu.iota {dimensions = array<i32: 0>} : vector<128x128xi32>
    %iota3A_57 = tpu.iota {dimensions = array<i32: 1>} : vector<128x128xi32>
    %lt3A = arith.cmpi slt, %iota3A_57, %iota3A_56 : vector<128x128xi32>
    %iota3A_58 = tpu.iota {dimensions = array<i32: 0>} : vector<64x64xi32>
    %iota3A_59 = tpu.iota {dimensions = array<i32: 1>} : vector<64x64xi32>
    %lt3A_60 = arith.cmpi slt, %iota3A_59, %iota3A_58 : vector<64x64xi32>
    %get3A_61 = arith.constant 0 : index
    %get3A_62 = arith.constant 0 : index
    %get3A_63 = arith.constant 0 : index
    %get3A_64 = arith.constant 0 : index
    %get3A_65 = vector.load %arg2[%get3A_61, %get3A_62, %get3A_63, %get3A_64] : memref<1x16x128x128xf32, #tpu.memory_space<vmem>>, vector<1x16x128x128xf32>
    %get3A_66 = vector.shape_cast %get3A_65 : vector<1x16x128x128xf32> to vector<16x128x128xf32>
    %get3A_67 = arith.constant 0 : index
    %get3A_68 = arith.constant 0 : index
    %get3A_69 = vector.load %arg1[%get3A_67, %get3A_68] : memref<2048x32xf32, #tpu.memory_space<vmem>>, vector<2048x32xf32>
    %slice3A = vector.extract_strided_slice %get3A_66 {offsets = [0, 0, 0], sizes = [1, 128, 128], strides = [1, 1, 1]} : vector<16x128x128xf32> to vector<1x128x128xf32>
    %squeeze3A = vector.shape_cast %slice3A : vector<1x128x128xf32> to vector<128x128xf32>
    %slice3A_70 = vector.extract_strided_slice %get3A_69 {offsets = [0, 0], sizes = [128, 32], strides = [1, 1]} : vector<2048x32xf32> to vector<128x32xf32>
    %dot_general3A = arith.constant dense<0.000000e+00> : vector<128x32xf32>
    %dot_general3A_71 = tpu.matmul %squeeze3A, %slice3A_70, %dot_general3A {dimension_numbers = #tpu.dot_dimension_numbers<[1], [0], [0], [1], [0, 0, 1, 1], [], []>, transpose_lhs_hint = false} : vector<128x128xf32>, vector<128x32xf32>, vector<128x32xf32> -> vector<128x32xf32>
    %get3A_72 = arith.constant 0 : index
    %get3A_73 = arith.constant 0 : index
    %get3A_74 = vector.load %arg3[%get3A_72, %get3A_73] : memref<1x32xf32, #tpu.memory_space<vmem>>, vector<1x32xf32>
    %add3A = vector.broadcast %get3A_74 : vector<1x32xf32> to vector<128x32xf32>
    %add3A_75 = arith.addf %dot_general3A_71, %add3A : vector<128x32xf32>
    %max3A_76 = arith.constant 0.000000e+00 : f32
    %max3A_77 = vector.broadcast %max3A_76 : f32 to vector<128x32xf32>
    %max3A_78 = arith.maximumf %add3A_75, %max3A_77 : vector<128x32xf32>
    %slice3A_79 = vector.extract_strided_slice %get3A_66 {offsets = [1, 0, 0], sizes = [1, 128, 128], strides = [1, 1, 1]} : vector<16x128x128xf32> to vector<1x128x128xf32>
    %squeeze3A_80 = vector.shape_cast %slice3A_79 : vector<1x128x128xf32> to vector<128x128xf32>
    %slice3A_81 = vector.extract_strided_slice %get3A_69 {offsets = [128, 0], sizes = [128, 32], strides = [1, 1]} : vector<2048x32xf32> to vector<128x32xf32>
    %dot_general3A_82 = arith.constant dense<0.000000e+00> : vector<128x32xf32>
    %dot_general3A_83 = tpu.matmul %squeeze3A_80, %slice3A_81, %dot_general3A_82 {dimension_numbers = #tpu.dot_dimension_numbers<[1], [0], [0], [1], [0, 0, 1, 1], [], []>, transpose_lhs_hint = false} : vector<128x128xf32>, vector<128x32xf32>, vector<128x32xf32> -> vector<128x32xf32>
    %get3A_84 = arith.constant 0 : index
    %get3A_85 = arith.constant 0 : index
    %get3A_86 = vector.load %arg3[%get3A_84, %get3A_85] : memref<1x32xf32, #tpu.memory_space<vmem>>, vector<1x32xf32>
    %add3A_87 = vector.broadcast %get3A_86 : vector<1x32xf32> to vector<128x32xf32>
    %add3A_88 = arith.addf %dot_general3A_83, %add3A_87 : vector<128x32xf32>
    %max3A_89 = arith.constant 0.000000e+00 : f32
    %max3A_90 = vector.broadcast %max3A_89 : f32 to vector<128x32xf32>
    %max3A_91 = arith.maximumf %add3A_88, %max3A_90 : vector<128x32xf32>
    %slice3A_92 = vector.extract_strided_slice %get3A_66 {offsets = [2, 0, 0], sizes = [1, 128, 128], strides = [1, 1, 1]} : vector<16x128x128xf32> to vector<1x128x128xf32>
    %squeeze3A_93 = vector.shape_cast %slice3A_92 : vector<1x128x128xf32> to vector<128x128xf32>
    %slice3A_94 = vector.extract_strided_slice %get3A_69 {offsets = [256, 0], sizes = [128, 32], strides = [1, 1]} : vector<2048x32xf32> to vector<128x32xf32>
    %dot_general3A_95 = arith.constant dense<0.000000e+00> : vector<128x32xf32>
    %dot_general3A_96 = tpu.matmul %squeeze3A_93, %slice3A_94, %dot_general3A_95 {dimension_numbers = #tpu.dot_dimension_numbers<[1], [0], [0], [1], [0, 0, 1, 1], [], []>, transpose_lhs_hint = false} : vector<128x128xf32>, vector<128x32xf32>, vector<128x32xf32> -> vector<128x32xf32>
    %get3A_97 = arith.constant 0 : index
    %get3A_98 = arith.constant 0 : index
    %get3A_99 = vector.load %arg3[%get3A_97, %get3A_98] : memref<1x32xf32, #tpu.memory_space<vmem>>, vector<1x32xf32>
    %add3A_100 = vector.broadcast %get3A_99 : vector<1x32xf32> to vector<128x32xf32>
    %add3A_101 = arith.addf %dot_general3A_96, %add3A_100 : vector<128x32xf32>
    %max3A_102 = arith.constant 0.000000e+00 : f32
    %max3A_103 = vector.broadcast %max3A_102 : f32 to vector<128x32xf32>
    %max3A_104 = arith.maximumf %add3A_101, %max3A_103 : vector<128x32xf32>
    %slice3A_105 = vector.extract_strided_slice %get3A_66 {offsets = [3, 0, 0], sizes = [1, 128, 128], strides = [1, 1, 1]} : vector<16x128x128xf32> to vector<1x128x128xf32>
    %squeeze3A_106 = vector.shape_cast %slice3A_105 : vector<1x128x128xf32> to vector<128x128xf32>
    %slice3A_107 = vector.extract_strided_slice %get3A_69 {offsets = [384, 0], sizes = [128, 32], strides = [1, 1]} : vector<2048x32xf32> to vector<128x32xf32>
    %dot_general3A_108 = arith.constant dense<0.000000e+00> : vector<128x32xf32>
    %dot_general3A_109 = tpu.matmul %squeeze3A_106, %slice3A_107, %dot_general3A_108 {dimension_numbers = #tpu.dot_dimension_numbers<[1], [0], [0], [1], [0, 0, 1, 1], [], []>, transpose_lhs_hint = false} : vector<128x128xf32>, vector<128x32xf32>, vector<128x32xf32> -> vector<128x32xf32>
    %get3A_110 = arith.constant 0 : index
    %get3A_111 = arith.constant 0 : index
    %get3A_112 = vector.load %arg3[%get3A_110, %get3A_111] : memref<1x32xf32, #tpu.memory_space<vmem>>, vector<1x32xf32>
    %add3A_113 = vector.broadcast %get3A_112 : vector<1x32xf32> to vector<128x32xf32>
    %add3A_114 = arith.addf %dot_general3A_109, %add3A_113 : vector<128x32xf32>
    %max3A_115 = arith.constant 0.000000e+00 : f32
    %max3A_116 = vector.broadcast %max3A_115 : f32 to vector<128x32xf32>
    %max3A_117 = arith.maximumf %add3A_114, %max3A_116 : vector<128x32xf32>
    %slice3A_118 = vector.extract_strided_slice %get3A_66 {offsets = [4, 0, 0], sizes = [1, 128, 128], strides = [1, 1, 1]} : vector<16x128x128xf32> to vector<1x128x128xf32>
    %squeeze3A_119 = vector.shape_cast %slice3A_118 : vector<1x128x128xf32> to vector<128x128xf32>
    %slice3A_120 = vector.extract_strided_slice %get3A_69 {offsets = [512, 0], sizes = [128, 32], strides = [1, 1]} : vector<2048x32xf32> to vector<128x32xf32>
    %dot_general3A_121 = arith.constant dense<0.000000e+00> : vector<128x32xf32>
    %dot_general3A_122 = tpu.matmul %squeeze3A_119, %slice3A_120, %dot_general3A_121 {dimension_numbers = #tpu.dot_dimension_numbers<[1], [0], [0], [1], [0, 0, 1, 1], [], []>, transpose_lhs_hint = false} : vector<128x128xf32>, vector<128x32xf32>, vector<128x32xf32> -> vector<128x32xf32>
    %get3A_123 = arith.constant 0 : index
    %get3A_124 = arith.constant 0 : index
    %get3A_125 = vector.load %arg3[%get3A_123, %get3A_124] : memref<1x32xf32, #tpu.memory_space<vmem>>, vector<1x32xf32>
    %add3A_126 = vector.broadcast %get3A_125 : vector<1x32xf32> to vector<128x32xf32>
    %add3A_127 = arith.addf %dot_general3A_122, %add3A_126 : vector<128x32xf32>
    %max3A_128 = arith.constant 0.000000e+00 : f32
    %max3A_129 = vector.broadcast %max3A_128 : f32 to vector<128x32xf32>
    %max3A_130 = arith.maximumf %add3A_127, %max3A_129 : vector<128x32xf32>
    %slice3A_131 = vector.extract_strided_slice %get3A_66 {offsets = [5, 0, 0], sizes = [1, 128, 128], strides = [1, 1, 1]} : vector<16x128x128xf32> to vector<1x128x128xf32>
    %squeeze3A_132 = vector.shape_cast %slice3A_131 : vector<1x128x128xf32> to vector<128x128xf32>
    %slice3A_133 = vector.extract_strided_slice %get3A_69 {offsets = [640, 0], sizes = [128, 32], strides = [1, 1]} : vector<2048x32xf32> to vector<128x32xf32>
    %dot_general3A_134 = arith.constant dense<0.000000e+00> : vector<128x32xf32>
    %dot_general3A_135 = tpu.matmul %squeeze3A_132, %slice3A_133, %dot_general3A_134 {dimension_numbers = #tpu.dot_dimension_numbers<[1], [0], [0], [1], [0, 0, 1, 1], [], []>, transpose_lhs_hint = false} : vector<128x128xf32>, vector<128x32xf32>, vector<128x32xf32> -> vector<128x32xf32>
    %get3A_136 = arith.constant 0 : index
    %get3A_137 = arith.constant 0 : index
    %get3A_138 = vector.load %arg3[%get3A_136, %get3A_137] : memref<1x32xf32, #tpu.memory_space<vmem>>, vector<1x32xf32>
    %add3A_139 = vector.broadcast %get3A_138 : vector<1x32xf32> to vector<128x32xf32>
    %add3A_140 = arith.addf %dot_general3A_135, %add3A_139 : vector<128x32xf32>
    %max3A_141 = arith.constant 0.000000e+00 : f32
    %max3A_142 = vector.broadcast %max3A_141 : f32 to vector<128x32xf32>
    %max3A_143 = arith.maximumf %add3A_140, %max3A_142 : vector<128x32xf32>
    %slice3A_144 = vector.extract_strided_slice %get3A_66 {offsets = [6, 0, 0], sizes = [1, 128, 128], strides = [1, 1, 1]} : vector<16x128x128xf32> to vector<1x128x128xf32>
    %squeeze3A_145 = vector.shape_cast %slice3A_144 : vector<1x128x128xf32> to vector<128x128xf32>
    %slice3A_146 = vector.extract_strided_slice %get3A_69 {offsets = [768, 0], sizes = [128, 32], strides = [1, 1]} : vector<2048x32xf32> to vector<128x32xf32>
    %dot_general3A_147 = arith.constant dense<0.000000e+00> : vector<128x32xf32>
    %dot_general3A_148 = tpu.matmul %squeeze3A_145, %slice3A_146, %dot_general3A_147 {dimension_numbers = #tpu.dot_dimension_numbers<[1], [0], [0], [1], [0, 0, 1, 1], [], []>, transpose_lhs_hint = false} : vector<128x128xf32>, vector<128x32xf32>, vector<128x32xf32> -> vector<128x32xf32>
    %get3A_149 = arith.constant 0 : index
    %get3A_150 = arith.constant 0 : index
    %get3A_151 = vector.load %arg3[%get3A_149, %get3A_150] : memref<1x32xf32, #tpu.memory_space<vmem>>, vector<1x32xf32>
    %add3A_152 = vector.broadcast %get3A_151 : vector<1x32xf32> to vector<128x32xf32>
    %add3A_153 = arith.addf %dot_general3A_148, %add3A_152 : vector<128x32xf32>
    %max3A_154 = arith.constant 0.000000e+00 : f32
    %max3A_155 = vector.broadcast %max3A_154 : f32 to vector<128x32xf32>
    %max3A_156 = arith.maximumf %add3A_153, %max3A_155 : vector<128x32xf32>
    %slice3A_157 = vector.extract_strided_slice %get3A_66 {offsets = [7, 0, 0], sizes = [1, 128, 128], strides = [1, 1, 1]} : vector<16x128x128xf32> to vector<1x128x128xf32>
    %squeeze3A_158 = vector.shape_cast %slice3A_157 : vector<1x128x128xf32> to vector<128x128xf32>
    %slice3A_159 = vector.extract_strided_slice %get3A_69 {offsets = [896, 0], sizes = [128, 32], strides = [1, 1]} : vector<2048x32xf32> to vector<128x32xf32>
    %dot_general3A_160 = arith.constant dense<0.000000e+00> : vector<128x32xf32>
    %dot_general3A_161 = tpu.matmul %squeeze3A_158, %slice3A_159, %dot_general3A_160 {dimension_numbers = #tpu.dot_dimension_numbers<[1], [0], [0], [1], [0, 0, 1, 1], [], []>, transpose_lhs_hint = false} : vector<128x128xf32>, vector<128x32xf32>, vector<128x32xf32> -> vector<128x32xf32>
    %get3A_162 = arith.constant 0 : index
    %get3A_163 = arith.constant 0 : index
    %get3A_164 = vector.load %arg3[%get3A_162, %get3A_163] : memref<1x32xf32, #tpu.memory_space<vmem>>, vector<1x32xf32>
    %add3A_165 = vector.broadcast %get3A_164 : vector<1x32xf32> to vector<128x32xf32>
    %add3A_166 = arith.addf %dot_general3A_161, %add3A_165 : vector<128x32xf32>
    %max3A_167 = arith.constant 0.000000e+00 : f32
    %max3A_168 = vector.broadcast %max3A_167 : f32 to vector<128x32xf32>
    %max3A_169 = arith.maximumf %add3A_166, %max3A_168 : vector<128x32xf32>
    %slice3A_170 = vector.extract_strided_slice %get3A_66 {offsets = [8, 0, 0], sizes = [1, 128, 128], strides = [1, 1, 1]} : vector<16x128x128xf32> to vector<1x128x128xf32>
    %squeeze3A_171 = vector.shape_cast %slice3A_170 : vector<1x128x128xf32> to vector<128x128xf32>
    %slice3A_172 = vector.extract_strided_slice %get3A_69 {offsets = [1024, 0], sizes = [128, 32], strides = [1, 1]} : vector<2048x32xf32> to vector<128x32xf32>
    %dot_general3A_173 = arith.constant dense<0.000000e+00> : vector<128x32xf32>
    %dot_general3A_174 = tpu.matmul %squeeze3A_171, %slice3A_172, %dot_general3A_173 {dimension_numbers = #tpu.dot_dimension_numbers<[1], [0], [0], [1], [0, 0, 1, 1], [], []>, transpose_lhs_hint = false} : vector<128x128xf32>, vector<128x32xf32>, vector<128x32xf32> -> vector<128x32xf32>
    %get3A_175 = arith.constant 0 : index
    %get3A_176 = arith.constant 0 : index
    %get3A_177 = vector.load %arg3[%get3A_175, %get3A_176] : memref<1x32xf32, #tpu.memory_space<vmem>>, vector<1x32xf32>
    %add3A_178 = vector.broadcast %get3A_177 : vector<1x32xf32> to vector<128x32xf32>
    %add3A_179 = arith.addf %dot_general3A_174, %add3A_178 : vector<128x32xf32>
    %max3A_180 = arith.constant 0.000000e+00 : f32
    %max3A_181 = vector.broadcast %max3A_180 : f32 to vector<128x32xf32>
    %max3A_182 = arith.maximumf %add3A_179, %max3A_181 : vector<128x32xf32>
    %slice3A_183 = vector.extract_strided_slice %get3A_66 {offsets = [9, 0, 0], sizes = [1, 128, 128], strides = [1, 1, 1]} : vector<16x128x128xf32> to vector<1x128x128xf32>
    %squeeze3A_184 = vector.shape_cast %slice3A_183 : vector<1x128x128xf32> to vector<128x128xf32>
    %slice3A_185 = vector.extract_strided_slice %get3A_69 {offsets = [1152, 0], sizes = [128, 32], strides = [1, 1]} : vector<2048x32xf32> to vector<128x32xf32>
    %dot_general3A_186 = arith.constant dense<0.000000e+00> : vector<128x32xf32>
    %dot_general3A_187 = tpu.matmul %squeeze3A_184, %slice3A_185, %dot_general3A_186 {dimension_numbers = #tpu.dot_dimension_numbers<[1], [0], [0], [1], [0, 0, 1, 1], [], []>, transpose_lhs_hint = false} : vector<128x128xf32>, vector<128x32xf32>, vector<128x32xf32> -> vector<128x32xf32>
    %get3A_188 = arith.constant 0 : index
    %get3A_189 = arith.constant 0 : index
    %get3A_190 = vector.load %arg3[%get3A_188, %get3A_189] : memref<1x32xf32, #tpu.memory_space<vmem>>, vector<1x32xf32>
    %add3A_191 = vector.broadcast %get3A_190 : vector<1x32xf32> to vector<128x32xf32>
    %add3A_192 = arith.addf %dot_general3A_187, %add3A_191 : vector<128x32xf32>
    %max3A_193 = arith.constant 0.000000e+00 : f32
    %max3A_194 = vector.broadcast %max3A_193 : f32 to vector<128x32xf32>
    %max3A_195 = arith.maximumf %add3A_192, %max3A_194 : vector<128x32xf32>
    %slice3A_196 = vector.extract_strided_slice %get3A_66 {offsets = [10, 0, 0], sizes = [1, 128, 128], strides = [1, 1, 1]} : vector<16x128x128xf32> to vector<1x128x128xf32>
    %squeeze3A_197 = vector.shape_cast %slice3A_196 : vector<1x128x128xf32> to vector<128x128xf32>
    %slice3A_198 = vector.extract_strided_slice %get3A_69 {offsets = [1280, 0], sizes = [128, 32], strides = [1, 1]} : vector<2048x32xf32> to vector<128x32xf32>
    %dot_general3A_199 = arith.constant dense<0.000000e+00> : vector<128x32xf32>
    %dot_general3A_200 = tpu.matmul %squeeze3A_197, %slice3A_198, %dot_general3A_199 {dimension_numbers = #tpu.dot_dimension_numbers<[1], [0], [0], [1], [0, 0, 1, 1], [], []>, transpose_lhs_hint = false} : vector<128x128xf32>, vector<128x32xf32>, vector<128x32xf32> -> vector<128x32xf32>
    %get3A_201 = arith.constant 0 : index
    %get3A_202 = arith.constant 0 : index
    %get3A_203 = vector.load %arg3[%get3A_201, %get3A_202] : memref<1x32xf32, #tpu.memory_space<vmem>>, vector<1x32xf32>
    %add3A_204 = vector.broadcast %get3A_203 : vector<1x32xf32> to vector<128x32xf32>
    %add3A_205 = arith.addf %dot_general3A_200, %add3A_204 : vector<128x32xf32>
    %max3A_206 = arith.constant 0.000000e+00 : f32
    %max3A_207 = vector.broadcast %max3A_206 : f32 to vector<128x32xf32>
    %max3A_208 = arith.maximumf %add3A_205, %max3A_207 : vector<128x32xf32>
    %slice3A_209 = vector.extract_strided_slice %get3A_66 {offsets = [11, 0, 0], sizes = [1, 128, 128], strides = [1, 1, 1]} : vector<16x128x128xf32> to vector<1x128x128xf32>
    %squeeze3A_210 = vector.shape_cast %slice3A_209 : vector<1x128x128xf32> to vector<128x128xf32>
    %slice3A_211 = vector.extract_strided_slice %get3A_69 {offsets = [1408, 0], sizes = [128, 32], strides = [1, 1]} : vector<2048x32xf32> to vector<128x32xf32>
    %dot_general3A_212 = arith.constant dense<0.000000e+00> : vector<128x32xf32>
    %dot_general3A_213 = tpu.matmul %squeeze3A_210, %slice3A_211, %dot_general3A_212 {dimension_numbers = #tpu.dot_dimension_numbers<[1], [0], [0], [1], [0, 0, 1, 1], [], []>, transpose_lhs_hint = false} : vector<128x128xf32>, vector<128x32xf32>, vector<128x32xf32> -> vector<128x32xf32>
    %get3A_214 = arith.constant 0 : index
    %get3A_215 = arith.constant 0 : index
    %get3A_216 = vector.load %arg3[%get3A_214, %get3A_215] : memref<1x32xf32, #tpu.memory_space<vmem>>, vector<1x32xf32>
    %add3A_217 = vector.broadcast %get3A_216 : vector<1x32xf32> to vector<128x32xf32>
    %add3A_218 = arith.addf %dot_general3A_213, %add3A_217 : vector<128x32xf32>
    %max3A_219 = arith.constant 0.000000e+00 : f32
    %max3A_220 = vector.broadcast %max3A_219 : f32 to vector<128x32xf32>
    %max3A_221 = arith.maximumf %add3A_218, %max3A_220 : vector<128x32xf32>
    %slice3A_222 = vector.extract_strided_slice %get3A_66 {offsets = [12, 0, 0], sizes = [1, 128, 128], strides = [1, 1, 1]} : vector<16x128x128xf32> to vector<1x128x128xf32>
    %squeeze3A_223 = vector.shape_cast %slice3A_222 : vector<1x128x128xf32> to vector<128x128xf32>
    %slice3A_224 = vector.extract_strided_slice %get3A_69 {offsets = [1536, 0], sizes = [128, 32], strides = [1, 1]} : vector<2048x32xf32> to vector<128x32xf32>
    %dot_general3A_225 = arith.constant dense<0.000000e+00> : vector<128x32xf32>
    %dot_general3A_226 = tpu.matmul %squeeze3A_223, %slice3A_224, %dot_general3A_225 {dimension_numbers = #tpu.dot_dimension_numbers<[1], [0], [0], [1], [0, 0, 1, 1], [], []>, transpose_lhs_hint = false} : vector<128x128xf32>, vector<128x32xf32>, vector<128x32xf32> -> vector<128x32xf32>
    %get3A_227 = arith.constant 0 : index
    %get3A_228 = arith.constant 0 : index
    %get3A_229 = vector.load %arg3[%get3A_227, %get3A_228] : memref<1x32xf32, #tpu.memory_space<vmem>>, vector<1x32xf32>
    %add3A_230 = vector.broadcast %get3A_229 : vector<1x32xf32> to vector<128x32xf32>
    %add3A_231 = arith.addf %dot_general3A_226, %add3A_230 : vector<128x32xf32>
    %max3A_232 = arith.constant 0.000000e+00 : f32
    %max3A_233 = vector.broadcast %max3A_232 : f32 to vector<128x32xf32>
    %max3A_234 = arith.maximumf %add3A_231, %max3A_233 : vector<128x32xf32>
    %slice3A_235 = vector.extract_strided_slice %get3A_66 {offsets = [13, 0, 0], sizes = [1, 128, 128], strides = [1, 1, 1]} : vector<16x128x128xf32> to vector<1x128x128xf32>
    %squeeze3A_236 = vector.shape_cast %slice3A_235 : vector<1x128x128xf32> to vector<128x128xf32>
    %slice3A_237 = vector.extract_strided_slice %get3A_69 {offsets = [1664, 0], sizes = [128, 32], strides = [1, 1]} : vector<2048x32xf32> to vector<128x32xf32>
    %dot_general3A_238 = arith.constant dense<0.000000e+00> : vector<128x32xf32>
    %dot_general3A_239 = tpu.matmul %squeeze3A_236, %slice3A_237, %dot_general3A_238 {dimension_numbers = #tpu.dot_dimension_numbers<[1], [0], [0], [1], [0, 0, 1, 1], [], []>, transpose_lhs_hint = false} : vector<128x128xf32>, vector<128x32xf32>, vector<128x32xf32> -> vector<128x32xf32>
    %get3A_240 = arith.constant 0 : index
    %get3A_241 = arith.constant 0 : index
    %get3A_242 = vector.load %arg3[%get3A_240, %get3A_241] : memref<1x32xf32, #tpu.memory_space<vmem>>, vector<1x32xf32>
    %add3A_243 = vector.broadcast %get3A_242 : vector<1x32xf32> to vector<128x32xf32>
    %add3A_244 = arith.addf %dot_general3A_239, %add3A_243 : vector<128x32xf32>
    %max3A_245 = arith.constant 0.000000e+00 : f32
    %max3A_246 = vector.broadcast %max3A_245 : f32 to vector<128x32xf32>
    %max3A_247 = arith.maximumf %add3A_244, %max3A_246 : vector<128x32xf32>
    %slice3A_248 = vector.extract_strided_slice %get3A_66 {offsets = [14, 0, 0], sizes = [1, 128, 128], strides = [1, 1, 1]} : vector<16x128x128xf32> to vector<1x128x128xf32>
    %squeeze3A_249 = vector.shape_cast %slice3A_248 : vector<1x128x128xf32> to vector<128x128xf32>
    %slice3A_250 = vector.extract_strided_slice %get3A_69 {offsets = [1792, 0], sizes = [128, 32], strides = [1, 1]} : vector<2048x32xf32> to vector<128x32xf32>
    %dot_general3A_251 = arith.constant dense<0.000000e+00> : vector<128x32xf32>
    %dot_general3A_252 = tpu.matmul %squeeze3A_249, %slice3A_250, %dot_general3A_251 {dimension_numbers = #tpu.dot_dimension_numbers<[1], [0], [0], [1], [0, 0, 1, 1], [], []>, transpose_lhs_hint = false} : vector<128x128xf32>, vector<128x32xf32>, vector<128x32xf32> -> vector<128x32xf32>
    %get3A_253 = arith.constant 0 : index
    %get3A_254 = arith.constant 0 : index
    %get3A_255 = vector.load %arg3[%get3A_253, %get3A_254] : memref<1x32xf32, #tpu.memory_space<vmem>>, vector<1x32xf32>
    %add3A_256 = vector.broadcast %get3A_255 : vector<1x32xf32> to vector<128x32xf32>
    %add3A_257 = arith.addf %dot_general3A_252, %add3A_256 : vector<128x32xf32>
    %max3A_258 = arith.constant 0.000000e+00 : f32
    %max3A_259 = vector.broadcast %max3A_258 : f32 to vector<128x32xf32>
    %max3A_260 = arith.maximumf %add3A_257, %max3A_259 : vector<128x32xf32>
    %slice3A_261 = vector.extract_strided_slice %get3A_66 {offsets = [15, 0, 0], sizes = [1, 128, 128], strides = [1, 1, 1]} : vector<16x128x128xf32> to vector<1x128x128xf32>
    %squeeze3A_262 = vector.shape_cast %slice3A_261 : vector<1x128x128xf32> to vector<128x128xf32>
    %slice3A_263 = vector.extract_strided_slice %get3A_69 {offsets = [1920, 0], sizes = [128, 32], strides = [1, 1]} : vector<2048x32xf32> to vector<128x32xf32>
    %dot_general3A_264 = arith.constant dense<0.000000e+00> : vector<128x32xf32>
    %dot_general3A_265 = tpu.matmul %squeeze3A_262, %slice3A_263, %dot_general3A_264 {dimension_numbers = #tpu.dot_dimension_numbers<[1], [0], [0], [1], [0, 0, 1, 1], [], []>, transpose_lhs_hint = false} : vector<128x128xf32>, vector<128x32xf32>, vector<128x32xf32> -> vector<128x32xf32>
    %get3A_266 = arith.constant 0 : index
    %get3A_267 = arith.constant 0 : index
    %get3A_268 = vector.load %arg3[%get3A_266, %get3A_267] : memref<1x32xf32, #tpu.memory_space<vmem>>, vector<1x32xf32>
    %add3A_269 = vector.broadcast %get3A_268 : vector<1x32xf32> to vector<128x32xf32>
    %add3A_270 = arith.addf %dot_general3A_265, %add3A_269 : vector<128x32xf32>
    %max3A_271 = arith.constant 0.000000e+00 : f32
    %max3A_272 = vector.broadcast %max3A_271 : f32 to vector<128x32xf32>
    %max3A_273 = arith.maximumf %add3A_270, %max3A_272 : vector<128x32xf32>
    %dot_general3A_274 = arith.constant dense<0.000000e+00> : vector<128x1xf32>
    %dot_general3A_275 = tpu.matmul %max3A_78, %div3A_22, %dot_general3A_274 {dimension_numbers = #tpu.dot_dimension_numbers<[1], [0], [0], [1], [0, 0, 1, 1], [], []>, transpose_lhs_hint = false} : vector<128x32xf32>, vector<32x1xf32>, vector<128x1xf32> -> vector<128x1xf32>
    %abs3A = math.absf %dot_general3A_275 : vector<128x1xf32>
    %neg3A = arith.constant 0.000000e+00 : f32
    %neg3A_276 = vector.broadcast %neg3A : f32 to vector<128x1xf32>
    %neg3A_277 = arith.subf %neg3A_276, %abs3A : vector<128x1xf32>
    %exp3A = math.exp %neg3A_277 : vector<128x1xf32>
    %ge3A = arith.constant 0.000000e+00 : f32
    %ge3A_278 = vector.broadcast %ge3A : f32 to vector<128x1xf32>
    %ge3A_279 = arith.cmpf oge, %dot_general3A_275, %ge3A_278 : vector<128x1xf32>
    %add3A_280 = arith.constant 1.000000e+00 : f32
    %add3A_281 = vector.broadcast %add3A_280 : f32 to vector<128x1xf32>
    %add3A_282 = arith.addf %add3A_281, %exp3A : vector<128x1xf32>
    %div3A_283 = arith.constant 1.000000e+00 : f32
    %div3A_284 = vector.broadcast %div3A_283 : f32 to vector<128x1xf32>
    %div3A_285 = arith.divf %div3A_284, %add3A_282 : vector<128x1xf32>
    %add3A_286 = arith.constant 1.000000e+00 : f32
    %add3A_287 = vector.broadcast %add3A_286 : f32 to vector<128x1xf32>
    %add3A_288 = arith.addf %add3A_287, %exp3A : vector<128x1xf32>
    %div3A_289 = arith.divf %exp3A, %add3A_288 : vector<128x1xf32>
    %select_n3A_290 = arith.select %ge3A_279, %div3A_285, %div3A_289 : vector<128x1xi1>, vector<128x1xf32>
    %dot_general3A_291 = arith.constant dense<0.000000e+00> : vector<128x1xf32>
    %dot_general3A_292 = tpu.matmul %max3A_91, %div3A_22, %dot_general3A_291 {dimension_numbers = #tpu.dot_dimension_numbers<[1], [0], [0], [1], [0, 0, 1, 1], [], []>, transpose_lhs_hint = false} : vector<128x32xf32>, vector<32x1xf32>, vector<128x1xf32> -> vector<128x1xf32>
    %abs3A_293 = math.absf %dot_general3A_292 : vector<128x1xf32>
    %neg3A_294 = arith.constant 0.000000e+00 : f32
    %neg3A_295 = vector.broadcast %neg3A_294 : f32 to vector<128x1xf32>
    %neg3A_296 = arith.subf %neg3A_295, %abs3A_293 : vector<128x1xf32>
    %exp3A_297 = math.exp %neg3A_296 : vector<128x1xf32>
    %ge3A_298 = arith.constant 0.000000e+00 : f32
    %ge3A_299 = vector.broadcast %ge3A_298 : f32 to vector<128x1xf32>
    %ge3A_300 = arith.cmpf oge, %dot_general3A_292, %ge3A_299 : vector<128x1xf32>
    %add3A_301 = arith.constant 1.000000e+00 : f32
    %add3A_302 = vector.broadcast %add3A_301 : f32 to vector<128x1xf32>
    %add3A_303 = arith.addf %add3A_302, %exp3A_297 : vector<128x1xf32>
    %div3A_304 = arith.constant 1.000000e+00 : f32
    %div3A_305 = vector.broadcast %div3A_304 : f32 to vector<128x1xf32>
    %div3A_306 = arith.divf %div3A_305, %add3A_303 : vector<128x1xf32>
    %add3A_307 = arith.constant 1.000000e+00 : f32
    %add3A_308 = vector.broadcast %add3A_307 : f32 to vector<128x1xf32>
    %add3A_309 = arith.addf %add3A_308, %exp3A_297 : vector<128x1xf32>
    %div3A_310 = arith.divf %exp3A_297, %add3A_309 : vector<128x1xf32>
    %select_n3A_311 = arith.select %ge3A_300, %div3A_306, %div3A_310 : vector<128x1xi1>, vector<128x1xf32>
    %dot_general3A_312 = arith.constant dense<0.000000e+00> : vector<128x1xf32>
    %dot_general3A_313 = tpu.matmul %max3A_104, %div3A_22, %dot_general3A_312 {dimension_numbers = #tpu.dot_dimension_numbers<[1], [0], [0], [1], [0, 0, 1, 1], [], []>, transpose_lhs_hint = false} : vector<128x32xf32>, vector<32x1xf32>, vector<128x1xf32> -> vector<128x1xf32>
    %abs3A_314 = math.absf %dot_general3A_313 : vector<128x1xf32>
    %neg3A_315 = arith.constant 0.000000e+00 : f32
    %neg3A_316 = vector.broadcast %neg3A_315 : f32 to vector<128x1xf32>
    %neg3A_317 = arith.subf %neg3A_316, %abs3A_314 : vector<128x1xf32>
    %exp3A_318 = math.exp %neg3A_317 : vector<128x1xf32>
    %ge3A_319 = arith.constant 0.000000e+00 : f32
    %ge3A_320 = vector.broadcast %ge3A_319 : f32 to vector<128x1xf32>
    %ge3A_321 = arith.cmpf oge, %dot_general3A_313, %ge3A_320 : vector<128x1xf32>
    %add3A_322 = arith.constant 1.000000e+00 : f32
    %add3A_323 = vector.broadcast %add3A_322 : f32 to vector<128x1xf32>
    %add3A_324 = arith.addf %add3A_323, %exp3A_318 : vector<128x1xf32>
    %div3A_325 = arith.constant 1.000000e+00 : f32
    %div3A_326 = vector.broadcast %div3A_325 : f32 to vector<128x1xf32>
    %div3A_327 = arith.divf %div3A_326, %add3A_324 : vector<128x1xf32>
    %add3A_328 = arith.constant 1.000000e+00 : f32
    %add3A_329 = vector.broadcast %add3A_328 : f32 to vector<128x1xf32>
    %add3A_330 = arith.addf %add3A_329, %exp3A_318 : vector<128x1xf32>
    %div3A_331 = arith.divf %exp3A_318, %add3A_330 : vector<128x1xf32>
    %select_n3A_332 = arith.select %ge3A_321, %div3A_327, %div3A_331 : vector<128x1xi1>, vector<128x1xf32>
    %dot_general3A_333 = arith.constant dense<0.000000e+00> : vector<128x1xf32>
    %dot_general3A_334 = tpu.matmul %max3A_117, %div3A_22, %dot_general3A_333 {dimension_numbers = #tpu.dot_dimension_numbers<[1], [0], [0], [1], [0, 0, 1, 1], [], []>, transpose_lhs_hint = false} : vector<128x32xf32>, vector<32x1xf32>, vector<128x1xf32> -> vector<128x1xf32>
    %abs3A_335 = math.absf %dot_general3A_334 : vector<128x1xf32>
    %neg3A_336 = arith.constant 0.000000e+00 : f32
    %neg3A_337 = vector.broadcast %neg3A_336 : f32 to vector<128x1xf32>
    %neg3A_338 = arith.subf %neg3A_337, %abs3A_335 : vector<128x1xf32>
    %exp3A_339 = math.exp %neg3A_338 : vector<128x1xf32>
    %ge3A_340 = arith.constant 0.000000e+00 : f32
    %ge3A_341 = vector.broadcast %ge3A_340 : f32 to vector<128x1xf32>
    %ge3A_342 = arith.cmpf oge, %dot_general3A_334, %ge3A_341 : vector<128x1xf32>
    %add3A_343 = arith.constant 1.000000e+00 : f32
    %add3A_344 = vector.broadcast %add3A_343 : f32 to vector<128x1xf32>
    %add3A_345 = arith.addf %add3A_344, %exp3A_339 : vector<128x1xf32>
    %div3A_346 = arith.constant 1.000000e+00 : f32
    %div3A_347 = vector.broadcast %div3A_346 : f32 to vector<128x1xf32>
    %div3A_348 = arith.divf %div3A_347, %add3A_345 : vector<128x1xf32>
    %add3A_349 = arith.constant 1.000000e+00 : f32
    %add3A_350 = vector.broadcast %add3A_349 : f32 to vector<128x1xf32>
    %add3A_351 = arith.addf %add3A_350, %exp3A_339 : vector<128x1xf32>
    %div3A_352 = arith.divf %exp3A_339, %add3A_351 : vector<128x1xf32>
    %select_n3A_353 = arith.select %ge3A_342, %div3A_348, %div3A_352 : vector<128x1xi1>, vector<128x1xf32>
    %dot_general3A_354 = arith.constant dense<0.000000e+00> : vector<128x1xf32>
    %dot_general3A_355 = tpu.matmul %max3A_130, %div3A_22, %dot_general3A_354 {dimension_numbers = #tpu.dot_dimension_numbers<[1], [0], [0], [1], [0, 0, 1, 1], [], []>, transpose_lhs_hint = false} : vector<128x32xf32>, vector<32x1xf32>, vector<128x1xf32> -> vector<128x1xf32>
    %abs3A_356 = math.absf %dot_general3A_355 : vector<128x1xf32>
    %neg3A_357 = arith.constant 0.000000e+00 : f32
    %neg3A_358 = vector.broadcast %neg3A_357 : f32 to vector<128x1xf32>
    %neg3A_359 = arith.subf %neg3A_358, %abs3A_356 : vector<128x1xf32>
    %exp3A_360 = math.exp %neg3A_359 : vector<128x1xf32>
    %ge3A_361 = arith.constant 0.000000e+00 : f32
    %ge3A_362 = vector.broadcast %ge3A_361 : f32 to vector<128x1xf32>
    %ge3A_363 = arith.cmpf oge, %dot_general3A_355, %ge3A_362 : vector<128x1xf32>
    %add3A_364 = arith.constant 1.000000e+00 : f32
    %add3A_365 = vector.broadcast %add3A_364 : f32 to vector<128x1xf32>
    %add3A_366 = arith.addf %add3A_365, %exp3A_360 : vector<128x1xf32>
    %div3A_367 = arith.constant 1.000000e+00 : f32
    %div3A_368 = vector.broadcast %div3A_367 : f32 to vector<128x1xf32>
    %div3A_369 = arith.divf %div3A_368, %add3A_366 : vector<128x1xf32>
    %add3A_370 = arith.constant 1.000000e+00 : f32
    %add3A_371 = vector.broadcast %add3A_370 : f32 to vector<128x1xf32>
    %add3A_372 = arith.addf %add3A_371, %exp3A_360 : vector<128x1xf32>
    %div3A_373 = arith.divf %exp3A_360, %add3A_372 : vector<128x1xf32>
    %select_n3A_374 = arith.select %ge3A_363, %div3A_369, %div3A_373 : vector<128x1xi1>, vector<128x1xf32>
    %dot_general3A_375 = arith.constant dense<0.000000e+00> : vector<128x1xf32>
    %dot_general3A_376 = tpu.matmul %max3A_143, %div3A_22, %dot_general3A_375 {dimension_numbers = #tpu.dot_dimension_numbers<[1], [0], [0], [1], [0, 0, 1, 1], [], []>, transpose_lhs_hint = false} : vector<128x32xf32>, vector<32x1xf32>, vector<128x1xf32> -> vector<128x1xf32>
    %abs3A_377 = math.absf %dot_general3A_376 : vector<128x1xf32>
    %neg3A_378 = arith.constant 0.000000e+00 : f32
    %neg3A_379 = vector.broadcast %neg3A_378 : f32 to vector<128x1xf32>
    %neg3A_380 = arith.subf %neg3A_379, %abs3A_377 : vector<128x1xf32>
    %exp3A_381 = math.exp %neg3A_380 : vector<128x1xf32>
    %ge3A_382 = arith.constant 0.000000e+00 : f32
    %ge3A_383 = vector.broadcast %ge3A_382 : f32 to vector<128x1xf32>
    %ge3A_384 = arith.cmpf oge, %dot_general3A_376, %ge3A_383 : vector<128x1xf32>
    %add3A_385 = arith.constant 1.000000e+00 : f32
    %add3A_386 = vector.broadcast %add3A_385 : f32 to vector<128x1xf32>
    %add3A_387 = arith.addf %add3A_386, %exp3A_381 : vector<128x1xf32>
    %div3A_388 = arith.constant 1.000000e+00 : f32
    %div3A_389 = vector.broadcast %div3A_388 : f32 to vector<128x1xf32>
    %div3A_390 = arith.divf %div3A_389, %add3A_387 : vector<128x1xf32>
    %add3A_391 = arith.constant 1.000000e+00 : f32
    %add3A_392 = vector.broadcast %add3A_391 : f32 to vector<128x1xf32>
    %add3A_393 = arith.addf %add3A_392, %exp3A_381 : vector<128x1xf32>
    %div3A_394 = arith.divf %exp3A_381, %add3A_393 : vector<128x1xf32>
    %select_n3A_395 = arith.select %ge3A_384, %div3A_390, %div3A_394 : vector<128x1xi1>, vector<128x1xf32>
    %dot_general3A_396 = arith.constant dense<0.000000e+00> : vector<128x1xf32>
    %dot_general3A_397 = tpu.matmul %max3A_156, %div3A_22, %dot_general3A_396 {dimension_numbers = #tpu.dot_dimension_numbers<[1], [0], [0], [1], [0, 0, 1, 1], [], []>, transpose_lhs_hint = false} : vector<128x32xf32>, vector<32x1xf32>, vector<128x1xf32> -> vector<128x1xf32>
    %abs3A_398 = math.absf %dot_general3A_397 : vector<128x1xf32>
    %neg3A_399 = arith.constant 0.000000e+00 : f32
    %neg3A_400 = vector.broadcast %neg3A_399 : f32 to vector<128x1xf32>
    %neg3A_401 = arith.subf %neg3A_400, %abs3A_398 : vector<128x1xf32>
    %exp3A_402 = math.exp %neg3A_401 : vector<128x1xf32>
    %ge3A_403 = arith.constant 0.000000e+00 : f32
    %ge3A_404 = vector.broadcast %ge3A_403 : f32 to vector<128x1xf32>
    %ge3A_405 = arith.cmpf oge, %dot_general3A_397, %ge3A_404 : vector<128x1xf32>
    %add3A_406 = arith.constant 1.000000e+00 : f32
    %add3A_407 = vector.broadcast %add3A_406 : f32 to vector<128x1xf32>
    %add3A_408 = arith.addf %add3A_407, %exp3A_402 : vector<128x1xf32>
    %div3A_409 = arith.constant 1.000000e+00 : f32
    %div3A_410 = vector.broadcast %div3A_409 : f32 to vector<128x1xf32>
    %div3A_411 = arith.divf %div3A_410, %add3A_408 : vector<128x1xf32>
    %add3A_412 = arith.constant 1.000000e+00 : f32
    %add3A_413 = vector.broadcast %add3A_412 : f32 to vector<128x1xf32>
    %add3A_414 = arith.addf %add3A_413, %exp3A_402 : vector<128x1xf32>
    %div3A_415 = arith.divf %exp3A_402, %add3A_414 : vector<128x1xf32>
    %select_n3A_416 = arith.select %ge3A_405, %div3A_411, %div3A_415 : vector<128x1xi1>, vector<128x1xf32>
    %dot_general3A_417 = arith.constant dense<0.000000e+00> : vector<128x1xf32>
    %dot_general3A_418 = tpu.matmul %max3A_169, %div3A_22, %dot_general3A_417 {dimension_numbers = #tpu.dot_dimension_numbers<[1], [0], [0], [1], [0, 0, 1, 1], [], []>, transpose_lhs_hint = false} : vector<128x32xf32>, vector<32x1xf32>, vector<128x1xf32> -> vector<128x1xf32>
    %abs3A_419 = math.absf %dot_general3A_418 : vector<128x1xf32>
    %neg3A_420 = arith.constant 0.000000e+00 : f32
    %neg3A_421 = vector.broadcast %neg3A_420 : f32 to vector<128x1xf32>
    %neg3A_422 = arith.subf %neg3A_421, %abs3A_419 : vector<128x1xf32>
    %exp3A_423 = math.exp %neg3A_422 : vector<128x1xf32>
    %ge3A_424 = arith.constant 0.000000e+00 : f32
    %ge3A_425 = vector.broadcast %ge3A_424 : f32 to vector<128x1xf32>
    %ge3A_426 = arith.cmpf oge, %dot_general3A_418, %ge3A_425 : vector<128x1xf32>
    %add3A_427 = arith.constant 1.000000e+00 : f32
    %add3A_428 = vector.broadcast %add3A_427 : f32 to vector<128x1xf32>
    %add3A_429 = arith.addf %add3A_428, %exp3A_423 : vector<128x1xf32>
    %div3A_430 = arith.constant 1.000000e+00 : f32
    %div3A_431 = vector.broadcast %div3A_430 : f32 to vector<128x1xf32>
    %div3A_432 = arith.divf %div3A_431, %add3A_429 : vector<128x1xf32>
    %add3A_433 = arith.constant 1.000000e+00 : f32
    %add3A_434 = vector.broadcast %add3A_433 : f32 to vector<128x1xf32>
    %add3A_435 = arith.addf %add3A_434, %exp3A_423 : vector<128x1xf32>
    %div3A_436 = arith.divf %exp3A_423, %add3A_435 : vector<128x1xf32>
    %select_n3A_437 = arith.select %ge3A_426, %div3A_432, %div3A_436 : vector<128x1xi1>, vector<128x1xf32>
    %dot_general3A_438 = arith.constant dense<0.000000e+00> : vector<128x1xf32>
    %dot_general3A_439 = tpu.matmul %max3A_182, %div3A_22, %dot_general3A_438 {dimension_numbers = #tpu.dot_dimension_numbers<[1], [0], [0], [1], [0, 0, 1, 1], [], []>, transpose_lhs_hint = false} : vector<128x32xf32>, vector<32x1xf32>, vector<128x1xf32> -> vector<128x1xf32>
    %abs3A_440 = math.absf %dot_general3A_439 : vector<128x1xf32>
    %neg3A_441 = arith.constant 0.000000e+00 : f32
    %neg3A_442 = vector.broadcast %neg3A_441 : f32 to vector<128x1xf32>
    %neg3A_443 = arith.subf %neg3A_442, %abs3A_440 : vector<128x1xf32>
    %exp3A_444 = math.exp %neg3A_443 : vector<128x1xf32>
    %ge3A_445 = arith.constant 0.000000e+00 : f32
    %ge3A_446 = vector.broadcast %ge3A_445 : f32 to vector<128x1xf32>
    %ge3A_447 = arith.cmpf oge, %dot_general3A_439, %ge3A_446 : vector<128x1xf32>
    %add3A_448 = arith.constant 1.000000e+00 : f32
    %add3A_449 = vector.broadcast %add3A_448 : f32 to vector<128x1xf32>
    %add3A_450 = arith.addf %add3A_449, %exp3A_444 : vector<128x1xf32>
    %div3A_451 = arith.constant 1.000000e+00 : f32
    %div3A_452 = vector.broadcast %div3A_451 : f32 to vector<128x1xf32>
    %div3A_453 = arith.divf %div3A_452, %add3A_450 : vector<128x1xf32>
    %add3A_454 = arith.constant 1.000000e+00 : f32
    %add3A_455 = vector.broadcast %add3A_454 : f32 to vector<128x1xf32>
    %add3A_456 = arith.addf %add3A_455, %exp3A_444 : vector<128x1xf32>
    %div3A_457 = arith.divf %exp3A_444, %add3A_456 : vector<128x1xf32>
    %select_n3A_458 = arith.select %ge3A_447, %div3A_453, %div3A_457 : vector<128x1xi1>, vector<128x1xf32>
    %dot_general3A_459 = arith.constant dense<0.000000e+00> : vector<128x1xf32>
    %dot_general3A_460 = tpu.matmul %max3A_195, %div3A_22, %dot_general3A_459 {dimension_numbers = #tpu.dot_dimension_numbers<[1], [0], [0], [1], [0, 0, 1, 1], [], []>, transpose_lhs_hint = false} : vector<128x32xf32>, vector<32x1xf32>, vector<128x1xf32> -> vector<128x1xf32>
    %abs3A_461 = math.absf %dot_general3A_460 : vector<128x1xf32>
    %neg3A_462 = arith.constant 0.000000e+00 : f32
    %neg3A_463 = vector.broadcast %neg3A_462 : f32 to vector<128x1xf32>
    %neg3A_464 = arith.subf %neg3A_463, %abs3A_461 : vector<128x1xf32>
    %exp3A_465 = math.exp %neg3A_464 : vector<128x1xf32>
    %ge3A_466 = arith.constant 0.000000e+00 : f32
    %ge3A_467 = vector.broadcast %ge3A_466 : f32 to vector<128x1xf32>
    %ge3A_468 = arith.cmpf oge, %dot_general3A_460, %ge3A_467 : vector<128x1xf32>
    %add3A_469 = arith.constant 1.000000e+00 : f32
    %add3A_470 = vector.broadcast %add3A_469 : f32 to vector<128x1xf32>
    %add3A_471 = arith.addf %add3A_470, %exp3A_465 : vector<128x1xf32>
    %div3A_472 = arith.constant 1.000000e+00 : f32
    %div3A_473 = vector.broadcast %div3A_472 : f32 to vector<128x1xf32>
    %div3A_474 = arith.divf %div3A_473, %add3A_471 : vector<128x1xf32>
    %add3A_475 = arith.constant 1.000000e+00 : f32
    %add3A_476 = vector.broadcast %add3A_475 : f32 to vector<128x1xf32>
    %add3A_477 = arith.addf %add3A_476, %exp3A_465 : vector<128x1xf32>
    %div3A_478 = arith.divf %exp3A_465, %add3A_477 : vector<128x1xf32>
    %select_n3A_479 = arith.select %ge3A_468, %div3A_474, %div3A_478 : vector<128x1xi1>, vector<128x1xf32>
    %dot_general3A_480 = arith.constant dense<0.000000e+00> : vector<128x1xf32>
    %dot_general3A_481 = tpu.matmul %max3A_208, %div3A_22, %dot_general3A_480 {dimension_numbers = #tpu.dot_dimension_numbers<[1], [0], [0], [1], [0, 0, 1, 1], [], []>, transpose_lhs_hint = false} : vector<128x32xf32>, vector<32x1xf32>, vector<128x1xf32> -> vector<128x1xf32>
    %abs3A_482 = math.absf %dot_general3A_481 : vector<128x1xf32>
    %neg3A_483 = arith.constant 0.000000e+00 : f32
    %neg3A_484 = vector.broadcast %neg3A_483 : f32 to vector<128x1xf32>
    %neg3A_485 = arith.subf %neg3A_484, %abs3A_482 : vector<128x1xf32>
    %exp3A_486 = math.exp %neg3A_485 : vector<128x1xf32>
    %ge3A_487 = arith.constant 0.000000e+00 : f32
    %ge3A_488 = vector.broadcast %ge3A_487 : f32 to vector<128x1xf32>
    %ge3A_489 = arith.cmpf oge, %dot_general3A_481, %ge3A_488 : vector<128x1xf32>
    %add3A_490 = arith.constant 1.000000e+00 : f32
    %add3A_491 = vector.broadcast %add3A_490 : f32 to vector<128x1xf32>
    %add3A_492 = arith.addf %add3A_491, %exp3A_486 : vector<128x1xf32>
    %div3A_493 = arith.constant 1.000000e+00 : f32
    %div3A_494 = vector.broadcast %div3A_493 : f32 to vector<128x1xf32>
    %div3A_495 = arith.divf %div3A_494, %add3A_492 : vector<128x1xf32>
    %add3A_496 = arith.constant 1.000000e+00 : f32
    %add3A_497 = vector.broadcast %add3A_496 : f32 to vector<128x1xf32>
    %add3A_498 = arith.addf %add3A_497, %exp3A_486 : vector<128x1xf32>
    %div3A_499 = arith.divf %exp3A_486, %add3A_498 : vector<128x1xf32>
    %select_n3A_500 = arith.select %ge3A_489, %div3A_495, %div3A_499 : vector<128x1xi1>, vector<128x1xf32>
    %dot_general3A_501 = arith.constant dense<0.000000e+00> : vector<128x1xf32>
    %dot_general3A_502 = tpu.matmul %max3A_221, %div3A_22, %dot_general3A_501 {dimension_numbers = #tpu.dot_dimension_numbers<[1], [0], [0], [1], [0, 0, 1, 1], [], []>, transpose_lhs_hint = false} : vector<128x32xf32>, vector<32x1xf32>, vector<128x1xf32> -> vector<128x1xf32>
    %abs3A_503 = math.absf %dot_general3A_502 : vector<128x1xf32>
    %neg3A_504 = arith.constant 0.000000e+00 : f32
    %neg3A_505 = vector.broadcast %neg3A_504 : f32 to vector<128x1xf32>
    %neg3A_506 = arith.subf %neg3A_505, %abs3A_503 : vector<128x1xf32>
    %exp3A_507 = math.exp %neg3A_506 : vector<128x1xf32>
    %ge3A_508 = arith.constant 0.000000e+00 : f32
    %ge3A_509 = vector.broadcast %ge3A_508 : f32 to vector<128x1xf32>
    %ge3A_510 = arith.cmpf oge, %dot_general3A_502, %ge3A_509 : vector<128x1xf32>
    %add3A_511 = arith.constant 1.000000e+00 : f32
    %add3A_512 = vector.broadcast %add3A_511 : f32 to vector<128x1xf32>
    %add3A_513 = arith.addf %add3A_512, %exp3A_507 : vector<128x1xf32>
    %div3A_514 = arith.constant 1.000000e+00 : f32
    %div3A_515 = vector.broadcast %div3A_514 : f32 to vector<128x1xf32>
    %div3A_516 = arith.divf %div3A_515, %add3A_513 : vector<128x1xf32>
    %add3A_517 = arith.constant 1.000000e+00 : f32
    %add3A_518 = vector.broadcast %add3A_517 : f32 to vector<128x1xf32>
    %add3A_519 = arith.addf %add3A_518, %exp3A_507 : vector<128x1xf32>
    %div3A_520 = arith.divf %exp3A_507, %add3A_519 : vector<128x1xf32>
    %select_n3A_521 = arith.select %ge3A_510, %div3A_516, %div3A_520 : vector<128x1xi1>, vector<128x1xf32>
    %dot_general3A_522 = arith.constant dense<0.000000e+00> : vector<128x1xf32>
    %dot_general3A_523 = tpu.matmul %max3A_234, %div3A_22, %dot_general3A_522 {dimension_numbers = #tpu.dot_dimension_numbers<[1], [0], [0], [1], [0, 0, 1, 1], [], []>, transpose_lhs_hint = false} : vector<128x32xf32>, vector<32x1xf32>, vector<128x1xf32> -> vector<128x1xf32>
    %abs3A_524 = math.absf %dot_general3A_523 : vector<128x1xf32>
    %neg3A_525 = arith.constant 0.000000e+00 : f32
    %neg3A_526 = vector.broadcast %neg3A_525 : f32 to vector<128x1xf32>
    %neg3A_527 = arith.subf %neg3A_526, %abs3A_524 : vector<128x1xf32>
    %exp3A_528 = math.exp %neg3A_527 : vector<128x1xf32>
    %ge3A_529 = arith.constant 0.000000e+00 : f32
    %ge3A_530 = vector.broadcast %ge3A_529 : f32 to vector<128x1xf32>
    %ge3A_531 = arith.cmpf oge, %dot_general3A_523, %ge3A_530 : vector<128x1xf32>
    %add3A_532 = arith.constant 1.000000e+00 : f32
    %add3A_533 = vector.broadcast %add3A_532 : f32 to vector<128x1xf32>
    %add3A_534 = arith.addf %add3A_533, %exp3A_528 : vector<128x1xf32>
    %div3A_535 = arith.constant 1.000000e+00 : f32
    %div3A_536 = vector.broadcast %div3A_535 : f32 to vector<128x1xf32>
    %div3A_537 = arith.divf %div3A_536, %add3A_534 : vector<128x1xf32>
    %add3A_538 = arith.constant 1.000000e+00 : f32
    %add3A_539 = vector.broadcast %add3A_538 : f32 to vector<128x1xf32>
    %add3A_540 = arith.addf %add3A_539, %exp3A_528 : vector<128x1xf32>
    %div3A_541 = arith.divf %exp3A_528, %add3A_540 : vector<128x1xf32>
    %select_n3A_542 = arith.select %ge3A_531, %div3A_537, %div3A_541 : vector<128x1xi1>, vector<128x1xf32>
    %dot_general3A_543 = arith.constant dense<0.000000e+00> : vector<128x1xf32>
    %dot_general3A_544 = tpu.matmul %max3A_247, %div3A_22, %dot_general3A_543 {dimension_numbers = #tpu.dot_dimension_numbers<[1], [0], [0], [1], [0, 0, 1, 1], [], []>, transpose_lhs_hint = false} : vector<128x32xf32>, vector<32x1xf32>, vector<128x1xf32> -> vector<128x1xf32>
    %abs3A_545 = math.absf %dot_general3A_544 : vector<128x1xf32>
    %neg3A_546 = arith.constant 0.000000e+00 : f32
    %neg3A_547 = vector.broadcast %neg3A_546 : f32 to vector<128x1xf32>
    %neg3A_548 = arith.subf %neg3A_547, %abs3A_545 : vector<128x1xf32>
    %exp3A_549 = math.exp %neg3A_548 : vector<128x1xf32>
    %ge3A_550 = arith.constant 0.000000e+00 : f32
    %ge3A_551 = vector.broadcast %ge3A_550 : f32 to vector<128x1xf32>
    %ge3A_552 = arith.cmpf oge, %dot_general3A_544, %ge3A_551 : vector<128x1xf32>
    %add3A_553 = arith.constant 1.000000e+00 : f32
    %add3A_554 = vector.broadcast %add3A_553 : f32 to vector<128x1xf32>
    %add3A_555 = arith.addf %add3A_554, %exp3A_549 : vector<128x1xf32>
    %div3A_556 = arith.constant 1.000000e+00 : f32
    %div3A_557 = vector.broadcast %div3A_556 : f32 to vector<128x1xf32>
    %div3A_558 = arith.divf %div3A_557, %add3A_555 : vector<128x1xf32>
    %add3A_559 = arith.constant 1.000000e+00 : f32
    %add3A_560 = vector.broadcast %add3A_559 : f32 to vector<128x1xf32>
    %add3A_561 = arith.addf %add3A_560, %exp3A_549 : vector<128x1xf32>
    %div3A_562 = arith.divf %exp3A_549, %add3A_561 : vector<128x1xf32>
    %select_n3A_563 = arith.select %ge3A_552, %div3A_558, %div3A_562 : vector<128x1xi1>, vector<128x1xf32>
    %dot_general3A_564 = arith.constant dense<0.000000e+00> : vector<128x1xf32>
    %dot_general3A_565 = tpu.matmul %max3A_260, %div3A_22, %dot_general3A_564 {dimension_numbers = #tpu.dot_dimension_numbers<[1], [0], [0], [1], [0, 0, 1, 1], [], []>, transpose_lhs_hint = false} : vector<128x32xf32>, vector<32x1xf32>, vector<128x1xf32> -> vector<128x1xf32>
    %abs3A_566 = math.absf %dot_general3A_565 : vector<128x1xf32>
    %neg3A_567 = arith.constant 0.000000e+00 : f32
    %neg3A_568 = vector.broadcast %neg3A_567 : f32 to vector<128x1xf32>
    %neg3A_569 = arith.subf %neg3A_568, %abs3A_566 : vector<128x1xf32>
    %exp3A_570 = math.exp %neg3A_569 : vector<128x1xf32>
    %ge3A_571 = arith.constant 0.000000e+00 : f32
    %ge3A_572 = vector.broadcast %ge3A_571 : f32 to vector<128x1xf32>
    %ge3A_573 = arith.cmpf oge, %dot_general3A_565, %ge3A_572 : vector<128x1xf32>
    %add3A_574 = arith.constant 1.000000e+00 : f32
    %add3A_575 = vector.broadcast %add3A_574 : f32 to vector<128x1xf32>
    %add3A_576 = arith.addf %add3A_575, %exp3A_570 : vector<128x1xf32>
    %div3A_577 = arith.constant 1.000000e+00 : f32
    %div3A_578 = vector.broadcast %div3A_577 : f32 to vector<128x1xf32>
    %div3A_579 = arith.divf %div3A_578, %add3A_576 : vector<128x1xf32>
    %add3A_580 = arith.constant 1.000000e+00 : f32
    %add3A_581 = vector.broadcast %add3A_580 : f32 to vector<128x1xf32>
    %add3A_582 = arith.addf %add3A_581, %exp3A_570 : vector<128x1xf32>
    %div3A_583 = arith.divf %exp3A_570, %add3A_582 : vector<128x1xf32>
    %select_n3A_584 = arith.select %ge3A_573, %div3A_579, %div3A_583 : vector<128x1xi1>, vector<128x1xf32>
    %dot_general3A_585 = arith.constant dense<0.000000e+00> : vector<128x1xf32>
    %dot_general3A_586 = tpu.matmul %max3A_273, %div3A_22, %dot_general3A_585 {dimension_numbers = #tpu.dot_dimension_numbers<[1], [0], [0], [1], [0, 0, 1, 1], [], []>, transpose_lhs_hint = false} : vector<128x32xf32>, vector<32x1xf32>, vector<128x1xf32> -> vector<128x1xf32>
    %abs3A_587 = math.absf %dot_general3A_586 : vector<128x1xf32>
    %neg3A_588 = arith.constant 0.000000e+00 : f32
    %neg3A_589 = vector.broadcast %neg3A_588 : f32 to vector<128x1xf32>
    %neg3A_590 = arith.subf %neg3A_589, %abs3A_587 : vector<128x1xf32>
    %exp3A_591 = math.exp %neg3A_590 : vector<128x1xf32>
    %ge3A_592 = arith.constant 0.000000e+00 : f32
    %ge3A_593 = vector.broadcast %ge3A_592 : f32 to vector<128x1xf32>
    %ge3A_594 = arith.cmpf oge, %dot_general3A_586, %ge3A_593 : vector<128x1xf32>
    %add3A_595 = arith.constant 1.000000e+00 : f32
    %add3A_596 = vector.broadcast %add3A_595 : f32 to vector<128x1xf32>
    %add3A_597 = arith.addf %add3A_596, %exp3A_591 : vector<128x1xf32>
    %div3A_598 = arith.constant 1.000000e+00 : f32
    %div3A_599 = vector.broadcast %div3A_598 : f32 to vector<128x1xf32>
    %div3A_600 = arith.divf %div3A_599, %add3A_597 : vector<128x1xf32>
    %add3A_601 = arith.constant 1.000000e+00 : f32
    %add3A_602 = vector.broadcast %add3A_601 : f32 to vector<128x1xf32>
    %add3A_603 = arith.addf %add3A_602, %exp3A_591 : vector<128x1xf32>
    %div3A_604 = arith.divf %exp3A_591, %add3A_603 : vector<128x1xf32>
    %select_n3A_605 = arith.select %ge3A_594, %div3A_600, %div3A_604 : vector<128x1xi1>, vector<128x1xf32>
    %concatenate3A = tpu.concatenate %select_n3A_290, %select_n3A_311, %select_n3A_332, %select_n3A_353, %select_n3A_374, %select_n3A_395, %select_n3A_416, %select_n3A_437, %select_n3A_458, %select_n3A_479, %select_n3A_500, %select_n3A_521, %select_n3A_542, %select_n3A_563, %select_n3A_584, %select_n3A_605 in 1 : vector<128x1xf32>, vector<128x1xf32>, vector<128x1xf32>, vector<128x1xf32>, vector<128x1xf32>, vector<128x1xf32>, vector<128x1xf32>, vector<128x1xf32>, vector<128x1xf32>, vector<128x1xf32>, vector<128x1xf32>, vector<128x1xf32>, vector<128x1xf32>, vector<128x1xf32>, vector<128x1xf32>, vector<128x1xf32> -> vector<128x16xf32>
    %transpose3A_606 = tpu.transpose %concatenate3A, [1, 0] : vector<128x16xf32> -> vector<16x128xf32>
    %slice3A_607 = vector.extract_strided_slice %transpose3A_606 {offsets = [0, 0], sizes = [1, 128], strides = [1, 1]} : vector<16x128xf32> to vector<1x128xf32>
    %gt3A = vector.broadcast %slice3A_607 : vector<1x128xf32> to vector<128x128xf32>
    %gt3A_608 = vector.broadcast %select_n3A_290 : vector<128x1xf32> to vector<128x128xf32>
    %gt3A_609 = arith.cmpf ogt, %gt3A, %gt3A_608 : vector<128x128xf32>
    %eq3A_610 = vector.broadcast %slice3A_607 : vector<1x128xf32> to vector<128x128xf32>
    %eq3A_611 = vector.broadcast %select_n3A_290 : vector<128x1xf32> to vector<128x128xf32>
    %eq3A_612 = arith.cmpf oeq, %eq3A_610, %eq3A_611 : vector<128x128xf32>
    %and3A_613 = arith.andi %eq3A_612, %lt3A : vector<128x128xi1>
    %or3A = arith.ori %gt3A_609, %and3A_613 : vector<128x128xi1>
    %jit3A_614 = arith.constant 1.000000e+00 : f32
    %jit3A_615 = arith.constant 0.000000e+00 : f32
    %broadcast_in_dim3A_616 = vector.broadcast %jit3A_614 : f32 to vector<128x128xf32>
    %broadcast_in_dim3A_617 = vector.broadcast %jit3A_615 : f32 to vector<128x128xf32>
    %select_n3A_618 = arith.select %or3A, %broadcast_in_dim3A_616, %broadcast_in_dim3A_617 : vector<128x128xi1>, vector<128x128xf32>
    %convert_element_type3A_619 = arith.truncf %select_n3A_618 : vector<128x128xf32> to vector<128x128xbf16>
    %slice3A_620 = vector.extract_strided_slice %transpose3A_606 {offsets = [1, 0], sizes = [1, 128], strides = [1, 1]} : vector<16x128xf32> to vector<1x128xf32>
    %gt3A_621 = vector.broadcast %slice3A_620 : vector<1x128xf32> to vector<128x128xf32>
    %gt3A_622 = vector.broadcast %select_n3A_311 : vector<128x1xf32> to vector<128x128xf32>
    %gt3A_623 = arith.cmpf ogt, %gt3A_621, %gt3A_622 : vector<128x128xf32>
    %eq3A_624 = vector.broadcast %slice3A_620 : vector<1x128xf32> to vector<128x128xf32>
    %eq3A_625 = vector.broadcast %select_n3A_311 : vector<128x1xf32> to vector<128x128xf32>
    %eq3A_626 = arith.cmpf oeq, %eq3A_624, %eq3A_625 : vector<128x128xf32>
    %and3A_627 = arith.andi %eq3A_626, %lt3A : vector<128x128xi1>
    %or3A_628 = arith.ori %gt3A_623, %and3A_627 : vector<128x128xi1>
    %jit3A_629 = arith.constant 1.000000e+00 : f32
    %jit3A_630 = arith.constant 0.000000e+00 : f32
    %broadcast_in_dim3A_631 = vector.broadcast %jit3A_629 : f32 to vector<128x128xf32>
    %broadcast_in_dim3A_632 = vector.broadcast %jit3A_630 : f32 to vector<128x128xf32>
    %select_n3A_633 = arith.select %or3A_628, %broadcast_in_dim3A_631, %broadcast_in_dim3A_632 : vector<128x128xi1>, vector<128x128xf32>
    %convert_element_type3A_634 = arith.truncf %select_n3A_633 : vector<128x128xf32> to vector<128x128xbf16>
    %slice3A_635 = vector.extract_strided_slice %transpose3A_606 {offsets = [2, 0], sizes = [1, 128], strides = [1, 1]} : vector<16x128xf32> to vector<1x128xf32>
    %gt3A_636 = vector.broadcast %slice3A_635 : vector<1x128xf32> to vector<128x128xf32>
    %gt3A_637 = vector.broadcast %select_n3A_332 : vector<128x1xf32> to vector<128x128xf32>
    %gt3A_638 = arith.cmpf ogt, %gt3A_636, %gt3A_637 : vector<128x128xf32>
    %eq3A_639 = vector.broadcast %slice3A_635 : vector<1x128xf32> to vector<128x128xf32>
    %eq3A_640 = vector.broadcast %select_n3A_332 : vector<128x1xf32> to vector<128x128xf32>
    %eq3A_641 = arith.cmpf oeq, %eq3A_639, %eq3A_640 : vector<128x128xf32>
    %and3A_642 = arith.andi %eq3A_641, %lt3A : vector<128x128xi1>
    %or3A_643 = arith.ori %gt3A_638, %and3A_642 : vector<128x128xi1>
    %jit3A_644 = arith.constant 1.000000e+00 : f32
    %jit3A_645 = arith.constant 0.000000e+00 : f32
    %broadcast_in_dim3A_646 = vector.broadcast %jit3A_644 : f32 to vector<128x128xf32>
    %broadcast_in_dim3A_647 = vector.broadcast %jit3A_645 : f32 to vector<128x128xf32>
    %select_n3A_648 = arith.select %or3A_643, %broadcast_in_dim3A_646, %broadcast_in_dim3A_647 : vector<128x128xi1>, vector<128x128xf32>
    %convert_element_type3A_649 = arith.truncf %select_n3A_648 : vector<128x128xf32> to vector<128x128xbf16>
    %slice3A_650 = vector.extract_strided_slice %transpose3A_606 {offsets = [3, 0], sizes = [1, 128], strides = [1, 1]} : vector<16x128xf32> to vector<1x128xf32>
    %gt3A_651 = vector.broadcast %slice3A_650 : vector<1x128xf32> to vector<128x128xf32>
    %gt3A_652 = vector.broadcast %select_n3A_353 : vector<128x1xf32> to vector<128x128xf32>
    %gt3A_653 = arith.cmpf ogt, %gt3A_651, %gt3A_652 : vector<128x128xf32>
    %eq3A_654 = vector.broadcast %slice3A_650 : vector<1x128xf32> to vector<128x128xf32>
    %eq3A_655 = vector.broadcast %select_n3A_353 : vector<128x1xf32> to vector<128x128xf32>
    %eq3A_656 = arith.cmpf oeq, %eq3A_654, %eq3A_655 : vector<128x128xf32>
    %and3A_657 = arith.andi %eq3A_656, %lt3A : vector<128x128xi1>
    %or3A_658 = arith.ori %gt3A_653, %and3A_657 : vector<128x128xi1>
    %jit3A_659 = arith.constant 1.000000e+00 : f32
    %jit3A_660 = arith.constant 0.000000e+00 : f32
    %broadcast_in_dim3A_661 = vector.broadcast %jit3A_659 : f32 to vector<128x128xf32>
    %broadcast_in_dim3A_662 = vector.broadcast %jit3A_660 : f32 to vector<128x128xf32>
    %select_n3A_663 = arith.select %or3A_658, %broadcast_in_dim3A_661, %broadcast_in_dim3A_662 : vector<128x128xi1>, vector<128x128xf32>
    %convert_element_type3A_664 = arith.truncf %select_n3A_663 : vector<128x128xf32> to vector<128x128xbf16>
    %slice3A_665 = vector.extract_strided_slice %transpose3A_606 {offsets = [4, 0], sizes = [1, 128], strides = [1, 1]} : vector<16x128xf32> to vector<1x128xf32>
    %gt3A_666 = vector.broadcast %slice3A_665 : vector<1x128xf32> to vector<128x128xf32>
    %gt3A_667 = vector.broadcast %select_n3A_374 : vector<128x1xf32> to vector<128x128xf32>
    %gt3A_668 = arith.cmpf ogt, %gt3A_666, %gt3A_667 : vector<128x128xf32>
    %eq3A_669 = vector.broadcast %slice3A_665 : vector<1x128xf32> to vector<128x128xf32>
    %eq3A_670 = vector.broadcast %select_n3A_374 : vector<128x1xf32> to vector<128x128xf32>
    %eq3A_671 = arith.cmpf oeq, %eq3A_669, %eq3A_670 : vector<128x128xf32>
    %and3A_672 = arith.andi %eq3A_671, %lt3A : vector<128x128xi1>
    %or3A_673 = arith.ori %gt3A_668, %and3A_672 : vector<128x128xi1>
    %jit3A_674 = arith.constant 1.000000e+00 : f32
    %jit3A_675 = arith.constant 0.000000e+00 : f32
    %broadcast_in_dim3A_676 = vector.broadcast %jit3A_674 : f32 to vector<128x128xf32>
    %broadcast_in_dim3A_677 = vector.broadcast %jit3A_675 : f32 to vector<128x128xf32>
    %select_n3A_678 = arith.select %or3A_673, %broadcast_in_dim3A_676, %broadcast_in_dim3A_677 : vector<128x128xi1>, vector<128x128xf32>
    %convert_element_type3A_679 = arith.truncf %select_n3A_678 : vector<128x128xf32> to vector<128x128xbf16>
    %slice3A_680 = vector.extract_strided_slice %transpose3A_606 {offsets = [5, 0], sizes = [1, 128], strides = [1, 1]} : vector<16x128xf32> to vector<1x128xf32>
    %gt3A_681 = vector.broadcast %slice3A_680 : vector<1x128xf32> to vector<128x128xf32>
    %gt3A_682 = vector.broadcast %select_n3A_395 : vector<128x1xf32> to vector<128x128xf32>
    %gt3A_683 = arith.cmpf ogt, %gt3A_681, %gt3A_682 : vector<128x128xf32>
    %eq3A_684 = vector.broadcast %slice3A_680 : vector<1x128xf32> to vector<128x128xf32>
    %eq3A_685 = vector.broadcast %select_n3A_395 : vector<128x1xf32> to vector<128x128xf32>
    %eq3A_686 = arith.cmpf oeq, %eq3A_684, %eq3A_685 : vector<128x128xf32>
    %and3A_687 = arith.andi %eq3A_686, %lt3A : vector<128x128xi1>
    %or3A_688 = arith.ori %gt3A_683, %and3A_687 : vector<128x128xi1>
    %jit3A_689 = arith.constant 1.000000e+00 : f32
    %jit3A_690 = arith.constant 0.000000e+00 : f32
    %broadcast_in_dim3A_691 = vector.broadcast %jit3A_689 : f32 to vector<128x128xf32>
    %broadcast_in_dim3A_692 = vector.broadcast %jit3A_690 : f32 to vector<128x128xf32>
    %select_n3A_693 = arith.select %or3A_688, %broadcast_in_dim3A_691, %broadcast_in_dim3A_692 : vector<128x128xi1>, vector<128x128xf32>
    %convert_element_type3A_694 = arith.truncf %select_n3A_693 : vector<128x128xf32> to vector<128x128xbf16>
    %slice3A_695 = vector.extract_strided_slice %transpose3A_606 {offsets = [6, 0], sizes = [1, 128], strides = [1, 1]} : vector<16x128xf32> to vector<1x128xf32>
    %gt3A_696 = vector.broadcast %slice3A_695 : vector<1x128xf32> to vector<128x128xf32>
    %gt3A_697 = vector.broadcast %select_n3A_416 : vector<128x1xf32> to vector<128x128xf32>
    %gt3A_698 = arith.cmpf ogt, %gt3A_696, %gt3A_697 : vector<128x128xf32>
    %eq3A_699 = vector.broadcast %slice3A_695 : vector<1x128xf32> to vector<128x128xf32>
    %eq3A_700 = vector.broadcast %select_n3A_416 : vector<128x1xf32> to vector<128x128xf32>
    %eq3A_701 = arith.cmpf oeq, %eq3A_699, %eq3A_700 : vector<128x128xf32>
    %and3A_702 = arith.andi %eq3A_701, %lt3A : vector<128x128xi1>
    %or3A_703 = arith.ori %gt3A_698, %and3A_702 : vector<128x128xi1>
    %jit3A_704 = arith.constant 1.000000e+00 : f32
    %jit3A_705 = arith.constant 0.000000e+00 : f32
    %broadcast_in_dim3A_706 = vector.broadcast %jit3A_704 : f32 to vector<128x128xf32>
    %broadcast_in_dim3A_707 = vector.broadcast %jit3A_705 : f32 to vector<128x128xf32>
    %select_n3A_708 = arith.select %or3A_703, %broadcast_in_dim3A_706, %broadcast_in_dim3A_707 : vector<128x128xi1>, vector<128x128xf32>
    %convert_element_type3A_709 = arith.truncf %select_n3A_708 : vector<128x128xf32> to vector<128x128xbf16>
    %slice3A_710 = vector.extract_strided_slice %transpose3A_606 {offsets = [7, 0], sizes = [1, 128], strides = [1, 1]} : vector<16x128xf32> to vector<1x128xf32>
    %gt3A_711 = vector.broadcast %slice3A_710 : vector<1x128xf32> to vector<128x128xf32>
    %gt3A_712 = vector.broadcast %select_n3A_437 : vector<128x1xf32> to vector<128x128xf32>
    %gt3A_713 = arith.cmpf ogt, %gt3A_711, %gt3A_712 : vector<128x128xf32>
    %eq3A_714 = vector.broadcast %slice3A_710 : vector<1x128xf32> to vector<128x128xf32>
    %eq3A_715 = vector.broadcast %select_n3A_437 : vector<128x1xf32> to vector<128x128xf32>
    %eq3A_716 = arith.cmpf oeq, %eq3A_714, %eq3A_715 : vector<128x128xf32>
    %and3A_717 = arith.andi %eq3A_716, %lt3A : vector<128x128xi1>
    %or3A_718 = arith.ori %gt3A_713, %and3A_717 : vector<128x128xi1>
    %jit3A_719 = arith.constant 1.000000e+00 : f32
    %jit3A_720 = arith.constant 0.000000e+00 : f32
    %broadcast_in_dim3A_721 = vector.broadcast %jit3A_719 : f32 to vector<128x128xf32>
    %broadcast_in_dim3A_722 = vector.broadcast %jit3A_720 : f32 to vector<128x128xf32>
    %select_n3A_723 = arith.select %or3A_718, %broadcast_in_dim3A_721, %broadcast_in_dim3A_722 : vector<128x128xi1>, vector<128x128xf32>
    %convert_element_type3A_724 = arith.truncf %select_n3A_723 : vector<128x128xf32> to vector<128x128xbf16>
    %slice3A_725 = vector.extract_strided_slice %transpose3A_606 {offsets = [8, 0], sizes = [1, 128], strides = [1, 1]} : vector<16x128xf32> to vector<1x128xf32>
    %gt3A_726 = vector.broadcast %slice3A_725 : vector<1x128xf32> to vector<128x128xf32>
    %gt3A_727 = vector.broadcast %select_n3A_458 : vector<128x1xf32> to vector<128x128xf32>
    %gt3A_728 = arith.cmpf ogt, %gt3A_726, %gt3A_727 : vector<128x128xf32>
    %eq3A_729 = vector.broadcast %slice3A_725 : vector<1x128xf32> to vector<128x128xf32>
    %eq3A_730 = vector.broadcast %select_n3A_458 : vector<128x1xf32> to vector<128x128xf32>
    %eq3A_731 = arith.cmpf oeq, %eq3A_729, %eq3A_730 : vector<128x128xf32>
    %and3A_732 = arith.andi %eq3A_731, %lt3A : vector<128x128xi1>
    %or3A_733 = arith.ori %gt3A_728, %and3A_732 : vector<128x128xi1>
    %jit3A_734 = arith.constant 1.000000e+00 : f32
    %jit3A_735 = arith.constant 0.000000e+00 : f32
    %broadcast_in_dim3A_736 = vector.broadcast %jit3A_734 : f32 to vector<128x128xf32>
    %broadcast_in_dim3A_737 = vector.broadcast %jit3A_735 : f32 to vector<128x128xf32>
    %select_n3A_738 = arith.select %or3A_733, %broadcast_in_dim3A_736, %broadcast_in_dim3A_737 : vector<128x128xi1>, vector<128x128xf32>
    %convert_element_type3A_739 = arith.truncf %select_n3A_738 : vector<128x128xf32> to vector<128x128xbf16>
    %slice3A_740 = vector.extract_strided_slice %transpose3A_606 {offsets = [9, 0], sizes = [1, 128], strides = [1, 1]} : vector<16x128xf32> to vector<1x128xf32>
    %gt3A_741 = vector.broadcast %slice3A_740 : vector<1x128xf32> to vector<128x128xf32>
    %gt3A_742 = vector.broadcast %select_n3A_479 : vector<128x1xf32> to vector<128x128xf32>
    %gt3A_743 = arith.cmpf ogt, %gt3A_741, %gt3A_742 : vector<128x128xf32>
    %eq3A_744 = vector.broadcast %slice3A_740 : vector<1x128xf32> to vector<128x128xf32>
    %eq3A_745 = vector.broadcast %select_n3A_479 : vector<128x1xf32> to vector<128x128xf32>
    %eq3A_746 = arith.cmpf oeq, %eq3A_744, %eq3A_745 : vector<128x128xf32>
    %and3A_747 = arith.andi %eq3A_746, %lt3A : vector<128x128xi1>
    %or3A_748 = arith.ori %gt3A_743, %and3A_747 : vector<128x128xi1>
    %jit3A_749 = arith.constant 1.000000e+00 : f32
    %jit3A_750 = arith.constant 0.000000e+00 : f32
    %broadcast_in_dim3A_751 = vector.broadcast %jit3A_749 : f32 to vector<128x128xf32>
    %broadcast_in_dim3A_752 = vector.broadcast %jit3A_750 : f32 to vector<128x128xf32>
    %select_n3A_753 = arith.select %or3A_748, %broadcast_in_dim3A_751, %broadcast_in_dim3A_752 : vector<128x128xi1>, vector<128x128xf32>
    %convert_element_type3A_754 = arith.truncf %select_n3A_753 : vector<128x128xf32> to vector<128x128xbf16>
    %slice3A_755 = vector.extract_strided_slice %transpose3A_606 {offsets = [10, 0], sizes = [1, 128], strides = [1, 1]} : vector<16x128xf32> to vector<1x128xf32>
    %gt3A_756 = vector.broadcast %slice3A_755 : vector<1x128xf32> to vector<128x128xf32>
    %gt3A_757 = vector.broadcast %select_n3A_500 : vector<128x1xf32> to vector<128x128xf32>
    %gt3A_758 = arith.cmpf ogt, %gt3A_756, %gt3A_757 : vector<128x128xf32>
    %eq3A_759 = vector.broadcast %slice3A_755 : vector<1x128xf32> to vector<128x128xf32>
    %eq3A_760 = vector.broadcast %select_n3A_500 : vector<128x1xf32> to vector<128x128xf32>
    %eq3A_761 = arith.cmpf oeq, %eq3A_759, %eq3A_760 : vector<128x128xf32>
    %and3A_762 = arith.andi %eq3A_761, %lt3A : vector<128x128xi1>
    %or3A_763 = arith.ori %gt3A_758, %and3A_762 : vector<128x128xi1>
    %jit3A_764 = arith.constant 1.000000e+00 : f32
    %jit3A_765 = arith.constant 0.000000e+00 : f32
    %broadcast_in_dim3A_766 = vector.broadcast %jit3A_764 : f32 to vector<128x128xf32>
    %broadcast_in_dim3A_767 = vector.broadcast %jit3A_765 : f32 to vector<128x128xf32>
    %select_n3A_768 = arith.select %or3A_763, %broadcast_in_dim3A_766, %broadcast_in_dim3A_767 : vector<128x128xi1>, vector<128x128xf32>
    %convert_element_type3A_769 = arith.truncf %select_n3A_768 : vector<128x128xf32> to vector<128x128xbf16>
    %slice3A_770 = vector.extract_strided_slice %transpose3A_606 {offsets = [11, 0], sizes = [1, 128], strides = [1, 1]} : vector<16x128xf32> to vector<1x128xf32>
    %gt3A_771 = vector.broadcast %slice3A_770 : vector<1x128xf32> to vector<128x128xf32>
    %gt3A_772 = vector.broadcast %select_n3A_521 : vector<128x1xf32> to vector<128x128xf32>
    %gt3A_773 = arith.cmpf ogt, %gt3A_771, %gt3A_772 : vector<128x128xf32>
    %eq3A_774 = vector.broadcast %slice3A_770 : vector<1x128xf32> to vector<128x128xf32>
    %eq3A_775 = vector.broadcast %select_n3A_521 : vector<128x1xf32> to vector<128x128xf32>
    %eq3A_776 = arith.cmpf oeq, %eq3A_774, %eq3A_775 : vector<128x128xf32>
    %and3A_777 = arith.andi %eq3A_776, %lt3A : vector<128x128xi1>
    %or3A_778 = arith.ori %gt3A_773, %and3A_777 : vector<128x128xi1>
    %jit3A_779 = arith.constant 1.000000e+00 : f32
    %jit3A_780 = arith.constant 0.000000e+00 : f32
    %broadcast_in_dim3A_781 = vector.broadcast %jit3A_779 : f32 to vector<128x128xf32>
    %broadcast_in_dim3A_782 = vector.broadcast %jit3A_780 : f32 to vector<128x128xf32>
    %select_n3A_783 = arith.select %or3A_778, %broadcast_in_dim3A_781, %broadcast_in_dim3A_782 : vector<128x128xi1>, vector<128x128xf32>
    %convert_element_type3A_784 = arith.truncf %select_n3A_783 : vector<128x128xf32> to vector<128x128xbf16>
    %slice3A_785 = vector.extract_strided_slice %transpose3A_606 {offsets = [12, 0], sizes = [1, 128], strides = [1, 1]} : vector<16x128xf32> to vector<1x128xf32>
    %gt3A_786 = vector.broadcast %slice3A_785 : vector<1x128xf32> to vector<128x128xf32>
    %gt3A_787 = vector.broadcast %select_n3A_542 : vector<128x1xf32> to vector<128x128xf32>
    %gt3A_788 = arith.cmpf ogt, %gt3A_786, %gt3A_787 : vector<128x128xf32>
    %eq3A_789 = vector.broadcast %slice3A_785 : vector<1x128xf32> to vector<128x128xf32>
    %eq3A_790 = vector.broadcast %select_n3A_542 : vector<128x1xf32> to vector<128x128xf32>
    %eq3A_791 = arith.cmpf oeq, %eq3A_789, %eq3A_790 : vector<128x128xf32>
    %and3A_792 = arith.andi %eq3A_791, %lt3A : vector<128x128xi1>
    %or3A_793 = arith.ori %gt3A_788, %and3A_792 : vector<128x128xi1>
    %jit3A_794 = arith.constant 1.000000e+00 : f32
    %jit3A_795 = arith.constant 0.000000e+00 : f32
    %broadcast_in_dim3A_796 = vector.broadcast %jit3A_794 : f32 to vector<128x128xf32>
    %broadcast_in_dim3A_797 = vector.broadcast %jit3A_795 : f32 to vector<128x128xf32>
    %select_n3A_798 = arith.select %or3A_793, %broadcast_in_dim3A_796, %broadcast_in_dim3A_797 : vector<128x128xi1>, vector<128x128xf32>
    %convert_element_type3A_799 = arith.truncf %select_n3A_798 : vector<128x128xf32> to vector<128x128xbf16>
    %slice3A_800 = vector.extract_strided_slice %transpose3A_606 {offsets = [13, 0], sizes = [1, 128], strides = [1, 1]} : vector<16x128xf32> to vector<1x128xf32>
    %gt3A_801 = vector.broadcast %slice3A_800 : vector<1x128xf32> to vector<128x128xf32>
    %gt3A_802 = vector.broadcast %select_n3A_563 : vector<128x1xf32> to vector<128x128xf32>
    %gt3A_803 = arith.cmpf ogt, %gt3A_801, %gt3A_802 : vector<128x128xf32>
    %eq3A_804 = vector.broadcast %slice3A_800 : vector<1x128xf32> to vector<128x128xf32>
    %eq3A_805 = vector.broadcast %select_n3A_563 : vector<128x1xf32> to vector<128x128xf32>
    %eq3A_806 = arith.cmpf oeq, %eq3A_804, %eq3A_805 : vector<128x128xf32>
    %and3A_807 = arith.andi %eq3A_806, %lt3A : vector<128x128xi1>
    %or3A_808 = arith.ori %gt3A_803, %and3A_807 : vector<128x128xi1>
    %jit3A_809 = arith.constant 1.000000e+00 : f32
    %jit3A_810 = arith.constant 0.000000e+00 : f32
    %broadcast_in_dim3A_811 = vector.broadcast %jit3A_809 : f32 to vector<128x128xf32>
    %broadcast_in_dim3A_812 = vector.broadcast %jit3A_810 : f32 to vector<128x128xf32>
    %select_n3A_813 = arith.select %or3A_808, %broadcast_in_dim3A_811, %broadcast_in_dim3A_812 : vector<128x128xi1>, vector<128x128xf32>
    %convert_element_type3A_814 = arith.truncf %select_n3A_813 : vector<128x128xf32> to vector<128x128xbf16>
    %slice3A_815 = vector.extract_strided_slice %transpose3A_606 {offsets = [14, 0], sizes = [1, 128], strides = [1, 1]} : vector<16x128xf32> to vector<1x128xf32>
    %gt3A_816 = vector.broadcast %slice3A_815 : vector<1x128xf32> to vector<128x128xf32>
    %gt3A_817 = vector.broadcast %select_n3A_584 : vector<128x1xf32> to vector<128x128xf32>
    %gt3A_818 = arith.cmpf ogt, %gt3A_816, %gt3A_817 : vector<128x128xf32>
    %eq3A_819 = vector.broadcast %slice3A_815 : vector<1x128xf32> to vector<128x128xf32>
    %eq3A_820 = vector.broadcast %select_n3A_584 : vector<128x1xf32> to vector<128x128xf32>
    %eq3A_821 = arith.cmpf oeq, %eq3A_819, %eq3A_820 : vector<128x128xf32>
    %and3A_822 = arith.andi %eq3A_821, %lt3A : vector<128x128xi1>
    %or3A_823 = arith.ori %gt3A_818, %and3A_822 : vector<128x128xi1>
    %jit3A_824 = arith.constant 1.000000e+00 : f32
    %jit3A_825 = arith.constant 0.000000e+00 : f32
    %broadcast_in_dim3A_826 = vector.broadcast %jit3A_824 : f32 to vector<128x128xf32>
    %broadcast_in_dim3A_827 = vector.broadcast %jit3A_825 : f32 to vector<128x128xf32>
    %select_n3A_828 = arith.select %or3A_823, %broadcast_in_dim3A_826, %broadcast_in_dim3A_827 : vector<128x128xi1>, vector<128x128xf32>
    %convert_element_type3A_829 = arith.truncf %select_n3A_828 : vector<128x128xf32> to vector<128x128xbf16>
    %slice3A_830 = vector.extract_strided_slice %transpose3A_606 {offsets = [15, 0], sizes = [1, 128], strides = [1, 1]} : vector<16x128xf32> to vector<1x128xf32>
    %gt3A_831 = vector.broadcast %slice3A_830 : vector<1x128xf32> to vector<128x128xf32>
    %gt3A_832 = vector.broadcast %select_n3A_605 : vector<128x1xf32> to vector<128x128xf32>
    %gt3A_833 = arith.cmpf ogt, %gt3A_831, %gt3A_832 : vector<128x128xf32>
    %eq3A_834 = vector.broadcast %slice3A_830 : vector<1x128xf32> to vector<128x128xf32>
    %eq3A_835 = vector.broadcast %select_n3A_605 : vector<128x1xf32> to vector<128x128xf32>
    %eq3A_836 = arith.cmpf oeq, %eq3A_834, %eq3A_835 : vector<128x128xf32>
    %and3A_837 = arith.andi %eq3A_836, %lt3A : vector<128x128xi1>
    %or3A_838 = arith.ori %gt3A_833, %and3A_837 : vector<128x128xi1>
    %jit3A_839 = arith.constant 1.000000e+00 : f32
    %jit3A_840 = arith.constant 0.000000e+00 : f32
    %broadcast_in_dim3A_841 = vector.broadcast %jit3A_839 : f32 to vector<128x128xf32>
    %broadcast_in_dim3A_842 = vector.broadcast %jit3A_840 : f32 to vector<128x128xf32>
    %select_n3A_843 = arith.select %or3A_838, %broadcast_in_dim3A_841, %broadcast_in_dim3A_842 : vector<128x128xi1>, vector<128x128xf32>
    %convert_element_type3A_844 = arith.truncf %select_n3A_843 : vector<128x128xf32> to vector<128x128xbf16>
    %dot_general3A_845 = arith.constant dense<0.000000e+00> : vector<128x1xf32>
    %dot_general3A_846 = tpu.matmul %convert_element_type3A_619, %broadcast_in_dim3A_36, %dot_general3A_845 {dimension_numbers = #tpu.dot_dimension_numbers<[1], [0], [0], [1], [0, 0, 1, 1], [], []>, transpose_lhs_hint = false} : vector<128x128xbf16>, vector<128x1xbf16>, vector<128x1xf32> -> vector<128x1xf32>
    %dot_general3A_847 = arith.constant dense<0.000000e+00> : vector<128x1xf32>
    %dot_general3A_848 = tpu.matmul %convert_element_type3A_634, %broadcast_in_dim3A_36, %dot_general3A_847 {dimension_numbers = #tpu.dot_dimension_numbers<[1], [0], [0], [1], [0, 0, 1, 1], [], []>, transpose_lhs_hint = false} : vector<128x128xbf16>, vector<128x1xbf16>, vector<128x1xf32> -> vector<128x1xf32>
    %dot_general3A_849 = arith.constant dense<0.000000e+00> : vector<128x1xf32>
    %dot_general3A_850 = tpu.matmul %convert_element_type3A_649, %broadcast_in_dim3A_36, %dot_general3A_849 {dimension_numbers = #tpu.dot_dimension_numbers<[1], [0], [0], [1], [0, 0, 1, 1], [], []>, transpose_lhs_hint = false} : vector<128x128xbf16>, vector<128x1xbf16>, vector<128x1xf32> -> vector<128x1xf32>
    %dot_general3A_851 = arith.constant dense<0.000000e+00> : vector<128x1xf32>
    %dot_general3A_852 = tpu.matmul %convert_element_type3A_664, %broadcast_in_dim3A_36, %dot_general3A_851 {dimension_numbers = #tpu.dot_dimension_numbers<[1], [0], [0], [1], [0, 0, 1, 1], [], []>, transpose_lhs_hint = false} : vector<128x128xbf16>, vector<128x1xbf16>, vector<128x1xf32> -> vector<128x1xf32>
    %dot_general3A_853 = arith.constant dense<0.000000e+00> : vector<128x1xf32>
    %dot_general3A_854 = tpu.matmul %convert_element_type3A_679, %broadcast_in_dim3A_36, %dot_general3A_853 {dimension_numbers = #tpu.dot_dimension_numbers<[1], [0], [0], [1], [0, 0, 1, 1], [], []>, transpose_lhs_hint = false} : vector<128x128xbf16>, vector<128x1xbf16>, vector<128x1xf32> -> vector<128x1xf32>
    %dot_general3A_855 = arith.constant dense<0.000000e+00> : vector<128x1xf32>
    %dot_general3A_856 = tpu.matmul %convert_element_type3A_694, %broadcast_in_dim3A_36, %dot_general3A_855 {dimension_numbers = #tpu.dot_dimension_numbers<[1], [0], [0], [1], [0, 0, 1, 1], [], []>, transpose_lhs_hint = false} : vector<128x128xbf16>, vector<128x1xbf16>, vector<128x1xf32> -> vector<128x1xf32>
    %dot_general3A_857 = arith.constant dense<0.000000e+00> : vector<128x1xf32>
    %dot_general3A_858 = tpu.matmul %convert_element_type3A_709, %broadcast_in_dim3A_36, %dot_general3A_857 {dimension_numbers = #tpu.dot_dimension_numbers<[1], [0], [0], [1], [0, 0, 1, 1], [], []>, transpose_lhs_hint = false} : vector<128x128xbf16>, vector<128x1xbf16>, vector<128x1xf32> -> vector<128x1xf32>
    %dot_general3A_859 = arith.constant dense<0.000000e+00> : vector<128x1xf32>
    %dot_general3A_860 = tpu.matmul %convert_element_type3A_724, %broadcast_in_dim3A_36, %dot_general3A_859 {dimension_numbers = #tpu.dot_dimension_numbers<[1], [0], [0], [1], [0, 0, 1, 1], [], []>, transpose_lhs_hint = false} : vector<128x128xbf16>, vector<128x1xbf16>, vector<128x1xf32> -> vector<128x1xf32>
    %dot_general3A_861 = arith.constant dense<0.000000e+00> : vector<128x1xf32>
    %dot_general3A_862 = tpu.matmul %convert_element_type3A_739, %broadcast_in_dim3A_36, %dot_general3A_861 {dimension_numbers = #tpu.dot_dimension_numbers<[1], [0], [0], [1], [0, 0, 1, 1], [], []>, transpose_lhs_hint = false} : vector<128x128xbf16>, vector<128x1xbf16>, vector<128x1xf32> -> vector<128x1xf32>
    %dot_general3A_863 = arith.constant dense<0.000000e+00> : vector<128x1xf32>
    %dot_general3A_864 = tpu.matmul %convert_element_type3A_754, %broadcast_in_dim3A_36, %dot_general3A_863 {dimension_numbers = #tpu.dot_dimension_numbers<[1], [0], [0], [1], [0, 0, 1, 1], [], []>, transpose_lhs_hint = false} : vector<128x128xbf16>, vector<128x1xbf16>, vector<128x1xf32> -> vector<128x1xf32>
    %dot_general3A_865 = arith.constant dense<0.000000e+00> : vector<128x1xf32>
    %dot_general3A_866 = tpu.matmul %convert_element_type3A_769, %broadcast_in_dim3A_36, %dot_general3A_865 {dimension_numbers = #tpu.dot_dimension_numbers<[1], [0], [0], [1], [0, 0, 1, 1], [], []>, transpose_lhs_hint = false} : vector<128x128xbf16>, vector<128x1xbf16>, vector<128x1xf32> -> vector<128x1xf32>
    %dot_general3A_867 = arith.constant dense<0.000000e+00> : vector<128x1xf32>
    %dot_general3A_868 = tpu.matmul %convert_element_type3A_784, %broadcast_in_dim3A_36, %dot_general3A_867 {dimension_numbers = #tpu.dot_dimension_numbers<[1], [0], [0], [1], [0, 0, 1, 1], [], []>, transpose_lhs_hint = false} : vector<128x128xbf16>, vector<128x1xbf16>, vector<128x1xf32> -> vector<128x1xf32>
    %dot_general3A_869 = arith.constant dense<0.000000e+00> : vector<128x1xf32>
    %dot_general3A_870 = tpu.matmul %convert_element_type3A_799, %broadcast_in_dim3A_36, %dot_general3A_869 {dimension_numbers = #tpu.dot_dimension_numbers<[1], [0], [0], [1], [0, 0, 1, 1], [], []>, transpose_lhs_hint = false} : vector<128x128xbf16>, vector<128x1xbf16>, vector<128x1xf32> -> vector<128x1xf32>
    %dot_general3A_871 = arith.constant dense<0.000000e+00> : vector<128x1xf32>
    %dot_general3A_872 = tpu.matmul %convert_element_type3A_814, %broadcast_in_dim3A_36, %dot_general3A_871 {dimension_numbers = #tpu.dot_dimension_numbers<[1], [0], [0], [1], [0, 0, 1, 1], [], []>, transpose_lhs_hint = false} : vector<128x128xbf16>, vector<128x1xbf16>, vector<128x1xf32> -> vector<128x1xf32>
    %dot_general3A_873 = arith.constant dense<0.000000e+00> : vector<128x1xf32>
    %dot_general3A_874 = tpu.matmul %convert_element_type3A_829, %broadcast_in_dim3A_36, %dot_general3A_873 {dimension_numbers = #tpu.dot_dimension_numbers<[1], [0], [0], [1], [0, 0, 1, 1], [], []>, transpose_lhs_hint = false} : vector<128x128xbf16>, vector<128x1xbf16>, vector<128x1xf32> -> vector<128x1xf32>
    %dot_general3A_875 = arith.constant dense<0.000000e+00> : vector<128x1xf32>
    %dot_general3A_876 = tpu.matmul %convert_element_type3A_844, %broadcast_in_dim3A_36, %dot_general3A_875 {dimension_numbers = #tpu.dot_dimension_numbers<[1], [0], [0], [1], [0, 0, 1, 1], [], []>, transpose_lhs_hint = false} : vector<128x128xbf16>, vector<128x1xbf16>, vector<128x1xf32> -> vector<128x1xf32>
    %concatenate3A_877 = tpu.concatenate %dot_general3A_846, %dot_general3A_848, %dot_general3A_850, %dot_general3A_852, %dot_general3A_854, %dot_general3A_856, %dot_general3A_858, %dot_general3A_860, %dot_general3A_862, %dot_general3A_864, %dot_general3A_866, %dot_general3A_868, %dot_general3A_870, %dot_general3A_872, %dot_general3A_874, %dot_general3A_876 in 1 : vector<128x1xf32>, vector<128x1xf32>, vector<128x1xf32>, vector<128x1xf32>, vector<128x1xf32>, vector<128x1xf32>, vector<128x1xf32>, vector<128x1xf32>, vector<128x1xf32>, vector<128x1xf32>, vector<128x1xf32>, vector<128x1xf32>, vector<128x1xf32>, vector<128x1xf32>, vector<128x1xf32>, vector<128x1xf32> -> vector<128x16xf32>
    %transpose3A_878 = tpu.transpose %concatenate3A_877, [1, 0] : vector<128x16xf32> -> vector<16x128xf32>
    %slice3A_879 = vector.extract_strided_slice %transpose3A_878 {offsets = [0, 0], sizes = [1, 128], strides = [1, 1]} : vector<16x128xf32> to vector<1x128xf32>
    %eq3A_880 = vector.broadcast %convert_element_type3A_30 : vector<64x1xf32> to vector<64x128xf32>
    %eq3A_881 = vector.broadcast %slice3A_879 : vector<1x128xf32> to vector<64x128xf32>
    %eq3A_882 = arith.cmpf oeq, %eq3A_880, %eq3A_881 : vector<64x128xf32>
    %jit3A_883 = arith.constant 1.000000e+00 : f32
    %jit3A_884 = arith.constant 0.000000e+00 : f32
    %broadcast_in_dim3A_885 = vector.broadcast %jit3A_883 : f32 to vector<64x128xf32>
    %broadcast_in_dim3A_886 = vector.broadcast %jit3A_884 : f32 to vector<64x128xf32>
    %select_n3A_887 = arith.select %eq3A_882, %broadcast_in_dim3A_885, %broadcast_in_dim3A_886 : vector<64x128xi1>, vector<64x128xf32>
    %slice3A_888 = vector.extract_strided_slice %transpose3A_878 {offsets = [1, 0], sizes = [1, 128], strides = [1, 1]} : vector<16x128xf32> to vector<1x128xf32>
    %eq3A_889 = vector.broadcast %convert_element_type3A_30 : vector<64x1xf32> to vector<64x128xf32>
    %eq3A_890 = vector.broadcast %slice3A_888 : vector<1x128xf32> to vector<64x128xf32>
    %eq3A_891 = arith.cmpf oeq, %eq3A_889, %eq3A_890 : vector<64x128xf32>
    %jit3A_892 = arith.constant 1.000000e+00 : f32
    %jit3A_893 = arith.constant 0.000000e+00 : f32
    %broadcast_in_dim3A_894 = vector.broadcast %jit3A_892 : f32 to vector<64x128xf32>
    %broadcast_in_dim3A_895 = vector.broadcast %jit3A_893 : f32 to vector<64x128xf32>
    %select_n3A_896 = arith.select %eq3A_891, %broadcast_in_dim3A_894, %broadcast_in_dim3A_895 : vector<64x128xi1>, vector<64x128xf32>
    %slice3A_897 = vector.extract_strided_slice %transpose3A_878 {offsets = [2, 0], sizes = [1, 128], strides = [1, 1]} : vector<16x128xf32> to vector<1x128xf32>
    %eq3A_898 = vector.broadcast %convert_element_type3A_30 : vector<64x1xf32> to vector<64x128xf32>
    %eq3A_899 = vector.broadcast %slice3A_897 : vector<1x128xf32> to vector<64x128xf32>
    %eq3A_900 = arith.cmpf oeq, %eq3A_898, %eq3A_899 : vector<64x128xf32>
    %jit3A_901 = arith.constant 1.000000e+00 : f32
    %jit3A_902 = arith.constant 0.000000e+00 : f32
    %broadcast_in_dim3A_903 = vector.broadcast %jit3A_901 : f32 to vector<64x128xf32>
    %broadcast_in_dim3A_904 = vector.broadcast %jit3A_902 : f32 to vector<64x128xf32>
    %select_n3A_905 = arith.select %eq3A_900, %broadcast_in_dim3A_903, %broadcast_in_dim3A_904 : vector<64x128xi1>, vector<64x128xf32>
    %slice3A_906 = vector.extract_strided_slice %transpose3A_878 {offsets = [3, 0], sizes = [1, 128], strides = [1, 1]} : vector<16x128xf32> to vector<1x128xf32>
    %eq3A_907 = vector.broadcast %convert_element_type3A_30 : vector<64x1xf32> to vector<64x128xf32>
    %eq3A_908 = vector.broadcast %slice3A_906 : vector<1x128xf32> to vector<64x128xf32>
    %eq3A_909 = arith.cmpf oeq, %eq3A_907, %eq3A_908 : vector<64x128xf32>
    %jit3A_910 = arith.constant 1.000000e+00 : f32
    %jit3A_911 = arith.constant 0.000000e+00 : f32
    %broadcast_in_dim3A_912 = vector.broadcast %jit3A_910 : f32 to vector<64x128xf32>
    %broadcast_in_dim3A_913 = vector.broadcast %jit3A_911 : f32 to vector<64x128xf32>
    %select_n3A_914 = arith.select %eq3A_909, %broadcast_in_dim3A_912, %broadcast_in_dim3A_913 : vector<64x128xi1>, vector<64x128xf32>
    %slice3A_915 = vector.extract_strided_slice %transpose3A_878 {offsets = [4, 0], sizes = [1, 128], strides = [1, 1]} : vector<16x128xf32> to vector<1x128xf32>
    %eq3A_916 = vector.broadcast %convert_element_type3A_30 : vector<64x1xf32> to vector<64x128xf32>
    %eq3A_917 = vector.broadcast %slice3A_915 : vector<1x128xf32> to vector<64x128xf32>
    %eq3A_918 = arith.cmpf oeq, %eq3A_916, %eq3A_917 : vector<64x128xf32>
    %jit3A_919 = arith.constant 1.000000e+00 : f32
    %jit3A_920 = arith.constant 0.000000e+00 : f32
    %broadcast_in_dim3A_921 = vector.broadcast %jit3A_919 : f32 to vector<64x128xf32>
    %broadcast_in_dim3A_922 = vector.broadcast %jit3A_920 : f32 to vector<64x128xf32>
    %select_n3A_923 = arith.select %eq3A_918, %broadcast_in_dim3A_921, %broadcast_in_dim3A_922 : vector<64x128xi1>, vector<64x128xf32>
    %slice3A_924 = vector.extract_strided_slice %transpose3A_878 {offsets = [5, 0], sizes = [1, 128], strides = [1, 1]} : vector<16x128xf32> to vector<1x128xf32>
    %eq3A_925 = vector.broadcast %convert_element_type3A_30 : vector<64x1xf32> to vector<64x128xf32>
    %eq3A_926 = vector.broadcast %slice3A_924 : vector<1x128xf32> to vector<64x128xf32>
    %eq3A_927 = arith.cmpf oeq, %eq3A_925, %eq3A_926 : vector<64x128xf32>
    %jit3A_928 = arith.constant 1.000000e+00 : f32
    %jit3A_929 = arith.constant 0.000000e+00 : f32
    %broadcast_in_dim3A_930 = vector.broadcast %jit3A_928 : f32 to vector<64x128xf32>
    %broadcast_in_dim3A_931 = vector.broadcast %jit3A_929 : f32 to vector<64x128xf32>
    %select_n3A_932 = arith.select %eq3A_927, %broadcast_in_dim3A_930, %broadcast_in_dim3A_931 : vector<64x128xi1>, vector<64x128xf32>
    %slice3A_933 = vector.extract_strided_slice %transpose3A_878 {offsets = [6, 0], sizes = [1, 128], strides = [1, 1]} : vector<16x128xf32> to vector<1x128xf32>
    %eq3A_934 = vector.broadcast %convert_element_type3A_30 : vector<64x1xf32> to vector<64x128xf32>
    %eq3A_935 = vector.broadcast %slice3A_933 : vector<1x128xf32> to vector<64x128xf32>
    %eq3A_936 = arith.cmpf oeq, %eq3A_934, %eq3A_935 : vector<64x128xf32>
    %jit3A_937 = arith.constant 1.000000e+00 : f32
    %jit3A_938 = arith.constant 0.000000e+00 : f32
    %broadcast_in_dim3A_939 = vector.broadcast %jit3A_937 : f32 to vector<64x128xf32>
    %broadcast_in_dim3A_940 = vector.broadcast %jit3A_938 : f32 to vector<64x128xf32>
    %select_n3A_941 = arith.select %eq3A_936, %broadcast_in_dim3A_939, %broadcast_in_dim3A_940 : vector<64x128xi1>, vector<64x128xf32>
    %slice3A_942 = vector.extract_strided_slice %transpose3A_878 {offsets = [7, 0], sizes = [1, 128], strides = [1, 1]} : vector<16x128xf32> to vector<1x128xf32>
    %eq3A_943 = vector.broadcast %convert_element_type3A_30 : vector<64x1xf32> to vector<64x128xf32>
    %eq3A_944 = vector.broadcast %slice3A_942 : vector<1x128xf32> to vector<64x128xf32>
    %eq3A_945 = arith.cmpf oeq, %eq3A_943, %eq3A_944 : vector<64x128xf32>
    %jit3A_946 = arith.constant 1.000000e+00 : f32
    %jit3A_947 = arith.constant 0.000000e+00 : f32
    %broadcast_in_dim3A_948 = vector.broadcast %jit3A_946 : f32 to vector<64x128xf32>
    %broadcast_in_dim3A_949 = vector.broadcast %jit3A_947 : f32 to vector<64x128xf32>
    %select_n3A_950 = arith.select %eq3A_945, %broadcast_in_dim3A_948, %broadcast_in_dim3A_949 : vector<64x128xi1>, vector<64x128xf32>
    %slice3A_951 = vector.extract_strided_slice %transpose3A_878 {offsets = [8, 0], sizes = [1, 128], strides = [1, 1]} : vector<16x128xf32> to vector<1x128xf32>
    %eq3A_952 = vector.broadcast %convert_element_type3A_30 : vector<64x1xf32> to vector<64x128xf32>
    %eq3A_953 = vector.broadcast %slice3A_951 : vector<1x128xf32> to vector<64x128xf32>
    %eq3A_954 = arith.cmpf oeq, %eq3A_952, %eq3A_953 : vector<64x128xf32>
    %jit3A_955 = arith.constant 1.000000e+00 : f32
    %jit3A_956 = arith.constant 0.000000e+00 : f32
    %broadcast_in_dim3A_957 = vector.broadcast %jit3A_955 : f32 to vector<64x128xf32>
    %broadcast_in_dim3A_958 = vector.broadcast %jit3A_956 : f32 to vector<64x128xf32>
    %select_n3A_959 = arith.select %eq3A_954, %broadcast_in_dim3A_957, %broadcast_in_dim3A_958 : vector<64x128xi1>, vector<64x128xf32>
    %slice3A_960 = vector.extract_strided_slice %transpose3A_878 {offsets = [9, 0], sizes = [1, 128], strides = [1, 1]} : vector<16x128xf32> to vector<1x128xf32>
    %eq3A_961 = vector.broadcast %convert_element_type3A_30 : vector<64x1xf32> to vector<64x128xf32>
    %eq3A_962 = vector.broadcast %slice3A_960 : vector<1x128xf32> to vector<64x128xf32>
    %eq3A_963 = arith.cmpf oeq, %eq3A_961, %eq3A_962 : vector<64x128xf32>
    %jit3A_964 = arith.constant 1.000000e+00 : f32
    %jit3A_965 = arith.constant 0.000000e+00 : f32
    %broadcast_in_dim3A_966 = vector.broadcast %jit3A_964 : f32 to vector<64x128xf32>
    %broadcast_in_dim3A_967 = vector.broadcast %jit3A_965 : f32 to vector<64x128xf32>
    %select_n3A_968 = arith.select %eq3A_963, %broadcast_in_dim3A_966, %broadcast_in_dim3A_967 : vector<64x128xi1>, vector<64x128xf32>
    %slice3A_969 = vector.extract_strided_slice %transpose3A_878 {offsets = [10, 0], sizes = [1, 128], strides = [1, 1]} : vector<16x128xf32> to vector<1x128xf32>
    %eq3A_970 = vector.broadcast %convert_element_type3A_30 : vector<64x1xf32> to vector<64x128xf32>
    %eq3A_971 = vector.broadcast %slice3A_969 : vector<1x128xf32> to vector<64x128xf32>
    %eq3A_972 = arith.cmpf oeq, %eq3A_970, %eq3A_971 : vector<64x128xf32>
    %jit3A_973 = arith.constant 1.000000e+00 : f32
    %jit3A_974 = arith.constant 0.000000e+00 : f32
    %broadcast_in_dim3A_975 = vector.broadcast %jit3A_973 : f32 to vector<64x128xf32>
    %broadcast_in_dim3A_976 = vector.broadcast %jit3A_974 : f32 to vector<64x128xf32>
    %select_n3A_977 = arith.select %eq3A_972, %broadcast_in_dim3A_975, %broadcast_in_dim3A_976 : vector<64x128xi1>, vector<64x128xf32>
    %slice3A_978 = vector.extract_strided_slice %transpose3A_878 {offsets = [11, 0], sizes = [1, 128], strides = [1, 1]} : vector<16x128xf32> to vector<1x128xf32>
    %eq3A_979 = vector.broadcast %convert_element_type3A_30 : vector<64x1xf32> to vector<64x128xf32>
    %eq3A_980 = vector.broadcast %slice3A_978 : vector<1x128xf32> to vector<64x128xf32>
    %eq3A_981 = arith.cmpf oeq, %eq3A_979, %eq3A_980 : vector<64x128xf32>
    %jit3A_982 = arith.constant 1.000000e+00 : f32
    %jit3A_983 = arith.constant 0.000000e+00 : f32
    %broadcast_in_dim3A_984 = vector.broadcast %jit3A_982 : f32 to vector<64x128xf32>
    %broadcast_in_dim3A_985 = vector.broadcast %jit3A_983 : f32 to vector<64x128xf32>
    %select_n3A_986 = arith.select %eq3A_981, %broadcast_in_dim3A_984, %broadcast_in_dim3A_985 : vector<64x128xi1>, vector<64x128xf32>
    %slice3A_987 = vector.extract_strided_slice %transpose3A_878 {offsets = [12, 0], sizes = [1, 128], strides = [1, 1]} : vector<16x128xf32> to vector<1x128xf32>
    %eq3A_988 = vector.broadcast %convert_element_type3A_30 : vector<64x1xf32> to vector<64x128xf32>
    %eq3A_989 = vector.broadcast %slice3A_987 : vector<1x128xf32> to vector<64x128xf32>
    %eq3A_990 = arith.cmpf oeq, %eq3A_988, %eq3A_989 : vector<64x128xf32>
    %jit3A_991 = arith.constant 1.000000e+00 : f32
    %jit3A_992 = arith.constant 0.000000e+00 : f32
    %broadcast_in_dim3A_993 = vector.broadcast %jit3A_991 : f32 to vector<64x128xf32>
    %broadcast_in_dim3A_994 = vector.broadcast %jit3A_992 : f32 to vector<64x128xf32>
    %select_n3A_995 = arith.select %eq3A_990, %broadcast_in_dim3A_993, %broadcast_in_dim3A_994 : vector<64x128xi1>, vector<64x128xf32>
    %slice3A_996 = vector.extract_strided_slice %transpose3A_878 {offsets = [13, 0], sizes = [1, 128], strides = [1, 1]} : vector<16x128xf32> to vector<1x128xf32>
    %eq3A_997 = vector.broadcast %convert_element_type3A_30 : vector<64x1xf32> to vector<64x128xf32>
    %eq3A_998 = vector.broadcast %slice3A_996 : vector<1x128xf32> to vector<64x128xf32>
    %eq3A_999 = arith.cmpf oeq, %eq3A_997, %eq3A_998 : vector<64x128xf32>
    %jit3A_1000 = arith.constant 1.000000e+00 : f32
    %jit3A_1001 = arith.constant 0.000000e+00 : f32
    %broadcast_in_dim3A_1002 = vector.broadcast %jit3A_1000 : f32 to vector<64x128xf32>
    %broadcast_in_dim3A_1003 = vector.broadcast %jit3A_1001 : f32 to vector<64x128xf32>
    %select_n3A_1004 = arith.select %eq3A_999, %broadcast_in_dim3A_1002, %broadcast_in_dim3A_1003 : vector<64x128xi1>, vector<64x128xf32>
    %slice3A_1005 = vector.extract_strided_slice %transpose3A_878 {offsets = [14, 0], sizes = [1, 128], strides = [1, 1]} : vector<16x128xf32> to vector<1x128xf32>
    %eq3A_1006 = vector.broadcast %convert_element_type3A_30 : vector<64x1xf32> to vector<64x128xf32>
    %eq3A_1007 = vector.broadcast %slice3A_1005 : vector<1x128xf32> to vector<64x128xf32>
    %eq3A_1008 = arith.cmpf oeq, %eq3A_1006, %eq3A_1007 : vector<64x128xf32>
    %jit3A_1009 = arith.constant 1.000000e+00 : f32
    %jit3A_1010 = arith.constant 0.000000e+00 : f32
    %broadcast_in_dim3A_1011 = vector.broadcast %jit3A_1009 : f32 to vector<64x128xf32>
    %broadcast_in_dim3A_1012 = vector.broadcast %jit3A_1010 : f32 to vector<64x128xf32>
    %select_n3A_1013 = arith.select %eq3A_1008, %broadcast_in_dim3A_1011, %broadcast_in_dim3A_1012 : vector<64x128xi1>, vector<64x128xf32>
    %slice3A_1014 = vector.extract_strided_slice %transpose3A_878 {offsets = [15, 0], sizes = [1, 128], strides = [1, 1]} : vector<16x128xf32> to vector<1x128xf32>
    %eq3A_1015 = vector.broadcast %convert_element_type3A_30 : vector<64x1xf32> to vector<64x128xf32>
    %eq3A_1016 = vector.broadcast %slice3A_1014 : vector<1x128xf32> to vector<64x128xf32>
    %eq3A_1017 = arith.cmpf oeq, %eq3A_1015, %eq3A_1016 : vector<64x128xf32>
    %jit3A_1018 = arith.constant 1.000000e+00 : f32
    %jit3A_1019 = arith.constant 0.000000e+00 : f32
    %broadcast_in_dim3A_1020 = vector.broadcast %jit3A_1018 : f32 to vector<64x128xf32>
    %broadcast_in_dim3A_1021 = vector.broadcast %jit3A_1019 : f32 to vector<64x128xf32>
    %select_n3A_1022 = arith.select %eq3A_1017, %broadcast_in_dim3A_1020, %broadcast_in_dim3A_1021 : vector<64x128xi1>, vector<64x128xf32>
    %eq3A_1023 = vector.broadcast %dot_general3A_846 : vector<128x1xf32> to vector<128x64xf32>
    %eq3A_1024 = vector.broadcast %convert_element_type3A : vector<1x64xf32> to vector<128x64xf32>
    %eq3A_1025 = arith.cmpf oeq, %eq3A_1023, %eq3A_1024 : vector<128x64xf32>
    %jit3A_1026 = arith.constant 1.000000e+00 : f32
    %jit3A_1027 = arith.constant 0.000000e+00 : f32
    %broadcast_in_dim3A_1028 = vector.broadcast %jit3A_1026 : f32 to vector<128x64xf32>
    %broadcast_in_dim3A_1029 = vector.broadcast %jit3A_1027 : f32 to vector<128x64xf32>
    %select_n3A_1030 = arith.select %eq3A_1025, %broadcast_in_dim3A_1028, %broadcast_in_dim3A_1029 : vector<128x64xi1>, vector<128x64xf32>
    %eq3A_1031 = vector.broadcast %dot_general3A_848 : vector<128x1xf32> to vector<128x64xf32>
    %eq3A_1032 = vector.broadcast %convert_element_type3A : vector<1x64xf32> to vector<128x64xf32>
    %eq3A_1033 = arith.cmpf oeq, %eq3A_1031, %eq3A_1032 : vector<128x64xf32>
    %jit3A_1034 = arith.constant 1.000000e+00 : f32
    %jit3A_1035 = arith.constant 0.000000e+00 : f32
    %broadcast_in_dim3A_1036 = vector.broadcast %jit3A_1034 : f32 to vector<128x64xf32>
    %broadcast_in_dim3A_1037 = vector.broadcast %jit3A_1035 : f32 to vector<128x64xf32>
    %select_n3A_1038 = arith.select %eq3A_1033, %broadcast_in_dim3A_1036, %broadcast_in_dim3A_1037 : vector<128x64xi1>, vector<128x64xf32>
    %eq3A_1039 = vector.broadcast %dot_general3A_850 : vector<128x1xf32> to vector<128x64xf32>
    %eq3A_1040 = vector.broadcast %convert_element_type3A : vector<1x64xf32> to vector<128x64xf32>
    %eq3A_1041 = arith.cmpf oeq, %eq3A_1039, %eq3A_1040 : vector<128x64xf32>
    %jit3A_1042 = arith.constant 1.000000e+00 : f32
    %jit3A_1043 = arith.constant 0.000000e+00 : f32
    %broadcast_in_dim3A_1044 = vector.broadcast %jit3A_1042 : f32 to vector<128x64xf32>
    %broadcast_in_dim3A_1045 = vector.broadcast %jit3A_1043 : f32 to vector<128x64xf32>
    %select_n3A_1046 = arith.select %eq3A_1041, %broadcast_in_dim3A_1044, %broadcast_in_dim3A_1045 : vector<128x64xi1>, vector<128x64xf32>
    %eq3A_1047 = vector.broadcast %dot_general3A_852 : vector<128x1xf32> to vector<128x64xf32>
    %eq3A_1048 = vector.broadcast %convert_element_type3A : vector<1x64xf32> to vector<128x64xf32>
    %eq3A_1049 = arith.cmpf oeq, %eq3A_1047, %eq3A_1048 : vector<128x64xf32>
    %jit3A_1050 = arith.constant 1.000000e+00 : f32
    %jit3A_1051 = arith.constant 0.000000e+00 : f32
    %broadcast_in_dim3A_1052 = vector.broadcast %jit3A_1050 : f32 to vector<128x64xf32>
    %broadcast_in_dim3A_1053 = vector.broadcast %jit3A_1051 : f32 to vector<128x64xf32>
    %select_n3A_1054 = arith.select %eq3A_1049, %broadcast_in_dim3A_1052, %broadcast_in_dim3A_1053 : vector<128x64xi1>, vector<128x64xf32>
    %eq3A_1055 = vector.broadcast %dot_general3A_854 : vector<128x1xf32> to vector<128x64xf32>
    %eq3A_1056 = vector.broadcast %convert_element_type3A : vector<1x64xf32> to vector<128x64xf32>
    %eq3A_1057 = arith.cmpf oeq, %eq3A_1055, %eq3A_1056 : vector<128x64xf32>
    %jit3A_1058 = arith.constant 1.000000e+00 : f32
    %jit3A_1059 = arith.constant 0.000000e+00 : f32
    %broadcast_in_dim3A_1060 = vector.broadcast %jit3A_1058 : f32 to vector<128x64xf32>
    %broadcast_in_dim3A_1061 = vector.broadcast %jit3A_1059 : f32 to vector<128x64xf32>
    %select_n3A_1062 = arith.select %eq3A_1057, %broadcast_in_dim3A_1060, %broadcast_in_dim3A_1061 : vector<128x64xi1>, vector<128x64xf32>
    %eq3A_1063 = vector.broadcast %dot_general3A_856 : vector<128x1xf32> to vector<128x64xf32>
    %eq3A_1064 = vector.broadcast %convert_element_type3A : vector<1x64xf32> to vector<128x64xf32>
    %eq3A_1065 = arith.cmpf oeq, %eq3A_1063, %eq3A_1064 : vector<128x64xf32>
    %jit3A_1066 = arith.constant 1.000000e+00 : f32
    %jit3A_1067 = arith.constant 0.000000e+00 : f32
    %broadcast_in_dim3A_1068 = vector.broadcast %jit3A_1066 : f32 to vector<128x64xf32>
    %broadcast_in_dim3A_1069 = vector.broadcast %jit3A_1067 : f32 to vector<128x64xf32>
    %select_n3A_1070 = arith.select %eq3A_1065, %broadcast_in_dim3A_1068, %broadcast_in_dim3A_1069 : vector<128x64xi1>, vector<128x64xf32>
    %eq3A_1071 = vector.broadcast %dot_general3A_858 : vector<128x1xf32> to vector<128x64xf32>
    %eq3A_1072 = vector.broadcast %convert_element_type3A : vector<1x64xf32> to vector<128x64xf32>
    %eq3A_1073 = arith.cmpf oeq, %eq3A_1071, %eq3A_1072 : vector<128x64xf32>
    %jit3A_1074 = arith.constant 1.000000e+00 : f32
    %jit3A_1075 = arith.constant 0.000000e+00 : f32
    %broadcast_in_dim3A_1076 = vector.broadcast %jit3A_1074 : f32 to vector<128x64xf32>
    %broadcast_in_dim3A_1077 = vector.broadcast %jit3A_1075 : f32 to vector<128x64xf32>
    %select_n3A_1078 = arith.select %eq3A_1073, %broadcast_in_dim3A_1076, %broadcast_in_dim3A_1077 : vector<128x64xi1>, vector<128x64xf32>
    %eq3A_1079 = vector.broadcast %dot_general3A_860 : vector<128x1xf32> to vector<128x64xf32>
    %eq3A_1080 = vector.broadcast %convert_element_type3A : vector<1x64xf32> to vector<128x64xf32>
    %eq3A_1081 = arith.cmpf oeq, %eq3A_1079, %eq3A_1080 : vector<128x64xf32>
    %jit3A_1082 = arith.constant 1.000000e+00 : f32
    %jit3A_1083 = arith.constant 0.000000e+00 : f32
    %broadcast_in_dim3A_1084 = vector.broadcast %jit3A_1082 : f32 to vector<128x64xf32>
    %broadcast_in_dim3A_1085 = vector.broadcast %jit3A_1083 : f32 to vector<128x64xf32>
    %select_n3A_1086 = arith.select %eq3A_1081, %broadcast_in_dim3A_1084, %broadcast_in_dim3A_1085 : vector<128x64xi1>, vector<128x64xf32>
    %eq3A_1087 = vector.broadcast %dot_general3A_862 : vector<128x1xf32> to vector<128x64xf32>
    %eq3A_1088 = vector.broadcast %convert_element_type3A : vector<1x64xf32> to vector<128x64xf32>
    %eq3A_1089 = arith.cmpf oeq, %eq3A_1087, %eq3A_1088 : vector<128x64xf32>
    %jit3A_1090 = arith.constant 1.000000e+00 : f32
    %jit3A_1091 = arith.constant 0.000000e+00 : f32
    %broadcast_in_dim3A_1092 = vector.broadcast %jit3A_1090 : f32 to vector<128x64xf32>
    %broadcast_in_dim3A_1093 = vector.broadcast %jit3A_1091 : f32 to vector<128x64xf32>
    %select_n3A_1094 = arith.select %eq3A_1089, %broadcast_in_dim3A_1092, %broadcast_in_dim3A_1093 : vector<128x64xi1>, vector<128x64xf32>
    %eq3A_1095 = vector.broadcast %dot_general3A_864 : vector<128x1xf32> to vector<128x64xf32>
    %eq3A_1096 = vector.broadcast %convert_element_type3A : vector<1x64xf32> to vector<128x64xf32>
    %eq3A_1097 = arith.cmpf oeq, %eq3A_1095, %eq3A_1096 : vector<128x64xf32>
    %jit3A_1098 = arith.constant 1.000000e+00 : f32
    %jit3A_1099 = arith.constant 0.000000e+00 : f32
    %broadcast_in_dim3A_1100 = vector.broadcast %jit3A_1098 : f32 to vector<128x64xf32>
    %broadcast_in_dim3A_1101 = vector.broadcast %jit3A_1099 : f32 to vector<128x64xf32>
    %select_n3A_1102 = arith.select %eq3A_1097, %broadcast_in_dim3A_1100, %broadcast_in_dim3A_1101 : vector<128x64xi1>, vector<128x64xf32>
    %eq3A_1103 = vector.broadcast %dot_general3A_866 : vector<128x1xf32> to vector<128x64xf32>
    %eq3A_1104 = vector.broadcast %convert_element_type3A : vector<1x64xf32> to vector<128x64xf32>
    %eq3A_1105 = arith.cmpf oeq, %eq3A_1103, %eq3A_1104 : vector<128x64xf32>
    %jit3A_1106 = arith.constant 1.000000e+00 : f32
    %jit3A_1107 = arith.constant 0.000000e+00 : f32
    %broadcast_in_dim3A_1108 = vector.broadcast %jit3A_1106 : f32 to vector<128x64xf32>
    %broadcast_in_dim3A_1109 = vector.broadcast %jit3A_1107 : f32 to vector<128x64xf32>
    %select_n3A_1110 = arith.select %eq3A_1105, %broadcast_in_dim3A_1108, %broadcast_in_dim3A_1109 : vector<128x64xi1>, vector<128x64xf32>
    %eq3A_1111 = vector.broadcast %dot_general3A_868 : vector<128x1xf32> to vector<128x64xf32>
    %eq3A_1112 = vector.broadcast %convert_element_type3A : vector<1x64xf32> to vector<128x64xf32>
    %eq3A_1113 = arith.cmpf oeq, %eq3A_1111, %eq3A_1112 : vector<128x64xf32>
    %jit3A_1114 = arith.constant 1.000000e+00 : f32
    %jit3A_1115 = arith.constant 0.000000e+00 : f32
    %broadcast_in_dim3A_1116 = vector.broadcast %jit3A_1114 : f32 to vector<128x64xf32>
    %broadcast_in_dim3A_1117 = vector.broadcast %jit3A_1115 : f32 to vector<128x64xf32>
    %select_n3A_1118 = arith.select %eq3A_1113, %broadcast_in_dim3A_1116, %broadcast_in_dim3A_1117 : vector<128x64xi1>, vector<128x64xf32>
    %eq3A_1119 = vector.broadcast %dot_general3A_870 : vector<128x1xf32> to vector<128x64xf32>
    %eq3A_1120 = vector.broadcast %convert_element_type3A : vector<1x64xf32> to vector<128x64xf32>
    %eq3A_1121 = arith.cmpf oeq, %eq3A_1119, %eq3A_1120 : vector<128x64xf32>
    %jit3A_1122 = arith.constant 1.000000e+00 : f32
    %jit3A_1123 = arith.constant 0.000000e+00 : f32
    %broadcast_in_dim3A_1124 = vector.broadcast %jit3A_1122 : f32 to vector<128x64xf32>
    %broadcast_in_dim3A_1125 = vector.broadcast %jit3A_1123 : f32 to vector<128x64xf32>
    %select_n3A_1126 = arith.select %eq3A_1121, %broadcast_in_dim3A_1124, %broadcast_in_dim3A_1125 : vector<128x64xi1>, vector<128x64xf32>
    %eq3A_1127 = vector.broadcast %dot_general3A_872 : vector<128x1xf32> to vector<128x64xf32>
    %eq3A_1128 = vector.broadcast %convert_element_type3A : vector<1x64xf32> to vector<128x64xf32>
    %eq3A_1129 = arith.cmpf oeq, %eq3A_1127, %eq3A_1128 : vector<128x64xf32>
    %jit3A_1130 = arith.constant 1.000000e+00 : f32
    %jit3A_1131 = arith.constant 0.000000e+00 : f32
    %broadcast_in_dim3A_1132 = vector.broadcast %jit3A_1130 : f32 to vector<128x64xf32>
    %broadcast_in_dim3A_1133 = vector.broadcast %jit3A_1131 : f32 to vector<128x64xf32>
    %select_n3A_1134 = arith.select %eq3A_1129, %broadcast_in_dim3A_1132, %broadcast_in_dim3A_1133 : vector<128x64xi1>, vector<128x64xf32>
    %eq3A_1135 = vector.broadcast %dot_general3A_874 : vector<128x1xf32> to vector<128x64xf32>
    %eq3A_1136 = vector.broadcast %convert_element_type3A : vector<1x64xf32> to vector<128x64xf32>
    %eq3A_1137 = arith.cmpf oeq, %eq3A_1135, %eq3A_1136 : vector<128x64xf32>
    %jit3A_1138 = arith.constant 1.000000e+00 : f32
    %jit3A_1139 = arith.constant 0.000000e+00 : f32
    %broadcast_in_dim3A_1140 = vector.broadcast %jit3A_1138 : f32 to vector<128x64xf32>
    %broadcast_in_dim3A_1141 = vector.broadcast %jit3A_1139 : f32 to vector<128x64xf32>
    %select_n3A_1142 = arith.select %eq3A_1137, %broadcast_in_dim3A_1140, %broadcast_in_dim3A_1141 : vector<128x64xi1>, vector<128x64xf32>
    %eq3A_1143 = vector.broadcast %dot_general3A_876 : vector<128x1xf32> to vector<128x64xf32>
    %eq3A_1144 = vector.broadcast %convert_element_type3A : vector<1x64xf32> to vector<128x64xf32>
    %eq3A_1145 = arith.cmpf oeq, %eq3A_1143, %eq3A_1144 : vector<128x64xf32>
    %jit3A_1146 = arith.constant 1.000000e+00 : f32
    %jit3A_1147 = arith.constant 0.000000e+00 : f32
    %broadcast_in_dim3A_1148 = vector.broadcast %jit3A_1146 : f32 to vector<128x64xf32>
    %broadcast_in_dim3A_1149 = vector.broadcast %jit3A_1147 : f32 to vector<128x64xf32>
    %select_n3A_1150 = arith.select %eq3A_1145, %broadcast_in_dim3A_1148, %broadcast_in_dim3A_1149 : vector<128x64xi1>, vector<128x64xf32>
    %dot_general3A_1151 = arith.constant dense<0.000000e+00> : vector<1x64xf32>
    %dot_general3A_1152 = tpu.matmul %select_n3A_290, %select_n3A_1030, %dot_general3A_1151 {dimension_numbers = #tpu.dot_dimension_numbers<[0], [0], [1], [1], [0, 1, 1, 1], [], []>, transpose_lhs_hint = false} : vector<128x1xf32>, vector<128x64xf32>, vector<1x64xf32> -> vector<1x64xf32>
    %dot_general3A_1153 = arith.constant dense<0.000000e+00> : vector<1x64xf32>
    %dot_general3A_1154 = tpu.matmul %select_n3A_311, %select_n3A_1038, %dot_general3A_1153 {dimension_numbers = #tpu.dot_dimension_numbers<[0], [0], [1], [1], [0, 1, 1, 1], [], []>, transpose_lhs_hint = false} : vector<128x1xf32>, vector<128x64xf32>, vector<1x64xf32> -> vector<1x64xf32>
    %dot_general3A_1155 = arith.constant dense<0.000000e+00> : vector<1x64xf32>
    %dot_general3A_1156 = tpu.matmul %select_n3A_332, %select_n3A_1046, %dot_general3A_1155 {dimension_numbers = #tpu.dot_dimension_numbers<[0], [0], [1], [1], [0, 1, 1, 1], [], []>, transpose_lhs_hint = false} : vector<128x1xf32>, vector<128x64xf32>, vector<1x64xf32> -> vector<1x64xf32>
    %dot_general3A_1157 = arith.constant dense<0.000000e+00> : vector<1x64xf32>
    %dot_general3A_1158 = tpu.matmul %select_n3A_353, %select_n3A_1054, %dot_general3A_1157 {dimension_numbers = #tpu.dot_dimension_numbers<[0], [0], [1], [1], [0, 1, 1, 1], [], []>, transpose_lhs_hint = false} : vector<128x1xf32>, vector<128x64xf32>, vector<1x64xf32> -> vector<1x64xf32>
    %dot_general3A_1159 = arith.constant dense<0.000000e+00> : vector<1x64xf32>
    %dot_general3A_1160 = tpu.matmul %select_n3A_374, %select_n3A_1062, %dot_general3A_1159 {dimension_numbers = #tpu.dot_dimension_numbers<[0], [0], [1], [1], [0, 1, 1, 1], [], []>, transpose_lhs_hint = false} : vector<128x1xf32>, vector<128x64xf32>, vector<1x64xf32> -> vector<1x64xf32>
    %dot_general3A_1161 = arith.constant dense<0.000000e+00> : vector<1x64xf32>
    %dot_general3A_1162 = tpu.matmul %select_n3A_395, %select_n3A_1070, %dot_general3A_1161 {dimension_numbers = #tpu.dot_dimension_numbers<[0], [0], [1], [1], [0, 1, 1, 1], [], []>, transpose_lhs_hint = false} : vector<128x1xf32>, vector<128x64xf32>, vector<1x64xf32> -> vector<1x64xf32>
    %dot_general3A_1163 = arith.constant dense<0.000000e+00> : vector<1x64xf32>
    %dot_general3A_1164 = tpu.matmul %select_n3A_416, %select_n3A_1078, %dot_general3A_1163 {dimension_numbers = #tpu.dot_dimension_numbers<[0], [0], [1], [1], [0, 1, 1, 1], [], []>, transpose_lhs_hint = false} : vector<128x1xf32>, vector<128x64xf32>, vector<1x64xf32> -> vector<1x64xf32>
    %dot_general3A_1165 = arith.constant dense<0.000000e+00> : vector<1x64xf32>
    %dot_general3A_1166 = tpu.matmul %select_n3A_437, %select_n3A_1086, %dot_general3A_1165 {dimension_numbers = #tpu.dot_dimension_numbers<[0], [0], [1], [1], [0, 1, 1, 1], [], []>, transpose_lhs_hint = false} : vector<128x1xf32>, vector<128x64xf32>, vector<1x64xf32> -> vector<1x64xf32>
    %dot_general3A_1167 = arith.constant dense<0.000000e+00> : vector<1x64xf32>
    %dot_general3A_1168 = tpu.matmul %select_n3A_458, %select_n3A_1094, %dot_general3A_1167 {dimension_numbers = #tpu.dot_dimension_numbers<[0], [0], [1], [1], [0, 1, 1, 1], [], []>, transpose_lhs_hint = false} : vector<128x1xf32>, vector<128x64xf32>, vector<1x64xf32> -> vector<1x64xf32>
    %dot_general3A_1169 = arith.constant dense<0.000000e+00> : vector<1x64xf32>
    %dot_general3A_1170 = tpu.matmul %select_n3A_479, %select_n3A_1102, %dot_general3A_1169 {dimension_numbers = #tpu.dot_dimension_numbers<[0], [0], [1], [1], [0, 1, 1, 1], [], []>, transpose_lhs_hint = false} : vector<128x1xf32>, vector<128x64xf32>, vector<1x64xf32> -> vector<1x64xf32>
    %dot_general3A_1171 = arith.constant dense<0.000000e+00> : vector<1x64xf32>
    %dot_general3A_1172 = tpu.matmul %select_n3A_500, %select_n3A_1110, %dot_general3A_1171 {dimension_numbers = #tpu.dot_dimension_numbers<[0], [0], [1], [1], [0, 1, 1, 1], [], []>, transpose_lhs_hint = false} : vector<128x1xf32>, vector<128x64xf32>, vector<1x64xf32> -> vector<1x64xf32>
    %dot_general3A_1173 = arith.constant dense<0.000000e+00> : vector<1x64xf32>
    %dot_general3A_1174 = tpu.matmul %select_n3A_521, %select_n3A_1118, %dot_general3A_1173 {dimension_numbers = #tpu.dot_dimension_numbers<[0], [0], [1], [1], [0, 1, 1, 1], [], []>, transpose_lhs_hint = false} : vector<128x1xf32>, vector<128x64xf32>, vector<1x64xf32> -> vector<1x64xf32>
    %dot_general3A_1175 = arith.constant dense<0.000000e+00> : vector<1x64xf32>
    %dot_general3A_1176 = tpu.matmul %select_n3A_542, %select_n3A_1126, %dot_general3A_1175 {dimension_numbers = #tpu.dot_dimension_numbers<[0], [0], [1], [1], [0, 1, 1, 1], [], []>, transpose_lhs_hint = false} : vector<128x1xf32>, vector<128x64xf32>, vector<1x64xf32> -> vector<1x64xf32>
    %dot_general3A_1177 = arith.constant dense<0.000000e+00> : vector<1x64xf32>
    %dot_general3A_1178 = tpu.matmul %select_n3A_563, %select_n3A_1134, %dot_general3A_1177 {dimension_numbers = #tpu.dot_dimension_numbers<[0], [0], [1], [1], [0, 1, 1, 1], [], []>, transpose_lhs_hint = false} : vector<128x1xf32>, vector<128x64xf32>, vector<1x64xf32> -> vector<1x64xf32>
    %dot_general3A_1179 = arith.constant dense<0.000000e+00> : vector<1x64xf32>
    %dot_general3A_1180 = tpu.matmul %select_n3A_584, %select_n3A_1142, %dot_general3A_1179 {dimension_numbers = #tpu.dot_dimension_numbers<[0], [0], [1], [1], [0, 1, 1, 1], [], []>, transpose_lhs_hint = false} : vector<128x1xf32>, vector<128x64xf32>, vector<1x64xf32> -> vector<1x64xf32>
    %dot_general3A_1181 = arith.constant dense<0.000000e+00> : vector<1x64xf32>
    %dot_general3A_1182 = tpu.matmul %select_n3A_605, %select_n3A_1150, %dot_general3A_1181 {dimension_numbers = #tpu.dot_dimension_numbers<[0], [0], [1], [1], [0, 1, 1, 1], [], []>, transpose_lhs_hint = false} : vector<128x1xf32>, vector<128x64xf32>, vector<1x64xf32> -> vector<1x64xf32>
    %slice3A_1183 = vector.extract_strided_slice %transpose3A_606 {offsets = [0, 0], sizes = [1, 128], strides = [1, 1]} : vector<16x128xf32> to vector<1x128xf32>
    %mul3A = vector.broadcast %slice3A_1183 : vector<1x128xf32> to vector<64x128xf32>
    %mul3A_1184 = arith.mulf %select_n3A_887, %mul3A : vector<64x128xf32>
    %dot_general3A_1185 = arith.constant dense<0.000000e+00> : vector<64x32xf32>
    %dot_general3A_1186 = tpu.matmul %mul3A_1184, %max3A_78, %dot_general3A_1185 {dimension_numbers = #tpu.dot_dimension_numbers<[1], [0], [0], [1], [0, 0, 1, 1], [], []>, transpose_lhs_hint = false} : vector<64x128xf32>, vector<128x32xf32>, vector<64x32xf32> -> vector<64x32xf32>
    %slice3A_1187 = vector.extract_strided_slice %transpose3A_606 {offsets = [1, 0], sizes = [1, 128], strides = [1, 1]} : vector<16x128xf32> to vector<1x128xf32>
    %mul3A_1188 = vector.broadcast %slice3A_1187 : vector<1x128xf32> to vector<64x128xf32>
    %mul3A_1189 = arith.mulf %select_n3A_896, %mul3A_1188 : vector<64x128xf32>
    %dot_general3A_1190 = arith.constant dense<0.000000e+00> : vector<64x32xf32>
    %dot_general3A_1191 = tpu.matmul %mul3A_1189, %max3A_91, %dot_general3A_1190 {dimension_numbers = #tpu.dot_dimension_numbers<[1], [0], [0], [1], [0, 0, 1, 1], [], []>, transpose_lhs_hint = false} : vector<64x128xf32>, vector<128x32xf32>, vector<64x32xf32> -> vector<64x32xf32>
    %slice3A_1192 = vector.extract_strided_slice %transpose3A_606 {offsets = [2, 0], sizes = [1, 128], strides = [1, 1]} : vector<16x128xf32> to vector<1x128xf32>
    %mul3A_1193 = vector.broadcast %slice3A_1192 : vector<1x128xf32> to vector<64x128xf32>
    %mul3A_1194 = arith.mulf %select_n3A_905, %mul3A_1193 : vector<64x128xf32>
    %dot_general3A_1195 = arith.constant dense<0.000000e+00> : vector<64x32xf32>
    %dot_general3A_1196 = tpu.matmul %mul3A_1194, %max3A_104, %dot_general3A_1195 {dimension_numbers = #tpu.dot_dimension_numbers<[1], [0], [0], [1], [0, 0, 1, 1], [], []>, transpose_lhs_hint = false} : vector<64x128xf32>, vector<128x32xf32>, vector<64x32xf32> -> vector<64x32xf32>
    %slice3A_1197 = vector.extract_strided_slice %transpose3A_606 {offsets = [3, 0], sizes = [1, 128], strides = [1, 1]} : vector<16x128xf32> to vector<1x128xf32>
    %mul3A_1198 = vector.broadcast %slice3A_1197 : vector<1x128xf32> to vector<64x128xf32>
    %mul3A_1199 = arith.mulf %select_n3A_914, %mul3A_1198 : vector<64x128xf32>
    %dot_general3A_1200 = arith.constant dense<0.000000e+00> : vector<64x32xf32>
    %dot_general3A_1201 = tpu.matmul %mul3A_1199, %max3A_117, %dot_general3A_1200 {dimension_numbers = #tpu.dot_dimension_numbers<[1], [0], [0], [1], [0, 0, 1, 1], [], []>, transpose_lhs_hint = false} : vector<64x128xf32>, vector<128x32xf32>, vector<64x32xf32> -> vector<64x32xf32>
    %slice3A_1202 = vector.extract_strided_slice %transpose3A_606 {offsets = [4, 0], sizes = [1, 128], strides = [1, 1]} : vector<16x128xf32> to vector<1x128xf32>
    %mul3A_1203 = vector.broadcast %slice3A_1202 : vector<1x128xf32> to vector<64x128xf32>
    %mul3A_1204 = arith.mulf %select_n3A_923, %mul3A_1203 : vector<64x128xf32>
    %dot_general3A_1205 = arith.constant dense<0.000000e+00> : vector<64x32xf32>
    %dot_general3A_1206 = tpu.matmul %mul3A_1204, %max3A_130, %dot_general3A_1205 {dimension_numbers = #tpu.dot_dimension_numbers<[1], [0], [0], [1], [0, 0, 1, 1], [], []>, transpose_lhs_hint = false} : vector<64x128xf32>, vector<128x32xf32>, vector<64x32xf32> -> vector<64x32xf32>
    %slice3A_1207 = vector.extract_strided_slice %transpose3A_606 {offsets = [5, 0], sizes = [1, 128], strides = [1, 1]} : vector<16x128xf32> to vector<1x128xf32>
    %mul3A_1208 = vector.broadcast %slice3A_1207 : vector<1x128xf32> to vector<64x128xf32>
    %mul3A_1209 = arith.mulf %select_n3A_932, %mul3A_1208 : vector<64x128xf32>
    %dot_general3A_1210 = arith.constant dense<0.000000e+00> : vector<64x32xf32>
    %dot_general3A_1211 = tpu.matmul %mul3A_1209, %max3A_143, %dot_general3A_1210 {dimension_numbers = #tpu.dot_dimension_numbers<[1], [0], [0], [1], [0, 0, 1, 1], [], []>, transpose_lhs_hint = false} : vector<64x128xf32>, vector<128x32xf32>, vector<64x32xf32> -> vector<64x32xf32>
    %slice3A_1212 = vector.extract_strided_slice %transpose3A_606 {offsets = [6, 0], sizes = [1, 128], strides = [1, 1]} : vector<16x128xf32> to vector<1x128xf32>
    %mul3A_1213 = vector.broadcast %slice3A_1212 : vector<1x128xf32> to vector<64x128xf32>
    %mul3A_1214 = arith.mulf %select_n3A_941, %mul3A_1213 : vector<64x128xf32>
    %dot_general3A_1215 = arith.constant dense<0.000000e+00> : vector<64x32xf32>
    %dot_general3A_1216 = tpu.matmul %mul3A_1214, %max3A_156, %dot_general3A_1215 {dimension_numbers = #tpu.dot_dimension_numbers<[1], [0], [0], [1], [0, 0, 1, 1], [], []>, transpose_lhs_hint = false} : vector<64x128xf32>, vector<128x32xf32>, vector<64x32xf32> -> vector<64x32xf32>
    %slice3A_1217 = vector.extract_strided_slice %transpose3A_606 {offsets = [7, 0], sizes = [1, 128], strides = [1, 1]} : vector<16x128xf32> to vector<1x128xf32>
    %mul3A_1218 = vector.broadcast %slice3A_1217 : vector<1x128xf32> to vector<64x128xf32>
    %mul3A_1219 = arith.mulf %select_n3A_950, %mul3A_1218 : vector<64x128xf32>
    %dot_general3A_1220 = arith.constant dense<0.000000e+00> : vector<64x32xf32>
    %dot_general3A_1221 = tpu.matmul %mul3A_1219, %max3A_169, %dot_general3A_1220 {dimension_numbers = #tpu.dot_dimension_numbers<[1], [0], [0], [1], [0, 0, 1, 1], [], []>, transpose_lhs_hint = false} : vector<64x128xf32>, vector<128x32xf32>, vector<64x32xf32> -> vector<64x32xf32>
    %slice3A_1222 = vector.extract_strided_slice %transpose3A_606 {offsets = [8, 0], sizes = [1, 128], strides = [1, 1]} : vector<16x128xf32> to vector<1x128xf32>
    %mul3A_1223 = vector.broadcast %slice3A_1222 : vector<1x128xf32> to vector<64x128xf32>
    %mul3A_1224 = arith.mulf %select_n3A_959, %mul3A_1223 : vector<64x128xf32>
    %dot_general3A_1225 = arith.constant dense<0.000000e+00> : vector<64x32xf32>
    %dot_general3A_1226 = tpu.matmul %mul3A_1224, %max3A_182, %dot_general3A_1225 {dimension_numbers = #tpu.dot_dimension_numbers<[1], [0], [0], [1], [0, 0, 1, 1], [], []>, transpose_lhs_hint = false} : vector<64x128xf32>, vector<128x32xf32>, vector<64x32xf32> -> vector<64x32xf32>
    %slice3A_1227 = vector.extract_strided_slice %transpose3A_606 {offsets = [9, 0], sizes = [1, 128], strides = [1, 1]} : vector<16x128xf32> to vector<1x128xf32>
    %mul3A_1228 = vector.broadcast %slice3A_1227 : vector<1x128xf32> to vector<64x128xf32>
    %mul3A_1229 = arith.mulf %select_n3A_968, %mul3A_1228 : vector<64x128xf32>
    %dot_general3A_1230 = arith.constant dense<0.000000e+00> : vector<64x32xf32>
    %dot_general3A_1231 = tpu.matmul %mul3A_1229, %max3A_195, %dot_general3A_1230 {dimension_numbers = #tpu.dot_dimension_numbers<[1], [0], [0], [1], [0, 0, 1, 1], [], []>, transpose_lhs_hint = false} : vector<64x128xf32>, vector<128x32xf32>, vector<64x32xf32> -> vector<64x32xf32>
    %slice3A_1232 = vector.extract_strided_slice %transpose3A_606 {offsets = [10, 0], sizes = [1, 128], strides = [1, 1]} : vector<16x128xf32> to vector<1x128xf32>
    %mul3A_1233 = vector.broadcast %slice3A_1232 : vector<1x128xf32> to vector<64x128xf32>
    %mul3A_1234 = arith.mulf %select_n3A_977, %mul3A_1233 : vector<64x128xf32>
    %dot_general3A_1235 = arith.constant dense<0.000000e+00> : vector<64x32xf32>
    %dot_general3A_1236 = tpu.matmul %mul3A_1234, %max3A_208, %dot_general3A_1235 {dimension_numbers = #tpu.dot_dimension_numbers<[1], [0], [0], [1], [0, 0, 1, 1], [], []>, transpose_lhs_hint = false} : vector<64x128xf32>, vector<128x32xf32>, vector<64x32xf32> -> vector<64x32xf32>
    %slice3A_1237 = vector.extract_strided_slice %transpose3A_606 {offsets = [11, 0], sizes = [1, 128], strides = [1, 1]} : vector<16x128xf32> to vector<1x128xf32>
    %mul3A_1238 = vector.broadcast %slice3A_1237 : vector<1x128xf32> to vector<64x128xf32>
    %mul3A_1239 = arith.mulf %select_n3A_986, %mul3A_1238 : vector<64x128xf32>
    %dot_general3A_1240 = arith.constant dense<0.000000e+00> : vector<64x32xf32>
    %dot_general3A_1241 = tpu.matmul %mul3A_1239, %max3A_221, %dot_general3A_1240 {dimension_numbers = #tpu.dot_dimension_numbers<[1], [0], [0], [1], [0, 0, 1, 1], [], []>, transpose_lhs_hint = false} : vector<64x128xf32>, vector<128x32xf32>, vector<64x32xf32> -> vector<64x32xf32>
    %slice3A_1242 = vector.extract_strided_slice %transpose3A_606 {offsets = [12, 0], sizes = [1, 128], strides = [1, 1]} : vector<16x128xf32> to vector<1x128xf32>
    %mul3A_1243 = vector.broadcast %slice3A_1242 : vector<1x128xf32> to vector<64x128xf32>
    %mul3A_1244 = arith.mulf %select_n3A_995, %mul3A_1243 : vector<64x128xf32>
    %dot_general3A_1245 = arith.constant dense<0.000000e+00> : vector<64x32xf32>
    %dot_general3A_1246 = tpu.matmul %mul3A_1244, %max3A_234, %dot_general3A_1245 {dimension_numbers = #tpu.dot_dimension_numbers<[1], [0], [0], [1], [0, 0, 1, 1], [], []>, transpose_lhs_hint = false} : vector<64x128xf32>, vector<128x32xf32>, vector<64x32xf32> -> vector<64x32xf32>
    %slice3A_1247 = vector.extract_strided_slice %transpose3A_606 {offsets = [13, 0], sizes = [1, 128], strides = [1, 1]} : vector<16x128xf32> to vector<1x128xf32>
    %mul3A_1248 = vector.broadcast %slice3A_1247 : vector<1x128xf32> to vector<64x128xf32>
    %mul3A_1249 = arith.mulf %select_n3A_1004, %mul3A_1248 : vector<64x128xf32>
    %dot_general3A_1250 = arith.constant dense<0.000000e+00> : vector<64x32xf32>
    %dot_general3A_1251 = tpu.matmul %mul3A_1249, %max3A_247, %dot_general3A_1250 {dimension_numbers = #tpu.dot_dimension_numbers<[1], [0], [0], [1], [0, 0, 1, 1], [], []>, transpose_lhs_hint = false} : vector<64x128xf32>, vector<128x32xf32>, vector<64x32xf32> -> vector<64x32xf32>
    %slice3A_1252 = vector.extract_strided_slice %transpose3A_606 {offsets = [14, 0], sizes = [1, 128], strides = [1, 1]} : vector<16x128xf32> to vector<1x128xf32>
    %mul3A_1253 = vector.broadcast %slice3A_1252 : vector<1x128xf32> to vector<64x128xf32>
    %mul3A_1254 = arith.mulf %select_n3A_1013, %mul3A_1253 : vector<64x128xf32>
    %dot_general3A_1255 = arith.constant dense<0.000000e+00> : vector<64x32xf32>
    %dot_general3A_1256 = tpu.matmul %mul3A_1254, %max3A_260, %dot_general3A_1255 {dimension_numbers = #tpu.dot_dimension_numbers<[1], [0], [0], [1], [0, 0, 1, 1], [], []>, transpose_lhs_hint = false} : vector<64x128xf32>, vector<128x32xf32>, vector<64x32xf32> -> vector<64x32xf32>
    %slice3A_1257 = vector.extract_strided_slice %transpose3A_606 {offsets = [15, 0], sizes = [1, 128], strides = [1, 1]} : vector<16x128xf32> to vector<1x128xf32>
    %mul3A_1258 = vector.broadcast %slice3A_1257 : vector<1x128xf32> to vector<64x128xf32>
    %mul3A_1259 = arith.mulf %select_n3A_1022, %mul3A_1258 : vector<64x128xf32>
    %dot_general3A_1260 = arith.constant dense<0.000000e+00> : vector<64x32xf32>
    %dot_general3A_1261 = tpu.matmul %mul3A_1259, %max3A_273, %dot_general3A_1260 {dimension_numbers = #tpu.dot_dimension_numbers<[1], [0], [0], [1], [0, 0, 1, 1], [], []>, transpose_lhs_hint = false} : vector<64x128xf32>, vector<128x32xf32>, vector<64x32xf32> -> vector<64x32xf32>
    %slice3A_1262 = vector.extract_strided_slice %get3A_66 {offsets = [0, 0, 0], sizes = [1, 128, 128], strides = [1, 1, 1]} : vector<16x128x128xf32> to vector<1x128x128xf32>
    %squeeze3A_1263 = vector.shape_cast %slice3A_1262 : vector<1x128x128xf32> to vector<128x128xf32>
    %dot_general3A_1264 = arith.constant dense<0.000000e+00> : vector<64x128xf32>
    %dot_general3A_1265 = tpu.matmul %select_n3A_887, %squeeze3A_1263, %dot_general3A_1264 {dimension_numbers = #tpu.dot_dimension_numbers<[1], [0], [0], [1], [0, 0, 1, 1], [], []>, transpose_lhs_hint = false} : vector<64x128xf32>, vector<128x128xf32>, vector<64x128xf32> -> vector<64x128xf32>
    %slice3A_1266 = vector.extract_strided_slice %get3A_66 {offsets = [1, 0, 0], sizes = [1, 128, 128], strides = [1, 1, 1]} : vector<16x128x128xf32> to vector<1x128x128xf32>
    %squeeze3A_1267 = vector.shape_cast %slice3A_1266 : vector<1x128x128xf32> to vector<128x128xf32>
    %dot_general3A_1268 = arith.constant dense<0.000000e+00> : vector<64x128xf32>
    %dot_general3A_1269 = tpu.matmul %select_n3A_896, %squeeze3A_1267, %dot_general3A_1268 {dimension_numbers = #tpu.dot_dimension_numbers<[1], [0], [0], [1], [0, 0, 1, 1], [], []>, transpose_lhs_hint = false} : vector<64x128xf32>, vector<128x128xf32>, vector<64x128xf32> -> vector<64x128xf32>
    %slice3A_1270 = vector.extract_strided_slice %get3A_66 {offsets = [2, 0, 0], sizes = [1, 128, 128], strides = [1, 1, 1]} : vector<16x128x128xf32> to vector<1x128x128xf32>
    %squeeze3A_1271 = vector.shape_cast %slice3A_1270 : vector<1x128x128xf32> to vector<128x128xf32>
    %dot_general3A_1272 = arith.constant dense<0.000000e+00> : vector<64x128xf32>
    %dot_general3A_1273 = tpu.matmul %select_n3A_905, %squeeze3A_1271, %dot_general3A_1272 {dimension_numbers = #tpu.dot_dimension_numbers<[1], [0], [0], [1], [0, 0, 1, 1], [], []>, transpose_lhs_hint = false} : vector<64x128xf32>, vector<128x128xf32>, vector<64x128xf32> -> vector<64x128xf32>
    %slice3A_1274 = vector.extract_strided_slice %get3A_66 {offsets = [3, 0, 0], sizes = [1, 128, 128], strides = [1, 1, 1]} : vector<16x128x128xf32> to vector<1x128x128xf32>
    %squeeze3A_1275 = vector.shape_cast %slice3A_1274 : vector<1x128x128xf32> to vector<128x128xf32>
    %dot_general3A_1276 = arith.constant dense<0.000000e+00> : vector<64x128xf32>
    %dot_general3A_1277 = tpu.matmul %select_n3A_914, %squeeze3A_1275, %dot_general3A_1276 {dimension_numbers = #tpu.dot_dimension_numbers<[1], [0], [0], [1], [0, 0, 1, 1], [], []>, transpose_lhs_hint = false} : vector<64x128xf32>, vector<128x128xf32>, vector<64x128xf32> -> vector<64x128xf32>
    %slice3A_1278 = vector.extract_strided_slice %get3A_66 {offsets = [4, 0, 0], sizes = [1, 128, 128], strides = [1, 1, 1]} : vector<16x128x128xf32> to vector<1x128x128xf32>
    %squeeze3A_1279 = vector.shape_cast %slice3A_1278 : vector<1x128x128xf32> to vector<128x128xf32>
    %dot_general3A_1280 = arith.constant dense<0.000000e+00> : vector<64x128xf32>
    %dot_general3A_1281 = tpu.matmul %select_n3A_923, %squeeze3A_1279, %dot_general3A_1280 {dimension_numbers = #tpu.dot_dimension_numbers<[1], [0], [0], [1], [0, 0, 1, 1], [], []>, transpose_lhs_hint = false} : vector<64x128xf32>, vector<128x128xf32>, vector<64x128xf32> -> vector<64x128xf32>
    %slice3A_1282 = vector.extract_strided_slice %get3A_66 {offsets = [5, 0, 0], sizes = [1, 128, 128], strides = [1, 1, 1]} : vector<16x128x128xf32> to vector<1x128x128xf32>
    %squeeze3A_1283 = vector.shape_cast %slice3A_1282 : vector<1x128x128xf32> to vector<128x128xf32>
    %dot_general3A_1284 = arith.constant dense<0.000000e+00> : vector<64x128xf32>
    %dot_general3A_1285 = tpu.matmul %select_n3A_932, %squeeze3A_1283, %dot_general3A_1284 {dimension_numbers = #tpu.dot_dimension_numbers<[1], [0], [0], [1], [0, 0, 1, 1], [], []>, transpose_lhs_hint = false} : vector<64x128xf32>, vector<128x128xf32>, vector<64x128xf32> -> vector<64x128xf32>
    %slice3A_1286 = vector.extract_strided_slice %get3A_66 {offsets = [6, 0, 0], sizes = [1, 128, 128], strides = [1, 1, 1]} : vector<16x128x128xf32> to vector<1x128x128xf32>
    %squeeze3A_1287 = vector.shape_cast %slice3A_1286 : vector<1x128x128xf32> to vector<128x128xf32>
    %dot_general3A_1288 = arith.constant dense<0.000000e+00> : vector<64x128xf32>
    %dot_general3A_1289 = tpu.matmul %select_n3A_941, %squeeze3A_1287, %dot_general3A_1288 {dimension_numbers = #tpu.dot_dimension_numbers<[1], [0], [0], [1], [0, 0, 1, 1], [], []>, transpose_lhs_hint = false} : vector<64x128xf32>, vector<128x128xf32>, vector<64x128xf32> -> vector<64x128xf32>
    %slice3A_1290 = vector.extract_strided_slice %get3A_66 {offsets = [7, 0, 0], sizes = [1, 128, 128], strides = [1, 1, 1]} : vector<16x128x128xf32> to vector<1x128x128xf32>
    %squeeze3A_1291 = vector.shape_cast %slice3A_1290 : vector<1x128x128xf32> to vector<128x128xf32>
    %dot_general3A_1292 = arith.constant dense<0.000000e+00> : vector<64x128xf32>
    %dot_general3A_1293 = tpu.matmul %select_n3A_950, %squeeze3A_1291, %dot_general3A_1292 {dimension_numbers = #tpu.dot_dimension_numbers<[1], [0], [0], [1], [0, 0, 1, 1], [], []>, transpose_lhs_hint = false} : vector<64x128xf32>, vector<128x128xf32>, vector<64x128xf32> -> vector<64x128xf32>
    %slice3A_1294 = vector.extract_strided_slice %get3A_66 {offsets = [8, 0, 0], sizes = [1, 128, 128], strides = [1, 1, 1]} : vector<16x128x128xf32> to vector<1x128x128xf32>
    %squeeze3A_1295 = vector.shape_cast %slice3A_1294 : vector<1x128x128xf32> to vector<128x128xf32>
    %dot_general3A_1296 = arith.constant dense<0.000000e+00> : vector<64x128xf32>
    %dot_general3A_1297 = tpu.matmul %select_n3A_959, %squeeze3A_1295, %dot_general3A_1296 {dimension_numbers = #tpu.dot_dimension_numbers<[1], [0], [0], [1], [0, 0, 1, 1], [], []>, transpose_lhs_hint = false} : vector<64x128xf32>, vector<128x128xf32>, vector<64x128xf32> -> vector<64x128xf32>
    %slice3A_1298 = vector.extract_strided_slice %get3A_66 {offsets = [9, 0, 0], sizes = [1, 128, 128], strides = [1, 1, 1]} : vector<16x128x128xf32> to vector<1x128x128xf32>
    %squeeze3A_1299 = vector.shape_cast %slice3A_1298 : vector<1x128x128xf32> to vector<128x128xf32>
    %dot_general3A_1300 = arith.constant dense<0.000000e+00> : vector<64x128xf32>
    %dot_general3A_1301 = tpu.matmul %select_n3A_968, %squeeze3A_1299, %dot_general3A_1300 {dimension_numbers = #tpu.dot_dimension_numbers<[1], [0], [0], [1], [0, 0, 1, 1], [], []>, transpose_lhs_hint = false} : vector<64x128xf32>, vector<128x128xf32>, vector<64x128xf32> -> vector<64x128xf32>
    %slice3A_1302 = vector.extract_strided_slice %get3A_66 {offsets = [10, 0, 0], sizes = [1, 128, 128], strides = [1, 1, 1]} : vector<16x128x128xf32> to vector<1x128x128xf32>
    %squeeze3A_1303 = vector.shape_cast %slice3A_1302 : vector<1x128x128xf32> to vector<128x128xf32>
    %dot_general3A_1304 = arith.constant dense<0.000000e+00> : vector<64x128xf32>
    %dot_general3A_1305 = tpu.matmul %select_n3A_977, %squeeze3A_1303, %dot_general3A_1304 {dimension_numbers = #tpu.dot_dimension_numbers<[1], [0], [0], [1], [0, 0, 1, 1], [], []>, transpose_lhs_hint = false} : vector<64x128xf32>, vector<128x128xf32>, vector<64x128xf32> -> vector<64x128xf32>
    %slice3A_1306 = vector.extract_strided_slice %get3A_66 {offsets = [11, 0, 0], sizes = [1, 128, 128], strides = [1, 1, 1]} : vector<16x128x128xf32> to vector<1x128x128xf32>
    %squeeze3A_1307 = vector.shape_cast %slice3A_1306 : vector<1x128x128xf32> to vector<128x128xf32>
    %dot_general3A_1308 = arith.constant dense<0.000000e+00> : vector<64x128xf32>
    %dot_general3A_1309 = tpu.matmul %select_n3A_986, %squeeze3A_1307, %dot_general3A_1308 {dimension_numbers = #tpu.dot_dimension_numbers<[1], [0], [0], [1], [0, 0, 1, 1], [], []>, transpose_lhs_hint = false} : vector<64x128xf32>, vector<128x128xf32>, vector<64x128xf32> -> vector<64x128xf32>
    %slice3A_1310 = vector.extract_strided_slice %get3A_66 {offsets = [12, 0, 0], sizes = [1, 128, 128], strides = [1, 1, 1]} : vector<16x128x128xf32> to vector<1x128x128xf32>
    %squeeze3A_1311 = vector.shape_cast %slice3A_1310 : vector<1x128x128xf32> to vector<128x128xf32>
    %dot_general3A_1312 = arith.constant dense<0.000000e+00> : vector<64x128xf32>
    %dot_general3A_1313 = tpu.matmul %select_n3A_995, %squeeze3A_1311, %dot_general3A_1312 {dimension_numbers = #tpu.dot_dimension_numbers<[1], [0], [0], [1], [0, 0, 1, 1], [], []>, transpose_lhs_hint = false} : vector<64x128xf32>, vector<128x128xf32>, vector<64x128xf32> -> vector<64x128xf32>
    %slice3A_1314 = vector.extract_strided_slice %get3A_66 {offsets = [13, 0, 0], sizes = [1, 128, 128], strides = [1, 1, 1]} : vector<16x128x128xf32> to vector<1x128x128xf32>
    %squeeze3A_1315 = vector.shape_cast %slice3A_1314 : vector<1x128x128xf32> to vector<128x128xf32>
    %dot_general3A_1316 = arith.constant dense<0.000000e+00> : vector<64x128xf32>
    %dot_general3A_1317 = tpu.matmul %select_n3A_1004, %squeeze3A_1315, %dot_general3A_1316 {dimension_numbers = #tpu.dot_dimension_numbers<[1], [0], [0], [1], [0, 0, 1, 1], [], []>, transpose_lhs_hint = false} : vector<64x128xf32>, vector<128x128xf32>, vector<64x128xf32> -> vector<64x128xf32>
    %slice3A_1318 = vector.extract_strided_slice %get3A_66 {offsets = [14, 0, 0], sizes = [1, 128, 128], strides = [1, 1, 1]} : vector<16x128x128xf32> to vector<1x128x128xf32>
    %squeeze3A_1319 = vector.shape_cast %slice3A_1318 : vector<1x128x128xf32> to vector<128x128xf32>
    %dot_general3A_1320 = arith.constant dense<0.000000e+00> : vector<64x128xf32>
    %dot_general3A_1321 = tpu.matmul %select_n3A_1013, %squeeze3A_1319, %dot_general3A_1320 {dimension_numbers = #tpu.dot_dimension_numbers<[1], [0], [0], [1], [0, 0, 1, 1], [], []>, transpose_lhs_hint = false} : vector<64x128xf32>, vector<128x128xf32>, vector<64x128xf32> -> vector<64x128xf32>
    %slice3A_1322 = vector.extract_strided_slice %get3A_66 {offsets = [15, 0, 0], sizes = [1, 128, 128], strides = [1, 1, 1]} : vector<16x128x128xf32> to vector<1x128x128xf32>
    %squeeze3A_1323 = vector.shape_cast %slice3A_1322 : vector<1x128x128xf32> to vector<128x128xf32>
    %dot_general3A_1324 = arith.constant dense<0.000000e+00> : vector<64x128xf32>
    %dot_general3A_1325 = tpu.matmul %select_n3A_1022, %squeeze3A_1323, %dot_general3A_1324 {dimension_numbers = #tpu.dot_dimension_numbers<[1], [0], [0], [1], [0, 0, 1, 1], [], []>, transpose_lhs_hint = false} : vector<64x128xf32>, vector<128x128xf32>, vector<64x128xf32> -> vector<64x128xf32>
    %dot_general3A_1326 = arith.constant dense<0.000000e+00> : vector<64x64xf32>
    %dot_general3A_1327 = tpu.matmul %dot_general3A_1265, %select_n3A_1030, %dot_general3A_1326 {dimension_numbers = #tpu.dot_dimension_numbers<[1], [0], [0], [1], [0, 0, 1, 1], [], []>, transpose_lhs_hint = false} : vector<64x128xf32>, vector<128x64xf32>, vector<64x64xf32> -> vector<64x64xf32>
    %dot_general3A_1328 = arith.constant dense<0.000000e+00> : vector<64x64xf32>
    %dot_general3A_1329 = tpu.matmul %dot_general3A_1269, %select_n3A_1038, %dot_general3A_1328 {dimension_numbers = #tpu.dot_dimension_numbers<[1], [0], [0], [1], [0, 0, 1, 1], [], []>, transpose_lhs_hint = false} : vector<64x128xf32>, vector<128x64xf32>, vector<64x64xf32> -> vector<64x64xf32>
    %dot_general3A_1330 = arith.constant dense<0.000000e+00> : vector<64x64xf32>
    %dot_general3A_1331 = tpu.matmul %dot_general3A_1273, %select_n3A_1046, %dot_general3A_1330 {dimension_numbers = #tpu.dot_dimension_numbers<[1], [0], [0], [1], [0, 0, 1, 1], [], []>, transpose_lhs_hint = false} : vector<64x128xf32>, vector<128x64xf32>, vector<64x64xf32> -> vector<64x64xf32>
    %dot_general3A_1332 = arith.constant dense<0.000000e+00> : vector<64x64xf32>
    %dot_general3A_1333 = tpu.matmul %dot_general3A_1277, %select_n3A_1054, %dot_general3A_1332 {dimension_numbers = #tpu.dot_dimension_numbers<[1], [0], [0], [1], [0, 0, 1, 1], [], []>, transpose_lhs_hint = false} : vector<64x128xf32>, vector<128x64xf32>, vector<64x64xf32> -> vector<64x64xf32>
    %dot_general3A_1334 = arith.constant dense<0.000000e+00> : vector<64x64xf32>
    %dot_general3A_1335 = tpu.matmul %dot_general3A_1281, %select_n3A_1062, %dot_general3A_1334 {dimension_numbers = #tpu.dot_dimension_numbers<[1], [0], [0], [1], [0, 0, 1, 1], [], []>, transpose_lhs_hint = false} : vector<64x128xf32>, vector<128x64xf32>, vector<64x64xf32> -> vector<64x64xf32>
    %dot_general3A_1336 = arith.constant dense<0.000000e+00> : vector<64x64xf32>
    %dot_general3A_1337 = tpu.matmul %dot_general3A_1285, %select_n3A_1070, %dot_general3A_1336 {dimension_numbers = #tpu.dot_dimension_numbers<[1], [0], [0], [1], [0, 0, 1, 1], [], []>, transpose_lhs_hint = false} : vector<64x128xf32>, vector<128x64xf32>, vector<64x64xf32> -> vector<64x64xf32>
    %dot_general3A_1338 = arith.constant dense<0.000000e+00> : vector<64x64xf32>
    %dot_general3A_1339 = tpu.matmul %dot_general3A_1289, %select_n3A_1078, %dot_general3A_1338 {dimension_numbers = #tpu.dot_dimension_numbers<[1], [0], [0], [1], [0, 0, 1, 1], [], []>, transpose_lhs_hint = false} : vector<64x128xf32>, vector<128x64xf32>, vector<64x64xf32> -> vector<64x64xf32>
    %dot_general3A_1340 = arith.constant dense<0.000000e+00> : vector<64x64xf32>
    %dot_general3A_1341 = tpu.matmul %dot_general3A_1293, %select_n3A_1086, %dot_general3A_1340 {dimension_numbers = #tpu.dot_dimension_numbers<[1], [0], [0], [1], [0, 0, 1, 1], [], []>, transpose_lhs_hint = false} : vector<64x128xf32>, vector<128x64xf32>, vector<64x64xf32> -> vector<64x64xf32>
    %dot_general3A_1342 = arith.constant dense<0.000000e+00> : vector<64x64xf32>
    %dot_general3A_1343 = tpu.matmul %dot_general3A_1297, %select_n3A_1094, %dot_general3A_1342 {dimension_numbers = #tpu.dot_dimension_numbers<[1], [0], [0], [1], [0, 0, 1, 1], [], []>, transpose_lhs_hint = false} : vector<64x128xf32>, vector<128x64xf32>, vector<64x64xf32> -> vector<64x64xf32>
    %dot_general3A_1344 = arith.constant dense<0.000000e+00> : vector<64x64xf32>
    %dot_general3A_1345 = tpu.matmul %dot_general3A_1301, %select_n3A_1102, %dot_general3A_1344 {dimension_numbers = #tpu.dot_dimension_numbers<[1], [0], [0], [1], [0, 0, 1, 1], [], []>, transpose_lhs_hint = false} : vector<64x128xf32>, vector<128x64xf32>, vector<64x64xf32> -> vector<64x64xf32>
    %dot_general3A_1346 = arith.constant dense<0.000000e+00> : vector<64x64xf32>
    %dot_general3A_1347 = tpu.matmul %dot_general3A_1305, %select_n3A_1110, %dot_general3A_1346 {dimension_numbers = #tpu.dot_dimension_numbers<[1], [0], [0], [1], [0, 0, 1, 1], [], []>, transpose_lhs_hint = false} : vector<64x128xf32>, vector<128x64xf32>, vector<64x64xf32> -> vector<64x64xf32>
    %dot_general3A_1348 = arith.constant dense<0.000000e+00> : vector<64x64xf32>
    %dot_general3A_1349 = tpu.matmul %dot_general3A_1309, %select_n3A_1118, %dot_general3A_1348 {dimension_numbers = #tpu.dot_dimension_numbers<[1], [0], [0], [1], [0, 0, 1, 1], [], []>, transpose_lhs_hint = false} : vector<64x128xf32>, vector<128x64xf32>, vector<64x64xf32> -> vector<64x64xf32>
    %dot_general3A_1350 = arith.constant dense<0.000000e+00> : vector<64x64xf32>
    %dot_general3A_1351 = tpu.matmul %dot_general3A_1313, %select_n3A_1126, %dot_general3A_1350 {dimension_numbers = #tpu.dot_dimension_numbers<[1], [0], [0], [1], [0, 0, 1, 1], [], []>, transpose_lhs_hint = false} : vector<64x128xf32>, vector<128x64xf32>, vector<64x64xf32> -> vector<64x64xf32>
    %dot_general3A_1352 = arith.constant dense<0.000000e+00> : vector<64x64xf32>
    %dot_general3A_1353 = tpu.matmul %dot_general3A_1317, %select_n3A_1134, %dot_general3A_1352 {dimension_numbers = #tpu.dot_dimension_numbers<[1], [0], [0], [1], [0, 0, 1, 1], [], []>, transpose_lhs_hint = false} : vector<64x128xf32>, vector<128x64xf32>, vector<64x64xf32> -> vector<64x64xf32>
    %dot_general3A_1354 = arith.constant dense<0.000000e+00> : vector<64x64xf32>
    %dot_general3A_1355 = tpu.matmul %dot_general3A_1321, %select_n3A_1142, %dot_general3A_1354 {dimension_numbers = #tpu.dot_dimension_numbers<[1], [0], [0], [1], [0, 0, 1, 1], [], []>, transpose_lhs_hint = false} : vector<64x128xf32>, vector<128x64xf32>, vector<64x64xf32> -> vector<64x64xf32>
    %dot_general3A_1356 = arith.constant dense<0.000000e+00> : vector<64x64xf32>
    %dot_general3A_1357 = tpu.matmul %dot_general3A_1325, %select_n3A_1150, %dot_general3A_1356 {dimension_numbers = #tpu.dot_dimension_numbers<[1], [0], [0], [1], [0, 0, 1, 1], [], []>, transpose_lhs_hint = false} : vector<64x128xf32>, vector<128x64xf32>, vector<64x64xf32> -> vector<64x64xf32>
    %dot_general3A_1358 = arith.constant dense<0.000000e+00> : vector<64x8xf32>
    %dot_general3A_1359 = tpu.matmul %select_n3A_887, %max3A_3, %dot_general3A_1358 {dimension_numbers = #tpu.dot_dimension_numbers<[1], [0], [0], [1], [0, 0, 1, 1], [], []>, transpose_lhs_hint = false} : vector<64x128xf32>, vector<128x8xf32>, vector<64x8xf32> -> vector<64x8xf32>
    %dot_general3A_1360 = arith.constant dense<0.000000e+00> : vector<64x8xf32>
    %dot_general3A_1361 = tpu.matmul %select_n3A_896, %max3A_3, %dot_general3A_1360 {dimension_numbers = #tpu.dot_dimension_numbers<[1], [0], [0], [1], [0, 0, 1, 1], [], []>, transpose_lhs_hint = false} : vector<64x128xf32>, vector<128x8xf32>, vector<64x8xf32> -> vector<64x8xf32>
    %dot_general3A_1362 = arith.constant dense<0.000000e+00> : vector<64x8xf32>
    %dot_general3A_1363 = tpu.matmul %select_n3A_905, %max3A_3, %dot_general3A_1362 {dimension_numbers = #tpu.dot_dimension_numbers<[1], [0], [0], [1], [0, 0, 1, 1], [], []>, transpose_lhs_hint = false} : vector<64x128xf32>, vector<128x8xf32>, vector<64x8xf32> -> vector<64x8xf32>
    %dot_general3A_1364 = arith.constant dense<0.000000e+00> : vector<64x8xf32>
    %dot_general3A_1365 = tpu.matmul %select_n3A_914, %max3A_3, %dot_general3A_1364 {dimension_numbers = #tpu.dot_dimension_numbers<[1], [0], [0], [1], [0, 0, 1, 1], [], []>, transpose_lhs_hint = false} : vector<64x128xf32>, vector<128x8xf32>, vector<64x8xf32> -> vector<64x8xf32>
    %dot_general3A_1366 = arith.constant dense<0.000000e+00> : vector<64x8xf32>
    %dot_general3A_1367 = tpu.matmul %select_n3A_923, %max3A_3, %dot_general3A_1366 {dimension_numbers = #tpu.dot_dimension_numbers<[1], [0], [0], [1], [0, 0, 1, 1], [], []>, transpose_lhs_hint = false} : vector<64x128xf32>, vector<128x8xf32>, vector<64x8xf32> -> vector<64x8xf32>
    %dot_general3A_1368 = arith.constant dense<0.000000e+00> : vector<64x8xf32>
    %dot_general3A_1369 = tpu.matmul %select_n3A_932, %max3A_3, %dot_general3A_1368 {dimension_numbers = #tpu.dot_dimension_numbers<[1], [0], [0], [1], [0, 0, 1, 1], [], []>, transpose_lhs_hint = false} : vector<64x128xf32>, vector<128x8xf32>, vector<64x8xf32> -> vector<64x8xf32>
    %dot_general3A_1370 = arith.constant dense<0.000000e+00> : vector<64x8xf32>
    %dot_general3A_1371 = tpu.matmul %select_n3A_941, %max3A_3, %dot_general3A_1370 {dimension_numbers = #tpu.dot_dimension_numbers<[1], [0], [0], [1], [0, 0, 1, 1], [], []>, transpose_lhs_hint = false} : vector<64x128xf32>, vector<128x8xf32>, vector<64x8xf32> -> vector<64x8xf32>
    %dot_general3A_1372 = arith.constant dense<0.000000e+00> : vector<64x8xf32>
    %dot_general3A_1373 = tpu.matmul %select_n3A_950, %max3A_3, %dot_general3A_1372 {dimension_numbers = #tpu.dot_dimension_numbers<[1], [0], [0], [1], [0, 0, 1, 1], [], []>, transpose_lhs_hint = false} : vector<64x128xf32>, vector<128x8xf32>, vector<64x8xf32> -> vector<64x8xf32>
    %dot_general3A_1374 = arith.constant dense<0.000000e+00> : vector<64x8xf32>
    %dot_general3A_1375 = tpu.matmul %select_n3A_959, %max3A_3, %dot_general3A_1374 {dimension_numbers = #tpu.dot_dimension_numbers<[1], [0], [0], [1], [0, 0, 1, 1], [], []>, transpose_lhs_hint = false} : vector<64x128xf32>, vector<128x8xf32>, vector<64x8xf32> -> vector<64x8xf32>
    %dot_general3A_1376 = arith.constant dense<0.000000e+00> : vector<64x8xf32>
    %dot_general3A_1377 = tpu.matmul %select_n3A_968, %max3A_3, %dot_general3A_1376 {dimension_numbers = #tpu.dot_dimension_numbers<[1], [0], [0], [1], [0, 0, 1, 1], [], []>, transpose_lhs_hint = false} : vector<64x128xf32>, vector<128x8xf32>, vector<64x8xf32> -> vector<64x8xf32>
    %dot_general3A_1378 = arith.constant dense<0.000000e+00> : vector<64x8xf32>
    %dot_general3A_1379 = tpu.matmul %select_n3A_977, %max3A_3, %dot_general3A_1378 {dimension_numbers = #tpu.dot_dimension_numbers<[1], [0], [0], [1], [0, 0, 1, 1], [], []>, transpose_lhs_hint = false} : vector<64x128xf32>, vector<128x8xf32>, vector<64x8xf32> -> vector<64x8xf32>
    %dot_general3A_1380 = arith.constant dense<0.000000e+00> : vector<64x8xf32>
    %dot_general3A_1381 = tpu.matmul %select_n3A_986, %max3A_3, %dot_general3A_1380 {dimension_numbers = #tpu.dot_dimension_numbers<[1], [0], [0], [1], [0, 0, 1, 1], [], []>, transpose_lhs_hint = false} : vector<64x128xf32>, vector<128x8xf32>, vector<64x8xf32> -> vector<64x8xf32>
    %dot_general3A_1382 = arith.constant dense<0.000000e+00> : vector<64x8xf32>
    %dot_general3A_1383 = tpu.matmul %select_n3A_995, %max3A_3, %dot_general3A_1382 {dimension_numbers = #tpu.dot_dimension_numbers<[1], [0], [0], [1], [0, 0, 1, 1], [], []>, transpose_lhs_hint = false} : vector<64x128xf32>, vector<128x8xf32>, vector<64x8xf32> -> vector<64x8xf32>
    %dot_general3A_1384 = arith.constant dense<0.000000e+00> : vector<64x8xf32>
    %dot_general3A_1385 = tpu.matmul %select_n3A_1004, %max3A_3, %dot_general3A_1384 {dimension_numbers = #tpu.dot_dimension_numbers<[1], [0], [0], [1], [0, 0, 1, 1], [], []>, transpose_lhs_hint = false} : vector<64x128xf32>, vector<128x8xf32>, vector<64x8xf32> -> vector<64x8xf32>
    %dot_general3A_1386 = arith.constant dense<0.000000e+00> : vector<64x8xf32>
    %dot_general3A_1387 = tpu.matmul %select_n3A_1013, %max3A_3, %dot_general3A_1386 {dimension_numbers = #tpu.dot_dimension_numbers<[1], [0], [0], [1], [0, 0, 1, 1], [], []>, transpose_lhs_hint = false} : vector<64x128xf32>, vector<128x8xf32>, vector<64x8xf32> -> vector<64x8xf32>
    %dot_general3A_1388 = arith.constant dense<0.000000e+00> : vector<64x8xf32>
    %dot_general3A_1389 = tpu.matmul %select_n3A_1022, %max3A_3, %dot_general3A_1388 {dimension_numbers = #tpu.dot_dimension_numbers<[1], [0], [0], [1], [0, 0, 1, 1], [], []>, transpose_lhs_hint = false} : vector<64x128xf32>, vector<128x8xf32>, vector<64x8xf32> -> vector<64x8xf32>
    %concatenate3A_1390 = tpu.concatenate %dot_general3A_1186, %dot_general3A_1191, %dot_general3A_1196, %dot_general3A_1201, %dot_general3A_1206, %dot_general3A_1211, %dot_general3A_1216, %dot_general3A_1221, %dot_general3A_1226, %dot_general3A_1231, %dot_general3A_1236, %dot_general3A_1241, %dot_general3A_1246, %dot_general3A_1251, %dot_general3A_1256, %dot_general3A_1261 in 0 : vector<64x32xf32>, vector<64x32xf32>, vector<64x32xf32>, vector<64x32xf32>, vector<64x32xf32>, vector<64x32xf32>, vector<64x32xf32>, vector<64x32xf32>, vector<64x32xf32>, vector<64x32xf32>, vector<64x32xf32>, vector<64x32xf32>, vector<64x32xf32>, vector<64x32xf32>, vector<64x32xf32>, vector<64x32xf32> -> vector<1024x32xf32>
    %concatenate3A_1391 = tpu.concatenate %dot_general3A_1359, %dot_general3A_1361, %dot_general3A_1363, %dot_general3A_1365, %dot_general3A_1367, %dot_general3A_1369, %dot_general3A_1371, %dot_general3A_1373, %dot_general3A_1375, %dot_general3A_1377, %dot_general3A_1379, %dot_general3A_1381, %dot_general3A_1383, %dot_general3A_1385, %dot_general3A_1387, %dot_general3A_1389 in 0 : vector<64x8xf32>, vector<64x8xf32>, vector<64x8xf32>, vector<64x8xf32>, vector<64x8xf32>, vector<64x8xf32>, vector<64x8xf32>, vector<64x8xf32>, vector<64x8xf32>, vector<64x8xf32>, vector<64x8xf32>, vector<64x8xf32>, vector<64x8xf32>, vector<64x8xf32>, vector<64x8xf32>, vector<64x8xf32> -> vector<1024x8xf32>
    %broadcast_in_dim3A_1392 = arith.constant 1.000000e+00 : f32
    %broadcast_in_dim3A_1393 = vector.broadcast %broadcast_in_dim3A_1392 : f32 to vector<1024x1xf32>
    %concatenate3A_1394 = tpu.concatenate %concatenate3A_1391, %broadcast_in_dim3A_1393 in 1 : vector<1024x8xf32>, vector<1024x1xf32> -> vector<1024x9xf32>
    %dot_general3A_1395 = arith.constant dense<0.000000e+00> : vector<1024x288xf32>
    %dot_general3A_1396 = tpu.matmul %concatenate3A_1394, %select_n3A, %dot_general3A_1395 {dimension_numbers = #tpu.dot_dimension_numbers<[1], [0], [0], [1], [0, 0, 1, 1], [], []>, transpose_lhs_hint = false} : vector<1024x9xf32>, vector<9x288xf32>, vector<1024x288xf32> -> vector<1024x288xf32>
    %dot_general3A_1397 = arith.constant dense<0.000000e+00> : vector<1024x288xf32>
    %dot_general3A_1398 = tpu.matmul %concatenate3A_1390, %get3A_6, %dot_general3A_1397 {dimension_numbers = #tpu.dot_dimension_numbers<[1], [0], [0], [1], [0, 0, 1, 1], [], []>, transpose_lhs_hint = false} : vector<1024x32xf32>, vector<32x288xf32>, vector<1024x288xf32> -> vector<1024x288xf32>
    %mul3A_1399 = arith.mulf %dot_general3A_1396, %dot_general3A_1398 : vector<1024x288xf32>
    %dot_general3A_1400 = arith.constant dense<0.000000e+00> : vector<1024x32xf32>
    %dot_general3A_1401 = tpu.matmul %mul3A_1399, %select_n3A_55, %dot_general3A_1400 {dimension_numbers = #tpu.dot_dimension_numbers<[1], [0], [0], [1], [0, 0, 1, 1], [], []>, transpose_lhs_hint = false} : vector<1024x288xf32>, vector<288x32xf32>, vector<1024x32xf32> -> vector<1024x32xf32>
    %slice3A_1402 = vector.extract_strided_slice %dot_general3A_1401 {offsets = [0, 0], sizes = [64, 32], strides = [1, 1]} : vector<1024x32xf32> to vector<64x32xf32>
    %dot_general3A_1403 = arith.constant dense<0.000000e+00> : vector<64x32xf32>
    %dot_general3A_1404 = tpu.matmul %dot_general3A_1327, %slice3A_1402, %dot_general3A_1403 {dimension_numbers = #tpu.dot_dimension_numbers<[1], [0], [0], [1], [0, 0, 1, 1], [], []>, transpose_lhs_hint = false} : vector<64x64xf32>, vector<64x32xf32>, vector<64x32xf32> -> vector<64x32xf32>
    %get3A_1405 = arith.constant 0 : index
    %get3A_1406 = arith.constant 0 : index
    %get3A_1407 = vector.load %arg7[%get3A_1405, %get3A_1406] : memref<1x32xf32, #tpu.memory_space<vmem>>, vector<1x32xf32>
    %add3A_1408 = vector.broadcast %get3A_1407 : vector<1x32xf32> to vector<64x32xf32>
    %add3A_1409 = arith.addf %dot_general3A_1404, %add3A_1408 : vector<64x32xf32>
    %max3A_1410 = arith.constant 0.000000e+00 : f32
    %max3A_1411 = vector.broadcast %max3A_1410 : f32 to vector<64x32xf32>
    %max3A_1412 = arith.maximumf %add3A_1409, %max3A_1411 : vector<64x32xf32>
    %slice3A_1413 = vector.extract_strided_slice %dot_general3A_1401 {offsets = [64, 0], sizes = [64, 32], strides = [1, 1]} : vector<1024x32xf32> to vector<64x32xf32>
    %dot_general3A_1414 = arith.constant dense<0.000000e+00> : vector<64x32xf32>
    %dot_general3A_1415 = tpu.matmul %dot_general3A_1329, %slice3A_1413, %dot_general3A_1414 {dimension_numbers = #tpu.dot_dimension_numbers<[1], [0], [0], [1], [0, 0, 1, 1], [], []>, transpose_lhs_hint = false} : vector<64x64xf32>, vector<64x32xf32>, vector<64x32xf32> -> vector<64x32xf32>
    %get3A_1416 = arith.constant 0 : index
    %get3A_1417 = arith.constant 0 : index
    %get3A_1418 = vector.load %arg7[%get3A_1416, %get3A_1417] : memref<1x32xf32, #tpu.memory_space<vmem>>, vector<1x32xf32>
    %add3A_1419 = vector.broadcast %get3A_1418 : vector<1x32xf32> to vector<64x32xf32>
    %add3A_1420 = arith.addf %dot_general3A_1415, %add3A_1419 : vector<64x32xf32>
    %max3A_1421 = arith.constant 0.000000e+00 : f32
    %max3A_1422 = vector.broadcast %max3A_1421 : f32 to vector<64x32xf32>
    %max3A_1423 = arith.maximumf %add3A_1420, %max3A_1422 : vector<64x32xf32>
    %slice3A_1424 = vector.extract_strided_slice %dot_general3A_1401 {offsets = [128, 0], sizes = [64, 32], strides = [1, 1]} : vector<1024x32xf32> to vector<64x32xf32>
    %dot_general3A_1425 = arith.constant dense<0.000000e+00> : vector<64x32xf32>
    %dot_general3A_1426 = tpu.matmul %dot_general3A_1331, %slice3A_1424, %dot_general3A_1425 {dimension_numbers = #tpu.dot_dimension_numbers<[1], [0], [0], [1], [0, 0, 1, 1], [], []>, transpose_lhs_hint = false} : vector<64x64xf32>, vector<64x32xf32>, vector<64x32xf32> -> vector<64x32xf32>
    %get3A_1427 = arith.constant 0 : index
    %get3A_1428 = arith.constant 0 : index
    %get3A_1429 = vector.load %arg7[%get3A_1427, %get3A_1428] : memref<1x32xf32, #tpu.memory_space<vmem>>, vector<1x32xf32>
    %add3A_1430 = vector.broadcast %get3A_1429 : vector<1x32xf32> to vector<64x32xf32>
    %add3A_1431 = arith.addf %dot_general3A_1426, %add3A_1430 : vector<64x32xf32>
    %max3A_1432 = arith.constant 0.000000e+00 : f32
    %max3A_1433 = vector.broadcast %max3A_1432 : f32 to vector<64x32xf32>
    %max3A_1434 = arith.maximumf %add3A_1431, %max3A_1433 : vector<64x32xf32>
    %slice3A_1435 = vector.extract_strided_slice %dot_general3A_1401 {offsets = [192, 0], sizes = [64, 32], strides = [1, 1]} : vector<1024x32xf32> to vector<64x32xf32>
    %dot_general3A_1436 = arith.constant dense<0.000000e+00> : vector<64x32xf32>
    %dot_general3A_1437 = tpu.matmul %dot_general3A_1333, %slice3A_1435, %dot_general3A_1436 {dimension_numbers = #tpu.dot_dimension_numbers<[1], [0], [0], [1], [0, 0, 1, 1], [], []>, transpose_lhs_hint = false} : vector<64x64xf32>, vector<64x32xf32>, vector<64x32xf32> -> vector<64x32xf32>
    %get3A_1438 = arith.constant 0 : index
    %get3A_1439 = arith.constant 0 : index
    %get3A_1440 = vector.load %arg7[%get3A_1438, %get3A_1439] : memref<1x32xf32, #tpu.memory_space<vmem>>, vector<1x32xf32>
    %add3A_1441 = vector.broadcast %get3A_1440 : vector<1x32xf32> to vector<64x32xf32>
    %add3A_1442 = arith.addf %dot_general3A_1437, %add3A_1441 : vector<64x32xf32>
    %max3A_1443 = arith.constant 0.000000e+00 : f32
    %max3A_1444 = vector.broadcast %max3A_1443 : f32 to vector<64x32xf32>
    %max3A_1445 = arith.maximumf %add3A_1442, %max3A_1444 : vector<64x32xf32>
    %slice3A_1446 = vector.extract_strided_slice %dot_general3A_1401 {offsets = [256, 0], sizes = [64, 32], strides = [1, 1]} : vector<1024x32xf32> to vector<64x32xf32>
    %dot_general3A_1447 = arith.constant dense<0.000000e+00> : vector<64x32xf32>
    %dot_general3A_1448 = tpu.matmul %dot_general3A_1335, %slice3A_1446, %dot_general3A_1447 {dimension_numbers = #tpu.dot_dimension_numbers<[1], [0], [0], [1], [0, 0, 1, 1], [], []>, transpose_lhs_hint = false} : vector<64x64xf32>, vector<64x32xf32>, vector<64x32xf32> -> vector<64x32xf32>
    %get3A_1449 = arith.constant 0 : index
    %get3A_1450 = arith.constant 0 : index
    %get3A_1451 = vector.load %arg7[%get3A_1449, %get3A_1450] : memref<1x32xf32, #tpu.memory_space<vmem>>, vector<1x32xf32>
    %add3A_1452 = vector.broadcast %get3A_1451 : vector<1x32xf32> to vector<64x32xf32>
    %add3A_1453 = arith.addf %dot_general3A_1448, %add3A_1452 : vector<64x32xf32>
    %max3A_1454 = arith.constant 0.000000e+00 : f32
    %max3A_1455 = vector.broadcast %max3A_1454 : f32 to vector<64x32xf32>
    %max3A_1456 = arith.maximumf %add3A_1453, %max3A_1455 : vector<64x32xf32>
    %slice3A_1457 = vector.extract_strided_slice %dot_general3A_1401 {offsets = [320, 0], sizes = [64, 32], strides = [1, 1]} : vector<1024x32xf32> to vector<64x32xf32>
    %dot_general3A_1458 = arith.constant dense<0.000000e+00> : vector<64x32xf32>
    %dot_general3A_1459 = tpu.matmul %dot_general3A_1337, %slice3A_1457, %dot_general3A_1458 {dimension_numbers = #tpu.dot_dimension_numbers<[1], [0], [0], [1], [0, 0, 1, 1], [], []>, transpose_lhs_hint = false} : vector<64x64xf32>, vector<64x32xf32>, vector<64x32xf32> -> vector<64x32xf32>
    %get3A_1460 = arith.constant 0 : index
    %get3A_1461 = arith.constant 0 : index
    %get3A_1462 = vector.load %arg7[%get3A_1460, %get3A_1461] : memref<1x32xf32, #tpu.memory_space<vmem>>, vector<1x32xf32>
    %add3A_1463 = vector.broadcast %get3A_1462 : vector<1x32xf32> to vector<64x32xf32>
    %add3A_1464 = arith.addf %dot_general3A_1459, %add3A_1463 : vector<64x32xf32>
    %max3A_1465 = arith.constant 0.000000e+00 : f32
    %max3A_1466 = vector.broadcast %max3A_1465 : f32 to vector<64x32xf32>
    %max3A_1467 = arith.maximumf %add3A_1464, %max3A_1466 : vector<64x32xf32>
    %slice3A_1468 = vector.extract_strided_slice %dot_general3A_1401 {offsets = [384, 0], sizes = [64, 32], strides = [1, 1]} : vector<1024x32xf32> to vector<64x32xf32>
    %dot_general3A_1469 = arith.constant dense<0.000000e+00> : vector<64x32xf32>
    %dot_general3A_1470 = tpu.matmul %dot_general3A_1339, %slice3A_1468, %dot_general3A_1469 {dimension_numbers = #tpu.dot_dimension_numbers<[1], [0], [0], [1], [0, 0, 1, 1], [], []>, transpose_lhs_hint = false} : vector<64x64xf32>, vector<64x32xf32>, vector<64x32xf32> -> vector<64x32xf32>
    %get3A_1471 = arith.constant 0 : index
    %get3A_1472 = arith.constant 0 : index
    %get3A_1473 = vector.load %arg7[%get3A_1471, %get3A_1472] : memref<1x32xf32, #tpu.memory_space<vmem>>, vector<1x32xf32>
    %add3A_1474 = vector.broadcast %get3A_1473 : vector<1x32xf32> to vector<64x32xf32>
    %add3A_1475 = arith.addf %dot_general3A_1470, %add3A_1474 : vector<64x32xf32>
    %max3A_1476 = arith.constant 0.000000e+00 : f32
    %max3A_1477 = vector.broadcast %max3A_1476 : f32 to vector<64x32xf32>
    %max3A_1478 = arith.maximumf %add3A_1475, %max3A_1477 : vector<64x32xf32>
    %slice3A_1479 = vector.extract_strided_slice %dot_general3A_1401 {offsets = [448, 0], sizes = [64, 32], strides = [1, 1]} : vector<1024x32xf32> to vector<64x32xf32>
    %dot_general3A_1480 = arith.constant dense<0.000000e+00> : vector<64x32xf32>
    %dot_general3A_1481 = tpu.matmul %dot_general3A_1341, %slice3A_1479, %dot_general3A_1480 {dimension_numbers = #tpu.dot_dimension_numbers<[1], [0], [0], [1], [0, 0, 1, 1], [], []>, transpose_lhs_hint = false} : vector<64x64xf32>, vector<64x32xf32>, vector<64x32xf32> -> vector<64x32xf32>
    %get3A_1482 = arith.constant 0 : index
    %get3A_1483 = arith.constant 0 : index
    %get3A_1484 = vector.load %arg7[%get3A_1482, %get3A_1483] : memref<1x32xf32, #tpu.memory_space<vmem>>, vector<1x32xf32>
    %add3A_1485 = vector.broadcast %get3A_1484 : vector<1x32xf32> to vector<64x32xf32>
    %add3A_1486 = arith.addf %dot_general3A_1481, %add3A_1485 : vector<64x32xf32>
    %max3A_1487 = arith.constant 0.000000e+00 : f32
    %max3A_1488 = vector.broadcast %max3A_1487 : f32 to vector<64x32xf32>
    %max3A_1489 = arith.maximumf %add3A_1486, %max3A_1488 : vector<64x32xf32>
    %slice3A_1490 = vector.extract_strided_slice %dot_general3A_1401 {offsets = [512, 0], sizes = [64, 32], strides = [1, 1]} : vector<1024x32xf32> to vector<64x32xf32>
    %dot_general3A_1491 = arith.constant dense<0.000000e+00> : vector<64x32xf32>
    %dot_general3A_1492 = tpu.matmul %dot_general3A_1343, %slice3A_1490, %dot_general3A_1491 {dimension_numbers = #tpu.dot_dimension_numbers<[1], [0], [0], [1], [0, 0, 1, 1], [], []>, transpose_lhs_hint = false} : vector<64x64xf32>, vector<64x32xf32>, vector<64x32xf32> -> vector<64x32xf32>
    %get3A_1493 = arith.constant 0 : index
    %get3A_1494 = arith.constant 0 : index
    %get3A_1495 = vector.load %arg7[%get3A_1493, %get3A_1494] : memref<1x32xf32, #tpu.memory_space<vmem>>, vector<1x32xf32>
    %add3A_1496 = vector.broadcast %get3A_1495 : vector<1x32xf32> to vector<64x32xf32>
    %add3A_1497 = arith.addf %dot_general3A_1492, %add3A_1496 : vector<64x32xf32>
    %max3A_1498 = arith.constant 0.000000e+00 : f32
    %max3A_1499 = vector.broadcast %max3A_1498 : f32 to vector<64x32xf32>
    %max3A_1500 = arith.maximumf %add3A_1497, %max3A_1499 : vector<64x32xf32>
    %slice3A_1501 = vector.extract_strided_slice %dot_general3A_1401 {offsets = [576, 0], sizes = [64, 32], strides = [1, 1]} : vector<1024x32xf32> to vector<64x32xf32>
    %dot_general3A_1502 = arith.constant dense<0.000000e+00> : vector<64x32xf32>
    %dot_general3A_1503 = tpu.matmul %dot_general3A_1345, %slice3A_1501, %dot_general3A_1502 {dimension_numbers = #tpu.dot_dimension_numbers<[1], [0], [0], [1], [0, 0, 1, 1], [], []>, transpose_lhs_hint = false} : vector<64x64xf32>, vector<64x32xf32>, vector<64x32xf32> -> vector<64x32xf32>
    %get3A_1504 = arith.constant 0 : index
    %get3A_1505 = arith.constant 0 : index
    %get3A_1506 = vector.load %arg7[%get3A_1504, %get3A_1505] : memref<1x32xf32, #tpu.memory_space<vmem>>, vector<1x32xf32>
    %add3A_1507 = vector.broadcast %get3A_1506 : vector<1x32xf32> to vector<64x32xf32>
    %add3A_1508 = arith.addf %dot_general3A_1503, %add3A_1507 : vector<64x32xf32>
    %max3A_1509 = arith.constant 0.000000e+00 : f32
    %max3A_1510 = vector.broadcast %max3A_1509 : f32 to vector<64x32xf32>
    %max3A_1511 = arith.maximumf %add3A_1508, %max3A_1510 : vector<64x32xf32>
    %slice3A_1512 = vector.extract_strided_slice %dot_general3A_1401 {offsets = [640, 0], sizes = [64, 32], strides = [1, 1]} : vector<1024x32xf32> to vector<64x32xf32>
    %dot_general3A_1513 = arith.constant dense<0.000000e+00> : vector<64x32xf32>
    %dot_general3A_1514 = tpu.matmul %dot_general3A_1347, %slice3A_1512, %dot_general3A_1513 {dimension_numbers = #tpu.dot_dimension_numbers<[1], [0], [0], [1], [0, 0, 1, 1], [], []>, transpose_lhs_hint = false} : vector<64x64xf32>, vector<64x32xf32>, vector<64x32xf32> -> vector<64x32xf32>
    %get3A_1515 = arith.constant 0 : index
    %get3A_1516 = arith.constant 0 : index
    %get3A_1517 = vector.load %arg7[%get3A_1515, %get3A_1516] : memref<1x32xf32, #tpu.memory_space<vmem>>, vector<1x32xf32>
    %add3A_1518 = vector.broadcast %get3A_1517 : vector<1x32xf32> to vector<64x32xf32>
    %add3A_1519 = arith.addf %dot_general3A_1514, %add3A_1518 : vector<64x32xf32>
    %max3A_1520 = arith.constant 0.000000e+00 : f32
    %max3A_1521 = vector.broadcast %max3A_1520 : f32 to vector<64x32xf32>
    %max3A_1522 = arith.maximumf %add3A_1519, %max3A_1521 : vector<64x32xf32>
    %slice3A_1523 = vector.extract_strided_slice %dot_general3A_1401 {offsets = [704, 0], sizes = [64, 32], strides = [1, 1]} : vector<1024x32xf32> to vector<64x32xf32>
    %dot_general3A_1524 = arith.constant dense<0.000000e+00> : vector<64x32xf32>
    %dot_general3A_1525 = tpu.matmul %dot_general3A_1349, %slice3A_1523, %dot_general3A_1524 {dimension_numbers = #tpu.dot_dimension_numbers<[1], [0], [0], [1], [0, 0, 1, 1], [], []>, transpose_lhs_hint = false} : vector<64x64xf32>, vector<64x32xf32>, vector<64x32xf32> -> vector<64x32xf32>
    %get3A_1526 = arith.constant 0 : index
    %get3A_1527 = arith.constant 0 : index
    %get3A_1528 = vector.load %arg7[%get3A_1526, %get3A_1527] : memref<1x32xf32, #tpu.memory_space<vmem>>, vector<1x32xf32>
    %add3A_1529 = vector.broadcast %get3A_1528 : vector<1x32xf32> to vector<64x32xf32>
    %add3A_1530 = arith.addf %dot_general3A_1525, %add3A_1529 : vector<64x32xf32>
    %max3A_1531 = arith.constant 0.000000e+00 : f32
    %max3A_1532 = vector.broadcast %max3A_1531 : f32 to vector<64x32xf32>
    %max3A_1533 = arith.maximumf %add3A_1530, %max3A_1532 : vector<64x32xf32>
    %slice3A_1534 = vector.extract_strided_slice %dot_general3A_1401 {offsets = [768, 0], sizes = [64, 32], strides = [1, 1]} : vector<1024x32xf32> to vector<64x32xf32>
    %dot_general3A_1535 = arith.constant dense<0.000000e+00> : vector<64x32xf32>
    %dot_general3A_1536 = tpu.matmul %dot_general3A_1351, %slice3A_1534, %dot_general3A_1535 {dimension_numbers = #tpu.dot_dimension_numbers<[1], [0], [0], [1], [0, 0, 1, 1], [], []>, transpose_lhs_hint = false} : vector<64x64xf32>, vector<64x32xf32>, vector<64x32xf32> -> vector<64x32xf32>
    %get3A_1537 = arith.constant 0 : index
    %get3A_1538 = arith.constant 0 : index
    %get3A_1539 = vector.load %arg7[%get3A_1537, %get3A_1538] : memref<1x32xf32, #tpu.memory_space<vmem>>, vector<1x32xf32>
    %add3A_1540 = vector.broadcast %get3A_1539 : vector<1x32xf32> to vector<64x32xf32>
    %add3A_1541 = arith.addf %dot_general3A_1536, %add3A_1540 : vector<64x32xf32>
    %max3A_1542 = arith.constant 0.000000e+00 : f32
    %max3A_1543 = vector.broadcast %max3A_1542 : f32 to vector<64x32xf32>
    %max3A_1544 = arith.maximumf %add3A_1541, %max3A_1543 : vector<64x32xf32>
    %slice3A_1545 = vector.extract_strided_slice %dot_general3A_1401 {offsets = [832, 0], sizes = [64, 32], strides = [1, 1]} : vector<1024x32xf32> to vector<64x32xf32>
    %dot_general3A_1546 = arith.constant dense<0.000000e+00> : vector<64x32xf32>
    %dot_general3A_1547 = tpu.matmul %dot_general3A_1353, %slice3A_1545, %dot_general3A_1546 {dimension_numbers = #tpu.dot_dimension_numbers<[1], [0], [0], [1], [0, 0, 1, 1], [], []>, transpose_lhs_hint = false} : vector<64x64xf32>, vector<64x32xf32>, vector<64x32xf32> -> vector<64x32xf32>
    %get3A_1548 = arith.constant 0 : index
    %get3A_1549 = arith.constant 0 : index
    %get3A_1550 = vector.load %arg7[%get3A_1548, %get3A_1549] : memref<1x32xf32, #tpu.memory_space<vmem>>, vector<1x32xf32>
    %add3A_1551 = vector.broadcast %get3A_1550 : vector<1x32xf32> to vector<64x32xf32>
    %add3A_1552 = arith.addf %dot_general3A_1547, %add3A_1551 : vector<64x32xf32>
    %max3A_1553 = arith.constant 0.000000e+00 : f32
    %max3A_1554 = vector.broadcast %max3A_1553 : f32 to vector<64x32xf32>
    %max3A_1555 = arith.maximumf %add3A_1552, %max3A_1554 : vector<64x32xf32>
    %slice3A_1556 = vector.extract_strided_slice %dot_general3A_1401 {offsets = [896, 0], sizes = [64, 32], strides = [1, 1]} : vector<1024x32xf32> to vector<64x32xf32>
    %dot_general3A_1557 = arith.constant dense<0.000000e+00> : vector<64x32xf32>
    %dot_general3A_1558 = tpu.matmul %dot_general3A_1355, %slice3A_1556, %dot_general3A_1557 {dimension_numbers = #tpu.dot_dimension_numbers<[1], [0], [0], [1], [0, 0, 1, 1], [], []>, transpose_lhs_hint = false} : vector<64x64xf32>, vector<64x32xf32>, vector<64x32xf32> -> vector<64x32xf32>
    %get3A_1559 = arith.constant 0 : index
    %get3A_1560 = arith.constant 0 : index
    %get3A_1561 = vector.load %arg7[%get3A_1559, %get3A_1560] : memref<1x32xf32, #tpu.memory_space<vmem>>, vector<1x32xf32>
    %add3A_1562 = vector.broadcast %get3A_1561 : vector<1x32xf32> to vector<64x32xf32>
    %add3A_1563 = arith.addf %dot_general3A_1558, %add3A_1562 : vector<64x32xf32>
    %max3A_1564 = arith.constant 0.000000e+00 : f32
    %max3A_1565 = vector.broadcast %max3A_1564 : f32 to vector<64x32xf32>
    %max3A_1566 = arith.maximumf %add3A_1563, %max3A_1565 : vector<64x32xf32>
    %slice3A_1567 = vector.extract_strided_slice %dot_general3A_1401 {offsets = [960, 0], sizes = [64, 32], strides = [1, 1]} : vector<1024x32xf32> to vector<64x32xf32>
    %dot_general3A_1568 = arith.constant dense<0.000000e+00> : vector<64x32xf32>
    %dot_general3A_1569 = tpu.matmul %dot_general3A_1357, %slice3A_1567, %dot_general3A_1568 {dimension_numbers = #tpu.dot_dimension_numbers<[1], [0], [0], [1], [0, 0, 1, 1], [], []>, transpose_lhs_hint = false} : vector<64x64xf32>, vector<64x32xf32>, vector<64x32xf32> -> vector<64x32xf32>
    %get3A_1570 = arith.constant 0 : index
    %get3A_1571 = arith.constant 0 : index
    %get3A_1572 = vector.load %arg7[%get3A_1570, %get3A_1571] : memref<1x32xf32, #tpu.memory_space<vmem>>, vector<1x32xf32>
    %add3A_1573 = vector.broadcast %get3A_1572 : vector<1x32xf32> to vector<64x32xf32>
    %add3A_1574 = arith.addf %dot_general3A_1569, %add3A_1573 : vector<64x32xf32>
    %max3A_1575 = arith.constant 0.000000e+00 : f32
    %max3A_1576 = vector.broadcast %max3A_1575 : f32 to vector<64x32xf32>
    %max3A_1577 = arith.maximumf %add3A_1574, %max3A_1576 : vector<64x32xf32>
    %dot_general3A_1578 = arith.constant dense<0.000000e+00> : vector<64x1xf32>
    %dot_general3A_1579 = tpu.matmul %max3A_1412, %div3A_28, %dot_general3A_1578 {dimension_numbers = #tpu.dot_dimension_numbers<[1], [0], [0], [1], [0, 0, 1, 1], [], []>, transpose_lhs_hint = false} : vector<64x32xf32>, vector<32x1xf32>, vector<64x1xf32> -> vector<64x1xf32>
    %abs3A_1580 = math.absf %dot_general3A_1579 : vector<64x1xf32>
    %neg3A_1581 = arith.constant 0.000000e+00 : f32
    %neg3A_1582 = vector.broadcast %neg3A_1581 : f32 to vector<64x1xf32>
    %neg3A_1583 = arith.subf %neg3A_1582, %abs3A_1580 : vector<64x1xf32>
    %exp3A_1584 = math.exp %neg3A_1583 : vector<64x1xf32>
    %ge3A_1585 = arith.constant 0.000000e+00 : f32
    %ge3A_1586 = vector.broadcast %ge3A_1585 : f32 to vector<64x1xf32>
    %ge3A_1587 = arith.cmpf oge, %dot_general3A_1579, %ge3A_1586 : vector<64x1xf32>
    %add3A_1588 = arith.constant 1.000000e+00 : f32
    %add3A_1589 = vector.broadcast %add3A_1588 : f32 to vector<64x1xf32>
    %add3A_1590 = arith.addf %add3A_1589, %exp3A_1584 : vector<64x1xf32>
    %div3A_1591 = arith.constant 1.000000e+00 : f32
    %div3A_1592 = vector.broadcast %div3A_1591 : f32 to vector<64x1xf32>
    %div3A_1593 = arith.divf %div3A_1592, %add3A_1590 : vector<64x1xf32>
    %add3A_1594 = arith.constant 1.000000e+00 : f32
    %add3A_1595 = vector.broadcast %add3A_1594 : f32 to vector<64x1xf32>
    %add3A_1596 = arith.addf %add3A_1595, %exp3A_1584 : vector<64x1xf32>
    %div3A_1597 = arith.divf %exp3A_1584, %add3A_1596 : vector<64x1xf32>
    %select_n3A_1598 = arith.select %ge3A_1587, %div3A_1593, %div3A_1597 : vector<64x1xi1>, vector<64x1xf32>
    %dot_general3A_1599 = arith.constant dense<0.000000e+00> : vector<64x1xf32>
    %dot_general3A_1600 = tpu.matmul %max3A_1423, %div3A_28, %dot_general3A_1599 {dimension_numbers = #tpu.dot_dimension_numbers<[1], [0], [0], [1], [0, 0, 1, 1], [], []>, transpose_lhs_hint = false} : vector<64x32xf32>, vector<32x1xf32>, vector<64x1xf32> -> vector<64x1xf32>
    %abs3A_1601 = math.absf %dot_general3A_1600 : vector<64x1xf32>
    %neg3A_1602 = arith.constant 0.000000e+00 : f32
    %neg3A_1603 = vector.broadcast %neg3A_1602 : f32 to vector<64x1xf32>
    %neg3A_1604 = arith.subf %neg3A_1603, %abs3A_1601 : vector<64x1xf32>
    %exp3A_1605 = math.exp %neg3A_1604 : vector<64x1xf32>
    %ge3A_1606 = arith.constant 0.000000e+00 : f32
    %ge3A_1607 = vector.broadcast %ge3A_1606 : f32 to vector<64x1xf32>
    %ge3A_1608 = arith.cmpf oge, %dot_general3A_1600, %ge3A_1607 : vector<64x1xf32>
    %add3A_1609 = arith.constant 1.000000e+00 : f32
    %add3A_1610 = vector.broadcast %add3A_1609 : f32 to vector<64x1xf32>
    %add3A_1611 = arith.addf %add3A_1610, %exp3A_1605 : vector<64x1xf32>
    %div3A_1612 = arith.constant 1.000000e+00 : f32
    %div3A_1613 = vector.broadcast %div3A_1612 : f32 to vector<64x1xf32>
    %div3A_1614 = arith.divf %div3A_1613, %add3A_1611 : vector<64x1xf32>
    %add3A_1615 = arith.constant 1.000000e+00 : f32
    %add3A_1616 = vector.broadcast %add3A_1615 : f32 to vector<64x1xf32>
    %add3A_1617 = arith.addf %add3A_1616, %exp3A_1605 : vector<64x1xf32>
    %div3A_1618 = arith.divf %exp3A_1605, %add3A_1617 : vector<64x1xf32>
    %select_n3A_1619 = arith.select %ge3A_1608, %div3A_1614, %div3A_1618 : vector<64x1xi1>, vector<64x1xf32>
    %dot_general3A_1620 = arith.constant dense<0.000000e+00> : vector<64x1xf32>
    %dot_general3A_1621 = tpu.matmul %max3A_1434, %div3A_28, %dot_general3A_1620 {dimension_numbers = #tpu.dot_dimension_numbers<[1], [0], [0], [1], [0, 0, 1, 1], [], []>, transpose_lhs_hint = false} : vector<64x32xf32>, vector<32x1xf32>, vector<64x1xf32> -> vector<64x1xf32>
    %abs3A_1622 = math.absf %dot_general3A_1621 : vector<64x1xf32>
    %neg3A_1623 = arith.constant 0.000000e+00 : f32
    %neg3A_1624 = vector.broadcast %neg3A_1623 : f32 to vector<64x1xf32>
    %neg3A_1625 = arith.subf %neg3A_1624, %abs3A_1622 : vector<64x1xf32>
    %exp3A_1626 = math.exp %neg3A_1625 : vector<64x1xf32>
    %ge3A_1627 = arith.constant 0.000000e+00 : f32
    %ge3A_1628 = vector.broadcast %ge3A_1627 : f32 to vector<64x1xf32>
    %ge3A_1629 = arith.cmpf oge, %dot_general3A_1621, %ge3A_1628 : vector<64x1xf32>
    %add3A_1630 = arith.constant 1.000000e+00 : f32
    %add3A_1631 = vector.broadcast %add3A_1630 : f32 to vector<64x1xf32>
    %add3A_1632 = arith.addf %add3A_1631, %exp3A_1626 : vector<64x1xf32>
    %div3A_1633 = arith.constant 1.000000e+00 : f32
    %div3A_1634 = vector.broadcast %div3A_1633 : f32 to vector<64x1xf32>
    %div3A_1635 = arith.divf %div3A_1634, %add3A_1632 : vector<64x1xf32>
    %add3A_1636 = arith.constant 1.000000e+00 : f32
    %add3A_1637 = vector.broadcast %add3A_1636 : f32 to vector<64x1xf32>
    %add3A_1638 = arith.addf %add3A_1637, %exp3A_1626 : vector<64x1xf32>
    %div3A_1639 = arith.divf %exp3A_1626, %add3A_1638 : vector<64x1xf32>
    %select_n3A_1640 = arith.select %ge3A_1629, %div3A_1635, %div3A_1639 : vector<64x1xi1>, vector<64x1xf32>
    %dot_general3A_1641 = arith.constant dense<0.000000e+00> : vector<64x1xf32>
    %dot_general3A_1642 = tpu.matmul %max3A_1445, %div3A_28, %dot_general3A_1641 {dimension_numbers = #tpu.dot_dimension_numbers<[1], [0], [0], [1], [0, 0, 1, 1], [], []>, transpose_lhs_hint = false} : vector<64x32xf32>, vector<32x1xf32>, vector<64x1xf32> -> vector<64x1xf32>
    %abs3A_1643 = math.absf %dot_general3A_1642 : vector<64x1xf32>
    %neg3A_1644 = arith.constant 0.000000e+00 : f32
    %neg3A_1645 = vector.broadcast %neg3A_1644 : f32 to vector<64x1xf32>
    %neg3A_1646 = arith.subf %neg3A_1645, %abs3A_1643 : vector<64x1xf32>
    %exp3A_1647 = math.exp %neg3A_1646 : vector<64x1xf32>
    %ge3A_1648 = arith.constant 0.000000e+00 : f32
    %ge3A_1649 = vector.broadcast %ge3A_1648 : f32 to vector<64x1xf32>
    %ge3A_1650 = arith.cmpf oge, %dot_general3A_1642, %ge3A_1649 : vector<64x1xf32>
    %add3A_1651 = arith.constant 1.000000e+00 : f32
    %add3A_1652 = vector.broadcast %add3A_1651 : f32 to vector<64x1xf32>
    %add3A_1653 = arith.addf %add3A_1652, %exp3A_1647 : vector<64x1xf32>
    %div3A_1654 = arith.constant 1.000000e+00 : f32
    %div3A_1655 = vector.broadcast %div3A_1654 : f32 to vector<64x1xf32>
    %div3A_1656 = arith.divf %div3A_1655, %add3A_1653 : vector<64x1xf32>
    %add3A_1657 = arith.constant 1.000000e+00 : f32
    %add3A_1658 = vector.broadcast %add3A_1657 : f32 to vector<64x1xf32>
    %add3A_1659 = arith.addf %add3A_1658, %exp3A_1647 : vector<64x1xf32>
    %div3A_1660 = arith.divf %exp3A_1647, %add3A_1659 : vector<64x1xf32>
    %select_n3A_1661 = arith.select %ge3A_1650, %div3A_1656, %div3A_1660 : vector<64x1xi1>, vector<64x1xf32>
    %dot_general3A_1662 = arith.constant dense<0.000000e+00> : vector<64x1xf32>
    %dot_general3A_1663 = tpu.matmul %max3A_1456, %div3A_28, %dot_general3A_1662 {dimension_numbers = #tpu.dot_dimension_numbers<[1], [0], [0], [1], [0, 0, 1, 1], [], []>, transpose_lhs_hint = false} : vector<64x32xf32>, vector<32x1xf32>, vector<64x1xf32> -> vector<64x1xf32>
    %abs3A_1664 = math.absf %dot_general3A_1663 : vector<64x1xf32>
    %neg3A_1665 = arith.constant 0.000000e+00 : f32
    %neg3A_1666 = vector.broadcast %neg3A_1665 : f32 to vector<64x1xf32>
    %neg3A_1667 = arith.subf %neg3A_1666, %abs3A_1664 : vector<64x1xf32>
    %exp3A_1668 = math.exp %neg3A_1667 : vector<64x1xf32>
    %ge3A_1669 = arith.constant 0.000000e+00 : f32
    %ge3A_1670 = vector.broadcast %ge3A_1669 : f32 to vector<64x1xf32>
    %ge3A_1671 = arith.cmpf oge, %dot_general3A_1663, %ge3A_1670 : vector<64x1xf32>
    %add3A_1672 = arith.constant 1.000000e+00 : f32
    %add3A_1673 = vector.broadcast %add3A_1672 : f32 to vector<64x1xf32>
    %add3A_1674 = arith.addf %add3A_1673, %exp3A_1668 : vector<64x1xf32>
    %div3A_1675 = arith.constant 1.000000e+00 : f32
    %div3A_1676 = vector.broadcast %div3A_1675 : f32 to vector<64x1xf32>
    %div3A_1677 = arith.divf %div3A_1676, %add3A_1674 : vector<64x1xf32>
    %add3A_1678 = arith.constant 1.000000e+00 : f32
    %add3A_1679 = vector.broadcast %add3A_1678 : f32 to vector<64x1xf32>
    %add3A_1680 = arith.addf %add3A_1679, %exp3A_1668 : vector<64x1xf32>
    %div3A_1681 = arith.divf %exp3A_1668, %add3A_1680 : vector<64x1xf32>
    %select_n3A_1682 = arith.select %ge3A_1671, %div3A_1677, %div3A_1681 : vector<64x1xi1>, vector<64x1xf32>
    %dot_general3A_1683 = arith.constant dense<0.000000e+00> : vector<64x1xf32>
    %dot_general3A_1684 = tpu.matmul %max3A_1467, %div3A_28, %dot_general3A_1683 {dimension_numbers = #tpu.dot_dimension_numbers<[1], [0], [0], [1], [0, 0, 1, 1], [], []>, transpose_lhs_hint = false} : vector<64x32xf32>, vector<32x1xf32>, vector<64x1xf32> -> vector<64x1xf32>
    %abs3A_1685 = math.absf %dot_general3A_1684 : vector<64x1xf32>
    %neg3A_1686 = arith.constant 0.000000e+00 : f32
    %neg3A_1687 = vector.broadcast %neg3A_1686 : f32 to vector<64x1xf32>
    %neg3A_1688 = arith.subf %neg3A_1687, %abs3A_1685 : vector<64x1xf32>
    %exp3A_1689 = math.exp %neg3A_1688 : vector<64x1xf32>
    %ge3A_1690 = arith.constant 0.000000e+00 : f32
    %ge3A_1691 = vector.broadcast %ge3A_1690 : f32 to vector<64x1xf32>
    %ge3A_1692 = arith.cmpf oge, %dot_general3A_1684, %ge3A_1691 : vector<64x1xf32>
    %add3A_1693 = arith.constant 1.000000e+00 : f32
    %add3A_1694 = vector.broadcast %add3A_1693 : f32 to vector<64x1xf32>
    %add3A_1695 = arith.addf %add3A_1694, %exp3A_1689 : vector<64x1xf32>
    %div3A_1696 = arith.constant 1.000000e+00 : f32
    %div3A_1697 = vector.broadcast %div3A_1696 : f32 to vector<64x1xf32>
    %div3A_1698 = arith.divf %div3A_1697, %add3A_1695 : vector<64x1xf32>
    %add3A_1699 = arith.constant 1.000000e+00 : f32
    %add3A_1700 = vector.broadcast %add3A_1699 : f32 to vector<64x1xf32>
    %add3A_1701 = arith.addf %add3A_1700, %exp3A_1689 : vector<64x1xf32>
    %div3A_1702 = arith.divf %exp3A_1689, %add3A_1701 : vector<64x1xf32>
    %select_n3A_1703 = arith.select %ge3A_1692, %div3A_1698, %div3A_1702 : vector<64x1xi1>, vector<64x1xf32>
    %dot_general3A_1704 = arith.constant dense<0.000000e+00> : vector<64x1xf32>
    %dot_general3A_1705 = tpu.matmul %max3A_1478, %div3A_28, %dot_general3A_1704 {dimension_numbers = #tpu.dot_dimension_numbers<[1], [0], [0], [1], [0, 0, 1, 1], [], []>, transpose_lhs_hint = false} : vector<64x32xf32>, vector<32x1xf32>, vector<64x1xf32> -> vector<64x1xf32>
    %abs3A_1706 = math.absf %dot_general3A_1705 : vector<64x1xf32>
    %neg3A_1707 = arith.constant 0.000000e+00 : f32
    %neg3A_1708 = vector.broadcast %neg3A_1707 : f32 to vector<64x1xf32>
    %neg3A_1709 = arith.subf %neg3A_1708, %abs3A_1706 : vector<64x1xf32>
    %exp3A_1710 = math.exp %neg3A_1709 : vector<64x1xf32>
    %ge3A_1711 = arith.constant 0.000000e+00 : f32
    %ge3A_1712 = vector.broadcast %ge3A_1711 : f32 to vector<64x1xf32>
    %ge3A_1713 = arith.cmpf oge, %dot_general3A_1705, %ge3A_1712 : vector<64x1xf32>
    %add3A_1714 = arith.constant 1.000000e+00 : f32
    %add3A_1715 = vector.broadcast %add3A_1714 : f32 to vector<64x1xf32>
    %add3A_1716 = arith.addf %add3A_1715, %exp3A_1710 : vector<64x1xf32>
    %div3A_1717 = arith.constant 1.000000e+00 : f32
    %div3A_1718 = vector.broadcast %div3A_1717 : f32 to vector<64x1xf32>
    %div3A_1719 = arith.divf %div3A_1718, %add3A_1716 : vector<64x1xf32>
    %add3A_1720 = arith.constant 1.000000e+00 : f32
    %add3A_1721 = vector.broadcast %add3A_1720 : f32 to vector<64x1xf32>
    %add3A_1722 = arith.addf %add3A_1721, %exp3A_1710 : vector<64x1xf32>
    %div3A_1723 = arith.divf %exp3A_1710, %add3A_1722 : vector<64x1xf32>
    %select_n3A_1724 = arith.select %ge3A_1713, %div3A_1719, %div3A_1723 : vector<64x1xi1>, vector<64x1xf32>
    %dot_general3A_1725 = arith.constant dense<0.000000e+00> : vector<64x1xf32>
    %dot_general3A_1726 = tpu.matmul %max3A_1489, %div3A_28, %dot_general3A_1725 {dimension_numbers = #tpu.dot_dimension_numbers<[1], [0], [0], [1], [0, 0, 1, 1], [], []>, transpose_lhs_hint = false} : vector<64x32xf32>, vector<32x1xf32>, vector<64x1xf32> -> vector<64x1xf32>
    %abs3A_1727 = math.absf %dot_general3A_1726 : vector<64x1xf32>
    %neg3A_1728 = arith.constant 0.000000e+00 : f32
    %neg3A_1729 = vector.broadcast %neg3A_1728 : f32 to vector<64x1xf32>
    %neg3A_1730 = arith.subf %neg3A_1729, %abs3A_1727 : vector<64x1xf32>
    %exp3A_1731 = math.exp %neg3A_1730 : vector<64x1xf32>
    %ge3A_1732 = arith.constant 0.000000e+00 : f32
    %ge3A_1733 = vector.broadcast %ge3A_1732 : f32 to vector<64x1xf32>
    %ge3A_1734 = arith.cmpf oge, %dot_general3A_1726, %ge3A_1733 : vector<64x1xf32>
    %add3A_1735 = arith.constant 1.000000e+00 : f32
    %add3A_1736 = vector.broadcast %add3A_1735 : f32 to vector<64x1xf32>
    %add3A_1737 = arith.addf %add3A_1736, %exp3A_1731 : vector<64x1xf32>
    %div3A_1738 = arith.constant 1.000000e+00 : f32
    %div3A_1739 = vector.broadcast %div3A_1738 : f32 to vector<64x1xf32>
    %div3A_1740 = arith.divf %div3A_1739, %add3A_1737 : vector<64x1xf32>
    %add3A_1741 = arith.constant 1.000000e+00 : f32
    %add3A_1742 = vector.broadcast %add3A_1741 : f32 to vector<64x1xf32>
    %add3A_1743 = arith.addf %add3A_1742, %exp3A_1731 : vector<64x1xf32>
    %div3A_1744 = arith.divf %exp3A_1731, %add3A_1743 : vector<64x1xf32>
    %select_n3A_1745 = arith.select %ge3A_1734, %div3A_1740, %div3A_1744 : vector<64x1xi1>, vector<64x1xf32>
    %dot_general3A_1746 = arith.constant dense<0.000000e+00> : vector<64x1xf32>
    %dot_general3A_1747 = tpu.matmul %max3A_1500, %div3A_28, %dot_general3A_1746 {dimension_numbers = #tpu.dot_dimension_numbers<[1], [0], [0], [1], [0, 0, 1, 1], [], []>, transpose_lhs_hint = false} : vector<64x32xf32>, vector<32x1xf32>, vector<64x1xf32> -> vector<64x1xf32>
    %abs3A_1748 = math.absf %dot_general3A_1747 : vector<64x1xf32>
    %neg3A_1749 = arith.constant 0.000000e+00 : f32
    %neg3A_1750 = vector.broadcast %neg3A_1749 : f32 to vector<64x1xf32>
    %neg3A_1751 = arith.subf %neg3A_1750, %abs3A_1748 : vector<64x1xf32>
    %exp3A_1752 = math.exp %neg3A_1751 : vector<64x1xf32>
    %ge3A_1753 = arith.constant 0.000000e+00 : f32
    %ge3A_1754 = vector.broadcast %ge3A_1753 : f32 to vector<64x1xf32>
    %ge3A_1755 = arith.cmpf oge, %dot_general3A_1747, %ge3A_1754 : vector<64x1xf32>
    %add3A_1756 = arith.constant 1.000000e+00 : f32
    %add3A_1757 = vector.broadcast %add3A_1756 : f32 to vector<64x1xf32>
    %add3A_1758 = arith.addf %add3A_1757, %exp3A_1752 : vector<64x1xf32>
    %div3A_1759 = arith.constant 1.000000e+00 : f32
    %div3A_1760 = vector.broadcast %div3A_1759 : f32 to vector<64x1xf32>
    %div3A_1761 = arith.divf %div3A_1760, %add3A_1758 : vector<64x1xf32>
    %add3A_1762 = arith.constant 1.000000e+00 : f32
    %add3A_1763 = vector.broadcast %add3A_1762 : f32 to vector<64x1xf32>
    %add3A_1764 = arith.addf %add3A_1763, %exp3A_1752 : vector<64x1xf32>
    %div3A_1765 = arith.divf %exp3A_1752, %add3A_1764 : vector<64x1xf32>
    %select_n3A_1766 = arith.select %ge3A_1755, %div3A_1761, %div3A_1765 : vector<64x1xi1>, vector<64x1xf32>
    %dot_general3A_1767 = arith.constant dense<0.000000e+00> : vector<64x1xf32>
    %dot_general3A_1768 = tpu.matmul %max3A_1511, %div3A_28, %dot_general3A_1767 {dimension_numbers = #tpu.dot_dimension_numbers<[1], [0], [0], [1], [0, 0, 1, 1], [], []>, transpose_lhs_hint = false} : vector<64x32xf32>, vector<32x1xf32>, vector<64x1xf32> -> vector<64x1xf32>
    %abs3A_1769 = math.absf %dot_general3A_1768 : vector<64x1xf32>
    %neg3A_1770 = arith.constant 0.000000e+00 : f32
    %neg3A_1771 = vector.broadcast %neg3A_1770 : f32 to vector<64x1xf32>
    %neg3A_1772 = arith.subf %neg3A_1771, %abs3A_1769 : vector<64x1xf32>
    %exp3A_1773 = math.exp %neg3A_1772 : vector<64x1xf32>
    %ge3A_1774 = arith.constant 0.000000e+00 : f32
    %ge3A_1775 = vector.broadcast %ge3A_1774 : f32 to vector<64x1xf32>
    %ge3A_1776 = arith.cmpf oge, %dot_general3A_1768, %ge3A_1775 : vector<64x1xf32>
    %add3A_1777 = arith.constant 1.000000e+00 : f32
    %add3A_1778 = vector.broadcast %add3A_1777 : f32 to vector<64x1xf32>
    %add3A_1779 = arith.addf %add3A_1778, %exp3A_1773 : vector<64x1xf32>
    %div3A_1780 = arith.constant 1.000000e+00 : f32
    %div3A_1781 = vector.broadcast %div3A_1780 : f32 to vector<64x1xf32>
    %div3A_1782 = arith.divf %div3A_1781, %add3A_1779 : vector<64x1xf32>
    %add3A_1783 = arith.constant 1.000000e+00 : f32
    %add3A_1784 = vector.broadcast %add3A_1783 : f32 to vector<64x1xf32>
    %add3A_1785 = arith.addf %add3A_1784, %exp3A_1773 : vector<64x1xf32>
    %div3A_1786 = arith.divf %exp3A_1773, %add3A_1785 : vector<64x1xf32>
    %select_n3A_1787 = arith.select %ge3A_1776, %div3A_1782, %div3A_1786 : vector<64x1xi1>, vector<64x1xf32>
    %dot_general3A_1788 = arith.constant dense<0.000000e+00> : vector<64x1xf32>
    %dot_general3A_1789 = tpu.matmul %max3A_1522, %div3A_28, %dot_general3A_1788 {dimension_numbers = #tpu.dot_dimension_numbers<[1], [0], [0], [1], [0, 0, 1, 1], [], []>, transpose_lhs_hint = false} : vector<64x32xf32>, vector<32x1xf32>, vector<64x1xf32> -> vector<64x1xf32>
    %abs3A_1790 = math.absf %dot_general3A_1789 : vector<64x1xf32>
    %neg3A_1791 = arith.constant 0.000000e+00 : f32
    %neg3A_1792 = vector.broadcast %neg3A_1791 : f32 to vector<64x1xf32>
    %neg3A_1793 = arith.subf %neg3A_1792, %abs3A_1790 : vector<64x1xf32>
    %exp3A_1794 = math.exp %neg3A_1793 : vector<64x1xf32>
    %ge3A_1795 = arith.constant 0.000000e+00 : f32
    %ge3A_1796 = vector.broadcast %ge3A_1795 : f32 to vector<64x1xf32>
    %ge3A_1797 = arith.cmpf oge, %dot_general3A_1789, %ge3A_1796 : vector<64x1xf32>
    %add3A_1798 = arith.constant 1.000000e+00 : f32
    %add3A_1799 = vector.broadcast %add3A_1798 : f32 to vector<64x1xf32>
    %add3A_1800 = arith.addf %add3A_1799, %exp3A_1794 : vector<64x1xf32>
    %div3A_1801 = arith.constant 1.000000e+00 : f32
    %div3A_1802 = vector.broadcast %div3A_1801 : f32 to vector<64x1xf32>
    %div3A_1803 = arith.divf %div3A_1802, %add3A_1800 : vector<64x1xf32>
    %add3A_1804 = arith.constant 1.000000e+00 : f32
    %add3A_1805 = vector.broadcast %add3A_1804 : f32 to vector<64x1xf32>
    %add3A_1806 = arith.addf %add3A_1805, %exp3A_1794 : vector<64x1xf32>
    %div3A_1807 = arith.divf %exp3A_1794, %add3A_1806 : vector<64x1xf32>
    %select_n3A_1808 = arith.select %ge3A_1797, %div3A_1803, %div3A_1807 : vector<64x1xi1>, vector<64x1xf32>
    %dot_general3A_1809 = arith.constant dense<0.000000e+00> : vector<64x1xf32>
    %dot_general3A_1810 = tpu.matmul %max3A_1533, %div3A_28, %dot_general3A_1809 {dimension_numbers = #tpu.dot_dimension_numbers<[1], [0], [0], [1], [0, 0, 1, 1], [], []>, transpose_lhs_hint = false} : vector<64x32xf32>, vector<32x1xf32>, vector<64x1xf32> -> vector<64x1xf32>
    %abs3A_1811 = math.absf %dot_general3A_1810 : vector<64x1xf32>
    %neg3A_1812 = arith.constant 0.000000e+00 : f32
    %neg3A_1813 = vector.broadcast %neg3A_1812 : f32 to vector<64x1xf32>
    %neg3A_1814 = arith.subf %neg3A_1813, %abs3A_1811 : vector<64x1xf32>
    %exp3A_1815 = math.exp %neg3A_1814 : vector<64x1xf32>
    %ge3A_1816 = arith.constant 0.000000e+00 : f32
    %ge3A_1817 = vector.broadcast %ge3A_1816 : f32 to vector<64x1xf32>
    %ge3A_1818 = arith.cmpf oge, %dot_general3A_1810, %ge3A_1817 : vector<64x1xf32>
    %add3A_1819 = arith.constant 1.000000e+00 : f32
    %add3A_1820 = vector.broadcast %add3A_1819 : f32 to vector<64x1xf32>
    %add3A_1821 = arith.addf %add3A_1820, %exp3A_1815 : vector<64x1xf32>
    %div3A_1822 = arith.constant 1.000000e+00 : f32
    %div3A_1823 = vector.broadcast %div3A_1822 : f32 to vector<64x1xf32>
    %div3A_1824 = arith.divf %div3A_1823, %add3A_1821 : vector<64x1xf32>
    %add3A_1825 = arith.constant 1.000000e+00 : f32
    %add3A_1826 = vector.broadcast %add3A_1825 : f32 to vector<64x1xf32>
    %add3A_1827 = arith.addf %add3A_1826, %exp3A_1815 : vector<64x1xf32>
    %div3A_1828 = arith.divf %exp3A_1815, %add3A_1827 : vector<64x1xf32>
    %select_n3A_1829 = arith.select %ge3A_1818, %div3A_1824, %div3A_1828 : vector<64x1xi1>, vector<64x1xf32>
    %dot_general3A_1830 = arith.constant dense<0.000000e+00> : vector<64x1xf32>
    %dot_general3A_1831 = tpu.matmul %max3A_1544, %div3A_28, %dot_general3A_1830 {dimension_numbers = #tpu.dot_dimension_numbers<[1], [0], [0], [1], [0, 0, 1, 1], [], []>, transpose_lhs_hint = false} : vector<64x32xf32>, vector<32x1xf32>, vector<64x1xf32> -> vector<64x1xf32>
    %abs3A_1832 = math.absf %dot_general3A_1831 : vector<64x1xf32>
    %neg3A_1833 = arith.constant 0.000000e+00 : f32
    %neg3A_1834 = vector.broadcast %neg3A_1833 : f32 to vector<64x1xf32>
    %neg3A_1835 = arith.subf %neg3A_1834, %abs3A_1832 : vector<64x1xf32>
    %exp3A_1836 = math.exp %neg3A_1835 : vector<64x1xf32>
    %ge3A_1837 = arith.constant 0.000000e+00 : f32
    %ge3A_1838 = vector.broadcast %ge3A_1837 : f32 to vector<64x1xf32>
    %ge3A_1839 = arith.cmpf oge, %dot_general3A_1831, %ge3A_1838 : vector<64x1xf32>
    %add3A_1840 = arith.constant 1.000000e+00 : f32
    %add3A_1841 = vector.broadcast %add3A_1840 : f32 to vector<64x1xf32>
    %add3A_1842 = arith.addf %add3A_1841, %exp3A_1836 : vector<64x1xf32>
    %div3A_1843 = arith.constant 1.000000e+00 : f32
    %div3A_1844 = vector.broadcast %div3A_1843 : f32 to vector<64x1xf32>
    %div3A_1845 = arith.divf %div3A_1844, %add3A_1842 : vector<64x1xf32>
    %add3A_1846 = arith.constant 1.000000e+00 : f32
    %add3A_1847 = vector.broadcast %add3A_1846 : f32 to vector<64x1xf32>
    %add3A_1848 = arith.addf %add3A_1847, %exp3A_1836 : vector<64x1xf32>
    %div3A_1849 = arith.divf %exp3A_1836, %add3A_1848 : vector<64x1xf32>
    %select_n3A_1850 = arith.select %ge3A_1839, %div3A_1845, %div3A_1849 : vector<64x1xi1>, vector<64x1xf32>
    %dot_general3A_1851 = arith.constant dense<0.000000e+00> : vector<64x1xf32>
    %dot_general3A_1852 = tpu.matmul %max3A_1555, %div3A_28, %dot_general3A_1851 {dimension_numbers = #tpu.dot_dimension_numbers<[1], [0], [0], [1], [0, 0, 1, 1], [], []>, transpose_lhs_hint = false} : vector<64x32xf32>, vector<32x1xf32>, vector<64x1xf32> -> vector<64x1xf32>
    %abs3A_1853 = math.absf %dot_general3A_1852 : vector<64x1xf32>
    %neg3A_1854 = arith.constant 0.000000e+00 : f32
    %neg3A_1855 = vector.broadcast %neg3A_1854 : f32 to vector<64x1xf32>
    %neg3A_1856 = arith.subf %neg3A_1855, %abs3A_1853 : vector<64x1xf32>
    %exp3A_1857 = math.exp %neg3A_1856 : vector<64x1xf32>
    %ge3A_1858 = arith.constant 0.000000e+00 : f32
    %ge3A_1859 = vector.broadcast %ge3A_1858 : f32 to vector<64x1xf32>
    %ge3A_1860 = arith.cmpf oge, %dot_general3A_1852, %ge3A_1859 : vector<64x1xf32>
    %add3A_1861 = arith.constant 1.000000e+00 : f32
    %add3A_1862 = vector.broadcast %add3A_1861 : f32 to vector<64x1xf32>
    %add3A_1863 = arith.addf %add3A_1862, %exp3A_1857 : vector<64x1xf32>
    %div3A_1864 = arith.constant 1.000000e+00 : f32
    %div3A_1865 = vector.broadcast %div3A_1864 : f32 to vector<64x1xf32>
    %div3A_1866 = arith.divf %div3A_1865, %add3A_1863 : vector<64x1xf32>
    %add3A_1867 = arith.constant 1.000000e+00 : f32
    %add3A_1868 = vector.broadcast %add3A_1867 : f32 to vector<64x1xf32>
    %add3A_1869 = arith.addf %add3A_1868, %exp3A_1857 : vector<64x1xf32>
    %div3A_1870 = arith.divf %exp3A_1857, %add3A_1869 : vector<64x1xf32>
    %select_n3A_1871 = arith.select %ge3A_1860, %div3A_1866, %div3A_1870 : vector<64x1xi1>, vector<64x1xf32>
    %dot_general3A_1872 = arith.constant dense<0.000000e+00> : vector<64x1xf32>
    %dot_general3A_1873 = tpu.matmul %max3A_1566, %div3A_28, %dot_general3A_1872 {dimension_numbers = #tpu.dot_dimension_numbers<[1], [0], [0], [1], [0, 0, 1, 1], [], []>, transpose_lhs_hint = false} : vector<64x32xf32>, vector<32x1xf32>, vector<64x1xf32> -> vector<64x1xf32>
    %abs3A_1874 = math.absf %dot_general3A_1873 : vector<64x1xf32>
    %neg3A_1875 = arith.constant 0.000000e+00 : f32
    %neg3A_1876 = vector.broadcast %neg3A_1875 : f32 to vector<64x1xf32>
    %neg3A_1877 = arith.subf %neg3A_1876, %abs3A_1874 : vector<64x1xf32>
    %exp3A_1878 = math.exp %neg3A_1877 : vector<64x1xf32>
    %ge3A_1879 = arith.constant 0.000000e+00 : f32
    %ge3A_1880 = vector.broadcast %ge3A_1879 : f32 to vector<64x1xf32>
    %ge3A_1881 = arith.cmpf oge, %dot_general3A_1873, %ge3A_1880 : vector<64x1xf32>
    %add3A_1882 = arith.constant 1.000000e+00 : f32
    %add3A_1883 = vector.broadcast %add3A_1882 : f32 to vector<64x1xf32>
    %add3A_1884 = arith.addf %add3A_1883, %exp3A_1878 : vector<64x1xf32>
    %div3A_1885 = arith.constant 1.000000e+00 : f32
    %div3A_1886 = vector.broadcast %div3A_1885 : f32 to vector<64x1xf32>
    %div3A_1887 = arith.divf %div3A_1886, %add3A_1884 : vector<64x1xf32>
    %add3A_1888 = arith.constant 1.000000e+00 : f32
    %add3A_1889 = vector.broadcast %add3A_1888 : f32 to vector<64x1xf32>
    %add3A_1890 = arith.addf %add3A_1889, %exp3A_1878 : vector<64x1xf32>
    %div3A_1891 = arith.divf %exp3A_1878, %add3A_1890 : vector<64x1xf32>
    %select_n3A_1892 = arith.select %ge3A_1881, %div3A_1887, %div3A_1891 : vector<64x1xi1>, vector<64x1xf32>
    %dot_general3A_1893 = arith.constant dense<0.000000e+00> : vector<64x1xf32>
    %dot_general3A_1894 = tpu.matmul %max3A_1577, %div3A_28, %dot_general3A_1893 {dimension_numbers = #tpu.dot_dimension_numbers<[1], [0], [0], [1], [0, 0, 1, 1], [], []>, transpose_lhs_hint = false} : vector<64x32xf32>, vector<32x1xf32>, vector<64x1xf32> -> vector<64x1xf32>
    %abs3A_1895 = math.absf %dot_general3A_1894 : vector<64x1xf32>
    %neg3A_1896 = arith.constant 0.000000e+00 : f32
    %neg3A_1897 = vector.broadcast %neg3A_1896 : f32 to vector<64x1xf32>
    %neg3A_1898 = arith.subf %neg3A_1897, %abs3A_1895 : vector<64x1xf32>
    %exp3A_1899 = math.exp %neg3A_1898 : vector<64x1xf32>
    %ge3A_1900 = arith.constant 0.000000e+00 : f32
    %ge3A_1901 = vector.broadcast %ge3A_1900 : f32 to vector<64x1xf32>
    %ge3A_1902 = arith.cmpf oge, %dot_general3A_1894, %ge3A_1901 : vector<64x1xf32>
    %add3A_1903 = arith.constant 1.000000e+00 : f32
    %add3A_1904 = vector.broadcast %add3A_1903 : f32 to vector<64x1xf32>
    %add3A_1905 = arith.addf %add3A_1904, %exp3A_1899 : vector<64x1xf32>
    %div3A_1906 = arith.constant 1.000000e+00 : f32
    %div3A_1907 = vector.broadcast %div3A_1906 : f32 to vector<64x1xf32>
    %div3A_1908 = arith.divf %div3A_1907, %add3A_1905 : vector<64x1xf32>
    %add3A_1909 = arith.constant 1.000000e+00 : f32
    %add3A_1910 = vector.broadcast %add3A_1909 : f32 to vector<64x1xf32>
    %add3A_1911 = arith.addf %add3A_1910, %exp3A_1899 : vector<64x1xf32>
    %div3A_1912 = arith.divf %exp3A_1899, %add3A_1911 : vector<64x1xf32>
    %select_n3A_1913 = arith.select %ge3A_1902, %div3A_1908, %div3A_1912 : vector<64x1xi1>, vector<64x1xf32>
    %concatenate3A_1914 = tpu.concatenate %select_n3A_1598, %select_n3A_1619, %select_n3A_1640, %select_n3A_1661, %select_n3A_1682, %select_n3A_1703, %select_n3A_1724, %select_n3A_1745, %select_n3A_1766, %select_n3A_1787, %select_n3A_1808, %select_n3A_1829, %select_n3A_1850, %select_n3A_1871, %select_n3A_1892, %select_n3A_1913 in 1 : vector<64x1xf32>, vector<64x1xf32>, vector<64x1xf32>, vector<64x1xf32>, vector<64x1xf32>, vector<64x1xf32>, vector<64x1xf32>, vector<64x1xf32>, vector<64x1xf32>, vector<64x1xf32>, vector<64x1xf32>, vector<64x1xf32>, vector<64x1xf32>, vector<64x1xf32>, vector<64x1xf32>, vector<64x1xf32> -> vector<64x16xf32>
    %transpose3A_1915 = tpu.transpose %concatenate3A_1914, [1, 0] : vector<64x16xf32> -> vector<16x64xf32>
    %slice3A_1916 = vector.extract_strided_slice %transpose3A_1915 {offsets = [0, 0], sizes = [1, 64], strides = [1, 1]} : vector<16x64xf32> to vector<1x64xf32>
    %gt3A_1917 = vector.broadcast %slice3A_1916 : vector<1x64xf32> to vector<64x64xf32>
    %gt3A_1918 = vector.broadcast %select_n3A_1598 : vector<64x1xf32> to vector<64x64xf32>
    %gt3A_1919 = arith.cmpf ogt, %gt3A_1917, %gt3A_1918 : vector<64x64xf32>
    %eq3A_1920 = vector.broadcast %slice3A_1916 : vector<1x64xf32> to vector<64x64xf32>
    %eq3A_1921 = vector.broadcast %select_n3A_1598 : vector<64x1xf32> to vector<64x64xf32>
    %eq3A_1922 = arith.cmpf oeq, %eq3A_1920, %eq3A_1921 : vector<64x64xf32>
    %and3A_1923 = arith.andi %eq3A_1922, %lt3A_60 : vector<64x64xi1>
    %or3A_1924 = arith.ori %gt3A_1919, %and3A_1923 : vector<64x64xi1>
    %jit3A_1925 = arith.constant 1.000000e+00 : f32
    %jit3A_1926 = arith.constant 0.000000e+00 : f32
    %broadcast_in_dim3A_1927 = vector.broadcast %jit3A_1925 : f32 to vector<64x64xf32>
    %broadcast_in_dim3A_1928 = vector.broadcast %jit3A_1926 : f32 to vector<64x64xf32>
    %select_n3A_1929 = arith.select %or3A_1924, %broadcast_in_dim3A_1927, %broadcast_in_dim3A_1928 : vector<64x64xi1>, vector<64x64xf32>
    %convert_element_type3A_1930 = arith.truncf %select_n3A_1929 : vector<64x64xf32> to vector<64x64xbf16>
    %slice3A_1931 = vector.extract_strided_slice %transpose3A_1915 {offsets = [1, 0], sizes = [1, 64], strides = [1, 1]} : vector<16x64xf32> to vector<1x64xf32>
    %gt3A_1932 = vector.broadcast %slice3A_1931 : vector<1x64xf32> to vector<64x64xf32>
    %gt3A_1933 = vector.broadcast %select_n3A_1619 : vector<64x1xf32> to vector<64x64xf32>
    %gt3A_1934 = arith.cmpf ogt, %gt3A_1932, %gt3A_1933 : vector<64x64xf32>
    %eq3A_1935 = vector.broadcast %slice3A_1931 : vector<1x64xf32> to vector<64x64xf32>
    %eq3A_1936 = vector.broadcast %select_n3A_1619 : vector<64x1xf32> to vector<64x64xf32>
    %eq3A_1937 = arith.cmpf oeq, %eq3A_1935, %eq3A_1936 : vector<64x64xf32>
    %and3A_1938 = arith.andi %eq3A_1937, %lt3A_60 : vector<64x64xi1>
    %or3A_1939 = arith.ori %gt3A_1934, %and3A_1938 : vector<64x64xi1>
    %jit3A_1940 = arith.constant 1.000000e+00 : f32
    %jit3A_1941 = arith.constant 0.000000e+00 : f32
    %broadcast_in_dim3A_1942 = vector.broadcast %jit3A_1940 : f32 to vector<64x64xf32>
    %broadcast_in_dim3A_1943 = vector.broadcast %jit3A_1941 : f32 to vector<64x64xf32>
    %select_n3A_1944 = arith.select %or3A_1939, %broadcast_in_dim3A_1942, %broadcast_in_dim3A_1943 : vector<64x64xi1>, vector<64x64xf32>
    %convert_element_type3A_1945 = arith.truncf %select_n3A_1944 : vector<64x64xf32> to vector<64x64xbf16>
    %slice3A_1946 = vector.extract_strided_slice %transpose3A_1915 {offsets = [2, 0], sizes = [1, 64], strides = [1, 1]} : vector<16x64xf32> to vector<1x64xf32>
    %gt3A_1947 = vector.broadcast %slice3A_1946 : vector<1x64xf32> to vector<64x64xf32>
    %gt3A_1948 = vector.broadcast %select_n3A_1640 : vector<64x1xf32> to vector<64x64xf32>
    %gt3A_1949 = arith.cmpf ogt, %gt3A_1947, %gt3A_1948 : vector<64x64xf32>
    %eq3A_1950 = vector.broadcast %slice3A_1946 : vector<1x64xf32> to vector<64x64xf32>
    %eq3A_1951 = vector.broadcast %select_n3A_1640 : vector<64x1xf32> to vector<64x64xf32>
    %eq3A_1952 = arith.cmpf oeq, %eq3A_1950, %eq3A_1951 : vector<64x64xf32>
    %and3A_1953 = arith.andi %eq3A_1952, %lt3A_60 : vector<64x64xi1>
    %or3A_1954 = arith.ori %gt3A_1949, %and3A_1953 : vector<64x64xi1>
    %jit3A_1955 = arith.constant 1.000000e+00 : f32
    %jit3A_1956 = arith.constant 0.000000e+00 : f32
    %broadcast_in_dim3A_1957 = vector.broadcast %jit3A_1955 : f32 to vector<64x64xf32>
    %broadcast_in_dim3A_1958 = vector.broadcast %jit3A_1956 : f32 to vector<64x64xf32>
    %select_n3A_1959 = arith.select %or3A_1954, %broadcast_in_dim3A_1957, %broadcast_in_dim3A_1958 : vector<64x64xi1>, vector<64x64xf32>
    %convert_element_type3A_1960 = arith.truncf %select_n3A_1959 : vector<64x64xf32> to vector<64x64xbf16>
    %slice3A_1961 = vector.extract_strided_slice %transpose3A_1915 {offsets = [3, 0], sizes = [1, 64], strides = [1, 1]} : vector<16x64xf32> to vector<1x64xf32>
    %gt3A_1962 = vector.broadcast %slice3A_1961 : vector<1x64xf32> to vector<64x64xf32>
    %gt3A_1963 = vector.broadcast %select_n3A_1661 : vector<64x1xf32> to vector<64x64xf32>
    %gt3A_1964 = arith.cmpf ogt, %gt3A_1962, %gt3A_1963 : vector<64x64xf32>
    %eq3A_1965 = vector.broadcast %slice3A_1961 : vector<1x64xf32> to vector<64x64xf32>
    %eq3A_1966 = vector.broadcast %select_n3A_1661 : vector<64x1xf32> to vector<64x64xf32>
    %eq3A_1967 = arith.cmpf oeq, %eq3A_1965, %eq3A_1966 : vector<64x64xf32>
    %and3A_1968 = arith.andi %eq3A_1967, %lt3A_60 : vector<64x64xi1>
    %or3A_1969 = arith.ori %gt3A_1964, %and3A_1968 : vector<64x64xi1>
    %jit3A_1970 = arith.constant 1.000000e+00 : f32
    %jit3A_1971 = arith.constant 0.000000e+00 : f32
    %broadcast_in_dim3A_1972 = vector.broadcast %jit3A_1970 : f32 to vector<64x64xf32>
    %broadcast_in_dim3A_1973 = vector.broadcast %jit3A_1971 : f32 to vector<64x64xf32>
    %select_n3A_1974 = arith.select %or3A_1969, %broadcast_in_dim3A_1972, %broadcast_in_dim3A_1973 : vector<64x64xi1>, vector<64x64xf32>
    %convert_element_type3A_1975 = arith.truncf %select_n3A_1974 : vector<64x64xf32> to vector<64x64xbf16>
    %slice3A_1976 = vector.extract_strided_slice %transpose3A_1915 {offsets = [4, 0], sizes = [1, 64], strides = [1, 1]} : vector<16x64xf32> to vector<1x64xf32>
    %gt3A_1977 = vector.broadcast %slice3A_1976 : vector<1x64xf32> to vector<64x64xf32>
    %gt3A_1978 = vector.broadcast %select_n3A_1682 : vector<64x1xf32> to vector<64x64xf32>
    %gt3A_1979 = arith.cmpf ogt, %gt3A_1977, %gt3A_1978 : vector<64x64xf32>
    %eq3A_1980 = vector.broadcast %slice3A_1976 : vector<1x64xf32> to vector<64x64xf32>
    %eq3A_1981 = vector.broadcast %select_n3A_1682 : vector<64x1xf32> to vector<64x64xf32>
    %eq3A_1982 = arith.cmpf oeq, %eq3A_1980, %eq3A_1981 : vector<64x64xf32>
    %and3A_1983 = arith.andi %eq3A_1982, %lt3A_60 : vector<64x64xi1>
    %or3A_1984 = arith.ori %gt3A_1979, %and3A_1983 : vector<64x64xi1>
    %jit3A_1985 = arith.constant 1.000000e+00 : f32
    %jit3A_1986 = arith.constant 0.000000e+00 : f32
    %broadcast_in_dim3A_1987 = vector.broadcast %jit3A_1985 : f32 to vector<64x64xf32>
    %broadcast_in_dim3A_1988 = vector.broadcast %jit3A_1986 : f32 to vector<64x64xf32>
    %select_n3A_1989 = arith.select %or3A_1984, %broadcast_in_dim3A_1987, %broadcast_in_dim3A_1988 : vector<64x64xi1>, vector<64x64xf32>
    %convert_element_type3A_1990 = arith.truncf %select_n3A_1989 : vector<64x64xf32> to vector<64x64xbf16>
    %slice3A_1991 = vector.extract_strided_slice %transpose3A_1915 {offsets = [5, 0], sizes = [1, 64], strides = [1, 1]} : vector<16x64xf32> to vector<1x64xf32>
    %gt3A_1992 = vector.broadcast %slice3A_1991 : vector<1x64xf32> to vector<64x64xf32>
    %gt3A_1993 = vector.broadcast %select_n3A_1703 : vector<64x1xf32> to vector<64x64xf32>
    %gt3A_1994 = arith.cmpf ogt, %gt3A_1992, %gt3A_1993 : vector<64x64xf32>
    %eq3A_1995 = vector.broadcast %slice3A_1991 : vector<1x64xf32> to vector<64x64xf32>
    %eq3A_1996 = vector.broadcast %select_n3A_1703 : vector<64x1xf32> to vector<64x64xf32>
    %eq3A_1997 = arith.cmpf oeq, %eq3A_1995, %eq3A_1996 : vector<64x64xf32>
    %and3A_1998 = arith.andi %eq3A_1997, %lt3A_60 : vector<64x64xi1>
    %or3A_1999 = arith.ori %gt3A_1994, %and3A_1998 : vector<64x64xi1>
    %jit3A_2000 = arith.constant 1.000000e+00 : f32
    %jit3A_2001 = arith.constant 0.000000e+00 : f32
    %broadcast_in_dim3A_2002 = vector.broadcast %jit3A_2000 : f32 to vector<64x64xf32>
    %broadcast_in_dim3A_2003 = vector.broadcast %jit3A_2001 : f32 to vector<64x64xf32>
    %select_n3A_2004 = arith.select %or3A_1999, %broadcast_in_dim3A_2002, %broadcast_in_dim3A_2003 : vector<64x64xi1>, vector<64x64xf32>
    %convert_element_type3A_2005 = arith.truncf %select_n3A_2004 : vector<64x64xf32> to vector<64x64xbf16>
    %slice3A_2006 = vector.extract_strided_slice %transpose3A_1915 {offsets = [6, 0], sizes = [1, 64], strides = [1, 1]} : vector<16x64xf32> to vector<1x64xf32>
    %gt3A_2007 = vector.broadcast %slice3A_2006 : vector<1x64xf32> to vector<64x64xf32>
    %gt3A_2008 = vector.broadcast %select_n3A_1724 : vector<64x1xf32> to vector<64x64xf32>
    %gt3A_2009 = arith.cmpf ogt, %gt3A_2007, %gt3A_2008 : vector<64x64xf32>
    %eq3A_2010 = vector.broadcast %slice3A_2006 : vector<1x64xf32> to vector<64x64xf32>
    %eq3A_2011 = vector.broadcast %select_n3A_1724 : vector<64x1xf32> to vector<64x64xf32>
    %eq3A_2012 = arith.cmpf oeq, %eq3A_2010, %eq3A_2011 : vector<64x64xf32>
    %and3A_2013 = arith.andi %eq3A_2012, %lt3A_60 : vector<64x64xi1>
    %or3A_2014 = arith.ori %gt3A_2009, %and3A_2013 : vector<64x64xi1>
    %jit3A_2015 = arith.constant 1.000000e+00 : f32
    %jit3A_2016 = arith.constant 0.000000e+00 : f32
    %broadcast_in_dim3A_2017 = vector.broadcast %jit3A_2015 : f32 to vector<64x64xf32>
    %broadcast_in_dim3A_2018 = vector.broadcast %jit3A_2016 : f32 to vector<64x64xf32>
    %select_n3A_2019 = arith.select %or3A_2014, %broadcast_in_dim3A_2017, %broadcast_in_dim3A_2018 : vector<64x64xi1>, vector<64x64xf32>
    %convert_element_type3A_2020 = arith.truncf %select_n3A_2019 : vector<64x64xf32> to vector<64x64xbf16>
    %slice3A_2021 = vector.extract_strided_slice %transpose3A_1915 {offsets = [7, 0], sizes = [1, 64], strides = [1, 1]} : vector<16x64xf32> to vector<1x64xf32>
    %gt3A_2022 = vector.broadcast %slice3A_2021 : vector<1x64xf32> to vector<64x64xf32>
    %gt3A_2023 = vector.broadcast %select_n3A_1745 : vector<64x1xf32> to vector<64x64xf32>
    %gt3A_2024 = arith.cmpf ogt, %gt3A_2022, %gt3A_2023 : vector<64x64xf32>
    %eq3A_2025 = vector.broadcast %slice3A_2021 : vector<1x64xf32> to vector<64x64xf32>
    %eq3A_2026 = vector.broadcast %select_n3A_1745 : vector<64x1xf32> to vector<64x64xf32>
    %eq3A_2027 = arith.cmpf oeq, %eq3A_2025, %eq3A_2026 : vector<64x64xf32>
    %and3A_2028 = arith.andi %eq3A_2027, %lt3A_60 : vector<64x64xi1>
    %or3A_2029 = arith.ori %gt3A_2024, %and3A_2028 : vector<64x64xi1>
    %jit3A_2030 = arith.constant 1.000000e+00 : f32
    %jit3A_2031 = arith.constant 0.000000e+00 : f32
    %broadcast_in_dim3A_2032 = vector.broadcast %jit3A_2030 : f32 to vector<64x64xf32>
    %broadcast_in_dim3A_2033 = vector.broadcast %jit3A_2031 : f32 to vector<64x64xf32>
    %select_n3A_2034 = arith.select %or3A_2029, %broadcast_in_dim3A_2032, %broadcast_in_dim3A_2033 : vector<64x64xi1>, vector<64x64xf32>
    %convert_element_type3A_2035 = arith.truncf %select_n3A_2034 : vector<64x64xf32> to vector<64x64xbf16>
    %slice3A_2036 = vector.extract_strided_slice %transpose3A_1915 {offsets = [8, 0], sizes = [1, 64], strides = [1, 1]} : vector<16x64xf32> to vector<1x64xf32>
    %gt3A_2037 = vector.broadcast %slice3A_2036 : vector<1x64xf32> to vector<64x64xf32>
    %gt3A_2038 = vector.broadcast %select_n3A_1766 : vector<64x1xf32> to vector<64x64xf32>
    %gt3A_2039 = arith.cmpf ogt, %gt3A_2037, %gt3A_2038 : vector<64x64xf32>
    %eq3A_2040 = vector.broadcast %slice3A_2036 : vector<1x64xf32> to vector<64x64xf32>
    %eq3A_2041 = vector.broadcast %select_n3A_1766 : vector<64x1xf32> to vector<64x64xf32>
    %eq3A_2042 = arith.cmpf oeq, %eq3A_2040, %eq3A_2041 : vector<64x64xf32>
    %and3A_2043 = arith.andi %eq3A_2042, %lt3A_60 : vector<64x64xi1>
    %or3A_2044 = arith.ori %gt3A_2039, %and3A_2043 : vector<64x64xi1>
    %jit3A_2045 = arith.constant 1.000000e+00 : f32
    %jit3A_2046 = arith.constant 0.000000e+00 : f32
    %broadcast_in_dim3A_2047 = vector.broadcast %jit3A_2045 : f32 to vector<64x64xf32>
    %broadcast_in_dim3A_2048 = vector.broadcast %jit3A_2046 : f32 to vector<64x64xf32>
    %select_n3A_2049 = arith.select %or3A_2044, %broadcast_in_dim3A_2047, %broadcast_in_dim3A_2048 : vector<64x64xi1>, vector<64x64xf32>
    %convert_element_type3A_2050 = arith.truncf %select_n3A_2049 : vector<64x64xf32> to vector<64x64xbf16>
    %slice3A_2051 = vector.extract_strided_slice %transpose3A_1915 {offsets = [9, 0], sizes = [1, 64], strides = [1, 1]} : vector<16x64xf32> to vector<1x64xf32>
    %gt3A_2052 = vector.broadcast %slice3A_2051 : vector<1x64xf32> to vector<64x64xf32>
    %gt3A_2053 = vector.broadcast %select_n3A_1787 : vector<64x1xf32> to vector<64x64xf32>
    %gt3A_2054 = arith.cmpf ogt, %gt3A_2052, %gt3A_2053 : vector<64x64xf32>
    %eq3A_2055 = vector.broadcast %slice3A_2051 : vector<1x64xf32> to vector<64x64xf32>
    %eq3A_2056 = vector.broadcast %select_n3A_1787 : vector<64x1xf32> to vector<64x64xf32>
    %eq3A_2057 = arith.cmpf oeq, %eq3A_2055, %eq3A_2056 : vector<64x64xf32>
    %and3A_2058 = arith.andi %eq3A_2057, %lt3A_60 : vector<64x64xi1>
    %or3A_2059 = arith.ori %gt3A_2054, %and3A_2058 : vector<64x64xi1>
    %jit3A_2060 = arith.constant 1.000000e+00 : f32
    %jit3A_2061 = arith.constant 0.000000e+00 : f32
    %broadcast_in_dim3A_2062 = vector.broadcast %jit3A_2060 : f32 to vector<64x64xf32>
    %broadcast_in_dim3A_2063 = vector.broadcast %jit3A_2061 : f32 to vector<64x64xf32>
    %select_n3A_2064 = arith.select %or3A_2059, %broadcast_in_dim3A_2062, %broadcast_in_dim3A_2063 : vector<64x64xi1>, vector<64x64xf32>
    %convert_element_type3A_2065 = arith.truncf %select_n3A_2064 : vector<64x64xf32> to vector<64x64xbf16>
    %slice3A_2066 = vector.extract_strided_slice %transpose3A_1915 {offsets = [10, 0], sizes = [1, 64], strides = [1, 1]} : vector<16x64xf32> to vector<1x64xf32>
    %gt3A_2067 = vector.broadcast %slice3A_2066 : vector<1x64xf32> to vector<64x64xf32>
    %gt3A_2068 = vector.broadcast %select_n3A_1808 : vector<64x1xf32> to vector<64x64xf32>
    %gt3A_2069 = arith.cmpf ogt, %gt3A_2067, %gt3A_2068 : vector<64x64xf32>
    %eq3A_2070 = vector.broadcast %slice3A_2066 : vector<1x64xf32> to vector<64x64xf32>
    %eq3A_2071 = vector.broadcast %select_n3A_1808 : vector<64x1xf32> to vector<64x64xf32>
    %eq3A_2072 = arith.cmpf oeq, %eq3A_2070, %eq3A_2071 : vector<64x64xf32>
    %and3A_2073 = arith.andi %eq3A_2072, %lt3A_60 : vector<64x64xi1>
    %or3A_2074 = arith.ori %gt3A_2069, %and3A_2073 : vector<64x64xi1>
    %jit3A_2075 = arith.constant 1.000000e+00 : f32
    %jit3A_2076 = arith.constant 0.000000e+00 : f32
    %broadcast_in_dim3A_2077 = vector.broadcast %jit3A_2075 : f32 to vector<64x64xf32>
    %broadcast_in_dim3A_2078 = vector.broadcast %jit3A_2076 : f32 to vector<64x64xf32>
    %select_n3A_2079 = arith.select %or3A_2074, %broadcast_in_dim3A_2077, %broadcast_in_dim3A_2078 : vector<64x64xi1>, vector<64x64xf32>
    %convert_element_type3A_2080 = arith.truncf %select_n3A_2079 : vector<64x64xf32> to vector<64x64xbf16>
    %slice3A_2081 = vector.extract_strided_slice %transpose3A_1915 {offsets = [11, 0], sizes = [1, 64], strides = [1, 1]} : vector<16x64xf32> to vector<1x64xf32>
    %gt3A_2082 = vector.broadcast %slice3A_2081 : vector<1x64xf32> to vector<64x64xf32>
    %gt3A_2083 = vector.broadcast %select_n3A_1829 : vector<64x1xf32> to vector<64x64xf32>
    %gt3A_2084 = arith.cmpf ogt, %gt3A_2082, %gt3A_2083 : vector<64x64xf32>
    %eq3A_2085 = vector.broadcast %slice3A_2081 : vector<1x64xf32> to vector<64x64xf32>
    %eq3A_2086 = vector.broadcast %select_n3A_1829 : vector<64x1xf32> to vector<64x64xf32>
    %eq3A_2087 = arith.cmpf oeq, %eq3A_2085, %eq3A_2086 : vector<64x64xf32>
    %and3A_2088 = arith.andi %eq3A_2087, %lt3A_60 : vector<64x64xi1>
    %or3A_2089 = arith.ori %gt3A_2084, %and3A_2088 : vector<64x64xi1>
    %jit3A_2090 = arith.constant 1.000000e+00 : f32
    %jit3A_2091 = arith.constant 0.000000e+00 : f32
    %broadcast_in_dim3A_2092 = vector.broadcast %jit3A_2090 : f32 to vector<64x64xf32>
    %broadcast_in_dim3A_2093 = vector.broadcast %jit3A_2091 : f32 to vector<64x64xf32>
    %select_n3A_2094 = arith.select %or3A_2089, %broadcast_in_dim3A_2092, %broadcast_in_dim3A_2093 : vector<64x64xi1>, vector<64x64xf32>
    %convert_element_type3A_2095 = arith.truncf %select_n3A_2094 : vector<64x64xf32> to vector<64x64xbf16>
    %slice3A_2096 = vector.extract_strided_slice %transpose3A_1915 {offsets = [12, 0], sizes = [1, 64], strides = [1, 1]} : vector<16x64xf32> to vector<1x64xf32>
    %gt3A_2097 = vector.broadcast %slice3A_2096 : vector<1x64xf32> to vector<64x64xf32>
    %gt3A_2098 = vector.broadcast %select_n3A_1850 : vector<64x1xf32> to vector<64x64xf32>
    %gt3A_2099 = arith.cmpf ogt, %gt3A_2097, %gt3A_2098 : vector<64x64xf32>
    %eq3A_2100 = vector.broadcast %slice3A_2096 : vector<1x64xf32> to vector<64x64xf32>
    %eq3A_2101 = vector.broadcast %select_n3A_1850 : vector<64x1xf32> to vector<64x64xf32>
    %eq3A_2102 = arith.cmpf oeq, %eq3A_2100, %eq3A_2101 : vector<64x64xf32>
    %and3A_2103 = arith.andi %eq3A_2102, %lt3A_60 : vector<64x64xi1>
    %or3A_2104 = arith.ori %gt3A_2099, %and3A_2103 : vector<64x64xi1>
    %jit3A_2105 = arith.constant 1.000000e+00 : f32
    %jit3A_2106 = arith.constant 0.000000e+00 : f32
    %broadcast_in_dim3A_2107 = vector.broadcast %jit3A_2105 : f32 to vector<64x64xf32>
    %broadcast_in_dim3A_2108 = vector.broadcast %jit3A_2106 : f32 to vector<64x64xf32>
    %select_n3A_2109 = arith.select %or3A_2104, %broadcast_in_dim3A_2107, %broadcast_in_dim3A_2108 : vector<64x64xi1>, vector<64x64xf32>
    %convert_element_type3A_2110 = arith.truncf %select_n3A_2109 : vector<64x64xf32> to vector<64x64xbf16>
    %slice3A_2111 = vector.extract_strided_slice %transpose3A_1915 {offsets = [13, 0], sizes = [1, 64], strides = [1, 1]} : vector<16x64xf32> to vector<1x64xf32>
    %gt3A_2112 = vector.broadcast %slice3A_2111 : vector<1x64xf32> to vector<64x64xf32>
    %gt3A_2113 = vector.broadcast %select_n3A_1871 : vector<64x1xf32> to vector<64x64xf32>
    %gt3A_2114 = arith.cmpf ogt, %gt3A_2112, %gt3A_2113 : vector<64x64xf32>
    %eq3A_2115 = vector.broadcast %slice3A_2111 : vector<1x64xf32> to vector<64x64xf32>
    %eq3A_2116 = vector.broadcast %select_n3A_1871 : vector<64x1xf32> to vector<64x64xf32>
    %eq3A_2117 = arith.cmpf oeq, %eq3A_2115, %eq3A_2116 : vector<64x64xf32>
    %and3A_2118 = arith.andi %eq3A_2117, %lt3A_60 : vector<64x64xi1>
    %or3A_2119 = arith.ori %gt3A_2114, %and3A_2118 : vector<64x64xi1>
    %jit3A_2120 = arith.constant 1.000000e+00 : f32
    %jit3A_2121 = arith.constant 0.000000e+00 : f32
    %broadcast_in_dim3A_2122 = vector.broadcast %jit3A_2120 : f32 to vector<64x64xf32>
    %broadcast_in_dim3A_2123 = vector.broadcast %jit3A_2121 : f32 to vector<64x64xf32>
    %select_n3A_2124 = arith.select %or3A_2119, %broadcast_in_dim3A_2122, %broadcast_in_dim3A_2123 : vector<64x64xi1>, vector<64x64xf32>
    %convert_element_type3A_2125 = arith.truncf %select_n3A_2124 : vector<64x64xf32> to vector<64x64xbf16>
    %slice3A_2126 = vector.extract_strided_slice %transpose3A_1915 {offsets = [14, 0], sizes = [1, 64], strides = [1, 1]} : vector<16x64xf32> to vector<1x64xf32>
    %gt3A_2127 = vector.broadcast %slice3A_2126 : vector<1x64xf32> to vector<64x64xf32>
    %gt3A_2128 = vector.broadcast %select_n3A_1892 : vector<64x1xf32> to vector<64x64xf32>
    %gt3A_2129 = arith.cmpf ogt, %gt3A_2127, %gt3A_2128 : vector<64x64xf32>
    %eq3A_2130 = vector.broadcast %slice3A_2126 : vector<1x64xf32> to vector<64x64xf32>
    %eq3A_2131 = vector.broadcast %select_n3A_1892 : vector<64x1xf32> to vector<64x64xf32>
    %eq3A_2132 = arith.cmpf oeq, %eq3A_2130, %eq3A_2131 : vector<64x64xf32>
    %and3A_2133 = arith.andi %eq3A_2132, %lt3A_60 : vector<64x64xi1>
    %or3A_2134 = arith.ori %gt3A_2129, %and3A_2133 : vector<64x64xi1>
    %jit3A_2135 = arith.constant 1.000000e+00 : f32
    %jit3A_2136 = arith.constant 0.000000e+00 : f32
    %broadcast_in_dim3A_2137 = vector.broadcast %jit3A_2135 : f32 to vector<64x64xf32>
    %broadcast_in_dim3A_2138 = vector.broadcast %jit3A_2136 : f32 to vector<64x64xf32>
    %select_n3A_2139 = arith.select %or3A_2134, %broadcast_in_dim3A_2137, %broadcast_in_dim3A_2138 : vector<64x64xi1>, vector<64x64xf32>
    %convert_element_type3A_2140 = arith.truncf %select_n3A_2139 : vector<64x64xf32> to vector<64x64xbf16>
    %slice3A_2141 = vector.extract_strided_slice %transpose3A_1915 {offsets = [15, 0], sizes = [1, 64], strides = [1, 1]} : vector<16x64xf32> to vector<1x64xf32>
    %gt3A_2142 = vector.broadcast %slice3A_2141 : vector<1x64xf32> to vector<64x64xf32>
    %gt3A_2143 = vector.broadcast %select_n3A_1913 : vector<64x1xf32> to vector<64x64xf32>
    %gt3A_2144 = arith.cmpf ogt, %gt3A_2142, %gt3A_2143 : vector<64x64xf32>
    %eq3A_2145 = vector.broadcast %slice3A_2141 : vector<1x64xf32> to vector<64x64xf32>
    %eq3A_2146 = vector.broadcast %select_n3A_1913 : vector<64x1xf32> to vector<64x64xf32>
    %eq3A_2147 = arith.cmpf oeq, %eq3A_2145, %eq3A_2146 : vector<64x64xf32>
    %and3A_2148 = arith.andi %eq3A_2147, %lt3A_60 : vector<64x64xi1>
    %or3A_2149 = arith.ori %gt3A_2144, %and3A_2148 : vector<64x64xi1>
    %jit3A_2150 = arith.constant 1.000000e+00 : f32
    %jit3A_2151 = arith.constant 0.000000e+00 : f32
    %broadcast_in_dim3A_2152 = vector.broadcast %jit3A_2150 : f32 to vector<64x64xf32>
    %broadcast_in_dim3A_2153 = vector.broadcast %jit3A_2151 : f32 to vector<64x64xf32>
    %select_n3A_2154 = arith.select %or3A_2149, %broadcast_in_dim3A_2152, %broadcast_in_dim3A_2153 : vector<64x64xi1>, vector<64x64xf32>
    %convert_element_type3A_2155 = arith.truncf %select_n3A_2154 : vector<64x64xf32> to vector<64x64xbf16>
    %dot_general3A_2156 = arith.constant dense<0.000000e+00> : vector<64x1xf32>
    %dot_general3A_2157 = tpu.matmul %convert_element_type3A_1930, %broadcast_in_dim3A_38, %dot_general3A_2156 {dimension_numbers = #tpu.dot_dimension_numbers<[1], [0], [0], [1], [0, 0, 1, 1], [], []>, transpose_lhs_hint = false} : vector<64x64xbf16>, vector<64x1xbf16>, vector<64x1xf32> -> vector<64x1xf32>
    %dot_general3A_2158 = arith.constant dense<0.000000e+00> : vector<64x1xf32>
    %dot_general3A_2159 = tpu.matmul %convert_element_type3A_1945, %broadcast_in_dim3A_38, %dot_general3A_2158 {dimension_numbers = #tpu.dot_dimension_numbers<[1], [0], [0], [1], [0, 0, 1, 1], [], []>, transpose_lhs_hint = false} : vector<64x64xbf16>, vector<64x1xbf16>, vector<64x1xf32> -> vector<64x1xf32>
    %dot_general3A_2160 = arith.constant dense<0.000000e+00> : vector<64x1xf32>
    %dot_general3A_2161 = tpu.matmul %convert_element_type3A_1960, %broadcast_in_dim3A_38, %dot_general3A_2160 {dimension_numbers = #tpu.dot_dimension_numbers<[1], [0], [0], [1], [0, 0, 1, 1], [], []>, transpose_lhs_hint = false} : vector<64x64xbf16>, vector<64x1xbf16>, vector<64x1xf32> -> vector<64x1xf32>
    %dot_general3A_2162 = arith.constant dense<0.000000e+00> : vector<64x1xf32>
    %dot_general3A_2163 = tpu.matmul %convert_element_type3A_1975, %broadcast_in_dim3A_38, %dot_general3A_2162 {dimension_numbers = #tpu.dot_dimension_numbers<[1], [0], [0], [1], [0, 0, 1, 1], [], []>, transpose_lhs_hint = false} : vector<64x64xbf16>, vector<64x1xbf16>, vector<64x1xf32> -> vector<64x1xf32>
    %dot_general3A_2164 = arith.constant dense<0.000000e+00> : vector<64x1xf32>
    %dot_general3A_2165 = tpu.matmul %convert_element_type3A_1990, %broadcast_in_dim3A_38, %dot_general3A_2164 {dimension_numbers = #tpu.dot_dimension_numbers<[1], [0], [0], [1], [0, 0, 1, 1], [], []>, transpose_lhs_hint = false} : vector<64x64xbf16>, vector<64x1xbf16>, vector<64x1xf32> -> vector<64x1xf32>
    %dot_general3A_2166 = arith.constant dense<0.000000e+00> : vector<64x1xf32>
    %dot_general3A_2167 = tpu.matmul %convert_element_type3A_2005, %broadcast_in_dim3A_38, %dot_general3A_2166 {dimension_numbers = #tpu.dot_dimension_numbers<[1], [0], [0], [1], [0, 0, 1, 1], [], []>, transpose_lhs_hint = false} : vector<64x64xbf16>, vector<64x1xbf16>, vector<64x1xf32> -> vector<64x1xf32>
    %dot_general3A_2168 = arith.constant dense<0.000000e+00> : vector<64x1xf32>
    %dot_general3A_2169 = tpu.matmul %convert_element_type3A_2020, %broadcast_in_dim3A_38, %dot_general3A_2168 {dimension_numbers = #tpu.dot_dimension_numbers<[1], [0], [0], [1], [0, 0, 1, 1], [], []>, transpose_lhs_hint = false} : vector<64x64xbf16>, vector<64x1xbf16>, vector<64x1xf32> -> vector<64x1xf32>
    %dot_general3A_2170 = arith.constant dense<0.000000e+00> : vector<64x1xf32>
    %dot_general3A_2171 = tpu.matmul %convert_element_type3A_2035, %broadcast_in_dim3A_38, %dot_general3A_2170 {dimension_numbers = #tpu.dot_dimension_numbers<[1], [0], [0], [1], [0, 0, 1, 1], [], []>, transpose_lhs_hint = false} : vector<64x64xbf16>, vector<64x1xbf16>, vector<64x1xf32> -> vector<64x1xf32>
    %dot_general3A_2172 = arith.constant dense<0.000000e+00> : vector<64x1xf32>
    %dot_general3A_2173 = tpu.matmul %convert_element_type3A_2050, %broadcast_in_dim3A_38, %dot_general3A_2172 {dimension_numbers = #tpu.dot_dimension_numbers<[1], [0], [0], [1], [0, 0, 1, 1], [], []>, transpose_lhs_hint = false} : vector<64x64xbf16>, vector<64x1xbf16>, vector<64x1xf32> -> vector<64x1xf32>
    %dot_general3A_2174 = arith.constant dense<0.000000e+00> : vector<64x1xf32>
    %dot_general3A_2175 = tpu.matmul %convert_element_type3A_2065, %broadcast_in_dim3A_38, %dot_general3A_2174 {dimension_numbers = #tpu.dot_dimension_numbers<[1], [0], [0], [1], [0, 0, 1, 1], [], []>, transpose_lhs_hint = false} : vector<64x64xbf16>, vector<64x1xbf16>, vector<64x1xf32> -> vector<64x1xf32>
    %dot_general3A_2176 = arith.constant dense<0.000000e+00> : vector<64x1xf32>
    %dot_general3A_2177 = tpu.matmul %convert_element_type3A_2080, %broadcast_in_dim3A_38, %dot_general3A_2176 {dimension_numbers = #tpu.dot_dimension_numbers<[1], [0], [0], [1], [0, 0, 1, 1], [], []>, transpose_lhs_hint = false} : vector<64x64xbf16>, vector<64x1xbf16>, vector<64x1xf32> -> vector<64x1xf32>
    %dot_general3A_2178 = arith.constant dense<0.000000e+00> : vector<64x1xf32>
    %dot_general3A_2179 = tpu.matmul %convert_element_type3A_2095, %broadcast_in_dim3A_38, %dot_general3A_2178 {dimension_numbers = #tpu.dot_dimension_numbers<[1], [0], [0], [1], [0, 0, 1, 1], [], []>, transpose_lhs_hint = false} : vector<64x64xbf16>, vector<64x1xbf16>, vector<64x1xf32> -> vector<64x1xf32>
    %dot_general3A_2180 = arith.constant dense<0.000000e+00> : vector<64x1xf32>
    %dot_general3A_2181 = tpu.matmul %convert_element_type3A_2110, %broadcast_in_dim3A_38, %dot_general3A_2180 {dimension_numbers = #tpu.dot_dimension_numbers<[1], [0], [0], [1], [0, 0, 1, 1], [], []>, transpose_lhs_hint = false} : vector<64x64xbf16>, vector<64x1xbf16>, vector<64x1xf32> -> vector<64x1xf32>
    %dot_general3A_2182 = arith.constant dense<0.000000e+00> : vector<64x1xf32>
    %dot_general3A_2183 = tpu.matmul %convert_element_type3A_2125, %broadcast_in_dim3A_38, %dot_general3A_2182 {dimension_numbers = #tpu.dot_dimension_numbers<[1], [0], [0], [1], [0, 0, 1, 1], [], []>, transpose_lhs_hint = false} : vector<64x64xbf16>, vector<64x1xbf16>, vector<64x1xf32> -> vector<64x1xf32>
    %dot_general3A_2184 = arith.constant dense<0.000000e+00> : vector<64x1xf32>
    %dot_general3A_2185 = tpu.matmul %convert_element_type3A_2140, %broadcast_in_dim3A_38, %dot_general3A_2184 {dimension_numbers = #tpu.dot_dimension_numbers<[1], [0], [0], [1], [0, 0, 1, 1], [], []>, transpose_lhs_hint = false} : vector<64x64xbf16>, vector<64x1xbf16>, vector<64x1xf32> -> vector<64x1xf32>
    %dot_general3A_2186 = arith.constant dense<0.000000e+00> : vector<64x1xf32>
    %dot_general3A_2187 = tpu.matmul %convert_element_type3A_2155, %broadcast_in_dim3A_38, %dot_general3A_2186 {dimension_numbers = #tpu.dot_dimension_numbers<[1], [0], [0], [1], [0, 0, 1, 1], [], []>, transpose_lhs_hint = false} : vector<64x64xbf16>, vector<64x1xbf16>, vector<64x1xf32> -> vector<64x1xf32>
    %concatenate3A_2188 = tpu.concatenate %dot_general3A_2157, %dot_general3A_2159, %dot_general3A_2161, %dot_general3A_2163, %dot_general3A_2165, %dot_general3A_2167, %dot_general3A_2169, %dot_general3A_2171, %dot_general3A_2173, %dot_general3A_2175, %dot_general3A_2177, %dot_general3A_2179, %dot_general3A_2181, %dot_general3A_2183, %dot_general3A_2185, %dot_general3A_2187 in 1 : vector<64x1xf32>, vector<64x1xf32>, vector<64x1xf32>, vector<64x1xf32>, vector<64x1xf32>, vector<64x1xf32>, vector<64x1xf32>, vector<64x1xf32>, vector<64x1xf32>, vector<64x1xf32>, vector<64x1xf32>, vector<64x1xf32>, vector<64x1xf32>, vector<64x1xf32>, vector<64x1xf32>, vector<64x1xf32> -> vector<64x16xf32>
    %transpose3A_2189 = tpu.transpose %concatenate3A_2188, [1, 0] : vector<64x16xf32> -> vector<16x64xf32>
    %slice3A_2190 = vector.extract_strided_slice %transpose3A_2189 {offsets = [0, 0], sizes = [1, 64], strides = [1, 1]} : vector<16x64xf32> to vector<1x64xf32>
    %eq3A_2191 = vector.broadcast %convert_element_type3A_34 : vector<32x1xf32> to vector<32x64xf32>
    %eq3A_2192 = vector.broadcast %slice3A_2190 : vector<1x64xf32> to vector<32x64xf32>
    %eq3A_2193 = arith.cmpf oeq, %eq3A_2191, %eq3A_2192 : vector<32x64xf32>
    %jit3A_2194 = arith.constant 1.000000e+00 : f32
    %jit3A_2195 = arith.constant 0.000000e+00 : f32
    %broadcast_in_dim3A_2196 = vector.broadcast %jit3A_2194 : f32 to vector<32x64xf32>
    %broadcast_in_dim3A_2197 = vector.broadcast %jit3A_2195 : f32 to vector<32x64xf32>
    %select_n3A_2198 = arith.select %eq3A_2193, %broadcast_in_dim3A_2196, %broadcast_in_dim3A_2197 : vector<32x64xi1>, vector<32x64xf32>
    %slice3A_2199 = vector.extract_strided_slice %transpose3A_2189 {offsets = [1, 0], sizes = [1, 64], strides = [1, 1]} : vector<16x64xf32> to vector<1x64xf32>
    %eq3A_2200 = vector.broadcast %convert_element_type3A_34 : vector<32x1xf32> to vector<32x64xf32>
    %eq3A_2201 = vector.broadcast %slice3A_2199 : vector<1x64xf32> to vector<32x64xf32>
    %eq3A_2202 = arith.cmpf oeq, %eq3A_2200, %eq3A_2201 : vector<32x64xf32>
    %jit3A_2203 = arith.constant 1.000000e+00 : f32
    %jit3A_2204 = arith.constant 0.000000e+00 : f32
    %broadcast_in_dim3A_2205 = vector.broadcast %jit3A_2203 : f32 to vector<32x64xf32>
    %broadcast_in_dim3A_2206 = vector.broadcast %jit3A_2204 : f32 to vector<32x64xf32>
    %select_n3A_2207 = arith.select %eq3A_2202, %broadcast_in_dim3A_2205, %broadcast_in_dim3A_2206 : vector<32x64xi1>, vector<32x64xf32>
    %slice3A_2208 = vector.extract_strided_slice %transpose3A_2189 {offsets = [2, 0], sizes = [1, 64], strides = [1, 1]} : vector<16x64xf32> to vector<1x64xf32>
    %eq3A_2209 = vector.broadcast %convert_element_type3A_34 : vector<32x1xf32> to vector<32x64xf32>
    %eq3A_2210 = vector.broadcast %slice3A_2208 : vector<1x64xf32> to vector<32x64xf32>
    %eq3A_2211 = arith.cmpf oeq, %eq3A_2209, %eq3A_2210 : vector<32x64xf32>
    %jit3A_2212 = arith.constant 1.000000e+00 : f32
    %jit3A_2213 = arith.constant 0.000000e+00 : f32
    %broadcast_in_dim3A_2214 = vector.broadcast %jit3A_2212 : f32 to vector<32x64xf32>
    %broadcast_in_dim3A_2215 = vector.broadcast %jit3A_2213 : f32 to vector<32x64xf32>
    %select_n3A_2216 = arith.select %eq3A_2211, %broadcast_in_dim3A_2214, %broadcast_in_dim3A_2215 : vector<32x64xi1>, vector<32x64xf32>
    %slice3A_2217 = vector.extract_strided_slice %transpose3A_2189 {offsets = [3, 0], sizes = [1, 64], strides = [1, 1]} : vector<16x64xf32> to vector<1x64xf32>
    %eq3A_2218 = vector.broadcast %convert_element_type3A_34 : vector<32x1xf32> to vector<32x64xf32>
    %eq3A_2219 = vector.broadcast %slice3A_2217 : vector<1x64xf32> to vector<32x64xf32>
    %eq3A_2220 = arith.cmpf oeq, %eq3A_2218, %eq3A_2219 : vector<32x64xf32>
    %jit3A_2221 = arith.constant 1.000000e+00 : f32
    %jit3A_2222 = arith.constant 0.000000e+00 : f32
    %broadcast_in_dim3A_2223 = vector.broadcast %jit3A_2221 : f32 to vector<32x64xf32>
    %broadcast_in_dim3A_2224 = vector.broadcast %jit3A_2222 : f32 to vector<32x64xf32>
    %select_n3A_2225 = arith.select %eq3A_2220, %broadcast_in_dim3A_2223, %broadcast_in_dim3A_2224 : vector<32x64xi1>, vector<32x64xf32>
    %slice3A_2226 = vector.extract_strided_slice %transpose3A_2189 {offsets = [4, 0], sizes = [1, 64], strides = [1, 1]} : vector<16x64xf32> to vector<1x64xf32>
    %eq3A_2227 = vector.broadcast %convert_element_type3A_34 : vector<32x1xf32> to vector<32x64xf32>
    %eq3A_2228 = vector.broadcast %slice3A_2226 : vector<1x64xf32> to vector<32x64xf32>
    %eq3A_2229 = arith.cmpf oeq, %eq3A_2227, %eq3A_2228 : vector<32x64xf32>
    %jit3A_2230 = arith.constant 1.000000e+00 : f32
    %jit3A_2231 = arith.constant 0.000000e+00 : f32
    %broadcast_in_dim3A_2232 = vector.broadcast %jit3A_2230 : f32 to vector<32x64xf32>
    %broadcast_in_dim3A_2233 = vector.broadcast %jit3A_2231 : f32 to vector<32x64xf32>
    %select_n3A_2234 = arith.select %eq3A_2229, %broadcast_in_dim3A_2232, %broadcast_in_dim3A_2233 : vector<32x64xi1>, vector<32x64xf32>
    %slice3A_2235 = vector.extract_strided_slice %transpose3A_2189 {offsets = [5, 0], sizes = [1, 64], strides = [1, 1]} : vector<16x64xf32> to vector<1x64xf32>
    %eq3A_2236 = vector.broadcast %convert_element_type3A_34 : vector<32x1xf32> to vector<32x64xf32>
    %eq3A_2237 = vector.broadcast %slice3A_2235 : vector<1x64xf32> to vector<32x64xf32>
    %eq3A_2238 = arith.cmpf oeq, %eq3A_2236, %eq3A_2237 : vector<32x64xf32>
    %jit3A_2239 = arith.constant 1.000000e+00 : f32
    %jit3A_2240 = arith.constant 0.000000e+00 : f32
    %broadcast_in_dim3A_2241 = vector.broadcast %jit3A_2239 : f32 to vector<32x64xf32>
    %broadcast_in_dim3A_2242 = vector.broadcast %jit3A_2240 : f32 to vector<32x64xf32>
    %select_n3A_2243 = arith.select %eq3A_2238, %broadcast_in_dim3A_2241, %broadcast_in_dim3A_2242 : vector<32x64xi1>, vector<32x64xf32>
    %slice3A_2244 = vector.extract_strided_slice %transpose3A_2189 {offsets = [6, 0], sizes = [1, 64], strides = [1, 1]} : vector<16x64xf32> to vector<1x64xf32>
    %eq3A_2245 = vector.broadcast %convert_element_type3A_34 : vector<32x1xf32> to vector<32x64xf32>
    %eq3A_2246 = vector.broadcast %slice3A_2244 : vector<1x64xf32> to vector<32x64xf32>
    %eq3A_2247 = arith.cmpf oeq, %eq3A_2245, %eq3A_2246 : vector<32x64xf32>
    %jit3A_2248 = arith.constant 1.000000e+00 : f32
    %jit3A_2249 = arith.constant 0.000000e+00 : f32
    %broadcast_in_dim3A_2250 = vector.broadcast %jit3A_2248 : f32 to vector<32x64xf32>
    %broadcast_in_dim3A_2251 = vector.broadcast %jit3A_2249 : f32 to vector<32x64xf32>
    %select_n3A_2252 = arith.select %eq3A_2247, %broadcast_in_dim3A_2250, %broadcast_in_dim3A_2251 : vector<32x64xi1>, vector<32x64xf32>
    %slice3A_2253 = vector.extract_strided_slice %transpose3A_2189 {offsets = [7, 0], sizes = [1, 64], strides = [1, 1]} : vector<16x64xf32> to vector<1x64xf32>
    %eq3A_2254 = vector.broadcast %convert_element_type3A_34 : vector<32x1xf32> to vector<32x64xf32>
    %eq3A_2255 = vector.broadcast %slice3A_2253 : vector<1x64xf32> to vector<32x64xf32>
    %eq3A_2256 = arith.cmpf oeq, %eq3A_2254, %eq3A_2255 : vector<32x64xf32>
    %jit3A_2257 = arith.constant 1.000000e+00 : f32
    %jit3A_2258 = arith.constant 0.000000e+00 : f32
    %broadcast_in_dim3A_2259 = vector.broadcast %jit3A_2257 : f32 to vector<32x64xf32>
    %broadcast_in_dim3A_2260 = vector.broadcast %jit3A_2258 : f32 to vector<32x64xf32>
    %select_n3A_2261 = arith.select %eq3A_2256, %broadcast_in_dim3A_2259, %broadcast_in_dim3A_2260 : vector<32x64xi1>, vector<32x64xf32>
    %slice3A_2262 = vector.extract_strided_slice %transpose3A_2189 {offsets = [8, 0], sizes = [1, 64], strides = [1, 1]} : vector<16x64xf32> to vector<1x64xf32>
    %eq3A_2263 = vector.broadcast %convert_element_type3A_34 : vector<32x1xf32> to vector<32x64xf32>
    %eq3A_2264 = vector.broadcast %slice3A_2262 : vector<1x64xf32> to vector<32x64xf32>
    %eq3A_2265 = arith.cmpf oeq, %eq3A_2263, %eq3A_2264 : vector<32x64xf32>
    %jit3A_2266 = arith.constant 1.000000e+00 : f32
    %jit3A_2267 = arith.constant 0.000000e+00 : f32
    %broadcast_in_dim3A_2268 = vector.broadcast %jit3A_2266 : f32 to vector<32x64xf32>
    %broadcast_in_dim3A_2269 = vector.broadcast %jit3A_2267 : f32 to vector<32x64xf32>
    %select_n3A_2270 = arith.select %eq3A_2265, %broadcast_in_dim3A_2268, %broadcast_in_dim3A_2269 : vector<32x64xi1>, vector<32x64xf32>
    %slice3A_2271 = vector.extract_strided_slice %transpose3A_2189 {offsets = [9, 0], sizes = [1, 64], strides = [1, 1]} : vector<16x64xf32> to vector<1x64xf32>
    %eq3A_2272 = vector.broadcast %convert_element_type3A_34 : vector<32x1xf32> to vector<32x64xf32>
    %eq3A_2273 = vector.broadcast %slice3A_2271 : vector<1x64xf32> to vector<32x64xf32>
    %eq3A_2274 = arith.cmpf oeq, %eq3A_2272, %eq3A_2273 : vector<32x64xf32>
    %jit3A_2275 = arith.constant 1.000000e+00 : f32
    %jit3A_2276 = arith.constant 0.000000e+00 : f32
    %broadcast_in_dim3A_2277 = vector.broadcast %jit3A_2275 : f32 to vector<32x64xf32>
    %broadcast_in_dim3A_2278 = vector.broadcast %jit3A_2276 : f32 to vector<32x64xf32>
    %select_n3A_2279 = arith.select %eq3A_2274, %broadcast_in_dim3A_2277, %broadcast_in_dim3A_2278 : vector<32x64xi1>, vector<32x64xf32>
    %slice3A_2280 = vector.extract_strided_slice %transpose3A_2189 {offsets = [10, 0], sizes = [1, 64], strides = [1, 1]} : vector<16x64xf32> to vector<1x64xf32>
    %eq3A_2281 = vector.broadcast %convert_element_type3A_34 : vector<32x1xf32> to vector<32x64xf32>
    %eq3A_2282 = vector.broadcast %slice3A_2280 : vector<1x64xf32> to vector<32x64xf32>
    %eq3A_2283 = arith.cmpf oeq, %eq3A_2281, %eq3A_2282 : vector<32x64xf32>
    %jit3A_2284 = arith.constant 1.000000e+00 : f32
    %jit3A_2285 = arith.constant 0.000000e+00 : f32
    %broadcast_in_dim3A_2286 = vector.broadcast %jit3A_2284 : f32 to vector<32x64xf32>
    %broadcast_in_dim3A_2287 = vector.broadcast %jit3A_2285 : f32 to vector<32x64xf32>
    %select_n3A_2288 = arith.select %eq3A_2283, %broadcast_in_dim3A_2286, %broadcast_in_dim3A_2287 : vector<32x64xi1>, vector<32x64xf32>
    %slice3A_2289 = vector.extract_strided_slice %transpose3A_2189 {offsets = [11, 0], sizes = [1, 64], strides = [1, 1]} : vector<16x64xf32> to vector<1x64xf32>
    %eq3A_2290 = vector.broadcast %convert_element_type3A_34 : vector<32x1xf32> to vector<32x64xf32>
    %eq3A_2291 = vector.broadcast %slice3A_2289 : vector<1x64xf32> to vector<32x64xf32>
    %eq3A_2292 = arith.cmpf oeq, %eq3A_2290, %eq3A_2291 : vector<32x64xf32>
    %jit3A_2293 = arith.constant 1.000000e+00 : f32
    %jit3A_2294 = arith.constant 0.000000e+00 : f32
    %broadcast_in_dim3A_2295 = vector.broadcast %jit3A_2293 : f32 to vector<32x64xf32>
    %broadcast_in_dim3A_2296 = vector.broadcast %jit3A_2294 : f32 to vector<32x64xf32>
    %select_n3A_2297 = arith.select %eq3A_2292, %broadcast_in_dim3A_2295, %broadcast_in_dim3A_2296 : vector<32x64xi1>, vector<32x64xf32>
    %slice3A_2298 = vector.extract_strided_slice %transpose3A_2189 {offsets = [12, 0], sizes = [1, 64], strides = [1, 1]} : vector<16x64xf32> to vector<1x64xf32>
    %eq3A_2299 = vector.broadcast %convert_element_type3A_34 : vector<32x1xf32> to vector<32x64xf32>
    %eq3A_2300 = vector.broadcast %slice3A_2298 : vector<1x64xf32> to vector<32x64xf32>
    %eq3A_2301 = arith.cmpf oeq, %eq3A_2299, %eq3A_2300 : vector<32x64xf32>
    %jit3A_2302 = arith.constant 1.000000e+00 : f32
    %jit3A_2303 = arith.constant 0.000000e+00 : f32
    %broadcast_in_dim3A_2304 = vector.broadcast %jit3A_2302 : f32 to vector<32x64xf32>
    %broadcast_in_dim3A_2305 = vector.broadcast %jit3A_2303 : f32 to vector<32x64xf32>
    %select_n3A_2306 = arith.select %eq3A_2301, %broadcast_in_dim3A_2304, %broadcast_in_dim3A_2305 : vector<32x64xi1>, vector<32x64xf32>
    %slice3A_2307 = vector.extract_strided_slice %transpose3A_2189 {offsets = [13, 0], sizes = [1, 64], strides = [1, 1]} : vector<16x64xf32> to vector<1x64xf32>
    %eq3A_2308 = vector.broadcast %convert_element_type3A_34 : vector<32x1xf32> to vector<32x64xf32>
    %eq3A_2309 = vector.broadcast %slice3A_2307 : vector<1x64xf32> to vector<32x64xf32>
    %eq3A_2310 = arith.cmpf oeq, %eq3A_2308, %eq3A_2309 : vector<32x64xf32>
    %jit3A_2311 = arith.constant 1.000000e+00 : f32
    %jit3A_2312 = arith.constant 0.000000e+00 : f32
    %broadcast_in_dim3A_2313 = vector.broadcast %jit3A_2311 : f32 to vector<32x64xf32>
    %broadcast_in_dim3A_2314 = vector.broadcast %jit3A_2312 : f32 to vector<32x64xf32>
    %select_n3A_2315 = arith.select %eq3A_2310, %broadcast_in_dim3A_2313, %broadcast_in_dim3A_2314 : vector<32x64xi1>, vector<32x64xf32>
    %slice3A_2316 = vector.extract_strided_slice %transpose3A_2189 {offsets = [14, 0], sizes = [1, 64], strides = [1, 1]} : vector<16x64xf32> to vector<1x64xf32>
    %eq3A_2317 = vector.broadcast %convert_element_type3A_34 : vector<32x1xf32> to vector<32x64xf32>
    %eq3A_2318 = vector.broadcast %slice3A_2316 : vector<1x64xf32> to vector<32x64xf32>
    %eq3A_2319 = arith.cmpf oeq, %eq3A_2317, %eq3A_2318 : vector<32x64xf32>
    %jit3A_2320 = arith.constant 1.000000e+00 : f32
    %jit3A_2321 = arith.constant 0.000000e+00 : f32
    %broadcast_in_dim3A_2322 = vector.broadcast %jit3A_2320 : f32 to vector<32x64xf32>
    %broadcast_in_dim3A_2323 = vector.broadcast %jit3A_2321 : f32 to vector<32x64xf32>
    %select_n3A_2324 = arith.select %eq3A_2319, %broadcast_in_dim3A_2322, %broadcast_in_dim3A_2323 : vector<32x64xi1>, vector<32x64xf32>
    %slice3A_2325 = vector.extract_strided_slice %transpose3A_2189 {offsets = [15, 0], sizes = [1, 64], strides = [1, 1]} : vector<16x64xf32> to vector<1x64xf32>
    %eq3A_2326 = vector.broadcast %convert_element_type3A_34 : vector<32x1xf32> to vector<32x64xf32>
    %eq3A_2327 = vector.broadcast %slice3A_2325 : vector<1x64xf32> to vector<32x64xf32>
    %eq3A_2328 = arith.cmpf oeq, %eq3A_2326, %eq3A_2327 : vector<32x64xf32>
    %jit3A_2329 = arith.constant 1.000000e+00 : f32
    %jit3A_2330 = arith.constant 0.000000e+00 : f32
    %broadcast_in_dim3A_2331 = vector.broadcast %jit3A_2329 : f32 to vector<32x64xf32>
    %broadcast_in_dim3A_2332 = vector.broadcast %jit3A_2330 : f32 to vector<32x64xf32>
    %select_n3A_2333 = arith.select %eq3A_2328, %broadcast_in_dim3A_2331, %broadcast_in_dim3A_2332 : vector<32x64xi1>, vector<32x64xf32>
    %eq3A_2334 = vector.broadcast %dot_general3A_2157 : vector<64x1xf32> to vector<64x32xf32>
    %eq3A_2335 = vector.broadcast %convert_element_type3A_32 : vector<1x32xf32> to vector<64x32xf32>
    %eq3A_2336 = arith.cmpf oeq, %eq3A_2334, %eq3A_2335 : vector<64x32xf32>
    %jit3A_2337 = arith.constant 1.000000e+00 : f32
    %jit3A_2338 = arith.constant 0.000000e+00 : f32
    %broadcast_in_dim3A_2339 = vector.broadcast %jit3A_2337 : f32 to vector<64x32xf32>
    %broadcast_in_dim3A_2340 = vector.broadcast %jit3A_2338 : f32 to vector<64x32xf32>
    %select_n3A_2341 = arith.select %eq3A_2336, %broadcast_in_dim3A_2339, %broadcast_in_dim3A_2340 : vector<64x32xi1>, vector<64x32xf32>
    %eq3A_2342 = vector.broadcast %dot_general3A_2159 : vector<64x1xf32> to vector<64x32xf32>
    %eq3A_2343 = vector.broadcast %convert_element_type3A_32 : vector<1x32xf32> to vector<64x32xf32>
    %eq3A_2344 = arith.cmpf oeq, %eq3A_2342, %eq3A_2343 : vector<64x32xf32>
    %jit3A_2345 = arith.constant 1.000000e+00 : f32
    %jit3A_2346 = arith.constant 0.000000e+00 : f32
    %broadcast_in_dim3A_2347 = vector.broadcast %jit3A_2345 : f32 to vector<64x32xf32>
    %broadcast_in_dim3A_2348 = vector.broadcast %jit3A_2346 : f32 to vector<64x32xf32>
    %select_n3A_2349 = arith.select %eq3A_2344, %broadcast_in_dim3A_2347, %broadcast_in_dim3A_2348 : vector<64x32xi1>, vector<64x32xf32>
    %eq3A_2350 = vector.broadcast %dot_general3A_2161 : vector<64x1xf32> to vector<64x32xf32>
    %eq3A_2351 = vector.broadcast %convert_element_type3A_32 : vector<1x32xf32> to vector<64x32xf32>
    %eq3A_2352 = arith.cmpf oeq, %eq3A_2350, %eq3A_2351 : vector<64x32xf32>
    %jit3A_2353 = arith.constant 1.000000e+00 : f32
    %jit3A_2354 = arith.constant 0.000000e+00 : f32
    %broadcast_in_dim3A_2355 = vector.broadcast %jit3A_2353 : f32 to vector<64x32xf32>
    %broadcast_in_dim3A_2356 = vector.broadcast %jit3A_2354 : f32 to vector<64x32xf32>
    %select_n3A_2357 = arith.select %eq3A_2352, %broadcast_in_dim3A_2355, %broadcast_in_dim3A_2356 : vector<64x32xi1>, vector<64x32xf32>
    %eq3A_2358 = vector.broadcast %dot_general3A_2163 : vector<64x1xf32> to vector<64x32xf32>
    %eq3A_2359 = vector.broadcast %convert_element_type3A_32 : vector<1x32xf32> to vector<64x32xf32>
    %eq3A_2360 = arith.cmpf oeq, %eq3A_2358, %eq3A_2359 : vector<64x32xf32>
    %jit3A_2361 = arith.constant 1.000000e+00 : f32
    %jit3A_2362 = arith.constant 0.000000e+00 : f32
    %broadcast_in_dim3A_2363 = vector.broadcast %jit3A_2361 : f32 to vector<64x32xf32>
    %broadcast_in_dim3A_2364 = vector.broadcast %jit3A_2362 : f32 to vector<64x32xf32>
    %select_n3A_2365 = arith.select %eq3A_2360, %broadcast_in_dim3A_2363, %broadcast_in_dim3A_2364 : vector<64x32xi1>, vector<64x32xf32>
    %eq3A_2366 = vector.broadcast %dot_general3A_2165 : vector<64x1xf32> to vector<64x32xf32>
    %eq3A_2367 = vector.broadcast %convert_element_type3A_32 : vector<1x32xf32> to vector<64x32xf32>
    %eq3A_2368 = arith.cmpf oeq, %eq3A_2366, %eq3A_2367 : vector<64x32xf32>
    %jit3A_2369 = arith.constant 1.000000e+00 : f32
    %jit3A_2370 = arith.constant 0.000000e+00 : f32
    %broadcast_in_dim3A_2371 = vector.broadcast %jit3A_2369 : f32 to vector<64x32xf32>
    %broadcast_in_dim3A_2372 = vector.broadcast %jit3A_2370 : f32 to vector<64x32xf32>
    %select_n3A_2373 = arith.select %eq3A_2368, %broadcast_in_dim3A_2371, %broadcast_in_dim3A_2372 : vector<64x32xi1>, vector<64x32xf32>
    %eq3A_2374 = vector.broadcast %dot_general3A_2167 : vector<64x1xf32> to vector<64x32xf32>
    %eq3A_2375 = vector.broadcast %convert_element_type3A_32 : vector<1x32xf32> to vector<64x32xf32>
    %eq3A_2376 = arith.cmpf oeq, %eq3A_2374, %eq3A_2375 : vector<64x32xf32>
    %jit3A_2377 = arith.constant 1.000000e+00 : f32
    %jit3A_2378 = arith.constant 0.000000e+00 : f32
    %broadcast_in_dim3A_2379 = vector.broadcast %jit3A_2377 : f32 to vector<64x32xf32>
    %broadcast_in_dim3A_2380 = vector.broadcast %jit3A_2378 : f32 to vector<64x32xf32>
    %select_n3A_2381 = arith.select %eq3A_2376, %broadcast_in_dim3A_2379, %broadcast_in_dim3A_2380 : vector<64x32xi1>, vector<64x32xf32>
    %eq3A_2382 = vector.broadcast %dot_general3A_2169 : vector<64x1xf32> to vector<64x32xf32>
    %eq3A_2383 = vector.broadcast %convert_element_type3A_32 : vector<1x32xf32> to vector<64x32xf32>
    %eq3A_2384 = arith.cmpf oeq, %eq3A_2382, %eq3A_2383 : vector<64x32xf32>
    %jit3A_2385 = arith.constant 1.000000e+00 : f32
    %jit3A_2386 = arith.constant 0.000000e+00 : f32
    %broadcast_in_dim3A_2387 = vector.broadcast %jit3A_2385 : f32 to vector<64x32xf32>
    %broadcast_in_dim3A_2388 = vector.broadcast %jit3A_2386 : f32 to vector<64x32xf32>
    %select_n3A_2389 = arith.select %eq3A_2384, %broadcast_in_dim3A_2387, %broadcast_in_dim3A_2388 : vector<64x32xi1>, vector<64x32xf32>
    %eq3A_2390 = vector.broadcast %dot_general3A_2171 : vector<64x1xf32> to vector<64x32xf32>
    %eq3A_2391 = vector.broadcast %convert_element_type3A_32 : vector<1x32xf32> to vector<64x32xf32>
    %eq3A_2392 = arith.cmpf oeq, %eq3A_2390, %eq3A_2391 : vector<64x32xf32>
    %jit3A_2393 = arith.constant 1.000000e+00 : f32
    %jit3A_2394 = arith.constant 0.000000e+00 : f32
    %broadcast_in_dim3A_2395 = vector.broadcast %jit3A_2393 : f32 to vector<64x32xf32>
    %broadcast_in_dim3A_2396 = vector.broadcast %jit3A_2394 : f32 to vector<64x32xf32>
    %select_n3A_2397 = arith.select %eq3A_2392, %broadcast_in_dim3A_2395, %broadcast_in_dim3A_2396 : vector<64x32xi1>, vector<64x32xf32>
    %eq3A_2398 = vector.broadcast %dot_general3A_2173 : vector<64x1xf32> to vector<64x32xf32>
    %eq3A_2399 = vector.broadcast %convert_element_type3A_32 : vector<1x32xf32> to vector<64x32xf32>
    %eq3A_2400 = arith.cmpf oeq, %eq3A_2398, %eq3A_2399 : vector<64x32xf32>
    %jit3A_2401 = arith.constant 1.000000e+00 : f32
    %jit3A_2402 = arith.constant 0.000000e+00 : f32
    %broadcast_in_dim3A_2403 = vector.broadcast %jit3A_2401 : f32 to vector<64x32xf32>
    %broadcast_in_dim3A_2404 = vector.broadcast %jit3A_2402 : f32 to vector<64x32xf32>
    %select_n3A_2405 = arith.select %eq3A_2400, %broadcast_in_dim3A_2403, %broadcast_in_dim3A_2404 : vector<64x32xi1>, vector<64x32xf32>
    %eq3A_2406 = vector.broadcast %dot_general3A_2175 : vector<64x1xf32> to vector<64x32xf32>
    %eq3A_2407 = vector.broadcast %convert_element_type3A_32 : vector<1x32xf32> to vector<64x32xf32>
    %eq3A_2408 = arith.cmpf oeq, %eq3A_2406, %eq3A_2407 : vector<64x32xf32>
    %jit3A_2409 = arith.constant 1.000000e+00 : f32
    %jit3A_2410 = arith.constant 0.000000e+00 : f32
    %broadcast_in_dim3A_2411 = vector.broadcast %jit3A_2409 : f32 to vector<64x32xf32>
    %broadcast_in_dim3A_2412 = vector.broadcast %jit3A_2410 : f32 to vector<64x32xf32>
    %select_n3A_2413 = arith.select %eq3A_2408, %broadcast_in_dim3A_2411, %broadcast_in_dim3A_2412 : vector<64x32xi1>, vector<64x32xf32>
    %eq3A_2414 = vector.broadcast %dot_general3A_2177 : vector<64x1xf32> to vector<64x32xf32>
    %eq3A_2415 = vector.broadcast %convert_element_type3A_32 : vector<1x32xf32> to vector<64x32xf32>
    %eq3A_2416 = arith.cmpf oeq, %eq3A_2414, %eq3A_2415 : vector<64x32xf32>
    %jit3A_2417 = arith.constant 1.000000e+00 : f32
    %jit3A_2418 = arith.constant 0.000000e+00 : f32
    %broadcast_in_dim3A_2419 = vector.broadcast %jit3A_2417 : f32 to vector<64x32xf32>
    %broadcast_in_dim3A_2420 = vector.broadcast %jit3A_2418 : f32 to vector<64x32xf32>
    %select_n3A_2421 = arith.select %eq3A_2416, %broadcast_in_dim3A_2419, %broadcast_in_dim3A_2420 : vector<64x32xi1>, vector<64x32xf32>
    %eq3A_2422 = vector.broadcast %dot_general3A_2179 : vector<64x1xf32> to vector<64x32xf32>
    %eq3A_2423 = vector.broadcast %convert_element_type3A_32 : vector<1x32xf32> to vector<64x32xf32>
    %eq3A_2424 = arith.cmpf oeq, %eq3A_2422, %eq3A_2423 : vector<64x32xf32>
    %jit3A_2425 = arith.constant 1.000000e+00 : f32
    %jit3A_2426 = arith.constant 0.000000e+00 : f32
    %broadcast_in_dim3A_2427 = vector.broadcast %jit3A_2425 : f32 to vector<64x32xf32>
    %broadcast_in_dim3A_2428 = vector.broadcast %jit3A_2426 : f32 to vector<64x32xf32>
    %select_n3A_2429 = arith.select %eq3A_2424, %broadcast_in_dim3A_2427, %broadcast_in_dim3A_2428 : vector<64x32xi1>, vector<64x32xf32>
    %eq3A_2430 = vector.broadcast %dot_general3A_2181 : vector<64x1xf32> to vector<64x32xf32>
    %eq3A_2431 = vector.broadcast %convert_element_type3A_32 : vector<1x32xf32> to vector<64x32xf32>
    %eq3A_2432 = arith.cmpf oeq, %eq3A_2430, %eq3A_2431 : vector<64x32xf32>
    %jit3A_2433 = arith.constant 1.000000e+00 : f32
    %jit3A_2434 = arith.constant 0.000000e+00 : f32
    %broadcast_in_dim3A_2435 = vector.broadcast %jit3A_2433 : f32 to vector<64x32xf32>
    %broadcast_in_dim3A_2436 = vector.broadcast %jit3A_2434 : f32 to vector<64x32xf32>
    %select_n3A_2437 = arith.select %eq3A_2432, %broadcast_in_dim3A_2435, %broadcast_in_dim3A_2436 : vector<64x32xi1>, vector<64x32xf32>
    %eq3A_2438 = vector.broadcast %dot_general3A_2183 : vector<64x1xf32> to vector<64x32xf32>
    %eq3A_2439 = vector.broadcast %convert_element_type3A_32 : vector<1x32xf32> to vector<64x32xf32>
    %eq3A_2440 = arith.cmpf oeq, %eq3A_2438, %eq3A_2439 : vector<64x32xf32>
    %jit3A_2441 = arith.constant 1.000000e+00 : f32
    %jit3A_2442 = arith.constant 0.000000e+00 : f32
    %broadcast_in_dim3A_2443 = vector.broadcast %jit3A_2441 : f32 to vector<64x32xf32>
    %broadcast_in_dim3A_2444 = vector.broadcast %jit3A_2442 : f32 to vector<64x32xf32>
    %select_n3A_2445 = arith.select %eq3A_2440, %broadcast_in_dim3A_2443, %broadcast_in_dim3A_2444 : vector<64x32xi1>, vector<64x32xf32>
    %eq3A_2446 = vector.broadcast %dot_general3A_2185 : vector<64x1xf32> to vector<64x32xf32>
    %eq3A_2447 = vector.broadcast %convert_element_type3A_32 : vector<1x32xf32> to vector<64x32xf32>
    %eq3A_2448 = arith.cmpf oeq, %eq3A_2446, %eq3A_2447 : vector<64x32xf32>
    %jit3A_2449 = arith.constant 1.000000e+00 : f32
    %jit3A_2450 = arith.constant 0.000000e+00 : f32
    %broadcast_in_dim3A_2451 = vector.broadcast %jit3A_2449 : f32 to vector<64x32xf32>
    %broadcast_in_dim3A_2452 = vector.broadcast %jit3A_2450 : f32 to vector<64x32xf32>
    %select_n3A_2453 = arith.select %eq3A_2448, %broadcast_in_dim3A_2451, %broadcast_in_dim3A_2452 : vector<64x32xi1>, vector<64x32xf32>
    %eq3A_2454 = vector.broadcast %dot_general3A_2187 : vector<64x1xf32> to vector<64x32xf32>
    %eq3A_2455 = vector.broadcast %convert_element_type3A_32 : vector<1x32xf32> to vector<64x32xf32>
    %eq3A_2456 = arith.cmpf oeq, %eq3A_2454, %eq3A_2455 : vector<64x32xf32>
    %jit3A_2457 = arith.constant 1.000000e+00 : f32
    %jit3A_2458 = arith.constant 0.000000e+00 : f32
    %broadcast_in_dim3A_2459 = vector.broadcast %jit3A_2457 : f32 to vector<64x32xf32>
    %broadcast_in_dim3A_2460 = vector.broadcast %jit3A_2458 : f32 to vector<64x32xf32>
    %select_n3A_2461 = arith.select %eq3A_2456, %broadcast_in_dim3A_2459, %broadcast_in_dim3A_2460 : vector<64x32xi1>, vector<64x32xf32>
    %dot_general3A_2462 = arith.constant dense<0.000000e+00> : vector<1x32xf32>
    %dot_general3A_2463 = tpu.matmul %select_n3A_1598, %select_n3A_2341, %dot_general3A_2462 {dimension_numbers = #tpu.dot_dimension_numbers<[0], [0], [1], [1], [0, 1, 1, 1], [], []>, transpose_lhs_hint = false} : vector<64x1xf32>, vector<64x32xf32>, vector<1x32xf32> -> vector<1x32xf32>
    %dot_general3A_2464 = arith.constant dense<0.000000e+00> : vector<1x32xf32>
    %dot_general3A_2465 = tpu.matmul %select_n3A_1619, %select_n3A_2349, %dot_general3A_2464 {dimension_numbers = #tpu.dot_dimension_numbers<[0], [0], [1], [1], [0, 1, 1, 1], [], []>, transpose_lhs_hint = false} : vector<64x1xf32>, vector<64x32xf32>, vector<1x32xf32> -> vector<1x32xf32>
    %dot_general3A_2466 = arith.constant dense<0.000000e+00> : vector<1x32xf32>
    %dot_general3A_2467 = tpu.matmul %select_n3A_1640, %select_n3A_2357, %dot_general3A_2466 {dimension_numbers = #tpu.dot_dimension_numbers<[0], [0], [1], [1], [0, 1, 1, 1], [], []>, transpose_lhs_hint = false} : vector<64x1xf32>, vector<64x32xf32>, vector<1x32xf32> -> vector<1x32xf32>
    %dot_general3A_2468 = arith.constant dense<0.000000e+00> : vector<1x32xf32>
    %dot_general3A_2469 = tpu.matmul %select_n3A_1661, %select_n3A_2365, %dot_general3A_2468 {dimension_numbers = #tpu.dot_dimension_numbers<[0], [0], [1], [1], [0, 1, 1, 1], [], []>, transpose_lhs_hint = false} : vector<64x1xf32>, vector<64x32xf32>, vector<1x32xf32> -> vector<1x32xf32>
    %dot_general3A_2470 = arith.constant dense<0.000000e+00> : vector<1x32xf32>
    %dot_general3A_2471 = tpu.matmul %select_n3A_1682, %select_n3A_2373, %dot_general3A_2470 {dimension_numbers = #tpu.dot_dimension_numbers<[0], [0], [1], [1], [0, 1, 1, 1], [], []>, transpose_lhs_hint = false} : vector<64x1xf32>, vector<64x32xf32>, vector<1x32xf32> -> vector<1x32xf32>
    %dot_general3A_2472 = arith.constant dense<0.000000e+00> : vector<1x32xf32>
    %dot_general3A_2473 = tpu.matmul %select_n3A_1703, %select_n3A_2381, %dot_general3A_2472 {dimension_numbers = #tpu.dot_dimension_numbers<[0], [0], [1], [1], [0, 1, 1, 1], [], []>, transpose_lhs_hint = false} : vector<64x1xf32>, vector<64x32xf32>, vector<1x32xf32> -> vector<1x32xf32>
    %dot_general3A_2474 = arith.constant dense<0.000000e+00> : vector<1x32xf32>
    %dot_general3A_2475 = tpu.matmul %select_n3A_1724, %select_n3A_2389, %dot_general3A_2474 {dimension_numbers = #tpu.dot_dimension_numbers<[0], [0], [1], [1], [0, 1, 1, 1], [], []>, transpose_lhs_hint = false} : vector<64x1xf32>, vector<64x32xf32>, vector<1x32xf32> -> vector<1x32xf32>
    %dot_general3A_2476 = arith.constant dense<0.000000e+00> : vector<1x32xf32>
    %dot_general3A_2477 = tpu.matmul %select_n3A_1745, %select_n3A_2397, %dot_general3A_2476 {dimension_numbers = #tpu.dot_dimension_numbers<[0], [0], [1], [1], [0, 1, 1, 1], [], []>, transpose_lhs_hint = false} : vector<64x1xf32>, vector<64x32xf32>, vector<1x32xf32> -> vector<1x32xf32>
    %dot_general3A_2478 = arith.constant dense<0.000000e+00> : vector<1x32xf32>
    %dot_general3A_2479 = tpu.matmul %select_n3A_1766, %select_n3A_2405, %dot_general3A_2478 {dimension_numbers = #tpu.dot_dimension_numbers<[0], [0], [1], [1], [0, 1, 1, 1], [], []>, transpose_lhs_hint = false} : vector<64x1xf32>, vector<64x32xf32>, vector<1x32xf32> -> vector<1x32xf32>
    %dot_general3A_2480 = arith.constant dense<0.000000e+00> : vector<1x32xf32>
    %dot_general3A_2481 = tpu.matmul %select_n3A_1787, %select_n3A_2413, %dot_general3A_2480 {dimension_numbers = #tpu.dot_dimension_numbers<[0], [0], [1], [1], [0, 1, 1, 1], [], []>, transpose_lhs_hint = false} : vector<64x1xf32>, vector<64x32xf32>, vector<1x32xf32> -> vector<1x32xf32>
    %dot_general3A_2482 = arith.constant dense<0.000000e+00> : vector<1x32xf32>
    %dot_general3A_2483 = tpu.matmul %select_n3A_1808, %select_n3A_2421, %dot_general3A_2482 {dimension_numbers = #tpu.dot_dimension_numbers<[0], [0], [1], [1], [0, 1, 1, 1], [], []>, transpose_lhs_hint = false} : vector<64x1xf32>, vector<64x32xf32>, vector<1x32xf32> -> vector<1x32xf32>
    %dot_general3A_2484 = arith.constant dense<0.000000e+00> : vector<1x32xf32>
    %dot_general3A_2485 = tpu.matmul %select_n3A_1829, %select_n3A_2429, %dot_general3A_2484 {dimension_numbers = #tpu.dot_dimension_numbers<[0], [0], [1], [1], [0, 1, 1, 1], [], []>, transpose_lhs_hint = false} : vector<64x1xf32>, vector<64x32xf32>, vector<1x32xf32> -> vector<1x32xf32>
    %dot_general3A_2486 = arith.constant dense<0.000000e+00> : vector<1x32xf32>
    %dot_general3A_2487 = tpu.matmul %select_n3A_1850, %select_n3A_2437, %dot_general3A_2486 {dimension_numbers = #tpu.dot_dimension_numbers<[0], [0], [1], [1], [0, 1, 1, 1], [], []>, transpose_lhs_hint = false} : vector<64x1xf32>, vector<64x32xf32>, vector<1x32xf32> -> vector<1x32xf32>
    %dot_general3A_2488 = arith.constant dense<0.000000e+00> : vector<1x32xf32>
    %dot_general3A_2489 = tpu.matmul %select_n3A_1871, %select_n3A_2445, %dot_general3A_2488 {dimension_numbers = #tpu.dot_dimension_numbers<[0], [0], [1], [1], [0, 1, 1, 1], [], []>, transpose_lhs_hint = false} : vector<64x1xf32>, vector<64x32xf32>, vector<1x32xf32> -> vector<1x32xf32>
    %dot_general3A_2490 = arith.constant dense<0.000000e+00> : vector<1x32xf32>
    %dot_general3A_2491 = tpu.matmul %select_n3A_1892, %select_n3A_2453, %dot_general3A_2490 {dimension_numbers = #tpu.dot_dimension_numbers<[0], [0], [1], [1], [0, 1, 1, 1], [], []>, transpose_lhs_hint = false} : vector<64x1xf32>, vector<64x32xf32>, vector<1x32xf32> -> vector<1x32xf32>
    %dot_general3A_2492 = arith.constant dense<0.000000e+00> : vector<1x32xf32>
    %dot_general3A_2493 = tpu.matmul %select_n3A_1913, %select_n3A_2461, %dot_general3A_2492 {dimension_numbers = #tpu.dot_dimension_numbers<[0], [0], [1], [1], [0, 1, 1, 1], [], []>, transpose_lhs_hint = false} : vector<64x1xf32>, vector<64x32xf32>, vector<1x32xf32> -> vector<1x32xf32>
    %slice3A_2494 = vector.extract_strided_slice %transpose3A_1915 {offsets = [0, 0], sizes = [1, 64], strides = [1, 1]} : vector<16x64xf32> to vector<1x64xf32>
    %mul3A_2495 = vector.broadcast %slice3A_2494 : vector<1x64xf32> to vector<32x64xf32>
    %mul3A_2496 = arith.mulf %select_n3A_2198, %mul3A_2495 : vector<32x64xf32>
    %dot_general3A_2497 = arith.constant dense<0.000000e+00> : vector<32x32xf32>
    %dot_general3A_2498 = tpu.matmul %mul3A_2496, %max3A_1412, %dot_general3A_2497 {dimension_numbers = #tpu.dot_dimension_numbers<[1], [0], [0], [1], [0, 0, 1, 1], [], []>, transpose_lhs_hint = false} : vector<32x64xf32>, vector<64x32xf32>, vector<32x32xf32> -> vector<32x32xf32>
    %slice3A_2499 = vector.extract_strided_slice %transpose3A_1915 {offsets = [1, 0], sizes = [1, 64], strides = [1, 1]} : vector<16x64xf32> to vector<1x64xf32>
    %mul3A_2500 = vector.broadcast %slice3A_2499 : vector<1x64xf32> to vector<32x64xf32>
    %mul3A_2501 = arith.mulf %select_n3A_2207, %mul3A_2500 : vector<32x64xf32>
    %dot_general3A_2502 = arith.constant dense<0.000000e+00> : vector<32x32xf32>
    %dot_general3A_2503 = tpu.matmul %mul3A_2501, %max3A_1423, %dot_general3A_2502 {dimension_numbers = #tpu.dot_dimension_numbers<[1], [0], [0], [1], [0, 0, 1, 1], [], []>, transpose_lhs_hint = false} : vector<32x64xf32>, vector<64x32xf32>, vector<32x32xf32> -> vector<32x32xf32>
    %slice3A_2504 = vector.extract_strided_slice %transpose3A_1915 {offsets = [2, 0], sizes = [1, 64], strides = [1, 1]} : vector<16x64xf32> to vector<1x64xf32>
    %mul3A_2505 = vector.broadcast %slice3A_2504 : vector<1x64xf32> to vector<32x64xf32>
    %mul3A_2506 = arith.mulf %select_n3A_2216, %mul3A_2505 : vector<32x64xf32>
    %dot_general3A_2507 = arith.constant dense<0.000000e+00> : vector<32x32xf32>
    %dot_general3A_2508 = tpu.matmul %mul3A_2506, %max3A_1434, %dot_general3A_2507 {dimension_numbers = #tpu.dot_dimension_numbers<[1], [0], [0], [1], [0, 0, 1, 1], [], []>, transpose_lhs_hint = false} : vector<32x64xf32>, vector<64x32xf32>, vector<32x32xf32> -> vector<32x32xf32>
    %slice3A_2509 = vector.extract_strided_slice %transpose3A_1915 {offsets = [3, 0], sizes = [1, 64], strides = [1, 1]} : vector<16x64xf32> to vector<1x64xf32>
    %mul3A_2510 = vector.broadcast %slice3A_2509 : vector<1x64xf32> to vector<32x64xf32>
    %mul3A_2511 = arith.mulf %select_n3A_2225, %mul3A_2510 : vector<32x64xf32>
    %dot_general3A_2512 = arith.constant dense<0.000000e+00> : vector<32x32xf32>
    %dot_general3A_2513 = tpu.matmul %mul3A_2511, %max3A_1445, %dot_general3A_2512 {dimension_numbers = #tpu.dot_dimension_numbers<[1], [0], [0], [1], [0, 0, 1, 1], [], []>, transpose_lhs_hint = false} : vector<32x64xf32>, vector<64x32xf32>, vector<32x32xf32> -> vector<32x32xf32>
    %slice3A_2514 = vector.extract_strided_slice %transpose3A_1915 {offsets = [4, 0], sizes = [1, 64], strides = [1, 1]} : vector<16x64xf32> to vector<1x64xf32>
    %mul3A_2515 = vector.broadcast %slice3A_2514 : vector<1x64xf32> to vector<32x64xf32>
    %mul3A_2516 = arith.mulf %select_n3A_2234, %mul3A_2515 : vector<32x64xf32>
    %dot_general3A_2517 = arith.constant dense<0.000000e+00> : vector<32x32xf32>
    %dot_general3A_2518 = tpu.matmul %mul3A_2516, %max3A_1456, %dot_general3A_2517 {dimension_numbers = #tpu.dot_dimension_numbers<[1], [0], [0], [1], [0, 0, 1, 1], [], []>, transpose_lhs_hint = false} : vector<32x64xf32>, vector<64x32xf32>, vector<32x32xf32> -> vector<32x32xf32>
    %slice3A_2519 = vector.extract_strided_slice %transpose3A_1915 {offsets = [5, 0], sizes = [1, 64], strides = [1, 1]} : vector<16x64xf32> to vector<1x64xf32>
    %mul3A_2520 = vector.broadcast %slice3A_2519 : vector<1x64xf32> to vector<32x64xf32>
    %mul3A_2521 = arith.mulf %select_n3A_2243, %mul3A_2520 : vector<32x64xf32>
    %dot_general3A_2522 = arith.constant dense<0.000000e+00> : vector<32x32xf32>
    %dot_general3A_2523 = tpu.matmul %mul3A_2521, %max3A_1467, %dot_general3A_2522 {dimension_numbers = #tpu.dot_dimension_numbers<[1], [0], [0], [1], [0, 0, 1, 1], [], []>, transpose_lhs_hint = false} : vector<32x64xf32>, vector<64x32xf32>, vector<32x32xf32> -> vector<32x32xf32>
    %slice3A_2524 = vector.extract_strided_slice %transpose3A_1915 {offsets = [6, 0], sizes = [1, 64], strides = [1, 1]} : vector<16x64xf32> to vector<1x64xf32>
    %mul3A_2525 = vector.broadcast %slice3A_2524 : vector<1x64xf32> to vector<32x64xf32>
    %mul3A_2526 = arith.mulf %select_n3A_2252, %mul3A_2525 : vector<32x64xf32>
    %dot_general3A_2527 = arith.constant dense<0.000000e+00> : vector<32x32xf32>
    %dot_general3A_2528 = tpu.matmul %mul3A_2526, %max3A_1478, %dot_general3A_2527 {dimension_numbers = #tpu.dot_dimension_numbers<[1], [0], [0], [1], [0, 0, 1, 1], [], []>, transpose_lhs_hint = false} : vector<32x64xf32>, vector<64x32xf32>, vector<32x32xf32> -> vector<32x32xf32>
    %slice3A_2529 = vector.extract_strided_slice %transpose3A_1915 {offsets = [7, 0], sizes = [1, 64], strides = [1, 1]} : vector<16x64xf32> to vector<1x64xf32>
    %mul3A_2530 = vector.broadcast %slice3A_2529 : vector<1x64xf32> to vector<32x64xf32>
    %mul3A_2531 = arith.mulf %select_n3A_2261, %mul3A_2530 : vector<32x64xf32>
    %dot_general3A_2532 = arith.constant dense<0.000000e+00> : vector<32x32xf32>
    %dot_general3A_2533 = tpu.matmul %mul3A_2531, %max3A_1489, %dot_general3A_2532 {dimension_numbers = #tpu.dot_dimension_numbers<[1], [0], [0], [1], [0, 0, 1, 1], [], []>, transpose_lhs_hint = false} : vector<32x64xf32>, vector<64x32xf32>, vector<32x32xf32> -> vector<32x32xf32>
    %slice3A_2534 = vector.extract_strided_slice %transpose3A_1915 {offsets = [8, 0], sizes = [1, 64], strides = [1, 1]} : vector<16x64xf32> to vector<1x64xf32>
    %mul3A_2535 = vector.broadcast %slice3A_2534 : vector<1x64xf32> to vector<32x64xf32>
    %mul3A_2536 = arith.mulf %select_n3A_2270, %mul3A_2535 : vector<32x64xf32>
    %dot_general3A_2537 = arith.constant dense<0.000000e+00> : vector<32x32xf32>
    %dot_general3A_2538 = tpu.matmul %mul3A_2536, %max3A_1500, %dot_general3A_2537 {dimension_numbers = #tpu.dot_dimension_numbers<[1], [0], [0], [1], [0, 0, 1, 1], [], []>, transpose_lhs_hint = false} : vector<32x64xf32>, vector<64x32xf32>, vector<32x32xf32> -> vector<32x32xf32>
    %slice3A_2539 = vector.extract_strided_slice %transpose3A_1915 {offsets = [9, 0], sizes = [1, 64], strides = [1, 1]} : vector<16x64xf32> to vector<1x64xf32>
    %mul3A_2540 = vector.broadcast %slice3A_2539 : vector<1x64xf32> to vector<32x64xf32>
    %mul3A_2541 = arith.mulf %select_n3A_2279, %mul3A_2540 : vector<32x64xf32>
    %dot_general3A_2542 = arith.constant dense<0.000000e+00> : vector<32x32xf32>
    %dot_general3A_2543 = tpu.matmul %mul3A_2541, %max3A_1511, %dot_general3A_2542 {dimension_numbers = #tpu.dot_dimension_numbers<[1], [0], [0], [1], [0, 0, 1, 1], [], []>, transpose_lhs_hint = false} : vector<32x64xf32>, vector<64x32xf32>, vector<32x32xf32> -> vector<32x32xf32>
    %slice3A_2544 = vector.extract_strided_slice %transpose3A_1915 {offsets = [10, 0], sizes = [1, 64], strides = [1, 1]} : vector<16x64xf32> to vector<1x64xf32>
    %mul3A_2545 = vector.broadcast %slice3A_2544 : vector<1x64xf32> to vector<32x64xf32>
    %mul3A_2546 = arith.mulf %select_n3A_2288, %mul3A_2545 : vector<32x64xf32>
    %dot_general3A_2547 = arith.constant dense<0.000000e+00> : vector<32x32xf32>
    %dot_general3A_2548 = tpu.matmul %mul3A_2546, %max3A_1522, %dot_general3A_2547 {dimension_numbers = #tpu.dot_dimension_numbers<[1], [0], [0], [1], [0, 0, 1, 1], [], []>, transpose_lhs_hint = false} : vector<32x64xf32>, vector<64x32xf32>, vector<32x32xf32> -> vector<32x32xf32>
    %slice3A_2549 = vector.extract_strided_slice %transpose3A_1915 {offsets = [11, 0], sizes = [1, 64], strides = [1, 1]} : vector<16x64xf32> to vector<1x64xf32>
    %mul3A_2550 = vector.broadcast %slice3A_2549 : vector<1x64xf32> to vector<32x64xf32>
    %mul3A_2551 = arith.mulf %select_n3A_2297, %mul3A_2550 : vector<32x64xf32>
    %dot_general3A_2552 = arith.constant dense<0.000000e+00> : vector<32x32xf32>
    %dot_general3A_2553 = tpu.matmul %mul3A_2551, %max3A_1533, %dot_general3A_2552 {dimension_numbers = #tpu.dot_dimension_numbers<[1], [0], [0], [1], [0, 0, 1, 1], [], []>, transpose_lhs_hint = false} : vector<32x64xf32>, vector<64x32xf32>, vector<32x32xf32> -> vector<32x32xf32>
    %slice3A_2554 = vector.extract_strided_slice %transpose3A_1915 {offsets = [12, 0], sizes = [1, 64], strides = [1, 1]} : vector<16x64xf32> to vector<1x64xf32>
    %mul3A_2555 = vector.broadcast %slice3A_2554 : vector<1x64xf32> to vector<32x64xf32>
    %mul3A_2556 = arith.mulf %select_n3A_2306, %mul3A_2555 : vector<32x64xf32>
    %dot_general3A_2557 = arith.constant dense<0.000000e+00> : vector<32x32xf32>
    %dot_general3A_2558 = tpu.matmul %mul3A_2556, %max3A_1544, %dot_general3A_2557 {dimension_numbers = #tpu.dot_dimension_numbers<[1], [0], [0], [1], [0, 0, 1, 1], [], []>, transpose_lhs_hint = false} : vector<32x64xf32>, vector<64x32xf32>, vector<32x32xf32> -> vector<32x32xf32>
    %slice3A_2559 = vector.extract_strided_slice %transpose3A_1915 {offsets = [13, 0], sizes = [1, 64], strides = [1, 1]} : vector<16x64xf32> to vector<1x64xf32>
    %mul3A_2560 = vector.broadcast %slice3A_2559 : vector<1x64xf32> to vector<32x64xf32>
    %mul3A_2561 = arith.mulf %select_n3A_2315, %mul3A_2560 : vector<32x64xf32>
    %dot_general3A_2562 = arith.constant dense<0.000000e+00> : vector<32x32xf32>
    %dot_general3A_2563 = tpu.matmul %mul3A_2561, %max3A_1555, %dot_general3A_2562 {dimension_numbers = #tpu.dot_dimension_numbers<[1], [0], [0], [1], [0, 0, 1, 1], [], []>, transpose_lhs_hint = false} : vector<32x64xf32>, vector<64x32xf32>, vector<32x32xf32> -> vector<32x32xf32>
    %slice3A_2564 = vector.extract_strided_slice %transpose3A_1915 {offsets = [14, 0], sizes = [1, 64], strides = [1, 1]} : vector<16x64xf32> to vector<1x64xf32>
    %mul3A_2565 = vector.broadcast %slice3A_2564 : vector<1x64xf32> to vector<32x64xf32>
    %mul3A_2566 = arith.mulf %select_n3A_2324, %mul3A_2565 : vector<32x64xf32>
    %dot_general3A_2567 = arith.constant dense<0.000000e+00> : vector<32x32xf32>
    %dot_general3A_2568 = tpu.matmul %mul3A_2566, %max3A_1566, %dot_general3A_2567 {dimension_numbers = #tpu.dot_dimension_numbers<[1], [0], [0], [1], [0, 0, 1, 1], [], []>, transpose_lhs_hint = false} : vector<32x64xf32>, vector<64x32xf32>, vector<32x32xf32> -> vector<32x32xf32>
    %slice3A_2569 = vector.extract_strided_slice %transpose3A_1915 {offsets = [15, 0], sizes = [1, 64], strides = [1, 1]} : vector<16x64xf32> to vector<1x64xf32>
    %mul3A_2570 = vector.broadcast %slice3A_2569 : vector<1x64xf32> to vector<32x64xf32>
    %mul3A_2571 = arith.mulf %select_n3A_2333, %mul3A_2570 : vector<32x64xf32>
    %dot_general3A_2572 = arith.constant dense<0.000000e+00> : vector<32x32xf32>
    %dot_general3A_2573 = tpu.matmul %mul3A_2571, %max3A_1577, %dot_general3A_2572 {dimension_numbers = #tpu.dot_dimension_numbers<[1], [0], [0], [1], [0, 0, 1, 1], [], []>, transpose_lhs_hint = false} : vector<32x64xf32>, vector<64x32xf32>, vector<32x32xf32> -> vector<32x32xf32>
    %reduce_sum3A_2574 = arith.constant dense<0.000000e+00> : vector<32xf32>
    %reduce_sum3A_2575 = vector.multi_reduction <add>, %dot_general3A_1186, %reduce_sum3A_2574 [0] : vector<64x32xf32> to vector<32xf32>
    %broadcast_in_dim3A_2576 = vector.shape_cast %reduce_sum3A_2575 : vector<32xf32> to vector<1x32xf32>
    %div3A_2577 = arith.constant 6.400000e+01 : f32
    %div3A_2578 = vector.broadcast %div3A_2577 : f32 to vector<1x32xf32>
    %div3A_2579 = arith.divf %broadcast_in_dim3A_2576, %div3A_2578 : vector<1x32xf32>
    %reduce_max3A = arith.constant dense<0xFF800000> : vector<32xf32>
    %reduce_max3A_2580 = vector.multi_reduction <maximumf>, %dot_general3A_1186, %reduce_max3A [0] : vector<64x32xf32> to vector<32xf32>
    %broadcast_in_dim3A_2581 = vector.shape_cast %reduce_max3A_2580 : vector<32xf32> to vector<1x32xf32>
    %reduce_sum3A_2582 = arith.constant dense<0.000000e+00> : vector<32xf32>
    %reduce_sum3A_2583 = vector.multi_reduction <add>, %dot_general3A_2498, %reduce_sum3A_2582 [0] : vector<32x32xf32> to vector<32xf32>
    %broadcast_in_dim3A_2584 = vector.shape_cast %reduce_sum3A_2583 : vector<32xf32> to vector<1x32xf32>
    %div3A_2585 = arith.constant 3.200000e+01 : f32
    %div3A_2586 = vector.broadcast %div3A_2585 : f32 to vector<1x32xf32>
    %div3A_2587 = arith.divf %broadcast_in_dim3A_2584, %div3A_2586 : vector<1x32xf32>
    %reduce_max3A_2588 = arith.constant dense<0xFF800000> : vector<32xf32>
    %reduce_max3A_2589 = vector.multi_reduction <maximumf>, %dot_general3A_2498, %reduce_max3A_2588 [0] : vector<32x32xf32> to vector<32xf32>
    %broadcast_in_dim3A_2590 = vector.shape_cast %reduce_max3A_2589 : vector<32xf32> to vector<1x32xf32>
    %concatenate3A_2591 = tpu.concatenate %div3A_2579, %broadcast_in_dim3A_2581, %div3A_2587, %broadcast_in_dim3A_2590 in 1 : vector<1x32xf32>, vector<1x32xf32>, vector<1x32xf32>, vector<1x32xf32> -> vector<1x128xf32>
    %reduce_sum3A_2592 = arith.constant dense<0.000000e+00> : vector<32xf32>
    %reduce_sum3A_2593 = vector.multi_reduction <add>, %dot_general3A_1191, %reduce_sum3A_2592 [0] : vector<64x32xf32> to vector<32xf32>
    %broadcast_in_dim3A_2594 = vector.shape_cast %reduce_sum3A_2593 : vector<32xf32> to vector<1x32xf32>
    %div3A_2595 = arith.constant 6.400000e+01 : f32
    %div3A_2596 = vector.broadcast %div3A_2595 : f32 to vector<1x32xf32>
    %div3A_2597 = arith.divf %broadcast_in_dim3A_2594, %div3A_2596 : vector<1x32xf32>
    %reduce_max3A_2598 = arith.constant dense<0xFF800000> : vector<32xf32>
    %reduce_max3A_2599 = vector.multi_reduction <maximumf>, %dot_general3A_1191, %reduce_max3A_2598 [0] : vector<64x32xf32> to vector<32xf32>
    %broadcast_in_dim3A_2600 = vector.shape_cast %reduce_max3A_2599 : vector<32xf32> to vector<1x32xf32>
    %reduce_sum3A_2601 = arith.constant dense<0.000000e+00> : vector<32xf32>
    %reduce_sum3A_2602 = vector.multi_reduction <add>, %dot_general3A_2503, %reduce_sum3A_2601 [0] : vector<32x32xf32> to vector<32xf32>
    %broadcast_in_dim3A_2603 = vector.shape_cast %reduce_sum3A_2602 : vector<32xf32> to vector<1x32xf32>
    %div3A_2604 = arith.constant 3.200000e+01 : f32
    %div3A_2605 = vector.broadcast %div3A_2604 : f32 to vector<1x32xf32>
    %div3A_2606 = arith.divf %broadcast_in_dim3A_2603, %div3A_2605 : vector<1x32xf32>
    %reduce_max3A_2607 = arith.constant dense<0xFF800000> : vector<32xf32>
    %reduce_max3A_2608 = vector.multi_reduction <maximumf>, %dot_general3A_2503, %reduce_max3A_2607 [0] : vector<32x32xf32> to vector<32xf32>
    %broadcast_in_dim3A_2609 = vector.shape_cast %reduce_max3A_2608 : vector<32xf32> to vector<1x32xf32>
    %concatenate3A_2610 = tpu.concatenate %div3A_2597, %broadcast_in_dim3A_2600, %div3A_2606, %broadcast_in_dim3A_2609 in 1 : vector<1x32xf32>, vector<1x32xf32>, vector<1x32xf32>, vector<1x32xf32> -> vector<1x128xf32>
    %reduce_sum3A_2611 = arith.constant dense<0.000000e+00> : vector<32xf32>
    %reduce_sum3A_2612 = vector.multi_reduction <add>, %dot_general3A_1196, %reduce_sum3A_2611 [0] : vector<64x32xf32> to vector<32xf32>
    %broadcast_in_dim3A_2613 = vector.shape_cast %reduce_sum3A_2612 : vector<32xf32> to vector<1x32xf32>
    %div3A_2614 = arith.constant 6.400000e+01 : f32
    %div3A_2615 = vector.broadcast %div3A_2614 : f32 to vector<1x32xf32>
    %div3A_2616 = arith.divf %broadcast_in_dim3A_2613, %div3A_2615 : vector<1x32xf32>
    %reduce_max3A_2617 = arith.constant dense<0xFF800000> : vector<32xf32>
    %reduce_max3A_2618 = vector.multi_reduction <maximumf>, %dot_general3A_1196, %reduce_max3A_2617 [0] : vector<64x32xf32> to vector<32xf32>
    %broadcast_in_dim3A_2619 = vector.shape_cast %reduce_max3A_2618 : vector<32xf32> to vector<1x32xf32>
    %reduce_sum3A_2620 = arith.constant dense<0.000000e+00> : vector<32xf32>
    %reduce_sum3A_2621 = vector.multi_reduction <add>, %dot_general3A_2508, %reduce_sum3A_2620 [0] : vector<32x32xf32> to vector<32xf32>
    %broadcast_in_dim3A_2622 = vector.shape_cast %reduce_sum3A_2621 : vector<32xf32> to vector<1x32xf32>
    %div3A_2623 = arith.constant 3.200000e+01 : f32
    %div3A_2624 = vector.broadcast %div3A_2623 : f32 to vector<1x32xf32>
    %div3A_2625 = arith.divf %broadcast_in_dim3A_2622, %div3A_2624 : vector<1x32xf32>
    %reduce_max3A_2626 = arith.constant dense<0xFF800000> : vector<32xf32>
    %reduce_max3A_2627 = vector.multi_reduction <maximumf>, %dot_general3A_2508, %reduce_max3A_2626 [0] : vector<32x32xf32> to vector<32xf32>
    %broadcast_in_dim3A_2628 = vector.shape_cast %reduce_max3A_2627 : vector<32xf32> to vector<1x32xf32>
    %concatenate3A_2629 = tpu.concatenate %div3A_2616, %broadcast_in_dim3A_2619, %div3A_2625, %broadcast_in_dim3A_2628 in 1 : vector<1x32xf32>, vector<1x32xf32>, vector<1x32xf32>, vector<1x32xf32> -> vector<1x128xf32>
    %reduce_sum3A_2630 = arith.constant dense<0.000000e+00> : vector<32xf32>
    %reduce_sum3A_2631 = vector.multi_reduction <add>, %dot_general3A_1201, %reduce_sum3A_2630 [0] : vector<64x32xf32> to vector<32xf32>
    %broadcast_in_dim3A_2632 = vector.shape_cast %reduce_sum3A_2631 : vector<32xf32> to vector<1x32xf32>
    %div3A_2633 = arith.constant 6.400000e+01 : f32
    %div3A_2634 = vector.broadcast %div3A_2633 : f32 to vector<1x32xf32>
    %div3A_2635 = arith.divf %broadcast_in_dim3A_2632, %div3A_2634 : vector<1x32xf32>
    %reduce_max3A_2636 = arith.constant dense<0xFF800000> : vector<32xf32>
    %reduce_max3A_2637 = vector.multi_reduction <maximumf>, %dot_general3A_1201, %reduce_max3A_2636 [0] : vector<64x32xf32> to vector<32xf32>
    %broadcast_in_dim3A_2638 = vector.shape_cast %reduce_max3A_2637 : vector<32xf32> to vector<1x32xf32>
    %reduce_sum3A_2639 = arith.constant dense<0.000000e+00> : vector<32xf32>
    %reduce_sum3A_2640 = vector.multi_reduction <add>, %dot_general3A_2513, %reduce_sum3A_2639 [0] : vector<32x32xf32> to vector<32xf32>
    %broadcast_in_dim3A_2641 = vector.shape_cast %reduce_sum3A_2640 : vector<32xf32> to vector<1x32xf32>
    %div3A_2642 = arith.constant 3.200000e+01 : f32
    %div3A_2643 = vector.broadcast %div3A_2642 : f32 to vector<1x32xf32>
    %div3A_2644 = arith.divf %broadcast_in_dim3A_2641, %div3A_2643 : vector<1x32xf32>
    %reduce_max3A_2645 = arith.constant dense<0xFF800000> : vector<32xf32>
    %reduce_max3A_2646 = vector.multi_reduction <maximumf>, %dot_general3A_2513, %reduce_max3A_2645 [0] : vector<32x32xf32> to vector<32xf32>
    %broadcast_in_dim3A_2647 = vector.shape_cast %reduce_max3A_2646 : vector<32xf32> to vector<1x32xf32>
    %concatenate3A_2648 = tpu.concatenate %div3A_2635, %broadcast_in_dim3A_2638, %div3A_2644, %broadcast_in_dim3A_2647 in 1 : vector<1x32xf32>, vector<1x32xf32>, vector<1x32xf32>, vector<1x32xf32> -> vector<1x128xf32>
    %reduce_sum3A_2649 = arith.constant dense<0.000000e+00> : vector<32xf32>
    %reduce_sum3A_2650 = vector.multi_reduction <add>, %dot_general3A_1206, %reduce_sum3A_2649 [0] : vector<64x32xf32> to vector<32xf32>
    %broadcast_in_dim3A_2651 = vector.shape_cast %reduce_sum3A_2650 : vector<32xf32> to vector<1x32xf32>
    %div3A_2652 = arith.constant 6.400000e+01 : f32
    %div3A_2653 = vector.broadcast %div3A_2652 : f32 to vector<1x32xf32>
    %div3A_2654 = arith.divf %broadcast_in_dim3A_2651, %div3A_2653 : vector<1x32xf32>
    %reduce_max3A_2655 = arith.constant dense<0xFF800000> : vector<32xf32>
    %reduce_max3A_2656 = vector.multi_reduction <maximumf>, %dot_general3A_1206, %reduce_max3A_2655 [0] : vector<64x32xf32> to vector<32xf32>
    %broadcast_in_dim3A_2657 = vector.shape_cast %reduce_max3A_2656 : vector<32xf32> to vector<1x32xf32>
    %reduce_sum3A_2658 = arith.constant dense<0.000000e+00> : vector<32xf32>
    %reduce_sum3A_2659 = vector.multi_reduction <add>, %dot_general3A_2518, %reduce_sum3A_2658 [0] : vector<32x32xf32> to vector<32xf32>
    %broadcast_in_dim3A_2660 = vector.shape_cast %reduce_sum3A_2659 : vector<32xf32> to vector<1x32xf32>
    %div3A_2661 = arith.constant 3.200000e+01 : f32
    %div3A_2662 = vector.broadcast %div3A_2661 : f32 to vector<1x32xf32>
    %div3A_2663 = arith.divf %broadcast_in_dim3A_2660, %div3A_2662 : vector<1x32xf32>
    %reduce_max3A_2664 = arith.constant dense<0xFF800000> : vector<32xf32>
    %reduce_max3A_2665 = vector.multi_reduction <maximumf>, %dot_general3A_2518, %reduce_max3A_2664 [0] : vector<32x32xf32> to vector<32xf32>
    %broadcast_in_dim3A_2666 = vector.shape_cast %reduce_max3A_2665 : vector<32xf32> to vector<1x32xf32>
    %concatenate3A_2667 = tpu.concatenate %div3A_2654, %broadcast_in_dim3A_2657, %div3A_2663, %broadcast_in_dim3A_2666 in 1 : vector<1x32xf32>, vector<1x32xf32>, vector<1x32xf32>, vector<1x32xf32> -> vector<1x128xf32>
    %reduce_sum3A_2668 = arith.constant dense<0.000000e+00> : vector<32xf32>
    %reduce_sum3A_2669 = vector.multi_reduction <add>, %dot_general3A_1211, %reduce_sum3A_2668 [0] : vector<64x32xf32> to vector<32xf32>
    %broadcast_in_dim3A_2670 = vector.shape_cast %reduce_sum3A_2669 : vector<32xf32> to vector<1x32xf32>
    %div3A_2671 = arith.constant 6.400000e+01 : f32
    %div3A_2672 = vector.broadcast %div3A_2671 : f32 to vector<1x32xf32>
    %div3A_2673 = arith.divf %broadcast_in_dim3A_2670, %div3A_2672 : vector<1x32xf32>
    %reduce_max3A_2674 = arith.constant dense<0xFF800000> : vector<32xf32>
    %reduce_max3A_2675 = vector.multi_reduction <maximumf>, %dot_general3A_1211, %reduce_max3A_2674 [0] : vector<64x32xf32> to vector<32xf32>
    %broadcast_in_dim3A_2676 = vector.shape_cast %reduce_max3A_2675 : vector<32xf32> to vector<1x32xf32>
    %reduce_sum3A_2677 = arith.constant dense<0.000000e+00> : vector<32xf32>
    %reduce_sum3A_2678 = vector.multi_reduction <add>, %dot_general3A_2523, %reduce_sum3A_2677 [0] : vector<32x32xf32> to vector<32xf32>
    %broadcast_in_dim3A_2679 = vector.shape_cast %reduce_sum3A_2678 : vector<32xf32> to vector<1x32xf32>
    %div3A_2680 = arith.constant 3.200000e+01 : f32
    %div3A_2681 = vector.broadcast %div3A_2680 : f32 to vector<1x32xf32>
    %div3A_2682 = arith.divf %broadcast_in_dim3A_2679, %div3A_2681 : vector<1x32xf32>
    %reduce_max3A_2683 = arith.constant dense<0xFF800000> : vector<32xf32>
    %reduce_max3A_2684 = vector.multi_reduction <maximumf>, %dot_general3A_2523, %reduce_max3A_2683 [0] : vector<32x32xf32> to vector<32xf32>
    %broadcast_in_dim3A_2685 = vector.shape_cast %reduce_max3A_2684 : vector<32xf32> to vector<1x32xf32>
    %concatenate3A_2686 = tpu.concatenate %div3A_2673, %broadcast_in_dim3A_2676, %div3A_2682, %broadcast_in_dim3A_2685 in 1 : vector<1x32xf32>, vector<1x32xf32>, vector<1x32xf32>, vector<1x32xf32> -> vector<1x128xf32>
    %reduce_sum3A_2687 = arith.constant dense<0.000000e+00> : vector<32xf32>
    %reduce_sum3A_2688 = vector.multi_reduction <add>, %dot_general3A_1216, %reduce_sum3A_2687 [0] : vector<64x32xf32> to vector<32xf32>
    %broadcast_in_dim3A_2689 = vector.shape_cast %reduce_sum3A_2688 : vector<32xf32> to vector<1x32xf32>
    %div3A_2690 = arith.constant 6.400000e+01 : f32
    %div3A_2691 = vector.broadcast %div3A_2690 : f32 to vector<1x32xf32>
    %div3A_2692 = arith.divf %broadcast_in_dim3A_2689, %div3A_2691 : vector<1x32xf32>
    %reduce_max3A_2693 = arith.constant dense<0xFF800000> : vector<32xf32>
    %reduce_max3A_2694 = vector.multi_reduction <maximumf>, %dot_general3A_1216, %reduce_max3A_2693 [0] : vector<64x32xf32> to vector<32xf32>
    %broadcast_in_dim3A_2695 = vector.shape_cast %reduce_max3A_2694 : vector<32xf32> to vector<1x32xf32>
    %reduce_sum3A_2696 = arith.constant dense<0.000000e+00> : vector<32xf32>
    %reduce_sum3A_2697 = vector.multi_reduction <add>, %dot_general3A_2528, %reduce_sum3A_2696 [0] : vector<32x32xf32> to vector<32xf32>
    %broadcast_in_dim3A_2698 = vector.shape_cast %reduce_sum3A_2697 : vector<32xf32> to vector<1x32xf32>
    %div3A_2699 = arith.constant 3.200000e+01 : f32
    %div3A_2700 = vector.broadcast %div3A_2699 : f32 to vector<1x32xf32>
    %div3A_2701 = arith.divf %broadcast_in_dim3A_2698, %div3A_2700 : vector<1x32xf32>
    %reduce_max3A_2702 = arith.constant dense<0xFF800000> : vector<32xf32>
    %reduce_max3A_2703 = vector.multi_reduction <maximumf>, %dot_general3A_2528, %reduce_max3A_2702 [0] : vector<32x32xf32> to vector<32xf32>
    %broadcast_in_dim3A_2704 = vector.shape_cast %reduce_max3A_2703 : vector<32xf32> to vector<1x32xf32>
    %concatenate3A_2705 = tpu.concatenate %div3A_2692, %broadcast_in_dim3A_2695, %div3A_2701, %broadcast_in_dim3A_2704 in 1 : vector<1x32xf32>, vector<1x32xf32>, vector<1x32xf32>, vector<1x32xf32> -> vector<1x128xf32>
    %reduce_sum3A_2706 = arith.constant dense<0.000000e+00> : vector<32xf32>
    %reduce_sum3A_2707 = vector.multi_reduction <add>, %dot_general3A_1221, %reduce_sum3A_2706 [0] : vector<64x32xf32> to vector<32xf32>
    %broadcast_in_dim3A_2708 = vector.shape_cast %reduce_sum3A_2707 : vector<32xf32> to vector<1x32xf32>
    %div3A_2709 = arith.constant 6.400000e+01 : f32
    %div3A_2710 = vector.broadcast %div3A_2709 : f32 to vector<1x32xf32>
    %div3A_2711 = arith.divf %broadcast_in_dim3A_2708, %div3A_2710 : vector<1x32xf32>
    %reduce_max3A_2712 = arith.constant dense<0xFF800000> : vector<32xf32>
    %reduce_max3A_2713 = vector.multi_reduction <maximumf>, %dot_general3A_1221, %reduce_max3A_2712 [0] : vector<64x32xf32> to vector<32xf32>
    %broadcast_in_dim3A_2714 = vector.shape_cast %reduce_max3A_2713 : vector<32xf32> to vector<1x32xf32>
    %reduce_sum3A_2715 = arith.constant dense<0.000000e+00> : vector<32xf32>
    %reduce_sum3A_2716 = vector.multi_reduction <add>, %dot_general3A_2533, %reduce_sum3A_2715 [0] : vector<32x32xf32> to vector<32xf32>
    %broadcast_in_dim3A_2717 = vector.shape_cast %reduce_sum3A_2716 : vector<32xf32> to vector<1x32xf32>
    %div3A_2718 = arith.constant 3.200000e+01 : f32
    %div3A_2719 = vector.broadcast %div3A_2718 : f32 to vector<1x32xf32>
    %div3A_2720 = arith.divf %broadcast_in_dim3A_2717, %div3A_2719 : vector<1x32xf32>
    %reduce_max3A_2721 = arith.constant dense<0xFF800000> : vector<32xf32>
    %reduce_max3A_2722 = vector.multi_reduction <maximumf>, %dot_general3A_2533, %reduce_max3A_2721 [0] : vector<32x32xf32> to vector<32xf32>
    %broadcast_in_dim3A_2723 = vector.shape_cast %reduce_max3A_2722 : vector<32xf32> to vector<1x32xf32>
    %concatenate3A_2724 = tpu.concatenate %div3A_2711, %broadcast_in_dim3A_2714, %div3A_2720, %broadcast_in_dim3A_2723 in 1 : vector<1x32xf32>, vector<1x32xf32>, vector<1x32xf32>, vector<1x32xf32> -> vector<1x128xf32>
    %reduce_sum3A_2725 = arith.constant dense<0.000000e+00> : vector<32xf32>
    %reduce_sum3A_2726 = vector.multi_reduction <add>, %dot_general3A_1226, %reduce_sum3A_2725 [0] : vector<64x32xf32> to vector<32xf32>
    %broadcast_in_dim3A_2727 = vector.shape_cast %reduce_sum3A_2726 : vector<32xf32> to vector<1x32xf32>
    %div3A_2728 = arith.constant 6.400000e+01 : f32
    %div3A_2729 = vector.broadcast %div3A_2728 : f32 to vector<1x32xf32>
    %div3A_2730 = arith.divf %broadcast_in_dim3A_2727, %div3A_2729 : vector<1x32xf32>
    %reduce_max3A_2731 = arith.constant dense<0xFF800000> : vector<32xf32>
    %reduce_max3A_2732 = vector.multi_reduction <maximumf>, %dot_general3A_1226, %reduce_max3A_2731 [0] : vector<64x32xf32> to vector<32xf32>
    %broadcast_in_dim3A_2733 = vector.shape_cast %reduce_max3A_2732 : vector<32xf32> to vector<1x32xf32>
    %reduce_sum3A_2734 = arith.constant dense<0.000000e+00> : vector<32xf32>
    %reduce_sum3A_2735 = vector.multi_reduction <add>, %dot_general3A_2538, %reduce_sum3A_2734 [0] : vector<32x32xf32> to vector<32xf32>
    %broadcast_in_dim3A_2736 = vector.shape_cast %reduce_sum3A_2735 : vector<32xf32> to vector<1x32xf32>
    %div3A_2737 = arith.constant 3.200000e+01 : f32
    %div3A_2738 = vector.broadcast %div3A_2737 : f32 to vector<1x32xf32>
    %div3A_2739 = arith.divf %broadcast_in_dim3A_2736, %div3A_2738 : vector<1x32xf32>
    %reduce_max3A_2740 = arith.constant dense<0xFF800000> : vector<32xf32>
    %reduce_max3A_2741 = vector.multi_reduction <maximumf>, %dot_general3A_2538, %reduce_max3A_2740 [0] : vector<32x32xf32> to vector<32xf32>
    %broadcast_in_dim3A_2742 = vector.shape_cast %reduce_max3A_2741 : vector<32xf32> to vector<1x32xf32>
    %concatenate3A_2743 = tpu.concatenate %div3A_2730, %broadcast_in_dim3A_2733, %div3A_2739, %broadcast_in_dim3A_2742 in 1 : vector<1x32xf32>, vector<1x32xf32>, vector<1x32xf32>, vector<1x32xf32> -> vector<1x128xf32>
    %reduce_sum3A_2744 = arith.constant dense<0.000000e+00> : vector<32xf32>
    %reduce_sum3A_2745 = vector.multi_reduction <add>, %dot_general3A_1231, %reduce_sum3A_2744 [0] : vector<64x32xf32> to vector<32xf32>
    %broadcast_in_dim3A_2746 = vector.shape_cast %reduce_sum3A_2745 : vector<32xf32> to vector<1x32xf32>
    %div3A_2747 = arith.constant 6.400000e+01 : f32
    %div3A_2748 = vector.broadcast %div3A_2747 : f32 to vector<1x32xf32>
    %div3A_2749 = arith.divf %broadcast_in_dim3A_2746, %div3A_2748 : vector<1x32xf32>
    %reduce_max3A_2750 = arith.constant dense<0xFF800000> : vector<32xf32>
    %reduce_max3A_2751 = vector.multi_reduction <maximumf>, %dot_general3A_1231, %reduce_max3A_2750 [0] : vector<64x32xf32> to vector<32xf32>
    %broadcast_in_dim3A_2752 = vector.shape_cast %reduce_max3A_2751 : vector<32xf32> to vector<1x32xf32>
    %reduce_sum3A_2753 = arith.constant dense<0.000000e+00> : vector<32xf32>
    %reduce_sum3A_2754 = vector.multi_reduction <add>, %dot_general3A_2543, %reduce_sum3A_2753 [0] : vector<32x32xf32> to vector<32xf32>
    %broadcast_in_dim3A_2755 = vector.shape_cast %reduce_sum3A_2754 : vector<32xf32> to vector<1x32xf32>
    %div3A_2756 = arith.constant 3.200000e+01 : f32
    %div3A_2757 = vector.broadcast %div3A_2756 : f32 to vector<1x32xf32>
    %div3A_2758 = arith.divf %broadcast_in_dim3A_2755, %div3A_2757 : vector<1x32xf32>
    %reduce_max3A_2759 = arith.constant dense<0xFF800000> : vector<32xf32>
    %reduce_max3A_2760 = vector.multi_reduction <maximumf>, %dot_general3A_2543, %reduce_max3A_2759 [0] : vector<32x32xf32> to vector<32xf32>
    %broadcast_in_dim3A_2761 = vector.shape_cast %reduce_max3A_2760 : vector<32xf32> to vector<1x32xf32>
    %concatenate3A_2762 = tpu.concatenate %div3A_2749, %broadcast_in_dim3A_2752, %div3A_2758, %broadcast_in_dim3A_2761 in 1 : vector<1x32xf32>, vector<1x32xf32>, vector<1x32xf32>, vector<1x32xf32> -> vector<1x128xf32>
    %reduce_sum3A_2763 = arith.constant dense<0.000000e+00> : vector<32xf32>
    %reduce_sum3A_2764 = vector.multi_reduction <add>, %dot_general3A_1236, %reduce_sum3A_2763 [0] : vector<64x32xf32> to vector<32xf32>
    %broadcast_in_dim3A_2765 = vector.shape_cast %reduce_sum3A_2764 : vector<32xf32> to vector<1x32xf32>
    %div3A_2766 = arith.constant 6.400000e+01 : f32
    %div3A_2767 = vector.broadcast %div3A_2766 : f32 to vector<1x32xf32>
    %div3A_2768 = arith.divf %broadcast_in_dim3A_2765, %div3A_2767 : vector<1x32xf32>
    %reduce_max3A_2769 = arith.constant dense<0xFF800000> : vector<32xf32>
    %reduce_max3A_2770 = vector.multi_reduction <maximumf>, %dot_general3A_1236, %reduce_max3A_2769 [0] : vector<64x32xf32> to vector<32xf32>
    %broadcast_in_dim3A_2771 = vector.shape_cast %reduce_max3A_2770 : vector<32xf32> to vector<1x32xf32>
    %reduce_sum3A_2772 = arith.constant dense<0.000000e+00> : vector<32xf32>
    %reduce_sum3A_2773 = vector.multi_reduction <add>, %dot_general3A_2548, %reduce_sum3A_2772 [0] : vector<32x32xf32> to vector<32xf32>
    %broadcast_in_dim3A_2774 = vector.shape_cast %reduce_sum3A_2773 : vector<32xf32> to vector<1x32xf32>
    %div3A_2775 = arith.constant 3.200000e+01 : f32
    %div3A_2776 = vector.broadcast %div3A_2775 : f32 to vector<1x32xf32>
    %div3A_2777 = arith.divf %broadcast_in_dim3A_2774, %div3A_2776 : vector<1x32xf32>
    %reduce_max3A_2778 = arith.constant dense<0xFF800000> : vector<32xf32>
    %reduce_max3A_2779 = vector.multi_reduction <maximumf>, %dot_general3A_2548, %reduce_max3A_2778 [0] : vector<32x32xf32> to vector<32xf32>
    %broadcast_in_dim3A_2780 = vector.shape_cast %reduce_max3A_2779 : vector<32xf32> to vector<1x32xf32>
    %concatenate3A_2781 = tpu.concatenate %div3A_2768, %broadcast_in_dim3A_2771, %div3A_2777, %broadcast_in_dim3A_2780 in 1 : vector<1x32xf32>, vector<1x32xf32>, vector<1x32xf32>, vector<1x32xf32> -> vector<1x128xf32>
    %reduce_sum3A_2782 = arith.constant dense<0.000000e+00> : vector<32xf32>
    %reduce_sum3A_2783 = vector.multi_reduction <add>, %dot_general3A_1241, %reduce_sum3A_2782 [0] : vector<64x32xf32> to vector<32xf32>
    %broadcast_in_dim3A_2784 = vector.shape_cast %reduce_sum3A_2783 : vector<32xf32> to vector<1x32xf32>
    %div3A_2785 = arith.constant 6.400000e+01 : f32
    %div3A_2786 = vector.broadcast %div3A_2785 : f32 to vector<1x32xf32>
    %div3A_2787 = arith.divf %broadcast_in_dim3A_2784, %div3A_2786 : vector<1x32xf32>
    %reduce_max3A_2788 = arith.constant dense<0xFF800000> : vector<32xf32>
    %reduce_max3A_2789 = vector.multi_reduction <maximumf>, %dot_general3A_1241, %reduce_max3A_2788 [0] : vector<64x32xf32> to vector<32xf32>
    %broadcast_in_dim3A_2790 = vector.shape_cast %reduce_max3A_2789 : vector<32xf32> to vector<1x32xf32>
    %reduce_sum3A_2791 = arith.constant dense<0.000000e+00> : vector<32xf32>
    %reduce_sum3A_2792 = vector.multi_reduction <add>, %dot_general3A_2553, %reduce_sum3A_2791 [0] : vector<32x32xf32> to vector<32xf32>
    %broadcast_in_dim3A_2793 = vector.shape_cast %reduce_sum3A_2792 : vector<32xf32> to vector<1x32xf32>
    %div3A_2794 = arith.constant 3.200000e+01 : f32
    %div3A_2795 = vector.broadcast %div3A_2794 : f32 to vector<1x32xf32>
    %div3A_2796 = arith.divf %broadcast_in_dim3A_2793, %div3A_2795 : vector<1x32xf32>
    %reduce_max3A_2797 = arith.constant dense<0xFF800000> : vector<32xf32>
    %reduce_max3A_2798 = vector.multi_reduction <maximumf>, %dot_general3A_2553, %reduce_max3A_2797 [0] : vector<32x32xf32> to vector<32xf32>
    %broadcast_in_dim3A_2799 = vector.shape_cast %reduce_max3A_2798 : vector<32xf32> to vector<1x32xf32>
    %concatenate3A_2800 = tpu.concatenate %div3A_2787, %broadcast_in_dim3A_2790, %div3A_2796, %broadcast_in_dim3A_2799 in 1 : vector<1x32xf32>, vector<1x32xf32>, vector<1x32xf32>, vector<1x32xf32> -> vector<1x128xf32>
    %reduce_sum3A_2801 = arith.constant dense<0.000000e+00> : vector<32xf32>
    %reduce_sum3A_2802 = vector.multi_reduction <add>, %dot_general3A_1246, %reduce_sum3A_2801 [0] : vector<64x32xf32> to vector<32xf32>
    %broadcast_in_dim3A_2803 = vector.shape_cast %reduce_sum3A_2802 : vector<32xf32> to vector<1x32xf32>
    %div3A_2804 = arith.constant 6.400000e+01 : f32
    %div3A_2805 = vector.broadcast %div3A_2804 : f32 to vector<1x32xf32>
    %div3A_2806 = arith.divf %broadcast_in_dim3A_2803, %div3A_2805 : vector<1x32xf32>
    %reduce_max3A_2807 = arith.constant dense<0xFF800000> : vector<32xf32>
    %reduce_max3A_2808 = vector.multi_reduction <maximumf>, %dot_general3A_1246, %reduce_max3A_2807 [0] : vector<64x32xf32> to vector<32xf32>
    %broadcast_in_dim3A_2809 = vector.shape_cast %reduce_max3A_2808 : vector<32xf32> to vector<1x32xf32>
    %reduce_sum3A_2810 = arith.constant dense<0.000000e+00> : vector<32xf32>
    %reduce_sum3A_2811 = vector.multi_reduction <add>, %dot_general3A_2558, %reduce_sum3A_2810 [0] : vector<32x32xf32> to vector<32xf32>
    %broadcast_in_dim3A_2812 = vector.shape_cast %reduce_sum3A_2811 : vector<32xf32> to vector<1x32xf32>
    %div3A_2813 = arith.constant 3.200000e+01 : f32
    %div3A_2814 = vector.broadcast %div3A_2813 : f32 to vector<1x32xf32>
    %div3A_2815 = arith.divf %broadcast_in_dim3A_2812, %div3A_2814 : vector<1x32xf32>
    %reduce_max3A_2816 = arith.constant dense<0xFF800000> : vector<32xf32>
    %reduce_max3A_2817 = vector.multi_reduction <maximumf>, %dot_general3A_2558, %reduce_max3A_2816 [0] : vector<32x32xf32> to vector<32xf32>
    %broadcast_in_dim3A_2818 = vector.shape_cast %reduce_max3A_2817 : vector<32xf32> to vector<1x32xf32>
    %concatenate3A_2819 = tpu.concatenate %div3A_2806, %broadcast_in_dim3A_2809, %div3A_2815, %broadcast_in_dim3A_2818 in 1 : vector<1x32xf32>, vector<1x32xf32>, vector<1x32xf32>, vector<1x32xf32> -> vector<1x128xf32>
    %reduce_sum3A_2820 = arith.constant dense<0.000000e+00> : vector<32xf32>
    %reduce_sum3A_2821 = vector.multi_reduction <add>, %dot_general3A_1251, %reduce_sum3A_2820 [0] : vector<64x32xf32> to vector<32xf32>
    %broadcast_in_dim3A_2822 = vector.shape_cast %reduce_sum3A_2821 : vector<32xf32> to vector<1x32xf32>
    %div3A_2823 = arith.constant 6.400000e+01 : f32
    %div3A_2824 = vector.broadcast %div3A_2823 : f32 to vector<1x32xf32>
    %div3A_2825 = arith.divf %broadcast_in_dim3A_2822, %div3A_2824 : vector<1x32xf32>
    %reduce_max3A_2826 = arith.constant dense<0xFF800000> : vector<32xf32>
    %reduce_max3A_2827 = vector.multi_reduction <maximumf>, %dot_general3A_1251, %reduce_max3A_2826 [0] : vector<64x32xf32> to vector<32xf32>
    %broadcast_in_dim3A_2828 = vector.shape_cast %reduce_max3A_2827 : vector<32xf32> to vector<1x32xf32>
    %reduce_sum3A_2829 = arith.constant dense<0.000000e+00> : vector<32xf32>
    %reduce_sum3A_2830 = vector.multi_reduction <add>, %dot_general3A_2563, %reduce_sum3A_2829 [0] : vector<32x32xf32> to vector<32xf32>
    %broadcast_in_dim3A_2831 = vector.shape_cast %reduce_sum3A_2830 : vector<32xf32> to vector<1x32xf32>
    %div3A_2832 = arith.constant 3.200000e+01 : f32
    %div3A_2833 = vector.broadcast %div3A_2832 : f32 to vector<1x32xf32>
    %div3A_2834 = arith.divf %broadcast_in_dim3A_2831, %div3A_2833 : vector<1x32xf32>
    %reduce_max3A_2835 = arith.constant dense<0xFF800000> : vector<32xf32>
    %reduce_max3A_2836 = vector.multi_reduction <maximumf>, %dot_general3A_2563, %reduce_max3A_2835 [0] : vector<32x32xf32> to vector<32xf32>
    %broadcast_in_dim3A_2837 = vector.shape_cast %reduce_max3A_2836 : vector<32xf32> to vector<1x32xf32>
    %concatenate3A_2838 = tpu.concatenate %div3A_2825, %broadcast_in_dim3A_2828, %div3A_2834, %broadcast_in_dim3A_2837 in 1 : vector<1x32xf32>, vector<1x32xf32>, vector<1x32xf32>, vector<1x32xf32> -> vector<1x128xf32>
    %reduce_sum3A_2839 = arith.constant dense<0.000000e+00> : vector<32xf32>
    %reduce_sum3A_2840 = vector.multi_reduction <add>, %dot_general3A_1256, %reduce_sum3A_2839 [0] : vector<64x32xf32> to vector<32xf32>
    %broadcast_in_dim3A_2841 = vector.shape_cast %reduce_sum3A_2840 : vector<32xf32> to vector<1x32xf32>
    %div3A_2842 = arith.constant 6.400000e+01 : f32
    %div3A_2843 = vector.broadcast %div3A_2842 : f32 to vector<1x32xf32>
    %div3A_2844 = arith.divf %broadcast_in_dim3A_2841, %div3A_2843 : vector<1x32xf32>
    %reduce_max3A_2845 = arith.constant dense<0xFF800000> : vector<32xf32>
    %reduce_max3A_2846 = vector.multi_reduction <maximumf>, %dot_general3A_1256, %reduce_max3A_2845 [0] : vector<64x32xf32> to vector<32xf32>
    %broadcast_in_dim3A_2847 = vector.shape_cast %reduce_max3A_2846 : vector<32xf32> to vector<1x32xf32>
    %reduce_sum3A_2848 = arith.constant dense<0.000000e+00> : vector<32xf32>
    %reduce_sum3A_2849 = vector.multi_reduction <add>, %dot_general3A_2568, %reduce_sum3A_2848 [0] : vector<32x32xf32> to vector<32xf32>
    %broadcast_in_dim3A_2850 = vector.shape_cast %reduce_sum3A_2849 : vector<32xf32> to vector<1x32xf32>
    %div3A_2851 = arith.constant 3.200000e+01 : f32
    %div3A_2852 = vector.broadcast %div3A_2851 : f32 to vector<1x32xf32>
    %div3A_2853 = arith.divf %broadcast_in_dim3A_2850, %div3A_2852 : vector<1x32xf32>
    %reduce_max3A_2854 = arith.constant dense<0xFF800000> : vector<32xf32>
    %reduce_max3A_2855 = vector.multi_reduction <maximumf>, %dot_general3A_2568, %reduce_max3A_2854 [0] : vector<32x32xf32> to vector<32xf32>
    %broadcast_in_dim3A_2856 = vector.shape_cast %reduce_max3A_2855 : vector<32xf32> to vector<1x32xf32>
    %concatenate3A_2857 = tpu.concatenate %div3A_2844, %broadcast_in_dim3A_2847, %div3A_2853, %broadcast_in_dim3A_2856 in 1 : vector<1x32xf32>, vector<1x32xf32>, vector<1x32xf32>, vector<1x32xf32> -> vector<1x128xf32>
    %reduce_sum3A_2858 = arith.constant dense<0.000000e+00> : vector<32xf32>
    %reduce_sum3A_2859 = vector.multi_reduction <add>, %dot_general3A_1261, %reduce_sum3A_2858 [0] : vector<64x32xf32> to vector<32xf32>
    %broadcast_in_dim3A_2860 = vector.shape_cast %reduce_sum3A_2859 : vector<32xf32> to vector<1x32xf32>
    %div3A_2861 = arith.constant 6.400000e+01 : f32
    %div3A_2862 = vector.broadcast %div3A_2861 : f32 to vector<1x32xf32>
    %div3A_2863 = arith.divf %broadcast_in_dim3A_2860, %div3A_2862 : vector<1x32xf32>
    %reduce_max3A_2864 = arith.constant dense<0xFF800000> : vector<32xf32>
    %reduce_max3A_2865 = vector.multi_reduction <maximumf>, %dot_general3A_1261, %reduce_max3A_2864 [0] : vector<64x32xf32> to vector<32xf32>
    %broadcast_in_dim3A_2866 = vector.shape_cast %reduce_max3A_2865 : vector<32xf32> to vector<1x32xf32>
    %reduce_sum3A_2867 = arith.constant dense<0.000000e+00> : vector<32xf32>
    %reduce_sum3A_2868 = vector.multi_reduction <add>, %dot_general3A_2573, %reduce_sum3A_2867 [0] : vector<32x32xf32> to vector<32xf32>
    %broadcast_in_dim3A_2869 = vector.shape_cast %reduce_sum3A_2868 : vector<32xf32> to vector<1x32xf32>
    %div3A_2870 = arith.constant 3.200000e+01 : f32
    %div3A_2871 = vector.broadcast %div3A_2870 : f32 to vector<1x32xf32>
    %div3A_2872 = arith.divf %broadcast_in_dim3A_2869, %div3A_2871 : vector<1x32xf32>
    %reduce_max3A_2873 = arith.constant dense<0xFF800000> : vector<32xf32>
    %reduce_max3A_2874 = vector.multi_reduction <maximumf>, %dot_general3A_2573, %reduce_max3A_2873 [0] : vector<32x32xf32> to vector<32xf32>
    %broadcast_in_dim3A_2875 = vector.shape_cast %reduce_max3A_2874 : vector<32xf32> to vector<1x32xf32>
    %concatenate3A_2876 = tpu.concatenate %div3A_2863, %broadcast_in_dim3A_2866, %div3A_2872, %broadcast_in_dim3A_2875 in 1 : vector<1x32xf32>, vector<1x32xf32>, vector<1x32xf32>, vector<1x32xf32> -> vector<1x128xf32>
    %concatenate3A_2877 = tpu.concatenate %dot_general3A_1152, %dot_general3A_1154, %dot_general3A_1156, %dot_general3A_1158, %dot_general3A_1160, %dot_general3A_1162, %dot_general3A_1164, %dot_general3A_1166, %dot_general3A_1168, %dot_general3A_1170, %dot_general3A_1172, %dot_general3A_1174, %dot_general3A_1176, %dot_general3A_1178, %dot_general3A_1180, %dot_general3A_1182 in 0 : vector<1x64xf32>, vector<1x64xf32>, vector<1x64xf32>, vector<1x64xf32>, vector<1x64xf32>, vector<1x64xf32>, vector<1x64xf32>, vector<1x64xf32>, vector<1x64xf32>, vector<1x64xf32>, vector<1x64xf32>, vector<1x64xf32>, vector<1x64xf32>, vector<1x64xf32>, vector<1x64xf32>, vector<1x64xf32> -> vector<16x64xf32>
    %concatenate3A_2878 = tpu.concatenate %dot_general3A_2463, %dot_general3A_2465, %dot_general3A_2467, %dot_general3A_2469, %dot_general3A_2471, %dot_general3A_2473, %dot_general3A_2475, %dot_general3A_2477, %dot_general3A_2479, %dot_general3A_2481, %dot_general3A_2483, %dot_general3A_2485, %dot_general3A_2487, %dot_general3A_2489, %dot_general3A_2491, %dot_general3A_2493 in 0 : vector<1x32xf32>, vector<1x32xf32>, vector<1x32xf32>, vector<1x32xf32>, vector<1x32xf32>, vector<1x32xf32>, vector<1x32xf32>, vector<1x32xf32>, vector<1x32xf32>, vector<1x32xf32>, vector<1x32xf32>, vector<1x32xf32>, vector<1x32xf32>, vector<1x32xf32>, vector<1x32xf32>, vector<1x32xf32> -> vector<16x32xf32>
    %concatenate3A_2879 = tpu.concatenate %concatenate3A_2591, %concatenate3A_2610, %concatenate3A_2629, %concatenate3A_2648, %concatenate3A_2667, %concatenate3A_2686, %concatenate3A_2705, %concatenate3A_2724, %concatenate3A_2743, %concatenate3A_2762, %concatenate3A_2781, %concatenate3A_2800, %concatenate3A_2819, %concatenate3A_2838, %concatenate3A_2857, %concatenate3A_2876 in 0 : vector<1x128xf32>, vector<1x128xf32>, vector<1x128xf32>, vector<1x128xf32>, vector<1x128xf32>, vector<1x128xf32>, vector<1x128xf32>, vector<1x128xf32>, vector<1x128xf32>, vector<1x128xf32>, vector<1x128xf32>, vector<1x128xf32>, vector<1x128xf32>, vector<1x128xf32>, vector<1x128xf32>, vector<1x128xf32> -> vector<16x128xf32>
    %get3A_2880 = arith.constant 0 : index
    %get3A_2881 = arith.constant 0 : index
    %get3A_2882 = vector.load %arg9[%get3A_2880, %get3A_2881] : memref<128x128xf32, #tpu.memory_space<vmem>>, vector<128x128xf32>
    %dot_general3A_2883 = arith.constant dense<0.000000e+00> : vector<16x128xf32>
    %dot_general3A_2884 = tpu.matmul %concatenate3A_2879, %get3A_2882, %dot_general3A_2883 {dimension_numbers = #tpu.dot_dimension_numbers<[1], [0], [0], [1], [0, 0, 1, 1], [], []>, transpose_lhs_hint = false} : vector<16x128xf32>, vector<128x128xf32>, vector<16x128xf32> -> vector<16x128xf32>
    %get3A_2885 = arith.constant 0 : index
    %get3A_2886 = arith.constant 0 : index
    %get3A_2887 = vector.load %arg10[%get3A_2885, %get3A_2886] : memref<1x128xf32, #tpu.memory_space<vmem>>, vector<1x128xf32>
    %add3A_2888 = vector.broadcast %get3A_2887 : vector<1x128xf32> to vector<16x128xf32>
    %add3A_2889 = arith.addf %dot_general3A_2884, %add3A_2888 : vector<16x128xf32>
    %ge3A_2890 = arith.constant 0.000000e+00 : f32
    %ge3A_2891 = vector.broadcast %ge3A_2890 : f32 to vector<16x128xf32>
    %ge3A_2892 = arith.cmpf oge, %add3A_2889, %ge3A_2891 : vector<16x128xf32>
    %get3A_2893 = arith.constant 0 : index
    %get3A_2894 = arith.constant 0 : index
    %get3A_2895 = vector.load %arg11[%get3A_2893, %get3A_2894] : memref<1x1xf32, #tpu.memory_space<vmem>>, vector<1x1xf32>
    %mul3A_2896 = vector.broadcast %get3A_2895 : vector<1x1xf32> to vector<16x128xf32>
    %mul3A_2897 = arith.mulf %mul3A_2896, %add3A_2889 : vector<16x128xf32>
    %select_n3A_2898 = arith.select %ge3A_2892, %add3A_2889, %mul3A_2897 : vector<16x128xi1>, vector<16x128xf32>
    %mul3A_2899 = arith.constant 0.999994993 : f32
    %mul3A_2900 = vector.broadcast %mul3A_2899 : f32 to vector<16x128xf32>
    %mul3A_2901 = arith.mulf %select_n3A_2898, %mul3A_2900 : vector<16x128xf32>
    %get3A_2902 = arith.constant 0 : index
    %get3A_2903 = arith.constant 0 : index
    %get3A_2904 = vector.load %arg12[%get3A_2902, %get3A_2903] : memref<1x128xf32, #tpu.memory_space<vmem>>, vector<1x128xf32>
    %mul3A_2905 = vector.broadcast %get3A_2904 : vector<1x128xf32> to vector<16x128xf32>
    %mul3A_2906 = arith.mulf %mul3A_2901, %mul3A_2905 : vector<16x128xf32>
    %get3A_2907 = arith.constant 0 : index
    %get3A_2908 = arith.constant 0 : index
    %get3A_2909 = vector.load %arg13[%get3A_2907, %get3A_2908] : memref<1x128xf32, #tpu.memory_space<vmem>>, vector<1x128xf32>
    %add3A_2910 = vector.broadcast %get3A_2909 : vector<1x128xf32> to vector<16x128xf32>
    %add3A_2911 = arith.addf %mul3A_2906, %add3A_2910 : vector<16x128xf32>
    %get3A_2912 = arith.constant 0 : index
    %get3A_2913 = arith.constant 0 : index
    %get3A_2914 = vector.load %arg14[%get3A_2912, %get3A_2913] : memref<128x128xf32, #tpu.memory_space<vmem>>, vector<128x128xf32>
    %dot_general3A_2915 = arith.constant dense<0.000000e+00> : vector<16x128xf32>
    %dot_general3A_2916 = tpu.matmul %add3A_2911, %get3A_2914, %dot_general3A_2915 {dimension_numbers = #tpu.dot_dimension_numbers<[1], [0], [0], [1], [0, 0, 1, 1], [], []>, transpose_lhs_hint = false} : vector<16x128xf32>, vector<128x128xf32>, vector<16x128xf32> -> vector<16x128xf32>
    %get3A_2917 = arith.constant 0 : index
    %get3A_2918 = arith.constant 0 : index
    %get3A_2919 = vector.load %arg15[%get3A_2917, %get3A_2918] : memref<1x128xf32, #tpu.memory_space<vmem>>, vector<1x128xf32>
    %add3A_2920 = vector.broadcast %get3A_2919 : vector<1x128xf32> to vector<16x128xf32>
    %add3A_2921 = arith.addf %dot_general3A_2916, %add3A_2920 : vector<16x128xf32>
    %ge3A_2922 = arith.constant 0.000000e+00 : f32
    %ge3A_2923 = vector.broadcast %ge3A_2922 : f32 to vector<16x128xf32>
    %ge3A_2924 = arith.cmpf oge, %add3A_2921, %ge3A_2923 : vector<16x128xf32>
    %get3A_2925 = arith.constant 0 : index
    %get3A_2926 = arith.constant 0 : index
    %get3A_2927 = vector.load %arg16[%get3A_2925, %get3A_2926] : memref<1x1xf32, #tpu.memory_space<vmem>>, vector<1x1xf32>
    %mul3A_2928 = vector.broadcast %get3A_2927 : vector<1x1xf32> to vector<16x128xf32>
    %mul3A_2929 = arith.mulf %mul3A_2928, %add3A_2921 : vector<16x128xf32>
    %select_n3A_2930 = arith.select %ge3A_2924, %add3A_2921, %mul3A_2929 : vector<16x128xi1>, vector<16x128xf32>
    %mul3A_2931 = arith.constant 0.999994993 : f32
    %mul3A_2932 = vector.broadcast %mul3A_2931 : f32 to vector<16x128xf32>
    %mul3A_2933 = arith.mulf %select_n3A_2930, %mul3A_2932 : vector<16x128xf32>
    %get3A_2934 = arith.constant 0 : index
    %get3A_2935 = arith.constant 0 : index
    %get3A_2936 = vector.load %arg17[%get3A_2934, %get3A_2935] : memref<1x128xf32, #tpu.memory_space<vmem>>, vector<1x128xf32>
    %mul3A_2937 = vector.broadcast %get3A_2936 : vector<1x128xf32> to vector<16x128xf32>
    %mul3A_2938 = arith.mulf %mul3A_2933, %mul3A_2937 : vector<16x128xf32>
    %get3A_2939 = arith.constant 0 : index
    %get3A_2940 = arith.constant 0 : index
    %get3A_2941 = vector.load %arg18[%get3A_2939, %get3A_2940] : memref<1x128xf32, #tpu.memory_space<vmem>>, vector<1x128xf32>
    %add3A_2942 = vector.broadcast %get3A_2941 : vector<1x128xf32> to vector<16x128xf32>
    %add3A_2943 = arith.addf %mul3A_2938, %add3A_2942 : vector<16x128xf32>
    %get3A_2944 = arith.constant 0 : index
    %get3A_2945 = arith.constant 0 : index
    %get3A_2946 = vector.load %arg19[%get3A_2944, %get3A_2945] : memref<128x2xf32, #tpu.memory_space<vmem>>, vector<128x2xf32>
    %dot_general3A_2947 = arith.constant dense<0.000000e+00> : vector<16x2xf32>
    %dot_general3A_2948 = tpu.matmul %add3A_2943, %get3A_2946, %dot_general3A_2947 {dimension_numbers = #tpu.dot_dimension_numbers<[1], [0], [0], [1], [0, 0, 1, 1], [], []>, transpose_lhs_hint = false} : vector<16x128xf32>, vector<128x2xf32>, vector<16x2xf32> -> vector<16x2xf32>
    %get3A_2949 = arith.constant 0 : index
    %get3A_2950 = arith.constant 0 : index
    %get3A_2951 = vector.load %arg20[%get3A_2949, %get3A_2950] : memref<1x2xf32, #tpu.memory_space<vmem>>, vector<1x2xf32>
    %add3A_2952 = vector.broadcast %get3A_2951 : vector<1x2xf32> to vector<16x2xf32>
    %add3A_2953 = arith.addf %dot_general3A_2948, %add3A_2952 : vector<16x2xf32>
    %reduce_max3A_2954 = arith.constant dense<0xFF800000> : vector<16xf32>
    %reduce_max3A_2955 = vector.multi_reduction <maximumf>, %add3A_2953, %reduce_max3A_2954 [1] : vector<16x2xf32> to vector<16xf32>
    %broadcast_in_dim3A_2956 = vector.shape_cast %reduce_max3A_2955 : vector<16xf32> to vector<16x1xf32>
    %sub3A = vector.broadcast %broadcast_in_dim3A_2956 : vector<16x1xf32> to vector<16x2xf32>
    %sub3A_2957 = arith.subf %add3A_2953, %sub3A : vector<16x2xf32>
    %exp3A_2958 = math.exp %sub3A_2957 : vector<16x2xf32>
    %sub3A_2959 = vector.broadcast %broadcast_in_dim3A_2956 : vector<16x1xf32> to vector<16x2xf32>
    %sub3A_2960 = arith.subf %add3A_2953, %sub3A_2959 : vector<16x2xf32>
    %reduce_sum3A_2961 = arith.constant dense<0.000000e+00> : vector<16xf32>
    %reduce_sum3A_2962 = vector.multi_reduction <add>, %exp3A_2958, %reduce_sum3A_2961 [1] : vector<16x2xf32> to vector<16xf32>
    %broadcast_in_dim3A_2963 = vector.shape_cast %reduce_sum3A_2962 : vector<16xf32> to vector<16x1xf32>
    %log3A = math.log %broadcast_in_dim3A_2963 : vector<16x1xf32>
    %sub3A_2964 = vector.broadcast %log3A : vector<16x1xf32> to vector<16x2xf32>
    %sub3A_2965 = arith.subf %sub3A_2960, %sub3A_2964 : vector<16x2xf32>
    %reduce_max3A_2966 = arith.constant dense<0xFF800000> : vector<16xf32>
    %reduce_max3A_2967 = vector.multi_reduction <maximumf>, %concatenate3A_2877, %reduce_max3A_2966 [1] : vector<16x64xf32> to vector<16xf32>
    %broadcast_in_dim3A_2968 = vector.shape_cast %reduce_max3A_2967 : vector<16xf32> to vector<16x1xf32>
    %sub3A_2969 = vector.broadcast %broadcast_in_dim3A_2968 : vector<16x1xf32> to vector<16x64xf32>
    %sub3A_2970 = arith.subf %concatenate3A_2877, %sub3A_2969 : vector<16x64xf32>
    %exp3A_2971 = math.exp %sub3A_2970 : vector<16x64xf32>
    %reduce_sum3A_2972 = arith.constant dense<0.000000e+00> : vector<16xf32>
    %reduce_sum3A_2973 = vector.multi_reduction <add>, %exp3A_2971, %reduce_sum3A_2972 [1] : vector<16x64xf32> to vector<16xf32>
    %broadcast_in_dim3A_2974 = vector.shape_cast %reduce_sum3A_2973 : vector<16xf32> to vector<16x1xf32>
    %div3A_2975 = vector.broadcast %broadcast_in_dim3A_2974 : vector<16x1xf32> to vector<16x64xf32>
    %div3A_2976 = arith.divf %exp3A_2971, %div3A_2975 : vector<16x64xf32>
    %reduce_max3A_2977 = arith.constant dense<0xFF800000> : vector<16xf32>
    %reduce_max3A_2978 = vector.multi_reduction <maximumf>, %concatenate3A_2878, %reduce_max3A_2977 [1] : vector<16x32xf32> to vector<16xf32>
    %broadcast_in_dim3A_2979 = vector.shape_cast %reduce_max3A_2978 : vector<16xf32> to vector<16x1xf32>
    %sub3A_2980 = vector.broadcast %broadcast_in_dim3A_2979 : vector<16x1xf32> to vector<16x32xf32>
    %sub3A_2981 = arith.subf %concatenate3A_2878, %sub3A_2980 : vector<16x32xf32>
    %exp3A_2982 = math.exp %sub3A_2981 : vector<16x32xf32>
    %reduce_sum3A_2983 = arith.constant dense<0.000000e+00> : vector<16xf32>
    %reduce_sum3A_2984 = vector.multi_reduction <add>, %exp3A_2982, %reduce_sum3A_2983 [1] : vector<16x32xf32> to vector<16xf32>
    %broadcast_in_dim3A_2985 = vector.shape_cast %reduce_sum3A_2984 : vector<16xf32> to vector<16x1xf32>
    %div3A_2986 = vector.broadcast %broadcast_in_dim3A_2985 : vector<16x1xf32> to vector<16x32xf32>
    %div3A_2987 = arith.divf %exp3A_2982, %div3A_2986 : vector<16x32xf32>
    %concatenate3A_2988 = tpu.concatenate %sub3A_2965, %div3A_2976, %div3A_2987, %concatenate3A_2877 in 1 : vector<16x2xf32>, vector<16x64xf32>, vector<16x32xf32>, vector<16x64xf32> -> vector<16x162xf32>
    %swap3A = arith.constant 0 : index
    %swap3A_2989 = arith.constant 0 : index
    %swap3A_2990 = vector.load %arg21[%swap3A, %swap3A_2989] : memref<16x162xf32, #tpu.memory_space<vmem>>, vector<16x162xf32>
    tpu.vector_store %arg21[%swap3A, %swap3A_2989], %concatenate3A_2988 {strides = array<i32>} : memref<16x162xf32, #tpu.memory_space<vmem>>, vector<16x162xf32>,
    return
  }
  func.func @transform_0(%arg0: i32) -> (i32, i32) {
    %c0_i32 = arith.constant 0 : i32
    %c0_i32_0 = arith.constant 0 : i32
    return %arg0, %c0_i32 : i32, i32
  }
  func.func @transform_1(%arg0: i32) -> (i32, i32, i32, i32) {
    %c0_i32 = arith.constant 0 : i32
    %c0_i32_0 = arith.constant 0 : i32
    %c0_i32_1 = arith.constant 0 : i32
    %c0_i32_2 = arith.constant 0 : i32
    return %c0_i32, %arg0, %c0_i32_0, %c0_i32_1 : i32, i32, i32, i32
  }
  func.func @transform_2(%arg0: i32) -> (i32, i32) {
    %c0_i32 = arith.constant 0 : i32
    %c0_i32_0 = arith.constant 0 : i32
    %c0_i32_1 = arith.constant 0 : i32
    return %c0_i32, %c0_i32_0 : i32, i32
  }
  func.func @transform_3(%arg0: i32) -> (i32, i32) {
    %c0_i32 = arith.constant 0 : i32
    %c0_i32_0 = arith.constant 0 : i32
    %c0_i32_1 = arith.constant 0 : i32
    return %c0_i32, %c0_i32_0 : i32, i32
  }
  func.func @transform_4(%arg0: i32) -> (i32, i32) {
    %c0_i32 = arith.constant 0 : i32
    %c0_i32_0 = arith.constant 0 : i32
    %c0_i32_1 = arith.constant 0 : i32
    return %c0_i32, %c0_i32_0 : i32, i32
  }
  func.func @transform_5(%arg0: i32) -> (i32, i32) {
    %c0_i32 = arith.constant 0 : i32
    %c0_i32_0 = arith.constant 0 : i32
    %c0_i32_1 = arith.constant 0 : i32
    return %c0_i32, %c0_i32_0 : i32, i32
  }
  func.func @transform_6(%arg0: i32) -> (i32, i32) {
    %c0_i32 = arith.constant 0 : i32
    %c0_i32_0 = arith.constant 0 : i32
    %c0_i32_1 = arith.constant 0 : i32
    return %c0_i32, %c0_i32_0 : i32, i32
  }
  func.func @transform_7(%arg0: i32) -> (i32, i32) {
    %c0_i32 = arith.constant 0 : i32
    %c0_i32_0 = arith.constant 0 : i32
    %c0_i32_1 = arith.constant 0 : i32
    return %c0_i32, %c0_i32_0 : i32, i32
  }
  func.func @transform_8(%arg0: i32) -> (i32, i32) {
    %c0_i32 = arith.constant 0 : i32
    %c0_i32_0 = arith.constant 0 : i32
    %c0_i32_1 = arith.constant 0 : i32
    return %c0_i32, %c0_i32_0 : i32, i32
  }
  func.func @transform_9(%arg0: i32) -> (i32, i32) {
    %c0_i32 = arith.constant 0 : i32
    %c0_i32_0 = arith.constant 0 : i32
    %c0_i32_1 = arith.constant 0 : i32
    return %c0_i32, %c0_i32_0 : i32, i32
  }
  func.func @transform_10(%arg0: i32) -> (i32, i32) {
    %c0_i32 = arith.constant 0 : i32
    %c0_i32_0 = arith.constant 0 : i32
    %c0_i32_1 = arith.constant 0 : i32
    return %c0_i32, %c0_i32_0 : i32, i32
  }
  func.func @transform_11(%arg0: i32) -> (i32, i32) {
    %c0_i32 = arith.constant 0 : i32
    %c0_i32_0 = arith.constant 0 : i32
    %c0_i32_1 = arith.constant 0 : i32
    return %c0_i32, %c0_i32_0 : i32, i32
  }
  func.func @transform_12(%arg0: i32) -> (i32, i32) {
    %c0_i32 = arith.constant 0 : i32
    %c0_i32_0 = arith.constant 0 : i32
    %c0_i32_1 = arith.constant 0 : i32
    return %c0_i32, %c0_i32_0 : i32, i32
  }
  func.func @transform_13(%arg0: i32) -> (i32, i32) {
    %c0_i32 = arith.constant 0 : i32
    %c0_i32_0 = arith.constant 0 : i32
    %c0_i32_1 = arith.constant 0 : i32
    return %c0_i32, %c0_i32_0 : i32, i32
  }
  func.func @transform_14(%arg0: i32) -> (i32, i32) {
    %c0_i32 = arith.constant 0 : i32
    %c0_i32_0 = arith.constant 0 : i32
    %c0_i32_1 = arith.constant 0 : i32
    return %c0_i32, %c0_i32_0 : i32, i32
  }
  func.func @transform_15(%arg0: i32) -> (i32, i32) {
    %c0_i32 = arith.constant 0 : i32
    %c0_i32_0 = arith.constant 0 : i32
    %c0_i32_1 = arith.constant 0 : i32
    return %c0_i32, %c0_i32_0 : i32, i32
  }
  func.func @transform_16(%arg0: i32) -> (i32, i32) {
    %c0_i32 = arith.constant 0 : i32
    %c0_i32_0 = arith.constant 0 : i32
    %c0_i32_1 = arith.constant 0 : i32
    return %c0_i32, %c0_i32_0 : i32, i32
  }
  func.func @transform_17(%arg0: i32) -> (i32, i32) {
    %c0_i32 = arith.constant 0 : i32
    %c0_i32_0 = arith.constant 0 : i32
    %c0_i32_1 = arith.constant 0 : i32
    return %c0_i32, %c0_i32_0 : i32, i32
  }
  func.func @transform_18(%arg0: i32) -> (i32, i32) {
    %c0_i32 = arith.constant 0 : i32
    %c0_i32_0 = arith.constant 0 : i32
    %c0_i32_1 = arith.constant 0 : i32
    return %c0_i32, %c0_i32_0 : i32, i32
  }
  func.func @transform_19(%arg0: i32) -> (i32, i32) {
    %c0_i32 = arith.constant 0 : i32
    %c0_i32_0 = arith.constant 0 : i32
    %c0_i32_1 = arith.constant 0 : i32
    return %c0_i32, %c0_i32_0 : i32, i32
  }
  func.func @transform_20(%arg0: i32) -> (i32, i32) {
    %c0_i32 = arith.constant 0 : i32
    %c0_i32_0 = arith.constant 0 : i32
    return %arg0, %c0_i32 : i32, i32
  }
}

</mosaic_0001>

<sc_bundles>
// kernel: kernel.5.cloned.1.call-start
scs
__scs_entry_jumppad:
0x0: {  	(pc) =	sbr.rel $0x88, $3  }
0x1: {  	(tag) =	ssettag $0x0;
	lr =	simm.s32 $0x1  }
0x2: {  	[smem:$0x3F88] =	sst lr;
	_ =	strace $0xD0000000  }
0x3: {  	_ = 	snop  }
0x4: {  	_ = 	snop  }
0x5: {  	_ = 	snop  }
0x6: {  	_ = 	snop  }
0x7: {  	_ = 	snop  }
__scs_overlays_trampoline_lowered:
0x8: {  	[smem:$0x3F97] =	sst s0  }
0x9: {  	[smem:$0x3F98] =	sst s1  }
0xa: {  	[smem:$0x3F99] =	sst s2  }
0xb: {  	[smem:$0x3F9A] =	sst s3  }
0xc: {  	[smem:$0x3F9B] =	sst s4  }
0xd: {  	[smem:$0x3F9C] =	sst s5  }
0xe: {  	[smem:$0x3F9D] =	sst s6  }
0xf: {  	[smem:$0x3F9E] =	sst s7  }
0x10: {  	[smem:$0x3F9F] =	sst s8  }
0x11: {  	[smem:$0x3FA0] =	sst s9;
	s0 =	simm.s32 @!p0 $0x0  }
0x12: {  	s1 =	sld [smem:$0x3F86];
	s0 =	simm.s32 @p0 $0x1  }
0x13: {  	[smem:$0x3FA1] =	sst s0;
	s0 =	simm.s32 @!p1 $0x0  }
0x14: {  	s2 =	sld [smem:$0x3F85];
	s0 =	simm.s32 @p1 $0x1  }
0x15: {  	[smem:$0x3FA2] =	sst s0;
	s0 =	simm.s32 @!p2 $0x0  }
0x16: {  	s3 =	sld [smem:$0x3FDB];
	s0 =	simm.s32 @p2 $0x1  }
0x17: {  	s4 =	simm.s32 $0x1BF5;
	[smem:$0x3FA4] =	sst s0  }
0x18: {  	s0 =	sld [smem:$0x3F87];
	_ =	swait.ge [sflag:s4], $0x0  }
0x19: {  	s7 =	sld [smem:$0x3F88]  }
0x1a: {  	s8 =	sadd.s32 $0xFFFFE003, lr  }
0x1b: {  	s9 =	sadd.s32 $0xFFFFFEF7, lr;
	s5 =	simm.s32 $0xFFFFFFFF;
	p2 =	slt.u32 s8, $0xFFFFF086  }
0x1c: {  	p1 =	slt.u32 s9, $0xF7A;
	s5 =	simm.s32 @!p2 $0x0  }
0x1d: {  	s5 =	simm.s32 @p1 $0x1;
	p0 =	seq.s32 s7, s2  }
0x1e: {  	s7 =	smul.u32 @!p0 $0xF7A, s2;
	p2 =	seq.s32 @!p0 s5, $0x0  }
0x1f: {  	s9 =	smul.u32 $0xF7A, s1;
	s8 =	simm.s32 @!p0 $0x1BF5;
	p2 =	por !p2, p0  }
0x20: {  	[sflag:s8] =	ssyncset.s32 @!p0 $0xFFFFF086;
	s6 =	sadd.s32 @!p0 s3, s7;
	s7 =	simm.s32 @!p0 $0x108  }
0x21: {  	s3 =	sadd.s32 s3, s9;
	s6 =	sadd.s32 @!p0 $0x88, s6;
	s7 =	simm.s32 @p2 $0x1082  }
0x22: {  	[simem:s7], [sflag:s8] =	dma.local @!p0 [hbm:s6], $0xF7A  }
0x23: {  	s9 =	sor.u32 $0xD0000000, s2;
	s6 =	simm.s32 $0x108;
	_ =	swait.ge @!p0 [sflag:s8], $0x0  }
0x24: {  	s3 =	sadd.s32 $0x88, s3;
	s6 =	simm.s32 @!p1 $0x1082;
	[sflag:s4] =	ssyncset.s32 $0xFFFFF086  }
0x25: {  	[simem:s6], [sflag:s4] =	dma.local [hbm:s3], $0xF7A  }
0x26: {  	[smem:$0x3F88] =	sst s1;
	(tag) =	ssettag s2;
	_ =	strace s9  }
0x27: {  	s1 =	sld [smem:$0x3F98]  }
0x28: {  	s2 =	sld [smem:$0x3F99]  }
0x29: {  	s4 =	sld [smem:$0x3F9B]  }
0x2a: {  	p0 =	seq.s32 s5, $0x0;
	s5 =	sld [smem:$0x3F9C]  }
0x2b: {  	s6 =	sld [smem:$0x3F9D]  }
0x2c: {  	s7 =	sld [smem:$0x3F9E]  }
0x2d: {  	s3 =	simm.s32 $0x108;
	s8 =	sld [smem:$0x3F9F]  }
0x2e: {  	s3 =	simm.s32 @!p0 $0x1082;
	s9 =	sld [smem:$0x3FA0]  }
0x2f: {  	lr =	sadd.s32 s0, s3;
	s0 =	sld [smem:$0x3F97]  }
0x30: {  	s3 =	sld [smem:$0x3F9A]  }
0x31: {  	[smem:$0x3FA3] =	sst s10  }
0x32: {  	s10 =	sld [smem:$0x3FA1];
	_ =	sdelay $0x3  }
0x33: {  	p0 =	seq.s32 s10, $0x1;
	s10 =	sld [smem:$0x3FA3];
	_ =	sdelay $0x3  }
0x34: {  	[smem:$0x3FA3] =	sst s10  }
0x35: {  	s10 =	sld [smem:$0x3FA2];
	_ =	sdelay $0x3  }
0x36: {  	p1 =	seq.s32 s10, $0x1;
	s10 =	sld [smem:$0x3FA3];
	_ =	sdelay $0x3  }
0x37: {  	[smem:$0x3FA3] =	sst s10  }
0x38: {  	s10 =	sld [smem:$0x3FA4]  }
0x39: {  	_ = 	snop;
	(pc) =	sbr.ind lr, $3  }
0x3a: {  	_ = 	snop  }
0x3b: {  	_ = 	snop  }
0x3c: {  	p2 =	seq.s32 s10, $0x1;
	s10 =	sld [smem:$0x3FA3]  }
0x3d: {  	_ =	shalt  }
0x3e: {  	_ =	shalt  }
0x3f: {  	_ =	shalt  }
0x40: {  	_ =	shalt  }
0x41: {  	_ =	shalt  }
0x42: {  	_ =	shalt  }
0x43: {  	_ =	shalt  }
0x44: {  	_ =	shalt  }
0x45: {  	_ =	shalt  }
0x46: {  	_ =	shalt  }
0x47: {  	_ =	shalt  }
0x48: {  	_ =	shalt  }
0x49: {  	_ =	shalt  }
0x4a: {  	_ =	shalt  }
0x4b: {  	_ =	shalt  }
0x4c: {  	_ =	shalt  }
0x4d: {  	_ =	shalt  }
0x4e: {  	_ =	shalt  }
0x4f: {  	_ =	shalt  }
0x50: {  	_ =	shalt  }
0x51: {  	_ =	shalt  }
0x52: {  	_ =	shalt  }
0x53: {  	_ =	shalt  }
0x54: {  	_ =	shalt  }
0x55: {  	_ =	shalt  }
0x56: {  	_ =	shalt  }
0x57: {  	_ =	shalt  }
0x58: {  	_ =	shalt  }
0x59: {  	_ =	shalt  }
0x5a: {  	_ =	shalt  }
0x5b: {  	_ =	shalt  }
0x5c: {  	_ =	shalt  }
0x5d: {  	_ =	shalt  }
0x5e: {  	_ =	shalt  }
0x5f: {  	_ =	shalt  }
0x60: {  	_ =	shalt  }
0x61: {  	_ =	shalt  }
0x62: {  	_ =	shalt  }
0x63: {  	_ =	shalt  }
0x64: {  	_ =	shalt  }
0x65: {  	_ =	shalt  }
0x66: {  	_ =	shalt  }
0x67: {  	_ =	shalt  }
0x68: {  	_ =	shalt  }
0x69: {  	_ =	shalt  }
0x6a: {  	_ =	shalt  }
0x6b: {  	_ =	shalt  }
0x6c: {  	_ =	shalt  }
0x6d: {  	_ =	shalt  }
0x6e: {  	_ =	shalt  }
0x6f: {  	_ =	shalt  }
0x70: {  	_ =	shalt  }
0x71: {  	_ =	shalt  }
0x72: {  	_ =	shalt  }
0x73: {  	_ =	shalt  }
0x74: {  	_ =	shalt  }
0x75: {  	_ =	shalt  }
0x76: {  	_ =	shalt  }
0x77: {  	_ =	shalt  }
0x78: {  	_ =	shalt  }
0x79: {  	_ =	shalt  }
0x7a: {  	_ =	shalt  }
0x7b: {  	_ =	shalt  }
0x7c: {  	_ =	shalt  }
0x7d: {  	_ =	shalt  }
0x7e: {  	_ =	shalt  }
0x7f: {  	_ =	shalt  }
0x80: {  	_ =	shalt  }
0x81: {  	_ =	shalt  }
0x82: {  	_ =	shalt  }
0x83: {  	_ =	shalt  }
0x84: {  	_ =	shalt  }
0x85: {  	_ =	shalt  }
0x86: {  	_ =	shalt  }
0x87: {  	_ =	shalt  }
.Lfunc_end0:
.L_simem_size_0:
called_computation_lowered:
.L_overlay_start_0:
0x88: {  	s0 =	sld [smem:$0x3FD9]  }
0x89: {  	s1 =	sld [smem:$0x3FFE];
	_ =	sdelay $0x3  }
0x8a: {  	s0 =	sadd.s32 s1, s0  }
0x8b: {  	[smem:$0x3FAF] =	sst s0  }
0x8c: {  	_ = 	snop  }
0x8d: {  	(tm) =	ssettm $0x1  }
0x8e: {  	s15 =	sld [smem:$0x3FFB];
	_ =	sdelay $0x3  }
0x8f: {  	_ =	strace s15  }
0x90: {  	s0 =	sld [smem:$0x3FFC];
	_ =	sdelay $0x3  }
0x91: {  	_ =	strace s0  }
0x92: {  	s0 =	sld [smem:$0x3FFD];
	_ =	sdelay $0x3  }
0x93: {  	_ =	strace s0  }
0x94: {  	_ =	strace $0x8FFFFFFF  }
0x95: {  	s16 =	sld [smem:$0x3FDB];
	_ =	sdelay $0x1  }
0x96: {  	s17 =	simm.s32 $_scs_section_size  }
0x97: {  	s2 =	simm.s32 $_size__tile_overlayer_lowered;
	s3 =	simm.s32 $_tile_overlayer_lowered  }
0x98: {  	s20 =	simm.s32 $0x1BFF;
	s19 =	sshll.u32 s3, $0x1;
	s0 =	sadd.s32 s17, s16  }
0x99: {  	s4 =	simm.s32 $0x0;
	s18 =	sshll.u32 s2, $0x1;
	s2 =	sadd.s32 s19, s0  }
0x9a: {  	[timem:s4], [sflag:s20] =	dma.local [hbm:s2], s18  }
0x9b: {  	_ =	swait.ge [sflag:s20], s18  }
0x9c: {  	s1 =	ssub.s32 $0x0, s18;
	[sflag:s20] =	ssyncset.done $0x0  }
0x9d: {  	[sflag:s20] =	ssyncadd.s32 s1;
	_ =	sdelay $0x1  }
0x9e: {  	s21 =	simm.s32 $0x1B8B  }
0x9f: {  	_ =	swait.ge [sflag:s21], $0x1  }
0xa0: {  	[sflag:s21] =	ssyncset.done $0x0  }
0xa1: {  	s23 =	simm.s32 $0x1B8E;
	s22 =	sld [smem:$0x3FFE];
	[sflag:s21] =	ssyncadd.s32 $0xFFFFFFFF  }
0xa2: {  	s24 =	simm.s32 $execute0_lowered;
	[smem:$0x3FD2] =	sst s23  }
0xa3: {  	s2 =	sshll.u32 s24, $0x1;
	_ =	strace $0x80000046;
	[dreg:$0x1] =	wrdreg $0xFFFFFFFF  }
0xa4: {  	s25 =	simm.s32 $_size_execute0_lowered;
	s0 =	sadd.s32 s0, s2;
	[dreg:$0x0] =	wrdreg $0x0  }
0xa5: {  	s2 =	sshll.u32 s25, $0x1;
	[dreg:$0x2] =	wrdreg s0  }
0xa6: {  	[dreg:$0x3] =	wrdreg s2  }
0xa7: {  	[dreg:$0x4] =	wrdreg $0xC0  }
0xa8: {  	_ =	task [dreg:s4], $0x5FFFF  }
0xa9: {  	[dreg:$0x1] =	wrdreg $0xFFFFFFFF  }
0xaa: {  	[dreg:$0x0] =	wrdreg $0x60  }
0xab: {  	[dreg:$0x2] =	wrdreg s22  }
0xac: {  	[dreg:$0x3] =	wrdreg $0x78000  }
0xad: {  	[dreg:$0x4] =	wrdreg $0x9  }
0xae: {  	_ =	task.clear_ibuf [dreg:s4], $0x5FFFF;
	_ =	strace $0x90000046  }
0xaf: {  	s26 =	simm.s32 $0x9;
	_ =	strace $0x80000048  }
0xb0: {  	_ =	swait.ge [sflag:s26], $0x1  }
0xb1: {  	[sflag:s26] =	ssyncadd.s32 $0xFFFFFFFF  }
0xb2: {  	_ =	strace $0x90000048  }
0xb3: {  	_ =	sfence  }
0xb4: {  	s28 =	sld [smem:$0x0];
	_ =	sdelay $0x1  }
0xb5: {  	s29 =	srdreg.scid  }
0xb6: {  	s30 =	sshll.u32 s29, $0xD;
	s31 =	sshrl.u32 s29, $0x2  }
0xb7: {  	s1 =	sand.u32 $0x1, s29;
	s2 =	sand.u32 $0x4000, s30;
	s0 =	sadd.s32 s31, s28  }
0xb8: {  	s1 =	sor.u32 s2, s1;
	s0 =	sshll.u32 s0, $0x11  }
0xb9: {  	s0 =	sor.u32 s0, s1  }
0xba: {  	s0 =	sadd.s32 $0x8F2B, s0  }
0xbb: {  	[sflag:s0] =	ssyncadd.remote.s32 $0x1  }
0xbc: {  	_ =	sfence.sel $0xFFFF  }
0xbd: {  	[dreg:$0x0] =	wrdreg $0xFFFFFFFF;
	(pc) =	sbr.abs _section_cstart, $3  }
0xbe: {  	[dreg:$0x1] =	wrdreg $0xFFFFFFFF  }
0xbf: {  	_ =	task.clear_ibuf [dreg:s4], $0x2FFFF;
	_ =	strace $0x9FFFFFFF  }
0xc0: {  	(tm) =	ssettm $0x7FFFFFFF  }
0xc1: {  	_ =	shalt  }
tec
execute0_lowered:
.L_overlay_start_1:
0x0: {  	(tag) =	ssettag $0x1  }
0x1: {  	s0 =	stileid.u32;
	s6 =	rddreg [dreg:$0x0]  }
0x2: {  	s2 =	rddreg [dreg:$0x1];
	s7 =	simm.s32 $0x0;
	s1 =	sshrl.u32 s0, $0x3  }
0x3: {  	s25 =	simm.s32 $0x80;
	s4 =	sshll.u32 s0, $0x7;
	s3 =	smul.u32 $0x14000, s1  }
0x4: {  	s11 =	simm.s32 $0x400;
	[smem:$0x7FF] =	sst s7;
	s4 =	sand.u32 $0x380, s4  }
0x5: {  	s9 =	sadd.s32 $0x12200, s6;
	s4 =	sor.u32 s4, s3;
	s3 =	smul.u32 $0x14000, s0  }
0x6: {  	s1 =	rddreg [dreg:$0x2];
	_ =	strace $0x80000047;
	s4 =	sshrl.u32 s4, $0x3  }
0x7: {  	s8 =	sadd.s32 s4, s6;
	s5 =	sadd.s32 s3, s2;
	s4 =	sshll.u32 s0, $0x6  }
0x8: {  	s10 =	sor.u32 $0x1C01, s4;
	s5 =	sshrl.u32 s5, $0x3;
	s24 =	sadd.s32 $0x3200, s8  }
0x9: {  	[spmem:s5], [sflag:s10] =	dma.local [hbm:s9], $0x2800  }
0xa: {  	[tilespmem:s7], [sflag:$0x2] =	stream.strided.gather [hbm4b:s24+s25], $0x2800, s11, s25, $0x38;
	[tilespmem:$0x1B800] =	vst v63  }
0xb: {  	s28 =	simm.s32 $0x2800;
	s26 =	sadd.s32 $0x8200, s8  }
0xc: {  	[tilespmem:s28], [sflag:$0x2] =	stream.strided.gather [hbm4b:s26+s25], $0x2800, s11, s25, $0x38;
	[tilespmem:$0x1B800] =	vst v63  }
0xd: {  	s30 =	simm.s32 $0x5000;
	s31 =	simm.s32 $0x2;
	s29 =	sadd.s32 $0xD200, s8  }
0xe: {  	[tilespmem:s30], [sflag:$0x2] =	stream.strided.gather [hbm4b:s29+s25], $0x2800, s11, s25, $0x38;
	[tilespmem:$0x1B800] =	vst v63  }
0xf: {  	_ =	swait.ge [sflag:s31], $0x2800  }
0x10: {  	[sflag:s31] =	ssyncset.done $0x0  }
0x11: {  	[sflag:s31] =	ssyncadd.s32 $0xFFFFD800  }
0x12: {  	_ =	swait.ge [sflag:s31], $0x2800  }
0x13: {  	[sflag:s31] =	ssyncset.done $0x0  }
0x14: {  	s7 =	simm.s32 $0x0;
	[sflag:s31] =	ssyncadd.s32 $0xFFFFD800  }
0x15: {  	s6 =	sadd.s32 $0x14A00, s6;
	s8 =	simm.s32 $0x40;
	v0 =	vld [tilespmem:s7+$0x2800]  }
.LBB2_1:
0x16: {  	p0 =	sne.s32 s8, $0x9FC0;
	v1 =	vld [tilespmem:s7+$0x0];
	_ =	sdelay $0x2  }
.Ltmp0:
0x17: {  	(pc) =	sbr.rel @p0 .LBB2_1-.Ltmp0, $4  }
0x18: {  	_ = 	snop  }
0x19: {  	v0 =	vand.u32 $0x7F, v0;
	v1 =	vshll.u32 v1, $0x7  }
0x1a: {  	s9 =	sshra.s32 s8, $0x2;
	v1 =	vor.u32 v1, v0  }
0x1b: {  	s8 =	sadd.s32 $0x40, s8;
	v0 =	vld [tilespmem:s9+$0x2800];
	[tilespmem:s7+$0x0] =	vst v1;
	s7 =	smov.u32 s9  }
0x1c: {  	v1 =	vld [tilespmem:s7+$0x0];
	_ =	sdelay $0x4  }
0x1d: {  	v0 =	vand.u32 $0x7F, v0;
	v1 =	vshll.u32 v1, $0x7  }
0x1e: {  	v0 =	vor.u32 v1, v0  }
0x1f: {  	s26 =	simm.s32 $0x2;
	[tilespmem:s7+$0x0] =	vst v0  }
0x20: {  	_ =	swait.ge [sflag:s26], $0x2800  }
0x21: {  	[sflag:s26] =	ssyncset.done $0x0  }
0x22: {  	s8 =	simm.s32 $0x1;
	[sflag:s26] =	ssyncadd.s32 $0xFFFFD800  }
0x23: {  	_ =	swait.ge [sflag:s8], $0x2800  }
0x24: {  	[sflag:s8] =	ssyncset.done $0x0  }
0x25: {  	s28 =	simm.s32 $0x2800;
	[sflag:s8] =	ssyncadd.s32 $0xFFFFD800  }
0x26: {  	s9 =	simm.s32 $0x0;
	s10 =	simm.s32 $0x5000;
	[bflag:$0x0] =	sbarrier.arrive $0xFFFF  }
0x27: {  	[spmem:s2] =	stream.indirect.scatter.add.f32 [tilespmem:s10], [sflag:$0x2], $0x1, s9, s28, $0xb8;
	[tilespmem:$0x1B800] =	vst v63  }
0x28: {  	_ =	swait.ge [sflag:s26], $0x2800  }
0x29: {  	[sflag:s26] =	ssyncset.done $0x0  }
0x2a: {  	s29 =	sshrl.u32 s3, $0x3;
	s30 =	sor.u32 $0x1C03, s4;
	[sflag:s26] =	ssyncadd.s32 $0xFFFFD800  }
0x2b: {  	s31 =	simm.s32 $0x3;
	s2 =	sadd.s32 s29, s6;
	[bflag:$0x0] =	sbarrier.arrive $0xFFFF  }
0x2c: {  	[hbm:s2], [sflag:s30] =	dma.local [spmem:s5], $0x2800  }
0x2d: {  	_ =	swait.ge [sflag:s31], $0x2800  }
0x2e: {  	[sflag:s31] =	ssyncset.done $0x0  }
0x2f: {  	[sflag:s31] =	ssyncadd.s32 $0xFFFFD800  }
0x30: {  	_ =	sfence.sel $0x180000  }
0x31: {  	[bflag:$0x0] =	sbarrier.arrive $0xFFFF  }
0x32: {  	p0 =	sne.s32 s0, $0x0;
	_ =	strace $0x90000047  }
0x33: {  	s0 =	sadd.s32 @!p0 $0x100000, s1;
	[bflag:$0x2] =	sbarrier.arrive $0xFFFF  }
0x34: {  	[sflag:s0] =	ssyncadd.tile.s32 @!p0 $0x1;
	_ =	shalt  }
.Lfunc_end2:
_tile_overlayer_lowered:
.L_overlay_start_2:
0x35: {  	(tag) =	ssettag $0x2  }
0x36: {  	s0 =	rddreg [dreg:$0x0];
	s2 =	stileid.u32  }
0x37: {  	s1 =	rddreg [dreg:$0x1];
	p0 =	sne.s32 s2, $0x0  }
0x38: {  	s3 =	rddreg [dreg:$0x2];
	[bflag:$0x3] =	sbarrier.arrive $0xFFFF;
	s2 =	simm.s32 @!p0 $0x1C03  }
0x39: {  	[timem:s3], [sflag:s2] =	dma.local @!p0 [hbm:s0], s1  }
0x3a: {  	s0 =	simm.s32 @!p0 $0x3  }
0x3b: {  	_ =	swait.ge @!p0 [sflag:s0], s1  }
0x3c: {  	s1 =	ssub.s32 @!p0 $0x0, s1;
	[sflag:s0] =	ssyncset.done @!p0 $0x0  }
0x3d: {  	[sflag:s0] =	ssyncadd.s32 @!p0 s1  }
0x3e: {  	[bflag:$0x3] =	sbarrier.arrive $0xFFFF  }
0x3f: {  	_ =	shalt  }

</sc_bundles>
